<compile_context>
chip_gen: v7x
topology: tpu7x:2x2x1
jax: 0.10.2.dev20260603
libtpu: 0.0.44.dev20260713+nightly
codegen_flags: <defaults>
</compile_context>

<pallas_src>
import functools

import jax
import jax.numpy as jnp
from jax import lax
from jax.experimental import pallas as pl
from jax.experimental.pallas import tpu as pltpu
from jax.experimental.pallas import tpu_sc as plsc

N_FIELDS = 26
VOCAB = 100001
DIM = 32
BATCH = 4096

NUM_CORES = 2
NUM_SUBCORES = 16
NUM_WORKERS = NUM_CORES * NUM_SUBCORES
PAIRS = N_FIELDS * DIM
PPW = PAIRS // NUM_WORKERS


def kernel(indices, tables):
    tab_t = jnp.transpose(tables, (0, 2, 1))
    idx_t = indices.T

    mesh = plsc.VectorSubcoreMesh(core_axis_name="c", subcore_axis_name="s")

    @functools.partial(
        pl.kernel,
        mesh=mesh,
        out_type=jax.ShapeDtypeStruct((N_FIELDS, DIM, BATCH), jnp.float32),
        scratch_types=[
            pltpu.VMEM((2, BATCH), jnp.int32),
            pltpu.VMEM((PPW, BATCH), jnp.float32),
            pltpu.SemaphoreType.DMA,
            pltpu.SemaphoreType.DMA,
        ],
        compiler_params=pltpu.CompilerParams(use_tc_tiling_on_sc=False),
    )
    def k(idx_hbm, tab_hbm, out_hbm, idx_v, gbuf, gsem, osem):
        wid = lax.axis_index("s") * NUM_CORES + lax.axis_index("c")
        p0 = wid * PPW
        f0 = p0 // DIM
        pltpu.sync_copy(idx_hbm.at[f0], idx_v.at[0])
        f1 = jnp.minimum(f0 + 1, N_FIELDS - 1)
        pltpu.sync_copy(idx_hbm.at[f1], idx_v.at[1])
        gcopies = []
        for j in range(PPW):
            p = p0 + j
            f = p // DIM
            d = p % DIM
            gcopies.append(
                pltpu.async_copy(
                    tab_hbm.at[f, d].at[idx_v.at[f - f0]],
                    gbuf.at[j], gsem))
        for cp in gcopies:
            cp.wait()
        ocopies = []
        for j in range(PPW):
            p = p0 + j
            ocopies.append(
                pltpu.async_copy(
                    gbuf.at[j], out_hbm.at[p // DIM, p % DIM], osem))
        for cp in ocopies:
            cp.wait()

    out_t = k(idx_t, tab_t)
    return jnp.transpose(out_t, (2, 0, 1))

# --- scband reference (transcript-rebuilt; emitter-appended) ---
"""Pipeline reference for scband-embedding-36593121362185 (READ-ONLY COPY).

The authoritative reference and input builder live on the scoring server;
editing this copy changes nothing except your own understanding.
"""

import jax, jax.numpy as jnp
import numpy as np

N_FIELDS = 26
VOCAB = 100001  # numb + 1 per module __init__
DIM = 32
BATCH = 4096


def setup_inputs(seed: int = 0) -> dict:
    key = jax.random.key(seed)
    k1, k2 = jax.random.split(key)
    # xavier_uniform per nn.init.xavier_uniform_ on [VOCAB, DIM] weight
    bound = float(np.sqrt(6.0 / (VOCAB + DIM)))
    tables = jax.random.uniform(k1, (N_FIELDS, VOCAB, DIM), minval=-bound, maxval=bound, dtype=jnp.float32)
    indices = jax.random.randint(k2, (BATCH, N_FIELDS), 0, 100000, dtype=jnp.int32)
    return {"indices": indices, "tables": tables}


def reference(indices, tables):
    # Original: per-field nn.Embedding lookup -> [B, 1, D], then cat on dim=-2 -> [B, F, D]
    # Stacked tables [F, V, D]; advanced indexing gathers table-f row indices[:, f].
    field_ids = jnp.arange(N_FIELDS)[None, :]  # [1, F]
    out = tables[field_ids, indices]  # [B, F, D]
    return out

if __name__ == "__main__":
    import jax
    _d = setup_inputs()
    print(jax.jit(kernel)(*tuple(_d.values())))

</pallas_src>

<mosaic_0001>
#map = affine_map<(d0, d1) -> (0, 0)>
#map1 = affine_map<(d0, d1) -> (0, 0, 0)>
module attributes {stable_mosaic.version = 14 : i64} {
  func.func @k(%arg0: i32, %arg1: i32, %arg2: memref<26x4096xi32, #tpu.memory_space<hbm>>, %arg3: memref<26x32x100001xf32, #tpu.memory_space<hbm>>, %arg4: memref<26x32x4096xf32, #tpu.memory_space<hbm>>, %arg5: memref<2x4096xi32, #tpu.memory_space<vmem>>, %arg6: memref<26x4096xf32, #tpu.memory_space<vmem>>, %arg7: memref<!tpu.dma_semaphore, #tpu.memory_space<semaphore_mem>>, %arg8: memref<!tpu.dma_semaphore, #tpu.memory_space<semaphore_mem>>) attributes {dimension_semantics = [#tpu.dimension_semantics<core_parallel>, #tpu.dimension_semantics<subcore_parallel>], iteration_bounds = array<i64: 2, 16>, scalar_prefetch = 0 : i64, scratch_operands = 4 : i64, tpu.core_type = #tpu.core_type<sc_vector_subcore>, window_params = [{transform_indices = #map}, {transform_indices = #map1}, {transform_indices = #map1}]} {
    %mul3A = arith.constant 2 : i32
    %mul3A_0 = arith.muli %arg1, %mul3A : i32
    %add3A = arith.addi %mul3A_0, %arg0 : i32
    %mul3A_1 = arith.constant 26 : i32
    %mul3A_2 = arith.muli %add3A, %mul3A_1 : i32
    %jit3A = arith.constant 32 : i32
    %div3A = arith.divsi %mul3A_2, %jit3A : i32
    %sign3A = arith.constant 0 : i32
    %sign3A_3 = arith.cmpi sgt, %mul3A_2, %sign3A : i32
    %sign3A_4 = arith.extui %sign3A_3 : i1 to i32
    %sign3A_5 = arith.constant 0 : i32
    %sign3A_6 = arith.cmpi slt, %mul3A_2, %sign3A_5 : i32
    %sign3A_7 = arith.extui %sign3A_6 : i1 to i32
    %sign3A_8 = arith.subi %sign3A_4, %sign3A_7 : i32
    %sign3A_9 = arith.constant 0 : i32
    %sign3A_10 = arith.cmpi sgt, %jit3A, %sign3A_9 : i32
    %sign3A_11 = arith.extui %sign3A_10 : i1 to i32
    %sign3A_12 = arith.constant 0 : i32
    %sign3A_13 = arith.cmpi slt, %jit3A, %sign3A_12 : i32
    %sign3A_14 = arith.extui %sign3A_13 : i1 to i32
    %sign3A_15 = arith.subi %sign3A_11, %sign3A_14 : i32
    %ne3A = arith.cmpi ne, %sign3A_8, %sign3A_15 : i32
    %rem3A = arith.remsi %mul3A_2, %jit3A : i32
    %ne3A_16 = arith.constant 0 : i32
    %ne3A_17 = arith.cmpi ne, %rem3A, %ne3A_16 : i32
    %and3A = arith.andi %ne3A, %ne3A_17 : i1
    %sub3A = arith.constant 1 : i32
    %sub3A_18 = arith.subi %div3A, %sub3A : i32
    %select_n3A = arith.select %and3A, %sub3A_18, %div3A : i32
    %run_scoped3A = arith.constant 0 : i32
    "tpu.region"() ({
      %run_scoped3A_3529 = tpu.sem_alloc : memref<!tpu.dma_semaphore, #tpu.memory_space<semaphore_mem>>
      %dma_start3A_3530 = arith.constant 0 : i32
      %dma_start3A_3531 = tpu.memref_slice %arg5[%run_scoped3A, %dma_start3A_3530] : memref<2x4096xi32, #tpu.memory_space<vmem>> -> memref<1x4096xi32, #tpu.memory_space<vmem>>
      %dma_start3A_3532 = tpu.memref_squeeze %dma_start3A_3531 : memref<1x4096xi32, #tpu.memory_space<vmem>> -> memref<4096xi32, #tpu.memory_space<vmem>>
      %dma_start3A_3533 = arith.constant 0 : i32
      %dma_start3A_3534 = tpu.memref_slice %arg2[%select_n3A, %dma_start3A_3533] : memref<26x4096xi32, #tpu.memory_space<hbm>> -> memref<1x4096xi32, #tpu.memory_space<hbm>>
      %dma_start3A_3535 = tpu.memref_squeeze %dma_start3A_3534 : memref<1x4096xi32, #tpu.memory_space<hbm>> -> memref<4096xi32, #tpu.memory_space<hbm>>
      %dma_start3A_3536 = arith.constant 0 : i32
      %dma_start3A_3537 = tpu.memref_slice %arg5[%run_scoped3A, %dma_start3A_3536] : memref<2x4096xi32, #tpu.memory_space<vmem>> -> memref<1x4096xi32, #tpu.memory_space<vmem>>
      %dma_start3A_3538 = tpu.memref_squeeze %dma_start3A_3537 : memref<1x4096xi32, #tpu.memory_space<vmem>> -> memref<4096xi32, #tpu.memory_space<vmem>>
      %dma_start3A_3539 = arith.constant 0 : i32
      %dma_start3A_3540 = tpu.memref_slice %arg2[%select_n3A, %dma_start3A_3539] : memref<26x4096xi32, #tpu.memory_space<hbm>> -> memref<1x4096xi32, #tpu.memory_space<hbm>>
      %dma_start3A_3541 = tpu.memref_squeeze %dma_start3A_3540 : memref<1x4096xi32, #tpu.memory_space<hbm>> -> memref<4096xi32, #tpu.memory_space<hbm>>
      tpu.enqueue_dma source(%dma_start3A_3541 : memref<4096xi32, #tpu.memory_space<hbm>>) target(%dma_start3A_3538 : memref<4096xi32, #tpu.memory_space<vmem>>) target_semaphore(%run_scoped3A_3529 : memref<!tpu.dma_semaphore, #tpu.memory_space<semaphore_mem>>)
      %dma_wait3A_3542 = arith.constant 0 : i32
      %dma_wait3A_3543 = tpu.memref_slice %arg5[%run_scoped3A, %dma_wait3A_3542] : memref<2x4096xi32, #tpu.memory_space<vmem>> -> memref<1x4096xi32, #tpu.memory_space<vmem>>
      %dma_wait3A_3544 = tpu.memref_squeeze %dma_wait3A_3543 : memref<1x4096xi32, #tpu.memory_space<vmem>> -> memref<4096xi32, #tpu.memory_space<vmem>>
      %dma_wait3A_3545 = arith.constant 0 : i32
      %dma_wait3A_3546 = tpu.memref_slice %arg2[%select_n3A, %dma_wait3A_3545] : memref<26x4096xi32, #tpu.memory_space<hbm>> -> memref<1x4096xi32, #tpu.memory_space<hbm>>
      %dma_wait3A_3547 = tpu.memref_squeeze %dma_wait3A_3546 : memref<1x4096xi32, #tpu.memory_space<hbm>> -> memref<4096xi32, #tpu.memory_space<hbm>>
      %dma_wait3A_3548 = arith.constant 0 : i32
      %dma_wait3A_3549 = tpu.memref_slice %arg5[%run_scoped3A, %dma_wait3A_3548] : memref<2x4096xi32, #tpu.memory_space<vmem>> -> memref<1x4096xi32, #tpu.memory_space<vmem>>
      %dma_wait3A_3550 = tpu.memref_squeeze %dma_wait3A_3549 : memref<1x4096xi32, #tpu.memory_space<vmem>> -> memref<4096xi32, #tpu.memory_space<vmem>>
      %dma_wait3A_3551 = arith.constant 0 : i32
      %dma_wait3A_3552 = tpu.memref_slice %arg2[%select_n3A, %dma_wait3A_3551] : memref<26x4096xi32, #tpu.memory_space<hbm>> -> memref<1x4096xi32, #tpu.memory_space<hbm>>
      %dma_wait3A_3553 = tpu.memref_squeeze %dma_wait3A_3552 : memref<1x4096xi32, #tpu.memory_space<hbm>> -> memref<4096xi32, #tpu.memory_space<hbm>>
      tpu.wait_dma2 semaphore(%run_scoped3A_3529 : memref<!tpu.dma_semaphore, #tpu.memory_space<semaphore_mem>>) src(%dma_wait3A_3553 : memref<4096xi32, #tpu.memory_space<hbm>>) dst(%dma_wait3A_3550 : memref<4096xi32, #tpu.memory_space<vmem>>)
      tpu.yield
    }) : () -> ()
    %add3A_19 = arith.constant 1 : i32
    %add3A_20 = arith.addi %select_n3A, %add3A_19 : i32
    %min3A = arith.constant 25 : i32
    %min3A_21 = arith.minsi %add3A_20, %min3A : i32
    %run_scoped3A_22 = arith.constant 1 : i32
    "tpu.region"() ({
      %run_scoped3A_3529 = tpu.sem_alloc : memref<!tpu.dma_semaphore, #tpu.memory_space<semaphore_mem>>
      %dma_start3A_3530 = arith.constant 0 : i32
      %dma_start3A_3531 = tpu.memref_slice %arg5[%run_scoped3A_22, %dma_start3A_3530] : memref<2x4096xi32, #tpu.memory_space<vmem>> -> memref<1x4096xi32, #tpu.memory_space<vmem>>
      %dma_start3A_3532 = tpu.memref_squeeze %dma_start3A_3531 : memref<1x4096xi32, #tpu.memory_space<vmem>> -> memref<4096xi32, #tpu.memory_space<vmem>>
      %dma_start3A_3533 = arith.constant 0 : i32
      %dma_start3A_3534 = tpu.memref_slice %arg2[%min3A_21, %dma_start3A_3533] : memref<26x4096xi32, #tpu.memory_space<hbm>> -> memref<1x4096xi32, #tpu.memory_space<hbm>>
      %dma_start3A_3535 = tpu.memref_squeeze %dma_start3A_3534 : memref<1x4096xi32, #tpu.memory_space<hbm>> -> memref<4096xi32, #tpu.memory_space<hbm>>
      %dma_start3A_3536 = arith.constant 0 : i32
      %dma_start3A_3537 = tpu.memref_slice %arg5[%run_scoped3A_22, %dma_start3A_3536] : memref<2x4096xi32, #tpu.memory_space<vmem>> -> memref<1x4096xi32, #tpu.memory_space<vmem>>
      %dma_start3A_3538 = tpu.memref_squeeze %dma_start3A_3537 : memref<1x4096xi32, #tpu.memory_space<vmem>> -> memref<4096xi32, #tpu.memory_space<vmem>>
      %dma_start3A_3539 = arith.constant 0 : i32
      %dma_start3A_3540 = tpu.memref_slice %arg2[%min3A_21, %dma_start3A_3539] : memref<26x4096xi32, #tpu.memory_space<hbm>> -> memref<1x4096xi32, #tpu.memory_space<hbm>>
      %dma_start3A_3541 = tpu.memref_squeeze %dma_start3A_3540 : memref<1x4096xi32, #tpu.memory_space<hbm>> -> memref<4096xi32, #tpu.memory_space<hbm>>
      tpu.enqueue_dma source(%dma_start3A_3541 : memref<4096xi32, #tpu.memory_space<hbm>>) target(%dma_start3A_3538 : memref<4096xi32, #tpu.memory_space<vmem>>) target_semaphore(%run_scoped3A_3529 : memref<!tpu.dma_semaphore, #tpu.memory_space<semaphore_mem>>)
      %dma_wait3A_3542 = arith.constant 0 : i32
      %dma_wait3A_3543 = tpu.memref_slice %arg5[%run_scoped3A_22, %dma_wait3A_3542] : memref<2x4096xi32, #tpu.memory_space<vmem>> -> memref<1x4096xi32, #tpu.memory_space<vmem>>
      %dma_wait3A_3544 = tpu.memref_squeeze %dma_wait3A_3543 : memref<1x4096xi32, #tpu.memory_space<vmem>> -> memref<4096xi32, #tpu.memory_space<vmem>>
      %dma_wait3A_3545 = arith.constant 0 : i32
      %dma_wait3A_3546 = tpu.memref_slice %arg2[%min3A_21, %dma_wait3A_3545] : memref<26x4096xi32, #tpu.memory_space<hbm>> -> memref<1x4096xi32, #tpu.memory_space<hbm>>
      %dma_wait3A_3547 = tpu.memref_squeeze %dma_wait3A_3546 : memref<1x4096xi32, #tpu.memory_space<hbm>> -> memref<4096xi32, #tpu.memory_space<hbm>>
      %dma_wait3A_3548 = arith.constant 0 : i32
      %dma_wait3A_3549 = tpu.memref_slice %arg5[%run_scoped3A_22, %dma_wait3A_3548] : memref<2x4096xi32, #tpu.memory_space<vmem>> -> memref<1x4096xi32, #tpu.memory_space<vmem>>
      %dma_wait3A_3550 = tpu.memref_squeeze %dma_wait3A_3549 : memref<1x4096xi32, #tpu.memory_space<vmem>> -> memref<4096xi32, #tpu.memory_space<vmem>>
      %dma_wait3A_3551 = arith.constant 0 : i32
      %dma_wait3A_3552 = tpu.memref_slice %arg2[%min3A_21, %dma_wait3A_3551] : memref<26x4096xi32, #tpu.memory_space<hbm>> -> memref<1x4096xi32, #tpu.memory_space<hbm>>
      %dma_wait3A_3553 = tpu.memref_squeeze %dma_wait3A_3552 : memref<1x4096xi32, #tpu.memory_space<hbm>> -> memref<4096xi32, #tpu.memory_space<hbm>>
      tpu.wait_dma2 semaphore(%run_scoped3A_3529 : memref<!tpu.dma_semaphore, #tpu.memory_space<semaphore_mem>>) src(%dma_wait3A_3553 : memref<4096xi32, #tpu.memory_space<hbm>>) dst(%dma_wait3A_3550 : memref<4096xi32, #tpu.memory_space<vmem>>)
      tpu.yield
    }) : () -> ()
    %add3A_23 = arith.constant 0 : i32
    %add3A_24 = arith.addi %mul3A_2, %add3A_23 : i32
    %jit3A_25 = arith.constant 32 : i32
    %div3A_26 = arith.divsi %add3A_24, %jit3A_25 : i32
    %sign3A_27 = arith.constant 0 : i32
    %sign3A_28 = arith.cmpi sgt, %add3A_24, %sign3A_27 : i32
    %sign3A_29 = arith.extui %sign3A_28 : i1 to i32
    %sign3A_30 = arith.constant 0 : i32
    %sign3A_31 = arith.cmpi slt, %add3A_24, %sign3A_30 : i32
    %sign3A_32 = arith.extui %sign3A_31 : i1 to i32
    %sign3A_33 = arith.subi %sign3A_29, %sign3A_32 : i32
    %sign3A_34 = arith.constant 0 : i32
    %sign3A_35 = arith.cmpi sgt, %jit3A_25, %sign3A_34 : i32
    %sign3A_36 = arith.extui %sign3A_35 : i1 to i32
    %sign3A_37 = arith.constant 0 : i32
    %sign3A_38 = arith.cmpi slt, %jit3A_25, %sign3A_37 : i32
    %sign3A_39 = arith.extui %sign3A_38 : i1 to i32
    %sign3A_40 = arith.subi %sign3A_36, %sign3A_39 : i32
    %ne3A_41 = arith.cmpi ne, %sign3A_33, %sign3A_40 : i32
    %rem3A_42 = arith.remsi %add3A_24, %jit3A_25 : i32
    %ne3A_43 = arith.constant 0 : i32
    %ne3A_44 = arith.cmpi ne, %rem3A_42, %ne3A_43 : i32
    %and3A_45 = arith.andi %ne3A_41, %ne3A_44 : i1
    %sub3A_46 = arith.constant 1 : i32
    %sub3A_47 = arith.subi %div3A_26, %sub3A_46 : i32
    %select_n3A_48 = arith.select %and3A_45, %sub3A_47, %div3A_26 : i32
    %jit3A_49 = arith.constant 32 : i32
    %eq3A = arith.constant 0 : i32
    %eq3A_50 = arith.cmpi eq, %jit3A_49, %eq3A : i32
    %jit3A_51 = arith.constant 1 : i32
    %select_n3A_52 = arith.select %eq3A_50, %jit3A_51, %jit3A_49 : i32
    %rem3A_53 = arith.remsi %add3A_24, %select_n3A_52 : i32
    %ne3A_54 = arith.constant 0 : i32
    %ne3A_55 = arith.cmpi ne, %rem3A_53, %ne3A_54 : i32
    %lt3A = arith.constant 0 : i32
    %lt3A_56 = arith.cmpi slt, %rem3A_53, %lt3A : i32
    %lt3A_57 = arith.constant 0 : i32
    %lt3A_58 = arith.cmpi slt, %select_n3A_52, %lt3A_57 : i32
    %ne3A_59 = arith.xori %lt3A_56, %lt3A_58 : i1
    %and3A_60 = arith.andi %ne3A_59, %ne3A_55 : i1
    %add3A_61 = arith.addi %rem3A_53, %select_n3A_52 : i32
    %select_n3A_62 = arith.select %and3A_60, %add3A_61, %rem3A_53 : i32
    %sub3A_63 = arith.subi %select_n3A_48, %select_n3A : i32
    %dma_start3A = arith.constant 0 : i32
    %dma_start3A_64 = arith.constant 0 : i32
    %dma_start3A_65 = tpu.memref_slice %arg6[%dma_start3A, %dma_start3A_64] : memref<26x4096xf32, #tpu.memory_space<vmem>> -> memref<1x4096xf32, #tpu.memory_space<vmem>>
    %dma_start3A_66 = tpu.memref_squeeze %dma_start3A_65 : memref<1x4096xf32, #tpu.memory_space<vmem>> -> memref<4096xf32, #tpu.memory_space<vmem>>
    %dma_start3A_67 = arith.constant 0 : i32
    %dma_start3A_68 = tpu.memref_slice %arg5[%sub3A_63, %dma_start3A_67] : memref<2x4096xi32, #tpu.memory_space<vmem>> -> memref<1x4096xi32, #tpu.memory_space<vmem>>
    %dma_start3A_69 = tpu.memref_squeeze %dma_start3A_68 : memref<1x4096xi32, #tpu.memory_space<vmem>> -> memref<4096xi32, #tpu.memory_space<vmem>>
    %dma_start3A_70 = arith.constant 0 : i32
    %dma_start3A_71 = tpu.memref_slice %arg3[%select_n3A_48, %select_n3A_62, %dma_start3A_70] : memref<26x32x100001xf32, #tpu.memory_space<hbm>> -> memref<1x1x100001xf32, #tpu.memory_space<hbm>>
    %dma_start3A_72 = tpu.memref_squeeze %dma_start3A_71 : memref<1x1x100001xf32, #tpu.memory_space<hbm>> -> memref<100001xf32, #tpu.memory_space<hbm>>
    %dma_start3A_73 = arith.constant 0 : i32
    %dma_start3A_74 = tpu.memref_slice %dma_start3A_72[%dma_start3A_73] : memref<100001xf32, #tpu.memory_space<hbm>> -> memref<100001xf32, #tpu.memory_space<hbm>>
    tpu.enqueue_indirect_dma source(%dma_start3A_74 : memref<100001xf32, #tpu.memory_space<hbm>>) target(%dma_start3A_66 : memref<4096xf32, #tpu.memory_space<vmem>>) offsets(%dma_start3A_69 : memref<4096xi32, #tpu.memory_space<vmem>>) semaphore(%arg7 : memref<!tpu.dma_semaphore, #tpu.memory_space<semaphore_mem>>)
    %add3A_75 = arith.constant 1 : i32
    %add3A_76 = arith.addi %mul3A_2, %add3A_75 : i32
    %jit3A_77 = arith.constant 32 : i32
    %div3A_78 = arith.divsi %add3A_76, %jit3A_77 : i32
    %sign3A_79 = arith.constant 0 : i32
    %sign3A_80 = arith.cmpi sgt, %add3A_76, %sign3A_79 : i32
    %sign3A_81 = arith.extui %sign3A_80 : i1 to i32
    %sign3A_82 = arith.constant 0 : i32
    %sign3A_83 = arith.cmpi slt, %add3A_76, %sign3A_82 : i32
    %sign3A_84 = arith.extui %sign3A_83 : i1 to i32
    %sign3A_85 = arith.subi %sign3A_81, %sign3A_84 : i32
    %sign3A_86 = arith.constant 0 : i32
    %sign3A_87 = arith.cmpi sgt, %jit3A_77, %sign3A_86 : i32
    %sign3A_88 = arith.extui %sign3A_87 : i1 to i32
    %sign3A_89 = arith.constant 0 : i32
    %sign3A_90 = arith.cmpi slt, %jit3A_77, %sign3A_89 : i32
    %sign3A_91 = arith.extui %sign3A_90 : i1 to i32
    %sign3A_92 = arith.subi %sign3A_88, %sign3A_91 : i32
    %ne3A_93 = arith.cmpi ne, %sign3A_85, %sign3A_92 : i32
    %rem3A_94 = arith.remsi %add3A_76, %jit3A_77 : i32
    %ne3A_95 = arith.constant 0 : i32
    %ne3A_96 = arith.cmpi ne, %rem3A_94, %ne3A_95 : i32
    %and3A_97 = arith.andi %ne3A_93, %ne3A_96 : i1
    %sub3A_98 = arith.constant 1 : i32
    %sub3A_99 = arith.subi %div3A_78, %sub3A_98 : i32
    %select_n3A_100 = arith.select %and3A_97, %sub3A_99, %div3A_78 : i32
    %jit3A_101 = arith.constant 32 : i32
    %eq3A_102 = arith.constant 0 : i32
    %eq3A_103 = arith.cmpi eq, %jit3A_101, %eq3A_102 : i32
    %jit3A_104 = arith.constant 1 : i32
    %select_n3A_105 = arith.select %eq3A_103, %jit3A_104, %jit3A_101 : i32
    %rem3A_106 = arith.remsi %add3A_76, %select_n3A_105 : i32
    %ne3A_107 = arith.constant 0 : i32
    %ne3A_108 = arith.cmpi ne, %rem3A_106, %ne3A_107 : i32
    %lt3A_109 = arith.constant 0 : i32
    %lt3A_110 = arith.cmpi slt, %rem3A_106, %lt3A_109 : i32
    %lt3A_111 = arith.constant 0 : i32
    %lt3A_112 = arith.cmpi slt, %select_n3A_105, %lt3A_111 : i32
    %ne3A_113 = arith.xori %lt3A_110, %lt3A_112 : i1
    %and3A_114 = arith.andi %ne3A_113, %ne3A_108 : i1
    %add3A_115 = arith.addi %rem3A_106, %select_n3A_105 : i32
    %select_n3A_116 = arith.select %and3A_114, %add3A_115, %rem3A_106 : i32
    %sub3A_117 = arith.subi %select_n3A_100, %select_n3A : i32
    %dma_start3A_118 = arith.constant 1 : i32
    %dma_start3A_119 = arith.constant 0 : i32
    %dma_start3A_120 = tpu.memref_slice %arg6[%dma_start3A_118, %dma_start3A_119] : memref<26x4096xf32, #tpu.memory_space<vmem>> -> memref<1x4096xf32, #tpu.memory_space<vmem>>
    %dma_start3A_121 = tpu.memref_squeeze %dma_start3A_120 : memref<1x4096xf32, #tpu.memory_space<vmem>> -> memref<4096xf32, #tpu.memory_space<vmem>>
    %dma_start3A_122 = arith.constant 0 : i32
    %dma_start3A_123 = tpu.memref_slice %arg5[%sub3A_117, %dma_start3A_122] : memref<2x4096xi32, #tpu.memory_space<vmem>> -> memref<1x4096xi32, #tpu.memory_space<vmem>>
    %dma_start3A_124 = tpu.memref_squeeze %dma_start3A_123 : memref<1x4096xi32, #tpu.memory_space<vmem>> -> memref<4096xi32, #tpu.memory_space<vmem>>
    %dma_start3A_125 = arith.constant 0 : i32
    %dma_start3A_126 = tpu.memref_slice %arg3[%select_n3A_100, %select_n3A_116, %dma_start3A_125] : memref<26x32x100001xf32, #tpu.memory_space<hbm>> -> memref<1x1x100001xf32, #tpu.memory_space<hbm>>
    %dma_start3A_127 = tpu.memref_squeeze %dma_start3A_126 : memref<1x1x100001xf32, #tpu.memory_space<hbm>> -> memref<100001xf32, #tpu.memory_space<hbm>>
    %dma_start3A_128 = arith.constant 0 : i32
    %dma_start3A_129 = tpu.memref_slice %dma_start3A_127[%dma_start3A_128] : memref<100001xf32, #tpu.memory_space<hbm>> -> memref<100001xf32, #tpu.memory_space<hbm>>
    tpu.enqueue_indirect_dma source(%dma_start3A_129 : memref<100001xf32, #tpu.memory_space<hbm>>) target(%dma_start3A_121 : memref<4096xf32, #tpu.memory_space<vmem>>) offsets(%dma_start3A_124 : memref<4096xi32, #tpu.memory_space<vmem>>) semaphore(%arg7 : memref<!tpu.dma_semaphore, #tpu.memory_space<semaphore_mem>>)
    %add3A_130 = arith.constant 2 : i32
    %add3A_131 = arith.addi %mul3A_2, %add3A_130 : i32
    %jit3A_132 = arith.constant 32 : i32
    %div3A_133 = arith.divsi %add3A_131, %jit3A_132 : i32
    %sign3A_134 = arith.constant 0 : i32
    %sign3A_135 = arith.cmpi sgt, %add3A_131, %sign3A_134 : i32
    %sign3A_136 = arith.extui %sign3A_135 : i1 to i32
    %sign3A_137 = arith.constant 0 : i32
    %sign3A_138 = arith.cmpi slt, %add3A_131, %sign3A_137 : i32
    %sign3A_139 = arith.extui %sign3A_138 : i1 to i32
    %sign3A_140 = arith.subi %sign3A_136, %sign3A_139 : i32
    %sign3A_141 = arith.constant 0 : i32
    %sign3A_142 = arith.cmpi sgt, %jit3A_132, %sign3A_141 : i32
    %sign3A_143 = arith.extui %sign3A_142 : i1 to i32
    %sign3A_144 = arith.constant 0 : i32
    %sign3A_145 = arith.cmpi slt, %jit3A_132, %sign3A_144 : i32
    %sign3A_146 = arith.extui %sign3A_145 : i1 to i32
    %sign3A_147 = arith.subi %sign3A_143, %sign3A_146 : i32
    %ne3A_148 = arith.cmpi ne, %sign3A_140, %sign3A_147 : i32
    %rem3A_149 = arith.remsi %add3A_131, %jit3A_132 : i32
    %ne3A_150 = arith.constant 0 : i32
    %ne3A_151 = arith.cmpi ne, %rem3A_149, %ne3A_150 : i32
    %and3A_152 = arith.andi %ne3A_148, %ne3A_151 : i1
    %sub3A_153 = arith.constant 1 : i32
    %sub3A_154 = arith.subi %div3A_133, %sub3A_153 : i32
    %select_n3A_155 = arith.select %and3A_152, %sub3A_154, %div3A_133 : i32
    %jit3A_156 = arith.constant 32 : i32
    %eq3A_157 = arith.constant 0 : i32
    %eq3A_158 = arith.cmpi eq, %jit3A_156, %eq3A_157 : i32
    %jit3A_159 = arith.constant 1 : i32
    %select_n3A_160 = arith.select %eq3A_158, %jit3A_159, %jit3A_156 : i32
    %rem3A_161 = arith.remsi %add3A_131, %select_n3A_160 : i32
    %ne3A_162 = arith.constant 0 : i32
    %ne3A_163 = arith.cmpi ne, %rem3A_161, %ne3A_162 : i32
    %lt3A_164 = arith.constant 0 : i32
    %lt3A_165 = arith.cmpi slt, %rem3A_161, %lt3A_164 : i32
    %lt3A_166 = arith.constant 0 : i32
    %lt3A_167 = arith.cmpi slt, %select_n3A_160, %lt3A_166 : i32
    %ne3A_168 = arith.xori %lt3A_165, %lt3A_167 : i1
    %and3A_169 = arith.andi %ne3A_168, %ne3A_163 : i1
    %add3A_170 = arith.addi %rem3A_161, %select_n3A_160 : i32
    %select_n3A_171 = arith.select %and3A_169, %add3A_170, %rem3A_161 : i32
    %sub3A_172 = arith.subi %select_n3A_155, %select_n3A : i32
    %dma_start3A_173 = arith.constant 2 : i32
    %dma_start3A_174 = arith.constant 0 : i32
    %dma_start3A_175 = tpu.memref_slice %arg6[%dma_start3A_173, %dma_start3A_174] : memref<26x4096xf32, #tpu.memory_space<vmem>> -> memref<1x4096xf32, #tpu.memory_space<vmem>>
    %dma_start3A_176 = tpu.memref_squeeze %dma_start3A_175 : memref<1x4096xf32, #tpu.memory_space<vmem>> -> memref<4096xf32, #tpu.memory_space<vmem>>
    %dma_start3A_177 = arith.constant 0 : i32
    %dma_start3A_178 = tpu.memref_slice %arg5[%sub3A_172, %dma_start3A_177] : memref<2x4096xi32, #tpu.memory_space<vmem>> -> memref<1x4096xi32, #tpu.memory_space<vmem>>
    %dma_start3A_179 = tpu.memref_squeeze %dma_start3A_178 : memref<1x4096xi32, #tpu.memory_space<vmem>> -> memref<4096xi32, #tpu.memory_space<vmem>>
    %dma_start3A_180 = arith.constant 0 : i32
    %dma_start3A_181 = tpu.memref_slice %arg3[%select_n3A_155, %select_n3A_171, %dma_start3A_180] : memref<26x32x100001xf32, #tpu.memory_space<hbm>> -> memref<1x1x100001xf32, #tpu.memory_space<hbm>>
    %dma_start3A_182 = tpu.memref_squeeze %dma_start3A_181 : memref<1x1x100001xf32, #tpu.memory_space<hbm>> -> memref<100001xf32, #tpu.memory_space<hbm>>
    %dma_start3A_183 = arith.constant 0 : i32
    %dma_start3A_184 = tpu.memref_slice %dma_start3A_182[%dma_start3A_183] : memref<100001xf32, #tpu.memory_space<hbm>> -> memref<100001xf32, #tpu.memory_space<hbm>>
    tpu.enqueue_indirect_dma source(%dma_start3A_184 : memref<100001xf32, #tpu.memory_space<hbm>>) target(%dma_start3A_176 : memref<4096xf32, #tpu.memory_space<vmem>>) offsets(%dma_start3A_179 : memref<4096xi32, #tpu.memory_space<vmem>>) semaphore(%arg7 : memref<!tpu.dma_semaphore, #tpu.memory_space<semaphore_mem>>)
    %add3A_185 = arith.constant 3 : i32
    %add3A_186 = arith.addi %mul3A_2, %add3A_185 : i32
    %jit3A_187 = arith.constant 32 : i32
    %div3A_188 = arith.divsi %add3A_186, %jit3A_187 : i32
    %sign3A_189 = arith.constant 0 : i32
    %sign3A_190 = arith.cmpi sgt, %add3A_186, %sign3A_189 : i32
    %sign3A_191 = arith.extui %sign3A_190 : i1 to i32
    %sign3A_192 = arith.constant 0 : i32
    %sign3A_193 = arith.cmpi slt, %add3A_186, %sign3A_192 : i32
    %sign3A_194 = arith.extui %sign3A_193 : i1 to i32
    %sign3A_195 = arith.subi %sign3A_191, %sign3A_194 : i32
    %sign3A_196 = arith.constant 0 : i32
    %sign3A_197 = arith.cmpi sgt, %jit3A_187, %sign3A_196 : i32
    %sign3A_198 = arith.extui %sign3A_197 : i1 to i32
    %sign3A_199 = arith.constant 0 : i32
    %sign3A_200 = arith.cmpi slt, %jit3A_187, %sign3A_199 : i32
    %sign3A_201 = arith.extui %sign3A_200 : i1 to i32
    %sign3A_202 = arith.subi %sign3A_198, %sign3A_201 : i32
    %ne3A_203 = arith.cmpi ne, %sign3A_195, %sign3A_202 : i32
    %rem3A_204 = arith.remsi %add3A_186, %jit3A_187 : i32
    %ne3A_205 = arith.constant 0 : i32
    %ne3A_206 = arith.cmpi ne, %rem3A_204, %ne3A_205 : i32
    %and3A_207 = arith.andi %ne3A_203, %ne3A_206 : i1
    %sub3A_208 = arith.constant 1 : i32
    %sub3A_209 = arith.subi %div3A_188, %sub3A_208 : i32
    %select_n3A_210 = arith.select %and3A_207, %sub3A_209, %div3A_188 : i32
    %jit3A_211 = arith.constant 32 : i32
    %eq3A_212 = arith.constant 0 : i32
    %eq3A_213 = arith.cmpi eq, %jit3A_211, %eq3A_212 : i32
    %jit3A_214 = arith.constant 1 : i32
    %select_n3A_215 = arith.select %eq3A_213, %jit3A_214, %jit3A_211 : i32
    %rem3A_216 = arith.remsi %add3A_186, %select_n3A_215 : i32
    %ne3A_217 = arith.constant 0 : i32
    %ne3A_218 = arith.cmpi ne, %rem3A_216, %ne3A_217 : i32
    %lt3A_219 = arith.constant 0 : i32
    %lt3A_220 = arith.cmpi slt, %rem3A_216, %lt3A_219 : i32
    %lt3A_221 = arith.constant 0 : i32
    %lt3A_222 = arith.cmpi slt, %select_n3A_215, %lt3A_221 : i32
    %ne3A_223 = arith.xori %lt3A_220, %lt3A_222 : i1
    %and3A_224 = arith.andi %ne3A_223, %ne3A_218 : i1
    %add3A_225 = arith.addi %rem3A_216, %select_n3A_215 : i32
    %select_n3A_226 = arith.select %and3A_224, %add3A_225, %rem3A_216 : i32
    %sub3A_227 = arith.subi %select_n3A_210, %select_n3A : i32
    %dma_start3A_228 = arith.constant 3 : i32
    %dma_start3A_229 = arith.constant 0 : i32
    %dma_start3A_230 = tpu.memref_slice %arg6[%dma_start3A_228, %dma_start3A_229] : memref<26x4096xf32, #tpu.memory_space<vmem>> -> memref<1x4096xf32, #tpu.memory_space<vmem>>
    %dma_start3A_231 = tpu.memref_squeeze %dma_start3A_230 : memref<1x4096xf32, #tpu.memory_space<vmem>> -> memref<4096xf32, #tpu.memory_space<vmem>>
    %dma_start3A_232 = arith.constant 0 : i32
    %dma_start3A_233 = tpu.memref_slice %arg5[%sub3A_227, %dma_start3A_232] : memref<2x4096xi32, #tpu.memory_space<vmem>> -> memref<1x4096xi32, #tpu.memory_space<vmem>>
    %dma_start3A_234 = tpu.memref_squeeze %dma_start3A_233 : memref<1x4096xi32, #tpu.memory_space<vmem>> -> memref<4096xi32, #tpu.memory_space<vmem>>
    %dma_start3A_235 = arith.constant 0 : i32
    %dma_start3A_236 = tpu.memref_slice %arg3[%select_n3A_210, %select_n3A_226, %dma_start3A_235] : memref<26x32x100001xf32, #tpu.memory_space<hbm>> -> memref<1x1x100001xf32, #tpu.memory_space<hbm>>
    %dma_start3A_237 = tpu.memref_squeeze %dma_start3A_236 : memref<1x1x100001xf32, #tpu.memory_space<hbm>> -> memref<100001xf32, #tpu.memory_space<hbm>>
    %dma_start3A_238 = arith.constant 0 : i32
    %dma_start3A_239 = tpu.memref_slice %dma_start3A_237[%dma_start3A_238] : memref<100001xf32, #tpu.memory_space<hbm>> -> memref<100001xf32, #tpu.memory_space<hbm>>
    tpu.enqueue_indirect_dma source(%dma_start3A_239 : memref<100001xf32, #tpu.memory_space<hbm>>) target(%dma_start3A_231 : memref<4096xf32, #tpu.memory_space<vmem>>) offsets(%dma_start3A_234 : memref<4096xi32, #tpu.memory_space<vmem>>) semaphore(%arg7 : memref<!tpu.dma_semaphore, #tpu.memory_space<semaphore_mem>>)
    %add3A_240 = arith.constant 4 : i32
    %add3A_241 = arith.addi %mul3A_2, %add3A_240 : i32
    %jit3A_242 = arith.constant 32 : i32
    %div3A_243 = arith.divsi %add3A_241, %jit3A_242 : i32
    %sign3A_244 = arith.constant 0 : i32
    %sign3A_245 = arith.cmpi sgt, %add3A_241, %sign3A_244 : i32
    %sign3A_246 = arith.extui %sign3A_245 : i1 to i32
    %sign3A_247 = arith.constant 0 : i32
    %sign3A_248 = arith.cmpi slt, %add3A_241, %sign3A_247 : i32
    %sign3A_249 = arith.extui %sign3A_248 : i1 to i32
    %sign3A_250 = arith.subi %sign3A_246, %sign3A_249 : i32
    %sign3A_251 = arith.constant 0 : i32
    %sign3A_252 = arith.cmpi sgt, %jit3A_242, %sign3A_251 : i32
    %sign3A_253 = arith.extui %sign3A_252 : i1 to i32
    %sign3A_254 = arith.constant 0 : i32
    %sign3A_255 = arith.cmpi slt, %jit3A_242, %sign3A_254 : i32
    %sign3A_256 = arith.extui %sign3A_255 : i1 to i32
    %sign3A_257 = arith.subi %sign3A_253, %sign3A_256 : i32
    %ne3A_258 = arith.cmpi ne, %sign3A_250, %sign3A_257 : i32
    %rem3A_259 = arith.remsi %add3A_241, %jit3A_242 : i32
    %ne3A_260 = arith.constant 0 : i32
    %ne3A_261 = arith.cmpi ne, %rem3A_259, %ne3A_260 : i32
    %and3A_262 = arith.andi %ne3A_258, %ne3A_261 : i1
    %sub3A_263 = arith.constant 1 : i32
    %sub3A_264 = arith.subi %div3A_243, %sub3A_263 : i32
    %select_n3A_265 = arith.select %and3A_262, %sub3A_264, %div3A_243 : i32
    %jit3A_266 = arith.constant 32 : i32
    %eq3A_267 = arith.constant 0 : i32
    %eq3A_268 = arith.cmpi eq, %jit3A_266, %eq3A_267 : i32
    %jit3A_269 = arith.constant 1 : i32
    %select_n3A_270 = arith.select %eq3A_268, %jit3A_269, %jit3A_266 : i32
    %rem3A_271 = arith.remsi %add3A_241, %select_n3A_270 : i32
    %ne3A_272 = arith.constant 0 : i32
    %ne3A_273 = arith.cmpi ne, %rem3A_271, %ne3A_272 : i32
    %lt3A_274 = arith.constant 0 : i32
    %lt3A_275 = arith.cmpi slt, %rem3A_271, %lt3A_274 : i32
    %lt3A_276 = arith.constant 0 : i32
    %lt3A_277 = arith.cmpi slt, %select_n3A_270, %lt3A_276 : i32
    %ne3A_278 = arith.xori %lt3A_275, %lt3A_277 : i1
    %and3A_279 = arith.andi %ne3A_278, %ne3A_273 : i1
    %add3A_280 = arith.addi %rem3A_271, %select_n3A_270 : i32
    %select_n3A_281 = arith.select %and3A_279, %add3A_280, %rem3A_271 : i32
    %sub3A_282 = arith.subi %select_n3A_265, %select_n3A : i32
    %dma_start3A_283 = arith.constant 4 : i32
    %dma_start3A_284 = arith.constant 0 : i32
    %dma_start3A_285 = tpu.memref_slice %arg6[%dma_start3A_283, %dma_start3A_284] : memref<26x4096xf32, #tpu.memory_space<vmem>> -> memref<1x4096xf32, #tpu.memory_space<vmem>>
    %dma_start3A_286 = tpu.memref_squeeze %dma_start3A_285 : memref<1x4096xf32, #tpu.memory_space<vmem>> -> memref<4096xf32, #tpu.memory_space<vmem>>
    %dma_start3A_287 = arith.constant 0 : i32
    %dma_start3A_288 = tpu.memref_slice %arg5[%sub3A_282, %dma_start3A_287] : memref<2x4096xi32, #tpu.memory_space<vmem>> -> memref<1x4096xi32, #tpu.memory_space<vmem>>
    %dma_start3A_289 = tpu.memref_squeeze %dma_start3A_288 : memref<1x4096xi32, #tpu.memory_space<vmem>> -> memref<4096xi32, #tpu.memory_space<vmem>>
    %dma_start3A_290 = arith.constant 0 : i32
    %dma_start3A_291 = tpu.memref_slice %arg3[%select_n3A_265, %select_n3A_281, %dma_start3A_290] : memref<26x32x100001xf32, #tpu.memory_space<hbm>> -> memref<1x1x100001xf32, #tpu.memory_space<hbm>>
    %dma_start3A_292 = tpu.memref_squeeze %dma_start3A_291 : memref<1x1x100001xf32, #tpu.memory_space<hbm>> -> memref<100001xf32, #tpu.memory_space<hbm>>
    %dma_start3A_293 = arith.constant 0 : i32
    %dma_start3A_294 = tpu.memref_slice %dma_start3A_292[%dma_start3A_293] : memref<100001xf32, #tpu.memory_space<hbm>> -> memref<100001xf32, #tpu.memory_space<hbm>>
    tpu.enqueue_indirect_dma source(%dma_start3A_294 : memref<100001xf32, #tpu.memory_space<hbm>>) target(%dma_start3A_286 : memref<4096xf32, #tpu.memory_space<vmem>>) offsets(%dma_start3A_289 : memref<4096xi32, #tpu.memory_space<vmem>>) semaphore(%arg7 : memref<!tpu.dma_semaphore, #tpu.memory_space<semaphore_mem>>)
    %add3A_295 = arith.constant 5 : i32
    %add3A_296 = arith.addi %mul3A_2, %add3A_295 : i32
    %jit3A_297 = arith.constant 32 : i32
    %div3A_298 = arith.divsi %add3A_296, %jit3A_297 : i32
    %sign3A_299 = arith.constant 0 : i32
    %sign3A_300 = arith.cmpi sgt, %add3A_296, %sign3A_299 : i32
    %sign3A_301 = arith.extui %sign3A_300 : i1 to i32
    %sign3A_302 = arith.constant 0 : i32
    %sign3A_303 = arith.cmpi slt, %add3A_296, %sign3A_302 : i32
    %sign3A_304 = arith.extui %sign3A_303 : i1 to i32
    %sign3A_305 = arith.subi %sign3A_301, %sign3A_304 : i32
    %sign3A_306 = arith.constant 0 : i32
    %sign3A_307 = arith.cmpi sgt, %jit3A_297, %sign3A_306 : i32
    %sign3A_308 = arith.extui %sign3A_307 : i1 to i32
    %sign3A_309 = arith.constant 0 : i32
    %sign3A_310 = arith.cmpi slt, %jit3A_297, %sign3A_309 : i32
    %sign3A_311 = arith.extui %sign3A_310 : i1 to i32
    %sign3A_312 = arith.subi %sign3A_308, %sign3A_311 : i32
    %ne3A_313 = arith.cmpi ne, %sign3A_305, %sign3A_312 : i32
    %rem3A_314 = arith.remsi %add3A_296, %jit3A_297 : i32
    %ne3A_315 = arith.constant 0 : i32
    %ne3A_316 = arith.cmpi ne, %rem3A_314, %ne3A_315 : i32
    %and3A_317 = arith.andi %ne3A_313, %ne3A_316 : i1
    %sub3A_318 = arith.constant 1 : i32
    %sub3A_319 = arith.subi %div3A_298, %sub3A_318 : i32
    %select_n3A_320 = arith.select %and3A_317, %sub3A_319, %div3A_298 : i32
    %jit3A_321 = arith.constant 32 : i32
    %eq3A_322 = arith.constant 0 : i32
    %eq3A_323 = arith.cmpi eq, %jit3A_321, %eq3A_322 : i32
    %jit3A_324 = arith.constant 1 : i32
    %select_n3A_325 = arith.select %eq3A_323, %jit3A_324, %jit3A_321 : i32
    %rem3A_326 = arith.remsi %add3A_296, %select_n3A_325 : i32
    %ne3A_327 = arith.constant 0 : i32
    %ne3A_328 = arith.cmpi ne, %rem3A_326, %ne3A_327 : i32
    %lt3A_329 = arith.constant 0 : i32
    %lt3A_330 = arith.cmpi slt, %rem3A_326, %lt3A_329 : i32
    %lt3A_331 = arith.constant 0 : i32
    %lt3A_332 = arith.cmpi slt, %select_n3A_325, %lt3A_331 : i32
    %ne3A_333 = arith.xori %lt3A_330, %lt3A_332 : i1
    %and3A_334 = arith.andi %ne3A_333, %ne3A_328 : i1
    %add3A_335 = arith.addi %rem3A_326, %select_n3A_325 : i32
    %select_n3A_336 = arith.select %and3A_334, %add3A_335, %rem3A_326 : i32
    %sub3A_337 = arith.subi %select_n3A_320, %select_n3A : i32
    %dma_start3A_338 = arith.constant 5 : i32
    %dma_start3A_339 = arith.constant 0 : i32
    %dma_start3A_340 = tpu.memref_slice %arg6[%dma_start3A_338, %dma_start3A_339] : memref<26x4096xf32, #tpu.memory_space<vmem>> -> memref<1x4096xf32, #tpu.memory_space<vmem>>
    %dma_start3A_341 = tpu.memref_squeeze %dma_start3A_340 : memref<1x4096xf32, #tpu.memory_space<vmem>> -> memref<4096xf32, #tpu.memory_space<vmem>>
    %dma_start3A_342 = arith.constant 0 : i32
    %dma_start3A_343 = tpu.memref_slice %arg5[%sub3A_337, %dma_start3A_342] : memref<2x4096xi32, #tpu.memory_space<vmem>> -> memref<1x4096xi32, #tpu.memory_space<vmem>>
    %dma_start3A_344 = tpu.memref_squeeze %dma_start3A_343 : memref<1x4096xi32, #tpu.memory_space<vmem>> -> memref<4096xi32, #tpu.memory_space<vmem>>
    %dma_start3A_345 = arith.constant 0 : i32
    %dma_start3A_346 = tpu.memref_slice %arg3[%select_n3A_320, %select_n3A_336, %dma_start3A_345] : memref<26x32x100001xf32, #tpu.memory_space<hbm>> -> memref<1x1x100001xf32, #tpu.memory_space<hbm>>
    %dma_start3A_347 = tpu.memref_squeeze %dma_start3A_346 : memref<1x1x100001xf32, #tpu.memory_space<hbm>> -> memref<100001xf32, #tpu.memory_space<hbm>>
    %dma_start3A_348 = arith.constant 0 : i32
    %dma_start3A_349 = tpu.memref_slice %dma_start3A_347[%dma_start3A_348] : memref<100001xf32, #tpu.memory_space<hbm>> -> memref<100001xf32, #tpu.memory_space<hbm>>
    tpu.enqueue_indirect_dma source(%dma_start3A_349 : memref<100001xf32, #tpu.memory_space<hbm>>) target(%dma_start3A_341 : memref<4096xf32, #tpu.memory_space<vmem>>) offsets(%dma_start3A_344 : memref<4096xi32, #tpu.memory_space<vmem>>) semaphore(%arg7 : memref<!tpu.dma_semaphore, #tpu.memory_space<semaphore_mem>>)
    %add3A_350 = arith.constant 6 : i32
    %add3A_351 = arith.addi %mul3A_2, %add3A_350 : i32
    %jit3A_352 = arith.constant 32 : i32
    %div3A_353 = arith.divsi %add3A_351, %jit3A_352 : i32
    %sign3A_354 = arith.constant 0 : i32
    %sign3A_355 = arith.cmpi sgt, %add3A_351, %sign3A_354 : i32
    %sign3A_356 = arith.extui %sign3A_355 : i1 to i32
    %sign3A_357 = arith.constant 0 : i32
    %sign3A_358 = arith.cmpi slt, %add3A_351, %sign3A_357 : i32
    %sign3A_359 = arith.extui %sign3A_358 : i1 to i32
    %sign3A_360 = arith.subi %sign3A_356, %sign3A_359 : i32
    %sign3A_361 = arith.constant 0 : i32
    %sign3A_362 = arith.cmpi sgt, %jit3A_352, %sign3A_361 : i32
    %sign3A_363 = arith.extui %sign3A_362 : i1 to i32
    %sign3A_364 = arith.constant 0 : i32
    %sign3A_365 = arith.cmpi slt, %jit3A_352, %sign3A_364 : i32
    %sign3A_366 = arith.extui %sign3A_365 : i1 to i32
    %sign3A_367 = arith.subi %sign3A_363, %sign3A_366 : i32
    %ne3A_368 = arith.cmpi ne, %sign3A_360, %sign3A_367 : i32
    %rem3A_369 = arith.remsi %add3A_351, %jit3A_352 : i32
    %ne3A_370 = arith.constant 0 : i32
    %ne3A_371 = arith.cmpi ne, %rem3A_369, %ne3A_370 : i32
    %and3A_372 = arith.andi %ne3A_368, %ne3A_371 : i1
    %sub3A_373 = arith.constant 1 : i32
    %sub3A_374 = arith.subi %div3A_353, %sub3A_373 : i32
    %select_n3A_375 = arith.select %and3A_372, %sub3A_374, %div3A_353 : i32
    %jit3A_376 = arith.constant 32 : i32
    %eq3A_377 = arith.constant 0 : i32
    %eq3A_378 = arith.cmpi eq, %jit3A_376, %eq3A_377 : i32
    %jit3A_379 = arith.constant 1 : i32
    %select_n3A_380 = arith.select %eq3A_378, %jit3A_379, %jit3A_376 : i32
    %rem3A_381 = arith.remsi %add3A_351, %select_n3A_380 : i32
    %ne3A_382 = arith.constant 0 : i32
    %ne3A_383 = arith.cmpi ne, %rem3A_381, %ne3A_382 : i32
    %lt3A_384 = arith.constant 0 : i32
    %lt3A_385 = arith.cmpi slt, %rem3A_381, %lt3A_384 : i32
    %lt3A_386 = arith.constant 0 : i32
    %lt3A_387 = arith.cmpi slt, %select_n3A_380, %lt3A_386 : i32
    %ne3A_388 = arith.xori %lt3A_385, %lt3A_387 : i1
    %and3A_389 = arith.andi %ne3A_388, %ne3A_383 : i1
    %add3A_390 = arith.addi %rem3A_381, %select_n3A_380 : i32
    %select_n3A_391 = arith.select %and3A_389, %add3A_390, %rem3A_381 : i32
    %sub3A_392 = arith.subi %select_n3A_375, %select_n3A : i32
    %dma_start3A_393 = arith.constant 6 : i32
    %dma_start3A_394 = arith.constant 0 : i32
    %dma_start3A_395 = tpu.memref_slice %arg6[%dma_start3A_393, %dma_start3A_394] : memref<26x4096xf32, #tpu.memory_space<vmem>> -> memref<1x4096xf32, #tpu.memory_space<vmem>>
    %dma_start3A_396 = tpu.memref_squeeze %dma_start3A_395 : memref<1x4096xf32, #tpu.memory_space<vmem>> -> memref<4096xf32, #tpu.memory_space<vmem>>
    %dma_start3A_397 = arith.constant 0 : i32
    %dma_start3A_398 = tpu.memref_slice %arg5[%sub3A_392, %dma_start3A_397] : memref<2x4096xi32, #tpu.memory_space<vmem>> -> memref<1x4096xi32, #tpu.memory_space<vmem>>
    %dma_start3A_399 = tpu.memref_squeeze %dma_start3A_398 : memref<1x4096xi32, #tpu.memory_space<vmem>> -> memref<4096xi32, #tpu.memory_space<vmem>>
    %dma_start3A_400 = arith.constant 0 : i32
    %dma_start3A_401 = tpu.memref_slice %arg3[%select_n3A_375, %select_n3A_391, %dma_start3A_400] : memref<26x32x100001xf32, #tpu.memory_space<hbm>> -> memref<1x1x100001xf32, #tpu.memory_space<hbm>>
    %dma_start3A_402 = tpu.memref_squeeze %dma_start3A_401 : memref<1x1x100001xf32, #tpu.memory_space<hbm>> -> memref<100001xf32, #tpu.memory_space<hbm>>
    %dma_start3A_403 = arith.constant 0 : i32
    %dma_start3A_404 = tpu.memref_slice %dma_start3A_402[%dma_start3A_403] : memref<100001xf32, #tpu.memory_space<hbm>> -> memref<100001xf32, #tpu.memory_space<hbm>>
    tpu.enqueue_indirect_dma source(%dma_start3A_404 : memref<100001xf32, #tpu.memory_space<hbm>>) target(%dma_start3A_396 : memref<4096xf32, #tpu.memory_space<vmem>>) offsets(%dma_start3A_399 : memref<4096xi32, #tpu.memory_space<vmem>>) semaphore(%arg7 : memref<!tpu.dma_semaphore, #tpu.memory_space<semaphore_mem>>)
    %add3A_405 = arith.constant 7 : i32
    %add3A_406 = arith.addi %mul3A_2, %add3A_405 : i32
    %jit3A_407 = arith.constant 32 : i32
    %div3A_408 = arith.divsi %add3A_406, %jit3A_407 : i32
    %sign3A_409 = arith.constant 0 : i32
    %sign3A_410 = arith.cmpi sgt, %add3A_406, %sign3A_409 : i32
    %sign3A_411 = arith.extui %sign3A_410 : i1 to i32
    %sign3A_412 = arith.constant 0 : i32
    %sign3A_413 = arith.cmpi slt, %add3A_406, %sign3A_412 : i32
    %sign3A_414 = arith.extui %sign3A_413 : i1 to i32
    %sign3A_415 = arith.subi %sign3A_411, %sign3A_414 : i32
    %sign3A_416 = arith.constant 0 : i32
    %sign3A_417 = arith.cmpi sgt, %jit3A_407, %sign3A_416 : i32
    %sign3A_418 = arith.extui %sign3A_417 : i1 to i32
    %sign3A_419 = arith.constant 0 : i32
    %sign3A_420 = arith.cmpi slt, %jit3A_407, %sign3A_419 : i32
    %sign3A_421 = arith.extui %sign3A_420 : i1 to i32
    %sign3A_422 = arith.subi %sign3A_418, %sign3A_421 : i32
    %ne3A_423 = arith.cmpi ne, %sign3A_415, %sign3A_422 : i32
    %rem3A_424 = arith.remsi %add3A_406, %jit3A_407 : i32
    %ne3A_425 = arith.constant 0 : i32
    %ne3A_426 = arith.cmpi ne, %rem3A_424, %ne3A_425 : i32
    %and3A_427 = arith.andi %ne3A_423, %ne3A_426 : i1
    %sub3A_428 = arith.constant 1 : i32
    %sub3A_429 = arith.subi %div3A_408, %sub3A_428 : i32
    %select_n3A_430 = arith.select %and3A_427, %sub3A_429, %div3A_408 : i32
    %jit3A_431 = arith.constant 32 : i32
    %eq3A_432 = arith.constant 0 : i32
    %eq3A_433 = arith.cmpi eq, %jit3A_431, %eq3A_432 : i32
    %jit3A_434 = arith.constant 1 : i32
    %select_n3A_435 = arith.select %eq3A_433, %jit3A_434, %jit3A_431 : i32
    %rem3A_436 = arith.remsi %add3A_406, %select_n3A_435 : i32
    %ne3A_437 = arith.constant 0 : i32
    %ne3A_438 = arith.cmpi ne, %rem3A_436, %ne3A_437 : i32
    %lt3A_439 = arith.constant 0 : i32
    %lt3A_440 = arith.cmpi slt, %rem3A_436, %lt3A_439 : i32
    %lt3A_441 = arith.constant 0 : i32
    %lt3A_442 = arith.cmpi slt, %select_n3A_435, %lt3A_441 : i32
    %ne3A_443 = arith.xori %lt3A_440, %lt3A_442 : i1
    %and3A_444 = arith.andi %ne3A_443, %ne3A_438 : i1
    %add3A_445 = arith.addi %rem3A_436, %select_n3A_435 : i32
    %select_n3A_446 = arith.select %and3A_444, %add3A_445, %rem3A_436 : i32
    %sub3A_447 = arith.subi %select_n3A_430, %select_n3A : i32
    %dma_start3A_448 = arith.constant 7 : i32
    %dma_start3A_449 = arith.constant 0 : i32
    %dma_start3A_450 = tpu.memref_slice %arg6[%dma_start3A_448, %dma_start3A_449] : memref<26x4096xf32, #tpu.memory_space<vmem>> -> memref<1x4096xf32, #tpu.memory_space<vmem>>
    %dma_start3A_451 = tpu.memref_squeeze %dma_start3A_450 : memref<1x4096xf32, #tpu.memory_space<vmem>> -> memref<4096xf32, #tpu.memory_space<vmem>>
    %dma_start3A_452 = arith.constant 0 : i32
    %dma_start3A_453 = tpu.memref_slice %arg5[%sub3A_447, %dma_start3A_452] : memref<2x4096xi32, #tpu.memory_space<vmem>> -> memref<1x4096xi32, #tpu.memory_space<vmem>>
    %dma_start3A_454 = tpu.memref_squeeze %dma_start3A_453 : memref<1x4096xi32, #tpu.memory_space<vmem>> -> memref<4096xi32, #tpu.memory_space<vmem>>
    %dma_start3A_455 = arith.constant 0 : i32
    %dma_start3A_456 = tpu.memref_slice %arg3[%select_n3A_430, %select_n3A_446, %dma_start3A_455] : memref<26x32x100001xf32, #tpu.memory_space<hbm>> -> memref<1x1x100001xf32, #tpu.memory_space<hbm>>
    %dma_start3A_457 = tpu.memref_squeeze %dma_start3A_456 : memref<1x1x100001xf32, #tpu.memory_space<hbm>> -> memref<100001xf32, #tpu.memory_space<hbm>>
    %dma_start3A_458 = arith.constant 0 : i32
    %dma_start3A_459 = tpu.memref_slice %dma_start3A_457[%dma_start3A_458] : memref<100001xf32, #tpu.memory_space<hbm>> -> memref<100001xf32, #tpu.memory_space<hbm>>
    tpu.enqueue_indirect_dma source(%dma_start3A_459 : memref<100001xf32, #tpu.memory_space<hbm>>) target(%dma_start3A_451 : memref<4096xf32, #tpu.memory_space<vmem>>) offsets(%dma_start3A_454 : memref<4096xi32, #tpu.memory_space<vmem>>) semaphore(%arg7 : memref<!tpu.dma_semaphore, #tpu.memory_space<semaphore_mem>>)
    %add3A_460 = arith.constant 8 : i32
    %add3A_461 = arith.addi %mul3A_2, %add3A_460 : i32
    %jit3A_462 = arith.constant 32 : i32
    %div3A_463 = arith.divsi %add3A_461, %jit3A_462 : i32
    %sign3A_464 = arith.constant 0 : i32
    %sign3A_465 = arith.cmpi sgt, %add3A_461, %sign3A_464 : i32
    %sign3A_466 = arith.extui %sign3A_465 : i1 to i32
    %sign3A_467 = arith.constant 0 : i32
    %sign3A_468 = arith.cmpi slt, %add3A_461, %sign3A_467 : i32
    %sign3A_469 = arith.extui %sign3A_468 : i1 to i32
    %sign3A_470 = arith.subi %sign3A_466, %sign3A_469 : i32
    %sign3A_471 = arith.constant 0 : i32
    %sign3A_472 = arith.cmpi sgt, %jit3A_462, %sign3A_471 : i32
    %sign3A_473 = arith.extui %sign3A_472 : i1 to i32
    %sign3A_474 = arith.constant 0 : i32
    %sign3A_475 = arith.cmpi slt, %jit3A_462, %sign3A_474 : i32
    %sign3A_476 = arith.extui %sign3A_475 : i1 to i32
    %sign3A_477 = arith.subi %sign3A_473, %sign3A_476 : i32
    %ne3A_478 = arith.cmpi ne, %sign3A_470, %sign3A_477 : i32
    %rem3A_479 = arith.remsi %add3A_461, %jit3A_462 : i32
    %ne3A_480 = arith.constant 0 : i32
    %ne3A_481 = arith.cmpi ne, %rem3A_479, %ne3A_480 : i32
    %and3A_482 = arith.andi %ne3A_478, %ne3A_481 : i1
    %sub3A_483 = arith.constant 1 : i32
    %sub3A_484 = arith.subi %div3A_463, %sub3A_483 : i32
    %select_n3A_485 = arith.select %and3A_482, %sub3A_484, %div3A_463 : i32
    %jit3A_486 = arith.constant 32 : i32
    %eq3A_487 = arith.constant 0 : i32
    %eq3A_488 = arith.cmpi eq, %jit3A_486, %eq3A_487 : i32
    %jit3A_489 = arith.constant 1 : i32
    %select_n3A_490 = arith.select %eq3A_488, %jit3A_489, %jit3A_486 : i32
    %rem3A_491 = arith.remsi %add3A_461, %select_n3A_490 : i32
    %ne3A_492 = arith.constant 0 : i32
    %ne3A_493 = arith.cmpi ne, %rem3A_491, %ne3A_492 : i32
    %lt3A_494 = arith.constant 0 : i32
    %lt3A_495 = arith.cmpi slt, %rem3A_491, %lt3A_494 : i32
    %lt3A_496 = arith.constant 0 : i32
    %lt3A_497 = arith.cmpi slt, %select_n3A_490, %lt3A_496 : i32
    %ne3A_498 = arith.xori %lt3A_495, %lt3A_497 : i1
    %and3A_499 = arith.andi %ne3A_498, %ne3A_493 : i1
    %add3A_500 = arith.addi %rem3A_491, %select_n3A_490 : i32
    %select_n3A_501 = arith.select %and3A_499, %add3A_500, %rem3A_491 : i32
    %sub3A_502 = arith.subi %select_n3A_485, %select_n3A : i32
    %dma_start3A_503 = arith.constant 8 : i32
    %dma_start3A_504 = arith.constant 0 : i32
    %dma_start3A_505 = tpu.memref_slice %arg6[%dma_start3A_503, %dma_start3A_504] : memref<26x4096xf32, #tpu.memory_space<vmem>> -> memref<1x4096xf32, #tpu.memory_space<vmem>>
    %dma_start3A_506 = tpu.memref_squeeze %dma_start3A_505 : memref<1x4096xf32, #tpu.memory_space<vmem>> -> memref<4096xf32, #tpu.memory_space<vmem>>
    %dma_start3A_507 = arith.constant 0 : i32
    %dma_start3A_508 = tpu.memref_slice %arg5[%sub3A_502, %dma_start3A_507] : memref<2x4096xi32, #tpu.memory_space<vmem>> -> memref<1x4096xi32, #tpu.memory_space<vmem>>
    %dma_start3A_509 = tpu.memref_squeeze %dma_start3A_508 : memref<1x4096xi32, #tpu.memory_space<vmem>> -> memref<4096xi32, #tpu.memory_space<vmem>>
    %dma_start3A_510 = arith.constant 0 : i32
    %dma_start3A_511 = tpu.memref_slice %arg3[%select_n3A_485, %select_n3A_501, %dma_start3A_510] : memref<26x32x100001xf32, #tpu.memory_space<hbm>> -> memref<1x1x100001xf32, #tpu.memory_space<hbm>>
    %dma_start3A_512 = tpu.memref_squeeze %dma_start3A_511 : memref<1x1x100001xf32, #tpu.memory_space<hbm>> -> memref<100001xf32, #tpu.memory_space<hbm>>
    %dma_start3A_513 = arith.constant 0 : i32
    %dma_start3A_514 = tpu.memref_slice %dma_start3A_512[%dma_start3A_513] : memref<100001xf32, #tpu.memory_space<hbm>> -> memref<100001xf32, #tpu.memory_space<hbm>>
    tpu.enqueue_indirect_dma source(%dma_start3A_514 : memref<100001xf32, #tpu.memory_space<hbm>>) target(%dma_start3A_506 : memref<4096xf32, #tpu.memory_space<vmem>>) offsets(%dma_start3A_509 : memref<4096xi32, #tpu.memory_space<vmem>>) semaphore(%arg7 : memref<!tpu.dma_semaphore, #tpu.memory_space<semaphore_mem>>)
    %add3A_515 = arith.constant 9 : i32
    %add3A_516 = arith.addi %mul3A_2, %add3A_515 : i32
    %jit3A_517 = arith.constant 32 : i32
    %div3A_518 = arith.divsi %add3A_516, %jit3A_517 : i32
    %sign3A_519 = arith.constant 0 : i32
    %sign3A_520 = arith.cmpi sgt, %add3A_516, %sign3A_519 : i32
    %sign3A_521 = arith.extui %sign3A_520 : i1 to i32
    %sign3A_522 = arith.constant 0 : i32
    %sign3A_523 = arith.cmpi slt, %add3A_516, %sign3A_522 : i32
    %sign3A_524 = arith.extui %sign3A_523 : i1 to i32
    %sign3A_525 = arith.subi %sign3A_521, %sign3A_524 : i32
    %sign3A_526 = arith.constant 0 : i32
    %sign3A_527 = arith.cmpi sgt, %jit3A_517, %sign3A_526 : i32
    %sign3A_528 = arith.extui %sign3A_527 : i1 to i32
    %sign3A_529 = arith.constant 0 : i32
    %sign3A_530 = arith.cmpi slt, %jit3A_517, %sign3A_529 : i32
    %sign3A_531 = arith.extui %sign3A_530 : i1 to i32
    %sign3A_532 = arith.subi %sign3A_528, %sign3A_531 : i32
    %ne3A_533 = arith.cmpi ne, %sign3A_525, %sign3A_532 : i32
    %rem3A_534 = arith.remsi %add3A_516, %jit3A_517 : i32
    %ne3A_535 = arith.constant 0 : i32
    %ne3A_536 = arith.cmpi ne, %rem3A_534, %ne3A_535 : i32
    %and3A_537 = arith.andi %ne3A_533, %ne3A_536 : i1
    %sub3A_538 = arith.constant 1 : i32
    %sub3A_539 = arith.subi %div3A_518, %sub3A_538 : i32
    %select_n3A_540 = arith.select %and3A_537, %sub3A_539, %div3A_518 : i32
    %jit3A_541 = arith.constant 32 : i32
    %eq3A_542 = arith.constant 0 : i32
    %eq3A_543 = arith.cmpi eq, %jit3A_541, %eq3A_542 : i32
    %jit3A_544 = arith.constant 1 : i32
    %select_n3A_545 = arith.select %eq3A_543, %jit3A_544, %jit3A_541 : i32
    %rem3A_546 = arith.remsi %add3A_516, %select_n3A_545 : i32
    %ne3A_547 = arith.constant 0 : i32
    %ne3A_548 = arith.cmpi ne, %rem3A_546, %ne3A_547 : i32
    %lt3A_549 = arith.constant 0 : i32
    %lt3A_550 = arith.cmpi slt, %rem3A_546, %lt3A_549 : i32
    %lt3A_551 = arith.constant 0 : i32
    %lt3A_552 = arith.cmpi slt, %select_n3A_545, %lt3A_551 : i32
    %ne3A_553 = arith.xori %lt3A_550, %lt3A_552 : i1
    %and3A_554 = arith.andi %ne3A_553, %ne3A_548 : i1
    %add3A_555 = arith.addi %rem3A_546, %select_n3A_545 : i32
    %select_n3A_556 = arith.select %and3A_554, %add3A_555, %rem3A_546 : i32
    %sub3A_557 = arith.subi %select_n3A_540, %select_n3A : i32
    %dma_start3A_558 = arith.constant 9 : i32
    %dma_start3A_559 = arith.constant 0 : i32
    %dma_start3A_560 = tpu.memref_slice %arg6[%dma_start3A_558, %dma_start3A_559] : memref<26x4096xf32, #tpu.memory_space<vmem>> -> memref<1x4096xf32, #tpu.memory_space<vmem>>
    %dma_start3A_561 = tpu.memref_squeeze %dma_start3A_560 : memref<1x4096xf32, #tpu.memory_space<vmem>> -> memref<4096xf32, #tpu.memory_space<vmem>>
    %dma_start3A_562 = arith.constant 0 : i32
    %dma_start3A_563 = tpu.memref_slice %arg5[%sub3A_557, %dma_start3A_562] : memref<2x4096xi32, #tpu.memory_space<vmem>> -> memref<1x4096xi32, #tpu.memory_space<vmem>>
    %dma_start3A_564 = tpu.memref_squeeze %dma_start3A_563 : memref<1x4096xi32, #tpu.memory_space<vmem>> -> memref<4096xi32, #tpu.memory_space<vmem>>
    %dma_start3A_565 = arith.constant 0 : i32
    %dma_start3A_566 = tpu.memref_slice %arg3[%select_n3A_540, %select_n3A_556, %dma_start3A_565] : memref<26x32x100001xf32, #tpu.memory_space<hbm>> -> memref<1x1x100001xf32, #tpu.memory_space<hbm>>
    %dma_start3A_567 = tpu.memref_squeeze %dma_start3A_566 : memref<1x1x100001xf32, #tpu.memory_space<hbm>> -> memref<100001xf32, #tpu.memory_space<hbm>>
    %dma_start3A_568 = arith.constant 0 : i32
    %dma_start3A_569 = tpu.memref_slice %dma_start3A_567[%dma_start3A_568] : memref<100001xf32, #tpu.memory_space<hbm>> -> memref<100001xf32, #tpu.memory_space<hbm>>
    tpu.enqueue_indirect_dma source(%dma_start3A_569 : memref<100001xf32, #tpu.memory_space<hbm>>) target(%dma_start3A_561 : memref<4096xf32, #tpu.memory_space<vmem>>) offsets(%dma_start3A_564 : memref<4096xi32, #tpu.memory_space<vmem>>) semaphore(%arg7 : memref<!tpu.dma_semaphore, #tpu.memory_space<semaphore_mem>>)
    %add3A_570 = arith.constant 10 : i32
    %add3A_571 = arith.addi %mul3A_2, %add3A_570 : i32
    %jit3A_572 = arith.constant 32 : i32
    %div3A_573 = arith.divsi %add3A_571, %jit3A_572 : i32
    %sign3A_574 = arith.constant 0 : i32
    %sign3A_575 = arith.cmpi sgt, %add3A_571, %sign3A_574 : i32
    %sign3A_576 = arith.extui %sign3A_575 : i1 to i32
    %sign3A_577 = arith.constant 0 : i32
    %sign3A_578 = arith.cmpi slt, %add3A_571, %sign3A_577 : i32
    %sign3A_579 = arith.extui %sign3A_578 : i1 to i32
    %sign3A_580 = arith.subi %sign3A_576, %sign3A_579 : i32
    %sign3A_581 = arith.constant 0 : i32
    %sign3A_582 = arith.cmpi sgt, %jit3A_572, %sign3A_581 : i32
    %sign3A_583 = arith.extui %sign3A_582 : i1 to i32
    %sign3A_584 = arith.constant 0 : i32
    %sign3A_585 = arith.cmpi slt, %jit3A_572, %sign3A_584 : i32
    %sign3A_586 = arith.extui %sign3A_585 : i1 to i32
    %sign3A_587 = arith.subi %sign3A_583, %sign3A_586 : i32
    %ne3A_588 = arith.cmpi ne, %sign3A_580, %sign3A_587 : i32
    %rem3A_589 = arith.remsi %add3A_571, %jit3A_572 : i32
    %ne3A_590 = arith.constant 0 : i32
    %ne3A_591 = arith.cmpi ne, %rem3A_589, %ne3A_590 : i32
    %and3A_592 = arith.andi %ne3A_588, %ne3A_591 : i1
    %sub3A_593 = arith.constant 1 : i32
    %sub3A_594 = arith.subi %div3A_573, %sub3A_593 : i32
    %select_n3A_595 = arith.select %and3A_592, %sub3A_594, %div3A_573 : i32
    %jit3A_596 = arith.constant 32 : i32
    %eq3A_597 = arith.constant 0 : i32
    %eq3A_598 = arith.cmpi eq, %jit3A_596, %eq3A_597 : i32
    %jit3A_599 = arith.constant 1 : i32
    %select_n3A_600 = arith.select %eq3A_598, %jit3A_599, %jit3A_596 : i32
    %rem3A_601 = arith.remsi %add3A_571, %select_n3A_600 : i32
    %ne3A_602 = arith.constant 0 : i32
    %ne3A_603 = arith.cmpi ne, %rem3A_601, %ne3A_602 : i32
    %lt3A_604 = arith.constant 0 : i32
    %lt3A_605 = arith.cmpi slt, %rem3A_601, %lt3A_604 : i32
    %lt3A_606 = arith.constant 0 : i32
    %lt3A_607 = arith.cmpi slt, %select_n3A_600, %lt3A_606 : i32
    %ne3A_608 = arith.xori %lt3A_605, %lt3A_607 : i1
    %and3A_609 = arith.andi %ne3A_608, %ne3A_603 : i1
    %add3A_610 = arith.addi %rem3A_601, %select_n3A_600 : i32
    %select_n3A_611 = arith.select %and3A_609, %add3A_610, %rem3A_601 : i32
    %sub3A_612 = arith.subi %select_n3A_595, %select_n3A : i32
    %dma_start3A_613 = arith.constant 10 : i32
    %dma_start3A_614 = arith.constant 0 : i32
    %dma_start3A_615 = tpu.memref_slice %arg6[%dma_start3A_613, %dma_start3A_614] : memref<26x4096xf32, #tpu.memory_space<vmem>> -> memref<1x4096xf32, #tpu.memory_space<vmem>>
    %dma_start3A_616 = tpu.memref_squeeze %dma_start3A_615 : memref<1x4096xf32, #tpu.memory_space<vmem>> -> memref<4096xf32, #tpu.memory_space<vmem>>
    %dma_start3A_617 = arith.constant 0 : i32
    %dma_start3A_618 = tpu.memref_slice %arg5[%sub3A_612, %dma_start3A_617] : memref<2x4096xi32, #tpu.memory_space<vmem>> -> memref<1x4096xi32, #tpu.memory_space<vmem>>
    %dma_start3A_619 = tpu.memref_squeeze %dma_start3A_618 : memref<1x4096xi32, #tpu.memory_space<vmem>> -> memref<4096xi32, #tpu.memory_space<vmem>>
    %dma_start3A_620 = arith.constant 0 : i32
    %dma_start3A_621 = tpu.memref_slice %arg3[%select_n3A_595, %select_n3A_611, %dma_start3A_620] : memref<26x32x100001xf32, #tpu.memory_space<hbm>> -> memref<1x1x100001xf32, #tpu.memory_space<hbm>>
    %dma_start3A_622 = tpu.memref_squeeze %dma_start3A_621 : memref<1x1x100001xf32, #tpu.memory_space<hbm>> -> memref<100001xf32, #tpu.memory_space<hbm>>
    %dma_start3A_623 = arith.constant 0 : i32
    %dma_start3A_624 = tpu.memref_slice %dma_start3A_622[%dma_start3A_623] : memref<100001xf32, #tpu.memory_space<hbm>> -> memref<100001xf32, #tpu.memory_space<hbm>>
    tpu.enqueue_indirect_dma source(%dma_start3A_624 : memref<100001xf32, #tpu.memory_space<hbm>>) target(%dma_start3A_616 : memref<4096xf32, #tpu.memory_space<vmem>>) offsets(%dma_start3A_619 : memref<4096xi32, #tpu.memory_space<vmem>>) semaphore(%arg7 : memref<!tpu.dma_semaphore, #tpu.memory_space<semaphore_mem>>)
    %add3A_625 = arith.constant 11 : i32
    %add3A_626 = arith.addi %mul3A_2, %add3A_625 : i32
    %jit3A_627 = arith.constant 32 : i32
    %div3A_628 = arith.divsi %add3A_626, %jit3A_627 : i32
    %sign3A_629 = arith.constant 0 : i32
    %sign3A_630 = arith.cmpi sgt, %add3A_626, %sign3A_629 : i32
    %sign3A_631 = arith.extui %sign3A_630 : i1 to i32
    %sign3A_632 = arith.constant 0 : i32
    %sign3A_633 = arith.cmpi slt, %add3A_626, %sign3A_632 : i32
    %sign3A_634 = arith.extui %sign3A_633 : i1 to i32
    %sign3A_635 = arith.subi %sign3A_631, %sign3A_634 : i32
    %sign3A_636 = arith.constant 0 : i32
    %sign3A_637 = arith.cmpi sgt, %jit3A_627, %sign3A_636 : i32
    %sign3A_638 = arith.extui %sign3A_637 : i1 to i32
    %sign3A_639 = arith.constant 0 : i32
    %sign3A_640 = arith.cmpi slt, %jit3A_627, %sign3A_639 : i32
    %sign3A_641 = arith.extui %sign3A_640 : i1 to i32
    %sign3A_642 = arith.subi %sign3A_638, %sign3A_641 : i32
    %ne3A_643 = arith.cmpi ne, %sign3A_635, %sign3A_642 : i32
    %rem3A_644 = arith.remsi %add3A_626, %jit3A_627 : i32
    %ne3A_645 = arith.constant 0 : i32
    %ne3A_646 = arith.cmpi ne, %rem3A_644, %ne3A_645 : i32
    %and3A_647 = arith.andi %ne3A_643, %ne3A_646 : i1
    %sub3A_648 = arith.constant 1 : i32
    %sub3A_649 = arith.subi %div3A_628, %sub3A_648 : i32
    %select_n3A_650 = arith.select %and3A_647, %sub3A_649, %div3A_628 : i32
    %jit3A_651 = arith.constant 32 : i32
    %eq3A_652 = arith.constant 0 : i32
    %eq3A_653 = arith.cmpi eq, %jit3A_651, %eq3A_652 : i32
    %jit3A_654 = arith.constant 1 : i32
    %select_n3A_655 = arith.select %eq3A_653, %jit3A_654, %jit3A_651 : i32
    %rem3A_656 = arith.remsi %add3A_626, %select_n3A_655 : i32
    %ne3A_657 = arith.constant 0 : i32
    %ne3A_658 = arith.cmpi ne, %rem3A_656, %ne3A_657 : i32
    %lt3A_659 = arith.constant 0 : i32
    %lt3A_660 = arith.cmpi slt, %rem3A_656, %lt3A_659 : i32
    %lt3A_661 = arith.constant 0 : i32
    %lt3A_662 = arith.cmpi slt, %select_n3A_655, %lt3A_661 : i32
    %ne3A_663 = arith.xori %lt3A_660, %lt3A_662 : i1
    %and3A_664 = arith.andi %ne3A_663, %ne3A_658 : i1
    %add3A_665 = arith.addi %rem3A_656, %select_n3A_655 : i32
    %select_n3A_666 = arith.select %and3A_664, %add3A_665, %rem3A_656 : i32
    %sub3A_667 = arith.subi %select_n3A_650, %select_n3A : i32
    %dma_start3A_668 = arith.constant 11 : i32
    %dma_start3A_669 = arith.constant 0 : i32
    %dma_start3A_670 = tpu.memref_slice %arg6[%dma_start3A_668, %dma_start3A_669] : memref<26x4096xf32, #tpu.memory_space<vmem>> -> memref<1x4096xf32, #tpu.memory_space<vmem>>
    %dma_start3A_671 = tpu.memref_squeeze %dma_start3A_670 : memref<1x4096xf32, #tpu.memory_space<vmem>> -> memref<4096xf32, #tpu.memory_space<vmem>>
    %dma_start3A_672 = arith.constant 0 : i32
    %dma_start3A_673 = tpu.memref_slice %arg5[%sub3A_667, %dma_start3A_672] : memref<2x4096xi32, #tpu.memory_space<vmem>> -> memref<1x4096xi32, #tpu.memory_space<vmem>>
    %dma_start3A_674 = tpu.memref_squeeze %dma_start3A_673 : memref<1x4096xi32, #tpu.memory_space<vmem>> -> memref<4096xi32, #tpu.memory_space<vmem>>
    %dma_start3A_675 = arith.constant 0 : i32
    %dma_start3A_676 = tpu.memref_slice %arg3[%select_n3A_650, %select_n3A_666, %dma_start3A_675] : memref<26x32x100001xf32, #tpu.memory_space<hbm>> -> memref<1x1x100001xf32, #tpu.memory_space<hbm>>
    %dma_start3A_677 = tpu.memref_squeeze %dma_start3A_676 : memref<1x1x100001xf32, #tpu.memory_space<hbm>> -> memref<100001xf32, #tpu.memory_space<hbm>>
    %dma_start3A_678 = arith.constant 0 : i32
    %dma_start3A_679 = tpu.memref_slice %dma_start3A_677[%dma_start3A_678] : memref<100001xf32, #tpu.memory_space<hbm>> -> memref<100001xf32, #tpu.memory_space<hbm>>
    tpu.enqueue_indirect_dma source(%dma_start3A_679 : memref<100001xf32, #tpu.memory_space<hbm>>) target(%dma_start3A_671 : memref<4096xf32, #tpu.memory_space<vmem>>) offsets(%dma_start3A_674 : memref<4096xi32, #tpu.memory_space<vmem>>) semaphore(%arg7 : memref<!tpu.dma_semaphore, #tpu.memory_space<semaphore_mem>>)
    %add3A_680 = arith.constant 12 : i32
    %add3A_681 = arith.addi %mul3A_2, %add3A_680 : i32
    %jit3A_682 = arith.constant 32 : i32
    %div3A_683 = arith.divsi %add3A_681, %jit3A_682 : i32
    %sign3A_684 = arith.constant 0 : i32
    %sign3A_685 = arith.cmpi sgt, %add3A_681, %sign3A_684 : i32
    %sign3A_686 = arith.extui %sign3A_685 : i1 to i32
    %sign3A_687 = arith.constant 0 : i32
    %sign3A_688 = arith.cmpi slt, %add3A_681, %sign3A_687 : i32
    %sign3A_689 = arith.extui %sign3A_688 : i1 to i32
    %sign3A_690 = arith.subi %sign3A_686, %sign3A_689 : i32
    %sign3A_691 = arith.constant 0 : i32
    %sign3A_692 = arith.cmpi sgt, %jit3A_682, %sign3A_691 : i32
    %sign3A_693 = arith.extui %sign3A_692 : i1 to i32
    %sign3A_694 = arith.constant 0 : i32
    %sign3A_695 = arith.cmpi slt, %jit3A_682, %sign3A_694 : i32
    %sign3A_696 = arith.extui %sign3A_695 : i1 to i32
    %sign3A_697 = arith.subi %sign3A_693, %sign3A_696 : i32
    %ne3A_698 = arith.cmpi ne, %sign3A_690, %sign3A_697 : i32
    %rem3A_699 = arith.remsi %add3A_681, %jit3A_682 : i32
    %ne3A_700 = arith.constant 0 : i32
    %ne3A_701 = arith.cmpi ne, %rem3A_699, %ne3A_700 : i32
    %and3A_702 = arith.andi %ne3A_698, %ne3A_701 : i1
    %sub3A_703 = arith.constant 1 : i32
    %sub3A_704 = arith.subi %div3A_683, %sub3A_703 : i32
    %select_n3A_705 = arith.select %and3A_702, %sub3A_704, %div3A_683 : i32
    %jit3A_706 = arith.constant 32 : i32
    %eq3A_707 = arith.constant 0 : i32
    %eq3A_708 = arith.cmpi eq, %jit3A_706, %eq3A_707 : i32
    %jit3A_709 = arith.constant 1 : i32
    %select_n3A_710 = arith.select %eq3A_708, %jit3A_709, %jit3A_706 : i32
    %rem3A_711 = arith.remsi %add3A_681, %select_n3A_710 : i32
    %ne3A_712 = arith.constant 0 : i32
    %ne3A_713 = arith.cmpi ne, %rem3A_711, %ne3A_712 : i32
    %lt3A_714 = arith.constant 0 : i32
    %lt3A_715 = arith.cmpi slt, %rem3A_711, %lt3A_714 : i32
    %lt3A_716 = arith.constant 0 : i32
    %lt3A_717 = arith.cmpi slt, %select_n3A_710, %lt3A_716 : i32
    %ne3A_718 = arith.xori %lt3A_715, %lt3A_717 : i1
    %and3A_719 = arith.andi %ne3A_718, %ne3A_713 : i1
    %add3A_720 = arith.addi %rem3A_711, %select_n3A_710 : i32
    %select_n3A_721 = arith.select %and3A_719, %add3A_720, %rem3A_711 : i32
    %sub3A_722 = arith.subi %select_n3A_705, %select_n3A : i32
    %dma_start3A_723 = arith.constant 12 : i32
    %dma_start3A_724 = arith.constant 0 : i32
    %dma_start3A_725 = tpu.memref_slice %arg6[%dma_start3A_723, %dma_start3A_724] : memref<26x4096xf32, #tpu.memory_space<vmem>> -> memref<1x4096xf32, #tpu.memory_space<vmem>>
    %dma_start3A_726 = tpu.memref_squeeze %dma_start3A_725 : memref<1x4096xf32, #tpu.memory_space<vmem>> -> memref<4096xf32, #tpu.memory_space<vmem>>
    %dma_start3A_727 = arith.constant 0 : i32
    %dma_start3A_728 = tpu.memref_slice %arg5[%sub3A_722, %dma_start3A_727] : memref<2x4096xi32, #tpu.memory_space<vmem>> -> memref<1x4096xi32, #tpu.memory_space<vmem>>
    %dma_start3A_729 = tpu.memref_squeeze %dma_start3A_728 : memref<1x4096xi32, #tpu.memory_space<vmem>> -> memref<4096xi32, #tpu.memory_space<vmem>>
    %dma_start3A_730 = arith.constant 0 : i32
    %dma_start3A_731 = tpu.memref_slice %arg3[%select_n3A_705, %select_n3A_721, %dma_start3A_730] : memref<26x32x100001xf32, #tpu.memory_space<hbm>> -> memref<1x1x100001xf32, #tpu.memory_space<hbm>>
    %dma_start3A_732 = tpu.memref_squeeze %dma_start3A_731 : memref<1x1x100001xf32, #tpu.memory_space<hbm>> -> memref<100001xf32, #tpu.memory_space<hbm>>
    %dma_start3A_733 = arith.constant 0 : i32
    %dma_start3A_734 = tpu.memref_slice %dma_start3A_732[%dma_start3A_733] : memref<100001xf32, #tpu.memory_space<hbm>> -> memref<100001xf32, #tpu.memory_space<hbm>>
    tpu.enqueue_indirect_dma source(%dma_start3A_734 : memref<100001xf32, #tpu.memory_space<hbm>>) target(%dma_start3A_726 : memref<4096xf32, #tpu.memory_space<vmem>>) offsets(%dma_start3A_729 : memref<4096xi32, #tpu.memory_space<vmem>>) semaphore(%arg7 : memref<!tpu.dma_semaphore, #tpu.memory_space<semaphore_mem>>)
    %add3A_735 = arith.constant 13 : i32
    %add3A_736 = arith.addi %mul3A_2, %add3A_735 : i32
    %jit3A_737 = arith.constant 32 : i32
    %div3A_738 = arith.divsi %add3A_736, %jit3A_737 : i32
    %sign3A_739 = arith.constant 0 : i32
    %sign3A_740 = arith.cmpi sgt, %add3A_736, %sign3A_739 : i32
    %sign3A_741 = arith.extui %sign3A_740 : i1 to i32
    %sign3A_742 = arith.constant 0 : i32
    %sign3A_743 = arith.cmpi slt, %add3A_736, %sign3A_742 : i32
    %sign3A_744 = arith.extui %sign3A_743 : i1 to i32
    %sign3A_745 = arith.subi %sign3A_741, %sign3A_744 : i32
    %sign3A_746 = arith.constant 0 : i32
    %sign3A_747 = arith.cmpi sgt, %jit3A_737, %sign3A_746 : i32
    %sign3A_748 = arith.extui %sign3A_747 : i1 to i32
    %sign3A_749 = arith.constant 0 : i32
    %sign3A_750 = arith.cmpi slt, %jit3A_737, %sign3A_749 : i32
    %sign3A_751 = arith.extui %sign3A_750 : i1 to i32
    %sign3A_752 = arith.subi %sign3A_748, %sign3A_751 : i32
    %ne3A_753 = arith.cmpi ne, %sign3A_745, %sign3A_752 : i32
    %rem3A_754 = arith.remsi %add3A_736, %jit3A_737 : i32
    %ne3A_755 = arith.constant 0 : i32
    %ne3A_756 = arith.cmpi ne, %rem3A_754, %ne3A_755 : i32
    %and3A_757 = arith.andi %ne3A_753, %ne3A_756 : i1
    %sub3A_758 = arith.constant 1 : i32
    %sub3A_759 = arith.subi %div3A_738, %sub3A_758 : i32
    %select_n3A_760 = arith.select %and3A_757, %sub3A_759, %div3A_738 : i32
    %jit3A_761 = arith.constant 32 : i32
    %eq3A_762 = arith.constant 0 : i32
    %eq3A_763 = arith.cmpi eq, %jit3A_761, %eq3A_762 : i32
    %jit3A_764 = arith.constant 1 : i32
    %select_n3A_765 = arith.select %eq3A_763, %jit3A_764, %jit3A_761 : i32
    %rem3A_766 = arith.remsi %add3A_736, %select_n3A_765 : i32
    %ne3A_767 = arith.constant 0 : i32
    %ne3A_768 = arith.cmpi ne, %rem3A_766, %ne3A_767 : i32
    %lt3A_769 = arith.constant 0 : i32
    %lt3A_770 = arith.cmpi slt, %rem3A_766, %lt3A_769 : i32
    %lt3A_771 = arith.constant 0 : i32
    %lt3A_772 = arith.cmpi slt, %select_n3A_765, %lt3A_771 : i32
    %ne3A_773 = arith.xori %lt3A_770, %lt3A_772 : i1
    %and3A_774 = arith.andi %ne3A_773, %ne3A_768 : i1
    %add3A_775 = arith.addi %rem3A_766, %select_n3A_765 : i32
    %select_n3A_776 = arith.select %and3A_774, %add3A_775, %rem3A_766 : i32
    %sub3A_777 = arith.subi %select_n3A_760, %select_n3A : i32
    %dma_start3A_778 = arith.constant 13 : i32
    %dma_start3A_779 = arith.constant 0 : i32
    %dma_start3A_780 = tpu.memref_slice %arg6[%dma_start3A_778, %dma_start3A_779] : memref<26x4096xf32, #tpu.memory_space<vmem>> -> memref<1x4096xf32, #tpu.memory_space<vmem>>
    %dma_start3A_781 = tpu.memref_squeeze %dma_start3A_780 : memref<1x4096xf32, #tpu.memory_space<vmem>> -> memref<4096xf32, #tpu.memory_space<vmem>>
    %dma_start3A_782 = arith.constant 0 : i32
    %dma_start3A_783 = tpu.memref_slice %arg5[%sub3A_777, %dma_start3A_782] : memref<2x4096xi32, #tpu.memory_space<vmem>> -> memref<1x4096xi32, #tpu.memory_space<vmem>>
    %dma_start3A_784 = tpu.memref_squeeze %dma_start3A_783 : memref<1x4096xi32, #tpu.memory_space<vmem>> -> memref<4096xi32, #tpu.memory_space<vmem>>
    %dma_start3A_785 = arith.constant 0 : i32
    %dma_start3A_786 = tpu.memref_slice %arg3[%select_n3A_760, %select_n3A_776, %dma_start3A_785] : memref<26x32x100001xf32, #tpu.memory_space<hbm>> -> memref<1x1x100001xf32, #tpu.memory_space<hbm>>
    %dma_start3A_787 = tpu.memref_squeeze %dma_start3A_786 : memref<1x1x100001xf32, #tpu.memory_space<hbm>> -> memref<100001xf32, #tpu.memory_space<hbm>>
    %dma_start3A_788 = arith.constant 0 : i32
    %dma_start3A_789 = tpu.memref_slice %dma_start3A_787[%dma_start3A_788] : memref<100001xf32, #tpu.memory_space<hbm>> -> memref<100001xf32, #tpu.memory_space<hbm>>
    tpu.enqueue_indirect_dma source(%dma_start3A_789 : memref<100001xf32, #tpu.memory_space<hbm>>) target(%dma_start3A_781 : memref<4096xf32, #tpu.memory_space<vmem>>) offsets(%dma_start3A_784 : memref<4096xi32, #tpu.memory_space<vmem>>) semaphore(%arg7 : memref<!tpu.dma_semaphore, #tpu.memory_space<semaphore_mem>>)
    %add3A_790 = arith.constant 14 : i32
    %add3A_791 = arith.addi %mul3A_2, %add3A_790 : i32
    %jit3A_792 = arith.constant 32 : i32
    %div3A_793 = arith.divsi %add3A_791, %jit3A_792 : i32
    %sign3A_794 = arith.constant 0 : i32
    %sign3A_795 = arith.cmpi sgt, %add3A_791, %sign3A_794 : i32
    %sign3A_796 = arith.extui %sign3A_795 : i1 to i32
    %sign3A_797 = arith.constant 0 : i32
    %sign3A_798 = arith.cmpi slt, %add3A_791, %sign3A_797 : i32
    %sign3A_799 = arith.extui %sign3A_798 : i1 to i32
    %sign3A_800 = arith.subi %sign3A_796, %sign3A_799 : i32
    %sign3A_801 = arith.constant 0 : i32
    %sign3A_802 = arith.cmpi sgt, %jit3A_792, %sign3A_801 : i32
    %sign3A_803 = arith.extui %sign3A_802 : i1 to i32
    %sign3A_804 = arith.constant 0 : i32
    %sign3A_805 = arith.cmpi slt, %jit3A_792, %sign3A_804 : i32
    %sign3A_806 = arith.extui %sign3A_805 : i1 to i32
    %sign3A_807 = arith.subi %sign3A_803, %sign3A_806 : i32
    %ne3A_808 = arith.cmpi ne, %sign3A_800, %sign3A_807 : i32
    %rem3A_809 = arith.remsi %add3A_791, %jit3A_792 : i32
    %ne3A_810 = arith.constant 0 : i32
    %ne3A_811 = arith.cmpi ne, %rem3A_809, %ne3A_810 : i32
    %and3A_812 = arith.andi %ne3A_808, %ne3A_811 : i1
    %sub3A_813 = arith.constant 1 : i32
    %sub3A_814 = arith.subi %div3A_793, %sub3A_813 : i32
    %select_n3A_815 = arith.select %and3A_812, %sub3A_814, %div3A_793 : i32
    %jit3A_816 = arith.constant 32 : i32
    %eq3A_817 = arith.constant 0 : i32
    %eq3A_818 = arith.cmpi eq, %jit3A_816, %eq3A_817 : i32
    %jit3A_819 = arith.constant 1 : i32
    %select_n3A_820 = arith.select %eq3A_818, %jit3A_819, %jit3A_816 : i32
    %rem3A_821 = arith.remsi %add3A_791, %select_n3A_820 : i32
    %ne3A_822 = arith.constant 0 : i32
    %ne3A_823 = arith.cmpi ne, %rem3A_821, %ne3A_822 : i32
    %lt3A_824 = arith.constant 0 : i32
    %lt3A_825 = arith.cmpi slt, %rem3A_821, %lt3A_824 : i32
    %lt3A_826 = arith.constant 0 : i32
    %lt3A_827 = arith.cmpi slt, %select_n3A_820, %lt3A_826 : i32
    %ne3A_828 = arith.xori %lt3A_825, %lt3A_827 : i1
    %and3A_829 = arith.andi %ne3A_828, %ne3A_823 : i1
    %add3A_830 = arith.addi %rem3A_821, %select_n3A_820 : i32
    %select_n3A_831 = arith.select %and3A_829, %add3A_830, %rem3A_821 : i32
    %sub3A_832 = arith.subi %select_n3A_815, %select_n3A : i32
    %dma_start3A_833 = arith.constant 14 : i32
    %dma_start3A_834 = arith.constant 0 : i32
    %dma_start3A_835 = tpu.memref_slice %arg6[%dma_start3A_833, %dma_start3A_834] : memref<26x4096xf32, #tpu.memory_space<vmem>> -> memref<1x4096xf32, #tpu.memory_space<vmem>>
    %dma_start3A_836 = tpu.memref_squeeze %dma_start3A_835 : memref<1x4096xf32, #tpu.memory_space<vmem>> -> memref<4096xf32, #tpu.memory_space<vmem>>
    %dma_start3A_837 = arith.constant 0 : i32
    %dma_start3A_838 = tpu.memref_slice %arg5[%sub3A_832, %dma_start3A_837] : memref<2x4096xi32, #tpu.memory_space<vmem>> -> memref<1x4096xi32, #tpu.memory_space<vmem>>
    %dma_start3A_839 = tpu.memref_squeeze %dma_start3A_838 : memref<1x4096xi32, #tpu.memory_space<vmem>> -> memref<4096xi32, #tpu.memory_space<vmem>>
    %dma_start3A_840 = arith.constant 0 : i32
    %dma_start3A_841 = tpu.memref_slice %arg3[%select_n3A_815, %select_n3A_831, %dma_start3A_840] : memref<26x32x100001xf32, #tpu.memory_space<hbm>> -> memref<1x1x100001xf32, #tpu.memory_space<hbm>>
    %dma_start3A_842 = tpu.memref_squeeze %dma_start3A_841 : memref<1x1x100001xf32, #tpu.memory_space<hbm>> -> memref<100001xf32, #tpu.memory_space<hbm>>
    %dma_start3A_843 = arith.constant 0 : i32
    %dma_start3A_844 = tpu.memref_slice %dma_start3A_842[%dma_start3A_843] : memref<100001xf32, #tpu.memory_space<hbm>> -> memref<100001xf32, #tpu.memory_space<hbm>>
    tpu.enqueue_indirect_dma source(%dma_start3A_844 : memref<100001xf32, #tpu.memory_space<hbm>>) target(%dma_start3A_836 : memref<4096xf32, #tpu.memory_space<vmem>>) offsets(%dma_start3A_839 : memref<4096xi32, #tpu.memory_space<vmem>>) semaphore(%arg7 : memref<!tpu.dma_semaphore, #tpu.memory_space<semaphore_mem>>)
    %add3A_845 = arith.constant 15 : i32
    %add3A_846 = arith.addi %mul3A_2, %add3A_845 : i32
    %jit3A_847 = arith.constant 32 : i32
    %div3A_848 = arith.divsi %add3A_846, %jit3A_847 : i32
    %sign3A_849 = arith.constant 0 : i32
    %sign3A_850 = arith.cmpi sgt, %add3A_846, %sign3A_849 : i32
    %sign3A_851 = arith.extui %sign3A_850 : i1 to i32
    %sign3A_852 = arith.constant 0 : i32
    %sign3A_853 = arith.cmpi slt, %add3A_846, %sign3A_852 : i32
    %sign3A_854 = arith.extui %sign3A_853 : i1 to i32
    %sign3A_855 = arith.subi %sign3A_851, %sign3A_854 : i32
    %sign3A_856 = arith.constant 0 : i32
    %sign3A_857 = arith.cmpi sgt, %jit3A_847, %sign3A_856 : i32
    %sign3A_858 = arith.extui %sign3A_857 : i1 to i32
    %sign3A_859 = arith.constant 0 : i32
    %sign3A_860 = arith.cmpi slt, %jit3A_847, %sign3A_859 : i32
    %sign3A_861 = arith.extui %sign3A_860 : i1 to i32
    %sign3A_862 = arith.subi %sign3A_858, %sign3A_861 : i32
    %ne3A_863 = arith.cmpi ne, %sign3A_855, %sign3A_862 : i32
    %rem3A_864 = arith.remsi %add3A_846, %jit3A_847 : i32
    %ne3A_865 = arith.constant 0 : i32
    %ne3A_866 = arith.cmpi ne, %rem3A_864, %ne3A_865 : i32
    %and3A_867 = arith.andi %ne3A_863, %ne3A_866 : i1
    %sub3A_868 = arith.constant 1 : i32
    %sub3A_869 = arith.subi %div3A_848, %sub3A_868 : i32
    %select_n3A_870 = arith.select %and3A_867, %sub3A_869, %div3A_848 : i32
    %jit3A_871 = arith.constant 32 : i32
    %eq3A_872 = arith.constant 0 : i32
    %eq3A_873 = arith.cmpi eq, %jit3A_871, %eq3A_872 : i32
    %jit3A_874 = arith.constant 1 : i32
    %select_n3A_875 = arith.select %eq3A_873, %jit3A_874, %jit3A_871 : i32
    %rem3A_876 = arith.remsi %add3A_846, %select_n3A_875 : i32
    %ne3A_877 = arith.constant 0 : i32
    %ne3A_878 = arith.cmpi ne, %rem3A_876, %ne3A_877 : i32
    %lt3A_879 = arith.constant 0 : i32
    %lt3A_880 = arith.cmpi slt, %rem3A_876, %lt3A_879 : i32
    %lt3A_881 = arith.constant 0 : i32
    %lt3A_882 = arith.cmpi slt, %select_n3A_875, %lt3A_881 : i32
    %ne3A_883 = arith.xori %lt3A_880, %lt3A_882 : i1
    %and3A_884 = arith.andi %ne3A_883, %ne3A_878 : i1
    %add3A_885 = arith.addi %rem3A_876, %select_n3A_875 : i32
    %select_n3A_886 = arith.select %and3A_884, %add3A_885, %rem3A_876 : i32
    %sub3A_887 = arith.subi %select_n3A_870, %select_n3A : i32
    %dma_start3A_888 = arith.constant 15 : i32
    %dma_start3A_889 = arith.constant 0 : i32
    %dma_start3A_890 = tpu.memref_slice %arg6[%dma_start3A_888, %dma_start3A_889] : memref<26x4096xf32, #tpu.memory_space<vmem>> -> memref<1x4096xf32, #tpu.memory_space<vmem>>
    %dma_start3A_891 = tpu.memref_squeeze %dma_start3A_890 : memref<1x4096xf32, #tpu.memory_space<vmem>> -> memref<4096xf32, #tpu.memory_space<vmem>>
    %dma_start3A_892 = arith.constant 0 : i32
    %dma_start3A_893 = tpu.memref_slice %arg5[%sub3A_887, %dma_start3A_892] : memref<2x4096xi32, #tpu.memory_space<vmem>> -> memref<1x4096xi32, #tpu.memory_space<vmem>>
    %dma_start3A_894 = tpu.memref_squeeze %dma_start3A_893 : memref<1x4096xi32, #tpu.memory_space<vmem>> -> memref<4096xi32, #tpu.memory_space<vmem>>
    %dma_start3A_895 = arith.constant 0 : i32
    %dma_start3A_896 = tpu.memref_slice %arg3[%select_n3A_870, %select_n3A_886, %dma_start3A_895] : memref<26x32x100001xf32, #tpu.memory_space<hbm>> -> memref<1x1x100001xf32, #tpu.memory_space<hbm>>
    %dma_start3A_897 = tpu.memref_squeeze %dma_start3A_896 : memref<1x1x100001xf32, #tpu.memory_space<hbm>> -> memref<100001xf32, #tpu.memory_space<hbm>>
    %dma_start3A_898 = arith.constant 0 : i32
    %dma_start3A_899 = tpu.memref_slice %dma_start3A_897[%dma_start3A_898] : memref<100001xf32, #tpu.memory_space<hbm>> -> memref<100001xf32, #tpu.memory_space<hbm>>
    tpu.enqueue_indirect_dma source(%dma_start3A_899 : memref<100001xf32, #tpu.memory_space<hbm>>) target(%dma_start3A_891 : memref<4096xf32, #tpu.memory_space<vmem>>) offsets(%dma_start3A_894 : memref<4096xi32, #tpu.memory_space<vmem>>) semaphore(%arg7 : memref<!tpu.dma_semaphore, #tpu.memory_space<semaphore_mem>>)
    %add3A_900 = arith.constant 16 : i32
    %add3A_901 = arith.addi %mul3A_2, %add3A_900 : i32
    %jit3A_902 = arith.constant 32 : i32
    %div3A_903 = arith.divsi %add3A_901, %jit3A_902 : i32
    %sign3A_904 = arith.constant 0 : i32
    %sign3A_905 = arith.cmpi sgt, %add3A_901, %sign3A_904 : i32
    %sign3A_906 = arith.extui %sign3A_905 : i1 to i32
    %sign3A_907 = arith.constant 0 : i32
    %sign3A_908 = arith.cmpi slt, %add3A_901, %sign3A_907 : i32
    %sign3A_909 = arith.extui %sign3A_908 : i1 to i32
    %sign3A_910 = arith.subi %sign3A_906, %sign3A_909 : i32
    %sign3A_911 = arith.constant 0 : i32
    %sign3A_912 = arith.cmpi sgt, %jit3A_902, %sign3A_911 : i32
    %sign3A_913 = arith.extui %sign3A_912 : i1 to i32
    %sign3A_914 = arith.constant 0 : i32
    %sign3A_915 = arith.cmpi slt, %jit3A_902, %sign3A_914 : i32
    %sign3A_916 = arith.extui %sign3A_915 : i1 to i32
    %sign3A_917 = arith.subi %sign3A_913, %sign3A_916 : i32
    %ne3A_918 = arith.cmpi ne, %sign3A_910, %sign3A_917 : i32
    %rem3A_919 = arith.remsi %add3A_901, %jit3A_902 : i32
    %ne3A_920 = arith.constant 0 : i32
    %ne3A_921 = arith.cmpi ne, %rem3A_919, %ne3A_920 : i32
    %and3A_922 = arith.andi %ne3A_918, %ne3A_921 : i1
    %sub3A_923 = arith.constant 1 : i32
    %sub3A_924 = arith.subi %div3A_903, %sub3A_923 : i32
    %select_n3A_925 = arith.select %and3A_922, %sub3A_924, %div3A_903 : i32
    %jit3A_926 = arith.constant 32 : i32
    %eq3A_927 = arith.constant 0 : i32
    %eq3A_928 = arith.cmpi eq, %jit3A_926, %eq3A_927 : i32
    %jit3A_929 = arith.constant 1 : i32
    %select_n3A_930 = arith.select %eq3A_928, %jit3A_929, %jit3A_926 : i32
    %rem3A_931 = arith.remsi %add3A_901, %select_n3A_930 : i32
    %ne3A_932 = arith.constant 0 : i32
    %ne3A_933 = arith.cmpi ne, %rem3A_931, %ne3A_932 : i32
    %lt3A_934 = arith.constant 0 : i32
    %lt3A_935 = arith.cmpi slt, %rem3A_931, %lt3A_934 : i32
    %lt3A_936 = arith.constant 0 : i32
    %lt3A_937 = arith.cmpi slt, %select_n3A_930, %lt3A_936 : i32
    %ne3A_938 = arith.xori %lt3A_935, %lt3A_937 : i1
    %and3A_939 = arith.andi %ne3A_938, %ne3A_933 : i1
    %add3A_940 = arith.addi %rem3A_931, %select_n3A_930 : i32
    %select_n3A_941 = arith.select %and3A_939, %add3A_940, %rem3A_931 : i32
    %sub3A_942 = arith.subi %select_n3A_925, %select_n3A : i32
    %dma_start3A_943 = arith.constant 16 : i32
    %dma_start3A_944 = arith.constant 0 : i32
    %dma_start3A_945 = tpu.memref_slice %arg6[%dma_start3A_943, %dma_start3A_944] : memref<26x4096xf32, #tpu.memory_space<vmem>> -> memref<1x4096xf32, #tpu.memory_space<vmem>>
    %dma_start3A_946 = tpu.memref_squeeze %dma_start3A_945 : memref<1x4096xf32, #tpu.memory_space<vmem>> -> memref<4096xf32, #tpu.memory_space<vmem>>
    %dma_start3A_947 = arith.constant 0 : i32
    %dma_start3A_948 = tpu.memref_slice %arg5[%sub3A_942, %dma_start3A_947] : memref<2x4096xi32, #tpu.memory_space<vmem>> -> memref<1x4096xi32, #tpu.memory_space<vmem>>
    %dma_start3A_949 = tpu.memref_squeeze %dma_start3A_948 : memref<1x4096xi32, #tpu.memory_space<vmem>> -> memref<4096xi32, #tpu.memory_space<vmem>>
    %dma_start3A_950 = arith.constant 0 : i32
    %dma_start3A_951 = tpu.memref_slice %arg3[%select_n3A_925, %select_n3A_941, %dma_start3A_950] : memref<26x32x100001xf32, #tpu.memory_space<hbm>> -> memref<1x1x100001xf32, #tpu.memory_space<hbm>>
    %dma_start3A_952 = tpu.memref_squeeze %dma_start3A_951 : memref<1x1x100001xf32, #tpu.memory_space<hbm>> -> memref<100001xf32, #tpu.memory_space<hbm>>
    %dma_start3A_953 = arith.constant 0 : i32
    %dma_start3A_954 = tpu.memref_slice %dma_start3A_952[%dma_start3A_953] : memref<100001xf32, #tpu.memory_space<hbm>> -> memref<100001xf32, #tpu.memory_space<hbm>>
    tpu.enqueue_indirect_dma source(%dma_start3A_954 : memref<100001xf32, #tpu.memory_space<hbm>>) target(%dma_start3A_946 : memref<4096xf32, #tpu.memory_space<vmem>>) offsets(%dma_start3A_949 : memref<4096xi32, #tpu.memory_space<vmem>>) semaphore(%arg7 : memref<!tpu.dma_semaphore, #tpu.memory_space<semaphore_mem>>)
    %add3A_955 = arith.constant 17 : i32
    %add3A_956 = arith.addi %mul3A_2, %add3A_955 : i32
    %jit3A_957 = arith.constant 32 : i32
    %div3A_958 = arith.divsi %add3A_956, %jit3A_957 : i32
    %sign3A_959 = arith.constant 0 : i32
    %sign3A_960 = arith.cmpi sgt, %add3A_956, %sign3A_959 : i32
    %sign3A_961 = arith.extui %sign3A_960 : i1 to i32
    %sign3A_962 = arith.constant 0 : i32
    %sign3A_963 = arith.cmpi slt, %add3A_956, %sign3A_962 : i32
    %sign3A_964 = arith.extui %sign3A_963 : i1 to i32
    %sign3A_965 = arith.subi %sign3A_961, %sign3A_964 : i32
    %sign3A_966 = arith.constant 0 : i32
    %sign3A_967 = arith.cmpi sgt, %jit3A_957, %sign3A_966 : i32
    %sign3A_968 = arith.extui %sign3A_967 : i1 to i32
    %sign3A_969 = arith.constant 0 : i32
    %sign3A_970 = arith.cmpi slt, %jit3A_957, %sign3A_969 : i32
    %sign3A_971 = arith.extui %sign3A_970 : i1 to i32
    %sign3A_972 = arith.subi %sign3A_968, %sign3A_971 : i32
    %ne3A_973 = arith.cmpi ne, %sign3A_965, %sign3A_972 : i32
    %rem3A_974 = arith.remsi %add3A_956, %jit3A_957 : i32
    %ne3A_975 = arith.constant 0 : i32
    %ne3A_976 = arith.cmpi ne, %rem3A_974, %ne3A_975 : i32
    %and3A_977 = arith.andi %ne3A_973, %ne3A_976 : i1
    %sub3A_978 = arith.constant 1 : i32
    %sub3A_979 = arith.subi %div3A_958, %sub3A_978 : i32
    %select_n3A_980 = arith.select %and3A_977, %sub3A_979, %div3A_958 : i32
    %jit3A_981 = arith.constant 32 : i32
    %eq3A_982 = arith.constant 0 : i32
    %eq3A_983 = arith.cmpi eq, %jit3A_981, %eq3A_982 : i32
    %jit3A_984 = arith.constant 1 : i32
    %select_n3A_985 = arith.select %eq3A_983, %jit3A_984, %jit3A_981 : i32
    %rem3A_986 = arith.remsi %add3A_956, %select_n3A_985 : i32
    %ne3A_987 = arith.constant 0 : i32
    %ne3A_988 = arith.cmpi ne, %rem3A_986, %ne3A_987 : i32
    %lt3A_989 = arith.constant 0 : i32
    %lt3A_990 = arith.cmpi slt, %rem3A_986, %lt3A_989 : i32
    %lt3A_991 = arith.constant 0 : i32
    %lt3A_992 = arith.cmpi slt, %select_n3A_985, %lt3A_991 : i32
    %ne3A_993 = arith.xori %lt3A_990, %lt3A_992 : i1
    %and3A_994 = arith.andi %ne3A_993, %ne3A_988 : i1
    %add3A_995 = arith.addi %rem3A_986, %select_n3A_985 : i32
    %select_n3A_996 = arith.select %and3A_994, %add3A_995, %rem3A_986 : i32
    %sub3A_997 = arith.subi %select_n3A_980, %select_n3A : i32
    %dma_start3A_998 = arith.constant 17 : i32
    %dma_start3A_999 = arith.constant 0 : i32
    %dma_start3A_1000 = tpu.memref_slice %arg6[%dma_start3A_998, %dma_start3A_999] : memref<26x4096xf32, #tpu.memory_space<vmem>> -> memref<1x4096xf32, #tpu.memory_space<vmem>>
    %dma_start3A_1001 = tpu.memref_squeeze %dma_start3A_1000 : memref<1x4096xf32, #tpu.memory_space<vmem>> -> memref<4096xf32, #tpu.memory_space<vmem>>
    %dma_start3A_1002 = arith.constant 0 : i32
    %dma_start3A_1003 = tpu.memref_slice %arg5[%sub3A_997, %dma_start3A_1002] : memref<2x4096xi32, #tpu.memory_space<vmem>> -> memref<1x4096xi32, #tpu.memory_space<vmem>>
    %dma_start3A_1004 = tpu.memref_squeeze %dma_start3A_1003 : memref<1x4096xi32, #tpu.memory_space<vmem>> -> memref<4096xi32, #tpu.memory_space<vmem>>
    %dma_start3A_1005 = arith.constant 0 : i32
    %dma_start3A_1006 = tpu.memref_slice %arg3[%select_n3A_980, %select_n3A_996, %dma_start3A_1005] : memref<26x32x100001xf32, #tpu.memory_space<hbm>> -> memref<1x1x100001xf32, #tpu.memory_space<hbm>>
    %dma_start3A_1007 = tpu.memref_squeeze %dma_start3A_1006 : memref<1x1x100001xf32, #tpu.memory_space<hbm>> -> memref<100001xf32, #tpu.memory_space<hbm>>
    %dma_start3A_1008 = arith.constant 0 : i32
    %dma_start3A_1009 = tpu.memref_slice %dma_start3A_1007[%dma_start3A_1008] : memref<100001xf32, #tpu.memory_space<hbm>> -> memref<100001xf32, #tpu.memory_space<hbm>>
    tpu.enqueue_indirect_dma source(%dma_start3A_1009 : memref<100001xf32, #tpu.memory_space<hbm>>) target(%dma_start3A_1001 : memref<4096xf32, #tpu.memory_space<vmem>>) offsets(%dma_start3A_1004 : memref<4096xi32, #tpu.memory_space<vmem>>) semaphore(%arg7 : memref<!tpu.dma_semaphore, #tpu.memory_space<semaphore_mem>>)
    %add3A_1010 = arith.constant 18 : i32
    %add3A_1011 = arith.addi %mul3A_2, %add3A_1010 : i32
    %jit3A_1012 = arith.constant 32 : i32
    %div3A_1013 = arith.divsi %add3A_1011, %jit3A_1012 : i32
    %sign3A_1014 = arith.constant 0 : i32
    %sign3A_1015 = arith.cmpi sgt, %add3A_1011, %sign3A_1014 : i32
    %sign3A_1016 = arith.extui %sign3A_1015 : i1 to i32
    %sign3A_1017 = arith.constant 0 : i32
    %sign3A_1018 = arith.cmpi slt, %add3A_1011, %sign3A_1017 : i32
    %sign3A_1019 = arith.extui %sign3A_1018 : i1 to i32
    %sign3A_1020 = arith.subi %sign3A_1016, %sign3A_1019 : i32
    %sign3A_1021 = arith.constant 0 : i32
    %sign3A_1022 = arith.cmpi sgt, %jit3A_1012, %sign3A_1021 : i32
    %sign3A_1023 = arith.extui %sign3A_1022 : i1 to i32
    %sign3A_1024 = arith.constant 0 : i32
    %sign3A_1025 = arith.cmpi slt, %jit3A_1012, %sign3A_1024 : i32
    %sign3A_1026 = arith.extui %sign3A_1025 : i1 to i32
    %sign3A_1027 = arith.subi %sign3A_1023, %sign3A_1026 : i32
    %ne3A_1028 = arith.cmpi ne, %sign3A_1020, %sign3A_1027 : i32
    %rem3A_1029 = arith.remsi %add3A_1011, %jit3A_1012 : i32
    %ne3A_1030 = arith.constant 0 : i32
    %ne3A_1031 = arith.cmpi ne, %rem3A_1029, %ne3A_1030 : i32
    %and3A_1032 = arith.andi %ne3A_1028, %ne3A_1031 : i1
    %sub3A_1033 = arith.constant 1 : i32
    %sub3A_1034 = arith.subi %div3A_1013, %sub3A_1033 : i32
    %select_n3A_1035 = arith.select %and3A_1032, %sub3A_1034, %div3A_1013 : i32
    %jit3A_1036 = arith.constant 32 : i32
    %eq3A_1037 = arith.constant 0 : i32
    %eq3A_1038 = arith.cmpi eq, %jit3A_1036, %eq3A_1037 : i32
    %jit3A_1039 = arith.constant 1 : i32
    %select_n3A_1040 = arith.select %eq3A_1038, %jit3A_1039, %jit3A_1036 : i32
    %rem3A_1041 = arith.remsi %add3A_1011, %select_n3A_1040 : i32
    %ne3A_1042 = arith.constant 0 : i32
    %ne3A_1043 = arith.cmpi ne, %rem3A_1041, %ne3A_1042 : i32
    %lt3A_1044 = arith.constant 0 : i32
    %lt3A_1045 = arith.cmpi slt, %rem3A_1041, %lt3A_1044 : i32
    %lt3A_1046 = arith.constant 0 : i32
    %lt3A_1047 = arith.cmpi slt, %select_n3A_1040, %lt3A_1046 : i32
    %ne3A_1048 = arith.xori %lt3A_1045, %lt3A_1047 : i1
    %and3A_1049 = arith.andi %ne3A_1048, %ne3A_1043 : i1
    %add3A_1050 = arith.addi %rem3A_1041, %select_n3A_1040 : i32
    %select_n3A_1051 = arith.select %and3A_1049, %add3A_1050, %rem3A_1041 : i32
    %sub3A_1052 = arith.subi %select_n3A_1035, %select_n3A : i32
    %dma_start3A_1053 = arith.constant 18 : i32
    %dma_start3A_1054 = arith.constant 0 : i32
    %dma_start3A_1055 = tpu.memref_slice %arg6[%dma_start3A_1053, %dma_start3A_1054] : memref<26x4096xf32, #tpu.memory_space<vmem>> -> memref<1x4096xf32, #tpu.memory_space<vmem>>
    %dma_start3A_1056 = tpu.memref_squeeze %dma_start3A_1055 : memref<1x4096xf32, #tpu.memory_space<vmem>> -> memref<4096xf32, #tpu.memory_space<vmem>>
    %dma_start3A_1057 = arith.constant 0 : i32
    %dma_start3A_1058 = tpu.memref_slice %arg5[%sub3A_1052, %dma_start3A_1057] : memref<2x4096xi32, #tpu.memory_space<vmem>> -> memref<1x4096xi32, #tpu.memory_space<vmem>>
    %dma_start3A_1059 = tpu.memref_squeeze %dma_start3A_1058 : memref<1x4096xi32, #tpu.memory_space<vmem>> -> memref<4096xi32, #tpu.memory_space<vmem>>
    %dma_start3A_1060 = arith.constant 0 : i32
    %dma_start3A_1061 = tpu.memref_slice %arg3[%select_n3A_1035, %select_n3A_1051, %dma_start3A_1060] : memref<26x32x100001xf32, #tpu.memory_space<hbm>> -> memref<1x1x100001xf32, #tpu.memory_space<hbm>>
    %dma_start3A_1062 = tpu.memref_squeeze %dma_start3A_1061 : memref<1x1x100001xf32, #tpu.memory_space<hbm>> -> memref<100001xf32, #tpu.memory_space<hbm>>
    %dma_start3A_1063 = arith.constant 0 : i32
    %dma_start3A_1064 = tpu.memref_slice %dma_start3A_1062[%dma_start3A_1063] : memref<100001xf32, #tpu.memory_space<hbm>> -> memref<100001xf32, #tpu.memory_space<hbm>>
    tpu.enqueue_indirect_dma source(%dma_start3A_1064 : memref<100001xf32, #tpu.memory_space<hbm>>) target(%dma_start3A_1056 : memref<4096xf32, #tpu.memory_space<vmem>>) offsets(%dma_start3A_1059 : memref<4096xi32, #tpu.memory_space<vmem>>) semaphore(%arg7 : memref<!tpu.dma_semaphore, #tpu.memory_space<semaphore_mem>>)
    %add3A_1065 = arith.constant 19 : i32
    %add3A_1066 = arith.addi %mul3A_2, %add3A_1065 : i32
    %jit3A_1067 = arith.constant 32 : i32
    %div3A_1068 = arith.divsi %add3A_1066, %jit3A_1067 : i32
    %sign3A_1069 = arith.constant 0 : i32
    %sign3A_1070 = arith.cmpi sgt, %add3A_1066, %sign3A_1069 : i32
    %sign3A_1071 = arith.extui %sign3A_1070 : i1 to i32
    %sign3A_1072 = arith.constant 0 : i32
    %sign3A_1073 = arith.cmpi slt, %add3A_1066, %sign3A_1072 : i32
    %sign3A_1074 = arith.extui %sign3A_1073 : i1 to i32
    %sign3A_1075 = arith.subi %sign3A_1071, %sign3A_1074 : i32
    %sign3A_1076 = arith.constant 0 : i32
    %sign3A_1077 = arith.cmpi sgt, %jit3A_1067, %sign3A_1076 : i32
    %sign3A_1078 = arith.extui %sign3A_1077 : i1 to i32
    %sign3A_1079 = arith.constant 0 : i32
    %sign3A_1080 = arith.cmpi slt, %jit3A_1067, %sign3A_1079 : i32
    %sign3A_1081 = arith.extui %sign3A_1080 : i1 to i32
    %sign3A_1082 = arith.subi %sign3A_1078, %sign3A_1081 : i32
    %ne3A_1083 = arith.cmpi ne, %sign3A_1075, %sign3A_1082 : i32
    %rem3A_1084 = arith.remsi %add3A_1066, %jit3A_1067 : i32
    %ne3A_1085 = arith.constant 0 : i32
    %ne3A_1086 = arith.cmpi ne, %rem3A_1084, %ne3A_1085 : i32
    %and3A_1087 = arith.andi %ne3A_1083, %ne3A_1086 : i1
    %sub3A_1088 = arith.constant 1 : i32
    %sub3A_1089 = arith.subi %div3A_1068, %sub3A_1088 : i32
    %select_n3A_1090 = arith.select %and3A_1087, %sub3A_1089, %div3A_1068 : i32
    %jit3A_1091 = arith.constant 32 : i32
    %eq3A_1092 = arith.constant 0 : i32
    %eq3A_1093 = arith.cmpi eq, %jit3A_1091, %eq3A_1092 : i32
    %jit3A_1094 = arith.constant 1 : i32
    %select_n3A_1095 = arith.select %eq3A_1093, %jit3A_1094, %jit3A_1091 : i32
    %rem3A_1096 = arith.remsi %add3A_1066, %select_n3A_1095 : i32
    %ne3A_1097 = arith.constant 0 : i32
    %ne3A_1098 = arith.cmpi ne, %rem3A_1096, %ne3A_1097 : i32
    %lt3A_1099 = arith.constant 0 : i32
    %lt3A_1100 = arith.cmpi slt, %rem3A_1096, %lt3A_1099 : i32
    %lt3A_1101 = arith.constant 0 : i32
    %lt3A_1102 = arith.cmpi slt, %select_n3A_1095, %lt3A_1101 : i32
    %ne3A_1103 = arith.xori %lt3A_1100, %lt3A_1102 : i1
    %and3A_1104 = arith.andi %ne3A_1103, %ne3A_1098 : i1
    %add3A_1105 = arith.addi %rem3A_1096, %select_n3A_1095 : i32
    %select_n3A_1106 = arith.select %and3A_1104, %add3A_1105, %rem3A_1096 : i32
    %sub3A_1107 = arith.subi %select_n3A_1090, %select_n3A : i32
    %dma_start3A_1108 = arith.constant 19 : i32
    %dma_start3A_1109 = arith.constant 0 : i32
    %dma_start3A_1110 = tpu.memref_slice %arg6[%dma_start3A_1108, %dma_start3A_1109] : memref<26x4096xf32, #tpu.memory_space<vmem>> -> memref<1x4096xf32, #tpu.memory_space<vmem>>
    %dma_start3A_1111 = tpu.memref_squeeze %dma_start3A_1110 : memref<1x4096xf32, #tpu.memory_space<vmem>> -> memref<4096xf32, #tpu.memory_space<vmem>>
    %dma_start3A_1112 = arith.constant 0 : i32
    %dma_start3A_1113 = tpu.memref_slice %arg5[%sub3A_1107, %dma_start3A_1112] : memref<2x4096xi32, #tpu.memory_space<vmem>> -> memref<1x4096xi32, #tpu.memory_space<vmem>>
    %dma_start3A_1114 = tpu.memref_squeeze %dma_start3A_1113 : memref<1x4096xi32, #tpu.memory_space<vmem>> -> memref<4096xi32, #tpu.memory_space<vmem>>
    %dma_start3A_1115 = arith.constant 0 : i32
    %dma_start3A_1116 = tpu.memref_slice %arg3[%select_n3A_1090, %select_n3A_1106, %dma_start3A_1115] : memref<26x32x100001xf32, #tpu.memory_space<hbm>> -> memref<1x1x100001xf32, #tpu.memory_space<hbm>>
    %dma_start3A_1117 = tpu.memref_squeeze %dma_start3A_1116 : memref<1x1x100001xf32, #tpu.memory_space<hbm>> -> memref<100001xf32, #tpu.memory_space<hbm>>
    %dma_start3A_1118 = arith.constant 0 : i32
    %dma_start3A_1119 = tpu.memref_slice %dma_start3A_1117[%dma_start3A_1118] : memref<100001xf32, #tpu.memory_space<hbm>> -> memref<100001xf32, #tpu.memory_space<hbm>>
    tpu.enqueue_indirect_dma source(%dma_start3A_1119 : memref<100001xf32, #tpu.memory_space<hbm>>) target(%dma_start3A_1111 : memref<4096xf32, #tpu.memory_space<vmem>>) offsets(%dma_start3A_1114 : memref<4096xi32, #tpu.memory_space<vmem>>) semaphore(%arg7 : memref<!tpu.dma_semaphore, #tpu.memory_space<semaphore_mem>>)
    %add3A_1120 = arith.constant 20 : i32
    %add3A_1121 = arith.addi %mul3A_2, %add3A_1120 : i32
    %jit3A_1122 = arith.constant 32 : i32
    %div3A_1123 = arith.divsi %add3A_1121, %jit3A_1122 : i32
    %sign3A_1124 = arith.constant 0 : i32
    %sign3A_1125 = arith.cmpi sgt, %add3A_1121, %sign3A_1124 : i32
    %sign3A_1126 = arith.extui %sign3A_1125 : i1 to i32
    %sign3A_1127 = arith.constant 0 : i32
    %sign3A_1128 = arith.cmpi slt, %add3A_1121, %sign3A_1127 : i32
    %sign3A_1129 = arith.extui %sign3A_1128 : i1 to i32
    %sign3A_1130 = arith.subi %sign3A_1126, %sign3A_1129 : i32
    %sign3A_1131 = arith.constant 0 : i32
    %sign3A_1132 = arith.cmpi sgt, %jit3A_1122, %sign3A_1131 : i32
    %sign3A_1133 = arith.extui %sign3A_1132 : i1 to i32
    %sign3A_1134 = arith.constant 0 : i32
    %sign3A_1135 = arith.cmpi slt, %jit3A_1122, %sign3A_1134 : i32
    %sign3A_1136 = arith.extui %sign3A_1135 : i1 to i32
    %sign3A_1137 = arith.subi %sign3A_1133, %sign3A_1136 : i32
    %ne3A_1138 = arith.cmpi ne, %sign3A_1130, %sign3A_1137 : i32
    %rem3A_1139 = arith.remsi %add3A_1121, %jit3A_1122 : i32
    %ne3A_1140 = arith.constant 0 : i32
    %ne3A_1141 = arith.cmpi ne, %rem3A_1139, %ne3A_1140 : i32
    %and3A_1142 = arith.andi %ne3A_1138, %ne3A_1141 : i1
    %sub3A_1143 = arith.constant 1 : i32
    %sub3A_1144 = arith.subi %div3A_1123, %sub3A_1143 : i32
    %select_n3A_1145 = arith.select %and3A_1142, %sub3A_1144, %div3A_1123 : i32
    %jit3A_1146 = arith.constant 32 : i32
    %eq3A_1147 = arith.constant 0 : i32
    %eq3A_1148 = arith.cmpi eq, %jit3A_1146, %eq3A_1147 : i32
    %jit3A_1149 = arith.constant 1 : i32
    %select_n3A_1150 = arith.select %eq3A_1148, %jit3A_1149, %jit3A_1146 : i32
    %rem3A_1151 = arith.remsi %add3A_1121, %select_n3A_1150 : i32
    %ne3A_1152 = arith.constant 0 : i32
    %ne3A_1153 = arith.cmpi ne, %rem3A_1151, %ne3A_1152 : i32
    %lt3A_1154 = arith.constant 0 : i32
    %lt3A_1155 = arith.cmpi slt, %rem3A_1151, %lt3A_1154 : i32
    %lt3A_1156 = arith.constant 0 : i32
    %lt3A_1157 = arith.cmpi slt, %select_n3A_1150, %lt3A_1156 : i32
    %ne3A_1158 = arith.xori %lt3A_1155, %lt3A_1157 : i1
    %and3A_1159 = arith.andi %ne3A_1158, %ne3A_1153 : i1
    %add3A_1160 = arith.addi %rem3A_1151, %select_n3A_1150 : i32
    %select_n3A_1161 = arith.select %and3A_1159, %add3A_1160, %rem3A_1151 : i32
    %sub3A_1162 = arith.subi %select_n3A_1145, %select_n3A : i32
    %dma_start3A_1163 = arith.constant 20 : i32
    %dma_start3A_1164 = arith.constant 0 : i32
    %dma_start3A_1165 = tpu.memref_slice %arg6[%dma_start3A_1163, %dma_start3A_1164] : memref<26x4096xf32, #tpu.memory_space<vmem>> -> memref<1x4096xf32, #tpu.memory_space<vmem>>
    %dma_start3A_1166 = tpu.memref_squeeze %dma_start3A_1165 : memref<1x4096xf32, #tpu.memory_space<vmem>> -> memref<4096xf32, #tpu.memory_space<vmem>>
    %dma_start3A_1167 = arith.constant 0 : i32
    %dma_start3A_1168 = tpu.memref_slice %arg5[%sub3A_1162, %dma_start3A_1167] : memref<2x4096xi32, #tpu.memory_space<vmem>> -> memref<1x4096xi32, #tpu.memory_space<vmem>>
    %dma_start3A_1169 = tpu.memref_squeeze %dma_start3A_1168 : memref<1x4096xi32, #tpu.memory_space<vmem>> -> memref<4096xi32, #tpu.memory_space<vmem>>
    %dma_start3A_1170 = arith.constant 0 : i32
    %dma_start3A_1171 = tpu.memref_slice %arg3[%select_n3A_1145, %select_n3A_1161, %dma_start3A_1170] : memref<26x32x100001xf32, #tpu.memory_space<hbm>> -> memref<1x1x100001xf32, #tpu.memory_space<hbm>>
    %dma_start3A_1172 = tpu.memref_squeeze %dma_start3A_1171 : memref<1x1x100001xf32, #tpu.memory_space<hbm>> -> memref<100001xf32, #tpu.memory_space<hbm>>
    %dma_start3A_1173 = arith.constant 0 : i32
    %dma_start3A_1174 = tpu.memref_slice %dma_start3A_1172[%dma_start3A_1173] : memref<100001xf32, #tpu.memory_space<hbm>> -> memref<100001xf32, #tpu.memory_space<hbm>>
    tpu.enqueue_indirect_dma source(%dma_start3A_1174 : memref<100001xf32, #tpu.memory_space<hbm>>) target(%dma_start3A_1166 : memref<4096xf32, #tpu.memory_space<vmem>>) offsets(%dma_start3A_1169 : memref<4096xi32, #tpu.memory_space<vmem>>) semaphore(%arg7 : memref<!tpu.dma_semaphore, #tpu.memory_space<semaphore_mem>>)
    %add3A_1175 = arith.constant 21 : i32
    %add3A_1176 = arith.addi %mul3A_2, %add3A_1175 : i32
    %jit3A_1177 = arith.constant 32 : i32
    %div3A_1178 = arith.divsi %add3A_1176, %jit3A_1177 : i32
    %sign3A_1179 = arith.constant 0 : i32
    %sign3A_1180 = arith.cmpi sgt, %add3A_1176, %sign3A_1179 : i32
    %sign3A_1181 = arith.extui %sign3A_1180 : i1 to i32
    %sign3A_1182 = arith.constant 0 : i32
    %sign3A_1183 = arith.cmpi slt, %add3A_1176, %sign3A_1182 : i32
    %sign3A_1184 = arith.extui %sign3A_1183 : i1 to i32
    %sign3A_1185 = arith.subi %sign3A_1181, %sign3A_1184 : i32
    %sign3A_1186 = arith.constant 0 : i32
    %sign3A_1187 = arith.cmpi sgt, %jit3A_1177, %sign3A_1186 : i32
    %sign3A_1188 = arith.extui %sign3A_1187 : i1 to i32
    %sign3A_1189 = arith.constant 0 : i32
    %sign3A_1190 = arith.cmpi slt, %jit3A_1177, %sign3A_1189 : i32
    %sign3A_1191 = arith.extui %sign3A_1190 : i1 to i32
    %sign3A_1192 = arith.subi %sign3A_1188, %sign3A_1191 : i32
    %ne3A_1193 = arith.cmpi ne, %sign3A_1185, %sign3A_1192 : i32
    %rem3A_1194 = arith.remsi %add3A_1176, %jit3A_1177 : i32
    %ne3A_1195 = arith.constant 0 : i32
    %ne3A_1196 = arith.cmpi ne, %rem3A_1194, %ne3A_1195 : i32
    %and3A_1197 = arith.andi %ne3A_1193, %ne3A_1196 : i1
    %sub3A_1198 = arith.constant 1 : i32
    %sub3A_1199 = arith.subi %div3A_1178, %sub3A_1198 : i32
    %select_n3A_1200 = arith.select %and3A_1197, %sub3A_1199, %div3A_1178 : i32
    %jit3A_1201 = arith.constant 32 : i32
    %eq3A_1202 = arith.constant 0 : i32
    %eq3A_1203 = arith.cmpi eq, %jit3A_1201, %eq3A_1202 : i32
    %jit3A_1204 = arith.constant 1 : i32
    %select_n3A_1205 = arith.select %eq3A_1203, %jit3A_1204, %jit3A_1201 : i32
    %rem3A_1206 = arith.remsi %add3A_1176, %select_n3A_1205 : i32
    %ne3A_1207 = arith.constant 0 : i32
    %ne3A_1208 = arith.cmpi ne, %rem3A_1206, %ne3A_1207 : i32
    %lt3A_1209 = arith.constant 0 : i32
    %lt3A_1210 = arith.cmpi slt, %rem3A_1206, %lt3A_1209 : i32
    %lt3A_1211 = arith.constant 0 : i32
    %lt3A_1212 = arith.cmpi slt, %select_n3A_1205, %lt3A_1211 : i32
    %ne3A_1213 = arith.xori %lt3A_1210, %lt3A_1212 : i1
    %and3A_1214 = arith.andi %ne3A_1213, %ne3A_1208 : i1
    %add3A_1215 = arith.addi %rem3A_1206, %select_n3A_1205 : i32
    %select_n3A_1216 = arith.select %and3A_1214, %add3A_1215, %rem3A_1206 : i32
    %sub3A_1217 = arith.subi %select_n3A_1200, %select_n3A : i32
    %dma_start3A_1218 = arith.constant 21 : i32
    %dma_start3A_1219 = arith.constant 0 : i32
    %dma_start3A_1220 = tpu.memref_slice %arg6[%dma_start3A_1218, %dma_start3A_1219] : memref<26x4096xf32, #tpu.memory_space<vmem>> -> memref<1x4096xf32, #tpu.memory_space<vmem>>
    %dma_start3A_1221 = tpu.memref_squeeze %dma_start3A_1220 : memref<1x4096xf32, #tpu.memory_space<vmem>> -> memref<4096xf32, #tpu.memory_space<vmem>>
    %dma_start3A_1222 = arith.constant 0 : i32
    %dma_start3A_1223 = tpu.memref_slice %arg5[%sub3A_1217, %dma_start3A_1222] : memref<2x4096xi32, #tpu.memory_space<vmem>> -> memref<1x4096xi32, #tpu.memory_space<vmem>>
    %dma_start3A_1224 = tpu.memref_squeeze %dma_start3A_1223 : memref<1x4096xi32, #tpu.memory_space<vmem>> -> memref<4096xi32, #tpu.memory_space<vmem>>
    %dma_start3A_1225 = arith.constant 0 : i32
    %dma_start3A_1226 = tpu.memref_slice %arg3[%select_n3A_1200, %select_n3A_1216, %dma_start3A_1225] : memref<26x32x100001xf32, #tpu.memory_space<hbm>> -> memref<1x1x100001xf32, #tpu.memory_space<hbm>>
    %dma_start3A_1227 = tpu.memref_squeeze %dma_start3A_1226 : memref<1x1x100001xf32, #tpu.memory_space<hbm>> -> memref<100001xf32, #tpu.memory_space<hbm>>
    %dma_start3A_1228 = arith.constant 0 : i32
    %dma_start3A_1229 = tpu.memref_slice %dma_start3A_1227[%dma_start3A_1228] : memref<100001xf32, #tpu.memory_space<hbm>> -> memref<100001xf32, #tpu.memory_space<hbm>>
    tpu.enqueue_indirect_dma source(%dma_start3A_1229 : memref<100001xf32, #tpu.memory_space<hbm>>) target(%dma_start3A_1221 : memref<4096xf32, #tpu.memory_space<vmem>>) offsets(%dma_start3A_1224 : memref<4096xi32, #tpu.memory_space<vmem>>) semaphore(%arg7 : memref<!tpu.dma_semaphore, #tpu.memory_space<semaphore_mem>>)
    %add3A_1230 = arith.constant 22 : i32
    %add3A_1231 = arith.addi %mul3A_2, %add3A_1230 : i32
    %jit3A_1232 = arith.constant 32 : i32
    %div3A_1233 = arith.divsi %add3A_1231, %jit3A_1232 : i32
    %sign3A_1234 = arith.constant 0 : i32
    %sign3A_1235 = arith.cmpi sgt, %add3A_1231, %sign3A_1234 : i32
    %sign3A_1236 = arith.extui %sign3A_1235 : i1 to i32
    %sign3A_1237 = arith.constant 0 : i32
    %sign3A_1238 = arith.cmpi slt, %add3A_1231, %sign3A_1237 : i32
    %sign3A_1239 = arith.extui %sign3A_1238 : i1 to i32
    %sign3A_1240 = arith.subi %sign3A_1236, %sign3A_1239 : i32
    %sign3A_1241 = arith.constant 0 : i32
    %sign3A_1242 = arith.cmpi sgt, %jit3A_1232, %sign3A_1241 : i32
    %sign3A_1243 = arith.extui %sign3A_1242 : i1 to i32
    %sign3A_1244 = arith.constant 0 : i32
    %sign3A_1245 = arith.cmpi slt, %jit3A_1232, %sign3A_1244 : i32
    %sign3A_1246 = arith.extui %sign3A_1245 : i1 to i32
    %sign3A_1247 = arith.subi %sign3A_1243, %sign3A_1246 : i32
    %ne3A_1248 = arith.cmpi ne, %sign3A_1240, %sign3A_1247 : i32
    %rem3A_1249 = arith.remsi %add3A_1231, %jit3A_1232 : i32
    %ne3A_1250 = arith.constant 0 : i32
    %ne3A_1251 = arith.cmpi ne, %rem3A_1249, %ne3A_1250 : i32
    %and3A_1252 = arith.andi %ne3A_1248, %ne3A_1251 : i1
    %sub3A_1253 = arith.constant 1 : i32
    %sub3A_1254 = arith.subi %div3A_1233, %sub3A_1253 : i32
    %select_n3A_1255 = arith.select %and3A_1252, %sub3A_1254, %div3A_1233 : i32
    %jit3A_1256 = arith.constant 32 : i32
    %eq3A_1257 = arith.constant 0 : i32
    %eq3A_1258 = arith.cmpi eq, %jit3A_1256, %eq3A_1257 : i32
    %jit3A_1259 = arith.constant 1 : i32
    %select_n3A_1260 = arith.select %eq3A_1258, %jit3A_1259, %jit3A_1256 : i32
    %rem3A_1261 = arith.remsi %add3A_1231, %select_n3A_1260 : i32
    %ne3A_1262 = arith.constant 0 : i32
    %ne3A_1263 = arith.cmpi ne, %rem3A_1261, %ne3A_1262 : i32
    %lt3A_1264 = arith.constant 0 : i32
    %lt3A_1265 = arith.cmpi slt, %rem3A_1261, %lt3A_1264 : i32
    %lt3A_1266 = arith.constant 0 : i32
    %lt3A_1267 = arith.cmpi slt, %select_n3A_1260, %lt3A_1266 : i32
    %ne3A_1268 = arith.xori %lt3A_1265, %lt3A_1267 : i1
    %and3A_1269 = arith.andi %ne3A_1268, %ne3A_1263 : i1
    %add3A_1270 = arith.addi %rem3A_1261, %select_n3A_1260 : i32
    %select_n3A_1271 = arith.select %and3A_1269, %add3A_1270, %rem3A_1261 : i32
    %sub3A_1272 = arith.subi %select_n3A_1255, %select_n3A : i32
    %dma_start3A_1273 = arith.constant 22 : i32
    %dma_start3A_1274 = arith.constant 0 : i32
    %dma_start3A_1275 = tpu.memref_slice %arg6[%dma_start3A_1273, %dma_start3A_1274] : memref<26x4096xf32, #tpu.memory_space<vmem>> -> memref<1x4096xf32, #tpu.memory_space<vmem>>
    %dma_start3A_1276 = tpu.memref_squeeze %dma_start3A_1275 : memref<1x4096xf32, #tpu.memory_space<vmem>> -> memref<4096xf32, #tpu.memory_space<vmem>>
    %dma_start3A_1277 = arith.constant 0 : i32
    %dma_start3A_1278 = tpu.memref_slice %arg5[%sub3A_1272, %dma_start3A_1277] : memref<2x4096xi32, #tpu.memory_space<vmem>> -> memref<1x4096xi32, #tpu.memory_space<vmem>>
    %dma_start3A_1279 = tpu.memref_squeeze %dma_start3A_1278 : memref<1x4096xi32, #tpu.memory_space<vmem>> -> memref<4096xi32, #tpu.memory_space<vmem>>
    %dma_start3A_1280 = arith.constant 0 : i32
    %dma_start3A_1281 = tpu.memref_slice %arg3[%select_n3A_1255, %select_n3A_1271, %dma_start3A_1280] : memref<26x32x100001xf32, #tpu.memory_space<hbm>> -> memref<1x1x100001xf32, #tpu.memory_space<hbm>>
    %dma_start3A_1282 = tpu.memref_squeeze %dma_start3A_1281 : memref<1x1x100001xf32, #tpu.memory_space<hbm>> -> memref<100001xf32, #tpu.memory_space<hbm>>
    %dma_start3A_1283 = arith.constant 0 : i32
    %dma_start3A_1284 = tpu.memref_slice %dma_start3A_1282[%dma_start3A_1283] : memref<100001xf32, #tpu.memory_space<hbm>> -> memref<100001xf32, #tpu.memory_space<hbm>>
    tpu.enqueue_indirect_dma source(%dma_start3A_1284 : memref<100001xf32, #tpu.memory_space<hbm>>) target(%dma_start3A_1276 : memref<4096xf32, #tpu.memory_space<vmem>>) offsets(%dma_start3A_1279 : memref<4096xi32, #tpu.memory_space<vmem>>) semaphore(%arg7 : memref<!tpu.dma_semaphore, #tpu.memory_space<semaphore_mem>>)
    %add3A_1285 = arith.constant 23 : i32
    %add3A_1286 = arith.addi %mul3A_2, %add3A_1285 : i32
    %jit3A_1287 = arith.constant 32 : i32
    %div3A_1288 = arith.divsi %add3A_1286, %jit3A_1287 : i32
    %sign3A_1289 = arith.constant 0 : i32
    %sign3A_1290 = arith.cmpi sgt, %add3A_1286, %sign3A_1289 : i32
    %sign3A_1291 = arith.extui %sign3A_1290 : i1 to i32
    %sign3A_1292 = arith.constant 0 : i32
    %sign3A_1293 = arith.cmpi slt, %add3A_1286, %sign3A_1292 : i32
    %sign3A_1294 = arith.extui %sign3A_1293 : i1 to i32
    %sign3A_1295 = arith.subi %sign3A_1291, %sign3A_1294 : i32
    %sign3A_1296 = arith.constant 0 : i32
    %sign3A_1297 = arith.cmpi sgt, %jit3A_1287, %sign3A_1296 : i32
    %sign3A_1298 = arith.extui %sign3A_1297 : i1 to i32
    %sign3A_1299 = arith.constant 0 : i32
    %sign3A_1300 = arith.cmpi slt, %jit3A_1287, %sign3A_1299 : i32
    %sign3A_1301 = arith.extui %sign3A_1300 : i1 to i32
    %sign3A_1302 = arith.subi %sign3A_1298, %sign3A_1301 : i32
    %ne3A_1303 = arith.cmpi ne, %sign3A_1295, %sign3A_1302 : i32
    %rem3A_1304 = arith.remsi %add3A_1286, %jit3A_1287 : i32
    %ne3A_1305 = arith.constant 0 : i32
    %ne3A_1306 = arith.cmpi ne, %rem3A_1304, %ne3A_1305 : i32
    %and3A_1307 = arith.andi %ne3A_1303, %ne3A_1306 : i1
    %sub3A_1308 = arith.constant 1 : i32
    %sub3A_1309 = arith.subi %div3A_1288, %sub3A_1308 : i32
    %select_n3A_1310 = arith.select %and3A_1307, %sub3A_1309, %div3A_1288 : i32
    %jit3A_1311 = arith.constant 32 : i32
    %eq3A_1312 = arith.constant 0 : i32
    %eq3A_1313 = arith.cmpi eq, %jit3A_1311, %eq3A_1312 : i32
    %jit3A_1314 = arith.constant 1 : i32
    %select_n3A_1315 = arith.select %eq3A_1313, %jit3A_1314, %jit3A_1311 : i32
    %rem3A_1316 = arith.remsi %add3A_1286, %select_n3A_1315 : i32
    %ne3A_1317 = arith.constant 0 : i32
    %ne3A_1318 = arith.cmpi ne, %rem3A_1316, %ne3A_1317 : i32
    %lt3A_1319 = arith.constant 0 : i32
    %lt3A_1320 = arith.cmpi slt, %rem3A_1316, %lt3A_1319 : i32
    %lt3A_1321 = arith.constant 0 : i32
    %lt3A_1322 = arith.cmpi slt, %select_n3A_1315, %lt3A_1321 : i32
    %ne3A_1323 = arith.xori %lt3A_1320, %lt3A_1322 : i1
    %and3A_1324 = arith.andi %ne3A_1323, %ne3A_1318 : i1
    %add3A_1325 = arith.addi %rem3A_1316, %select_n3A_1315 : i32
    %select_n3A_1326 = arith.select %and3A_1324, %add3A_1325, %rem3A_1316 : i32
    %sub3A_1327 = arith.subi %select_n3A_1310, %select_n3A : i32
    %dma_start3A_1328 = arith.constant 23 : i32
    %dma_start3A_1329 = arith.constant 0 : i32
    %dma_start3A_1330 = tpu.memref_slice %arg6[%dma_start3A_1328, %dma_start3A_1329] : memref<26x4096xf32, #tpu.memory_space<vmem>> -> memref<1x4096xf32, #tpu.memory_space<vmem>>
    %dma_start3A_1331 = tpu.memref_squeeze %dma_start3A_1330 : memref<1x4096xf32, #tpu.memory_space<vmem>> -> memref<4096xf32, #tpu.memory_space<vmem>>
    %dma_start3A_1332 = arith.constant 0 : i32
    %dma_start3A_1333 = tpu.memref_slice %arg5[%sub3A_1327, %dma_start3A_1332] : memref<2x4096xi32, #tpu.memory_space<vmem>> -> memref<1x4096xi32, #tpu.memory_space<vmem>>
    %dma_start3A_1334 = tpu.memref_squeeze %dma_start3A_1333 : memref<1x4096xi32, #tpu.memory_space<vmem>> -> memref<4096xi32, #tpu.memory_space<vmem>>
    %dma_start3A_1335 = arith.constant 0 : i32
    %dma_start3A_1336 = tpu.memref_slice %arg3[%select_n3A_1310, %select_n3A_1326, %dma_start3A_1335] : memref<26x32x100001xf32, #tpu.memory_space<hbm>> -> memref<1x1x100001xf32, #tpu.memory_space<hbm>>
    %dma_start3A_1337 = tpu.memref_squeeze %dma_start3A_1336 : memref<1x1x100001xf32, #tpu.memory_space<hbm>> -> memref<100001xf32, #tpu.memory_space<hbm>>
    %dma_start3A_1338 = arith.constant 0 : i32
    %dma_start3A_1339 = tpu.memref_slice %dma_start3A_1337[%dma_start3A_1338] : memref<100001xf32, #tpu.memory_space<hbm>> -> memref<100001xf32, #tpu.memory_space<hbm>>
    tpu.enqueue_indirect_dma source(%dma_start3A_1339 : memref<100001xf32, #tpu.memory_space<hbm>>) target(%dma_start3A_1331 : memref<4096xf32, #tpu.memory_space<vmem>>) offsets(%dma_start3A_1334 : memref<4096xi32, #tpu.memory_space<vmem>>) semaphore(%arg7 : memref<!tpu.dma_semaphore, #tpu.memory_space<semaphore_mem>>)
    %add3A_1340 = arith.constant 24 : i32
    %add3A_1341 = arith.addi %mul3A_2, %add3A_1340 : i32
    %jit3A_1342 = arith.constant 32 : i32
    %div3A_1343 = arith.divsi %add3A_1341, %jit3A_1342 : i32
    %sign3A_1344 = arith.constant 0 : i32
    %sign3A_1345 = arith.cmpi sgt, %add3A_1341, %sign3A_1344 : i32
    %sign3A_1346 = arith.extui %sign3A_1345 : i1 to i32
    %sign3A_1347 = arith.constant 0 : i32
    %sign3A_1348 = arith.cmpi slt, %add3A_1341, %sign3A_1347 : i32
    %sign3A_1349 = arith.extui %sign3A_1348 : i1 to i32
    %sign3A_1350 = arith.subi %sign3A_1346, %sign3A_1349 : i32
    %sign3A_1351 = arith.constant 0 : i32
    %sign3A_1352 = arith.cmpi sgt, %jit3A_1342, %sign3A_1351 : i32
    %sign3A_1353 = arith.extui %sign3A_1352 : i1 to i32
    %sign3A_1354 = arith.constant 0 : i32
    %sign3A_1355 = arith.cmpi slt, %jit3A_1342, %sign3A_1354 : i32
    %sign3A_1356 = arith.extui %sign3A_1355 : i1 to i32
    %sign3A_1357 = arith.subi %sign3A_1353, %sign3A_1356 : i32
    %ne3A_1358 = arith.cmpi ne, %sign3A_1350, %sign3A_1357 : i32
    %rem3A_1359 = arith.remsi %add3A_1341, %jit3A_1342 : i32
    %ne3A_1360 = arith.constant 0 : i32
    %ne3A_1361 = arith.cmpi ne, %rem3A_1359, %ne3A_1360 : i32
    %and3A_1362 = arith.andi %ne3A_1358, %ne3A_1361 : i1
    %sub3A_1363 = arith.constant 1 : i32
    %sub3A_1364 = arith.subi %div3A_1343, %sub3A_1363 : i32
    %select_n3A_1365 = arith.select %and3A_1362, %sub3A_1364, %div3A_1343 : i32
    %jit3A_1366 = arith.constant 32 : i32
    %eq3A_1367 = arith.constant 0 : i32
    %eq3A_1368 = arith.cmpi eq, %jit3A_1366, %eq3A_1367 : i32
    %jit3A_1369 = arith.constant 1 : i32
    %select_n3A_1370 = arith.select %eq3A_1368, %jit3A_1369, %jit3A_1366 : i32
    %rem3A_1371 = arith.remsi %add3A_1341, %select_n3A_1370 : i32
    %ne3A_1372 = arith.constant 0 : i32
    %ne3A_1373 = arith.cmpi ne, %rem3A_1371, %ne3A_1372 : i32
    %lt3A_1374 = arith.constant 0 : i32
    %lt3A_1375 = arith.cmpi slt, %rem3A_1371, %lt3A_1374 : i32
    %lt3A_1376 = arith.constant 0 : i32
    %lt3A_1377 = arith.cmpi slt, %select_n3A_1370, %lt3A_1376 : i32
    %ne3A_1378 = arith.xori %lt3A_1375, %lt3A_1377 : i1
    %and3A_1379 = arith.andi %ne3A_1378, %ne3A_1373 : i1
    %add3A_1380 = arith.addi %rem3A_1371, %select_n3A_1370 : i32
    %select_n3A_1381 = arith.select %and3A_1379, %add3A_1380, %rem3A_1371 : i32
    %sub3A_1382 = arith.subi %select_n3A_1365, %select_n3A : i32
    %dma_start3A_1383 = arith.constant 24 : i32
    %dma_start3A_1384 = arith.constant 0 : i32
    %dma_start3A_1385 = tpu.memref_slice %arg6[%dma_start3A_1383, %dma_start3A_1384] : memref<26x4096xf32, #tpu.memory_space<vmem>> -> memref<1x4096xf32, #tpu.memory_space<vmem>>
    %dma_start3A_1386 = tpu.memref_squeeze %dma_start3A_1385 : memref<1x4096xf32, #tpu.memory_space<vmem>> -> memref<4096xf32, #tpu.memory_space<vmem>>
    %dma_start3A_1387 = arith.constant 0 : i32
    %dma_start3A_1388 = tpu.memref_slice %arg5[%sub3A_1382, %dma_start3A_1387] : memref<2x4096xi32, #tpu.memory_space<vmem>> -> memref<1x4096xi32, #tpu.memory_space<vmem>>
    %dma_start3A_1389 = tpu.memref_squeeze %dma_start3A_1388 : memref<1x4096xi32, #tpu.memory_space<vmem>> -> memref<4096xi32, #tpu.memory_space<vmem>>
    %dma_start3A_1390 = arith.constant 0 : i32
    %dma_start3A_1391 = tpu.memref_slice %arg3[%select_n3A_1365, %select_n3A_1381, %dma_start3A_1390] : memref<26x32x100001xf32, #tpu.memory_space<hbm>> -> memref<1x1x100001xf32, #tpu.memory_space<hbm>>
    %dma_start3A_1392 = tpu.memref_squeeze %dma_start3A_1391 : memref<1x1x100001xf32, #tpu.memory_space<hbm>> -> memref<100001xf32, #tpu.memory_space<hbm>>
    %dma_start3A_1393 = arith.constant 0 : i32
    %dma_start3A_1394 = tpu.memref_slice %dma_start3A_1392[%dma_start3A_1393] : memref<100001xf32, #tpu.memory_space<hbm>> -> memref<100001xf32, #tpu.memory_space<hbm>>
    tpu.enqueue_indirect_dma source(%dma_start3A_1394 : memref<100001xf32, #tpu.memory_space<hbm>>) target(%dma_start3A_1386 : memref<4096xf32, #tpu.memory_space<vmem>>) offsets(%dma_start3A_1389 : memref<4096xi32, #tpu.memory_space<vmem>>) semaphore(%arg7 : memref<!tpu.dma_semaphore, #tpu.memory_space<semaphore_mem>>)
    %add3A_1395 = arith.constant 25 : i32
    %add3A_1396 = arith.addi %mul3A_2, %add3A_1395 : i32
    %jit3A_1397 = arith.constant 32 : i32
    %div3A_1398 = arith.divsi %add3A_1396, %jit3A_1397 : i32
    %sign3A_1399 = arith.constant 0 : i32
    %sign3A_1400 = arith.cmpi sgt, %add3A_1396, %sign3A_1399 : i32
    %sign3A_1401 = arith.extui %sign3A_1400 : i1 to i32
    %sign3A_1402 = arith.constant 0 : i32
    %sign3A_1403 = arith.cmpi slt, %add3A_1396, %sign3A_1402 : i32
    %sign3A_1404 = arith.extui %sign3A_1403 : i1 to i32
    %sign3A_1405 = arith.subi %sign3A_1401, %sign3A_1404 : i32
    %sign3A_1406 = arith.constant 0 : i32
    %sign3A_1407 = arith.cmpi sgt, %jit3A_1397, %sign3A_1406 : i32
    %sign3A_1408 = arith.extui %sign3A_1407 : i1 to i32
    %sign3A_1409 = arith.constant 0 : i32
    %sign3A_1410 = arith.cmpi slt, %jit3A_1397, %sign3A_1409 : i32
    %sign3A_1411 = arith.extui %sign3A_1410 : i1 to i32
    %sign3A_1412 = arith.subi %sign3A_1408, %sign3A_1411 : i32
    %ne3A_1413 = arith.cmpi ne, %sign3A_1405, %sign3A_1412 : i32
    %rem3A_1414 = arith.remsi %add3A_1396, %jit3A_1397 : i32
    %ne3A_1415 = arith.constant 0 : i32
    %ne3A_1416 = arith.cmpi ne, %rem3A_1414, %ne3A_1415 : i32
    %and3A_1417 = arith.andi %ne3A_1413, %ne3A_1416 : i1
    %sub3A_1418 = arith.constant 1 : i32
    %sub3A_1419 = arith.subi %div3A_1398, %sub3A_1418 : i32
    %select_n3A_1420 = arith.select %and3A_1417, %sub3A_1419, %div3A_1398 : i32
    %jit3A_1421 = arith.constant 32 : i32
    %eq3A_1422 = arith.constant 0 : i32
    %eq3A_1423 = arith.cmpi eq, %jit3A_1421, %eq3A_1422 : i32
    %jit3A_1424 = arith.constant 1 : i32
    %select_n3A_1425 = arith.select %eq3A_1423, %jit3A_1424, %jit3A_1421 : i32
    %rem3A_1426 = arith.remsi %add3A_1396, %select_n3A_1425 : i32
    %ne3A_1427 = arith.constant 0 : i32
    %ne3A_1428 = arith.cmpi ne, %rem3A_1426, %ne3A_1427 : i32
    %lt3A_1429 = arith.constant 0 : i32
    %lt3A_1430 = arith.cmpi slt, %rem3A_1426, %lt3A_1429 : i32
    %lt3A_1431 = arith.constant 0 : i32
    %lt3A_1432 = arith.cmpi slt, %select_n3A_1425, %lt3A_1431 : i32
    %ne3A_1433 = arith.xori %lt3A_1430, %lt3A_1432 : i1
    %and3A_1434 = arith.andi %ne3A_1433, %ne3A_1428 : i1
    %add3A_1435 = arith.addi %rem3A_1426, %select_n3A_1425 : i32
    %select_n3A_1436 = arith.select %and3A_1434, %add3A_1435, %rem3A_1426 : i32
    %sub3A_1437 = arith.subi %select_n3A_1420, %select_n3A : i32
    %dma_start3A_1438 = arith.constant 25 : i32
    %dma_start3A_1439 = arith.constant 0 : i32
    %dma_start3A_1440 = tpu.memref_slice %arg6[%dma_start3A_1438, %dma_start3A_1439] : memref<26x4096xf32, #tpu.memory_space<vmem>> -> memref<1x4096xf32, #tpu.memory_space<vmem>>
    %dma_start3A_1441 = tpu.memref_squeeze %dma_start3A_1440 : memref<1x4096xf32, #tpu.memory_space<vmem>> -> memref<4096xf32, #tpu.memory_space<vmem>>
    %dma_start3A_1442 = arith.constant 0 : i32
    %dma_start3A_1443 = tpu.memref_slice %arg5[%sub3A_1437, %dma_start3A_1442] : memref<2x4096xi32, #tpu.memory_space<vmem>> -> memref<1x4096xi32, #tpu.memory_space<vmem>>
    %dma_start3A_1444 = tpu.memref_squeeze %dma_start3A_1443 : memref<1x4096xi32, #tpu.memory_space<vmem>> -> memref<4096xi32, #tpu.memory_space<vmem>>
    %dma_start3A_1445 = arith.constant 0 : i32
    %dma_start3A_1446 = tpu.memref_slice %arg3[%select_n3A_1420, %select_n3A_1436, %dma_start3A_1445] : memref<26x32x100001xf32, #tpu.memory_space<hbm>> -> memref<1x1x100001xf32, #tpu.memory_space<hbm>>
    %dma_start3A_1447 = tpu.memref_squeeze %dma_start3A_1446 : memref<1x1x100001xf32, #tpu.memory_space<hbm>> -> memref<100001xf32, #tpu.memory_space<hbm>>
    %dma_start3A_1448 = arith.constant 0 : i32
    %dma_start3A_1449 = tpu.memref_slice %dma_start3A_1447[%dma_start3A_1448] : memref<100001xf32, #tpu.memory_space<hbm>> -> memref<100001xf32, #tpu.memory_space<hbm>>
    tpu.enqueue_indirect_dma source(%dma_start3A_1449 : memref<100001xf32, #tpu.memory_space<hbm>>) target(%dma_start3A_1441 : memref<4096xf32, #tpu.memory_space<vmem>>) offsets(%dma_start3A_1444 : memref<4096xi32, #tpu.memory_space<vmem>>) semaphore(%arg7 : memref<!tpu.dma_semaphore, #tpu.memory_space<semaphore_mem>>)
    %dma_wait3A = arith.constant 0 : i32
    %dma_wait3A_1450 = arith.constant 0 : i32
    %dma_wait3A_1451 = tpu.memref_slice %arg6[%dma_wait3A, %dma_wait3A_1450] : memref<26x4096xf32, #tpu.memory_space<vmem>> -> memref<1x4096xf32, #tpu.memory_space<vmem>>
    %dma_wait3A_1452 = tpu.memref_squeeze %dma_wait3A_1451 : memref<1x4096xf32, #tpu.memory_space<vmem>> -> memref<4096xf32, #tpu.memory_space<vmem>>
    %dma_wait3A_1453 = arith.constant 0 : i32
    %dma_wait3A_1454 = tpu.memref_slice %arg5[%sub3A_63, %dma_wait3A_1453] : memref<2x4096xi32, #tpu.memory_space<vmem>> -> memref<1x4096xi32, #tpu.memory_space<vmem>>
    %dma_wait3A_1455 = tpu.memref_squeeze %dma_wait3A_1454 : memref<1x4096xi32, #tpu.memory_space<vmem>> -> memref<4096xi32, #tpu.memory_space<vmem>>
    %dma_wait3A_1456 = arith.constant 0 : i32
    %dma_wait3A_1457 = tpu.memref_slice %arg3[%select_n3A_48, %select_n3A_62, %dma_wait3A_1456] : memref<26x32x100001xf32, #tpu.memory_space<hbm>> -> memref<1x1x100001xf32, #tpu.memory_space<hbm>>
    %dma_wait3A_1458 = tpu.memref_squeeze %dma_wait3A_1457 : memref<1x1x100001xf32, #tpu.memory_space<hbm>> -> memref<100001xf32, #tpu.memory_space<hbm>>
    %dma_wait3A_1459 = arith.constant 0 : i32
    %dma_wait3A_1460 = tpu.memref_slice %dma_wait3A_1458[%dma_wait3A_1459] : memref<100001xf32, #tpu.memory_space<hbm>> -> memref<100001xf32, #tpu.memory_space<hbm>>
    tpu.wait_indirect_dma semaphore(%arg7 : memref<!tpu.dma_semaphore, #tpu.memory_space<semaphore_mem>>) src(%dma_wait3A_1460 : memref<100001xf32, #tpu.memory_space<hbm>>) dst(%dma_wait3A_1452 : memref<4096xf32, #tpu.memory_space<vmem>>)
    %dma_wait3A_1461 = arith.constant 1 : i32
    %dma_wait3A_1462 = arith.constant 0 : i32
    %dma_wait3A_1463 = tpu.memref_slice %arg6[%dma_wait3A_1461, %dma_wait3A_1462] : memref<26x4096xf32, #tpu.memory_space<vmem>> -> memref<1x4096xf32, #tpu.memory_space<vmem>>
    %dma_wait3A_1464 = tpu.memref_squeeze %dma_wait3A_1463 : memref<1x4096xf32, #tpu.memory_space<vmem>> -> memref<4096xf32, #tpu.memory_space<vmem>>
    %dma_wait3A_1465 = arith.constant 0 : i32
    %dma_wait3A_1466 = tpu.memref_slice %arg5[%sub3A_117, %dma_wait3A_1465] : memref<2x4096xi32, #tpu.memory_space<vmem>> -> memref<1x4096xi32, #tpu.memory_space<vmem>>
    %dma_wait3A_1467 = tpu.memref_squeeze %dma_wait3A_1466 : memref<1x4096xi32, #tpu.memory_space<vmem>> -> memref<4096xi32, #tpu.memory_space<vmem>>
    %dma_wait3A_1468 = arith.constant 0 : i32
    %dma_wait3A_1469 = tpu.memref_slice %arg3[%select_n3A_100, %select_n3A_116, %dma_wait3A_1468] : memref<26x32x100001xf32, #tpu.memory_space<hbm>> -> memref<1x1x100001xf32, #tpu.memory_space<hbm>>
    %dma_wait3A_1470 = tpu.memref_squeeze %dma_wait3A_1469 : memref<1x1x100001xf32, #tpu.memory_space<hbm>> -> memref<100001xf32, #tpu.memory_space<hbm>>
    %dma_wait3A_1471 = arith.constant 0 : i32
    %dma_wait3A_1472 = tpu.memref_slice %dma_wait3A_1470[%dma_wait3A_1471] : memref<100001xf32, #tpu.memory_space<hbm>> -> memref<100001xf32, #tpu.memory_space<hbm>>
    tpu.wait_indirect_dma semaphore(%arg7 : memref<!tpu.dma_semaphore, #tpu.memory_space<semaphore_mem>>) src(%dma_wait3A_1472 : memref<100001xf32, #tpu.memory_space<hbm>>) dst(%dma_wait3A_1464 : memref<4096xf32, #tpu.memory_space<vmem>>)
    %dma_wait3A_1473 = arith.constant 2 : i32
    %dma_wait3A_1474 = arith.constant 0 : i32
    %dma_wait3A_1475 = tpu.memref_slice %arg6[%dma_wait3A_1473, %dma_wait3A_1474] : memref<26x4096xf32, #tpu.memory_space<vmem>> -> memref<1x4096xf32, #tpu.memory_space<vmem>>
    %dma_wait3A_1476 = tpu.memref_squeeze %dma_wait3A_1475 : memref<1x4096xf32, #tpu.memory_space<vmem>> -> memref<4096xf32, #tpu.memory_space<vmem>>
    %dma_wait3A_1477 = arith.constant 0 : i32
    %dma_wait3A_1478 = tpu.memref_slice %arg5[%sub3A_172, %dma_wait3A_1477] : memref<2x4096xi32, #tpu.memory_space<vmem>> -> memref<1x4096xi32, #tpu.memory_space<vmem>>
    %dma_wait3A_1479 = tpu.memref_squeeze %dma_wait3A_1478 : memref<1x4096xi32, #tpu.memory_space<vmem>> -> memref<4096xi32, #tpu.memory_space<vmem>>
    %dma_wait3A_1480 = arith.constant 0 : i32
    %dma_wait3A_1481 = tpu.memref_slice %arg3[%select_n3A_155, %select_n3A_171, %dma_wait3A_1480] : memref<26x32x100001xf32, #tpu.memory_space<hbm>> -> memref<1x1x100001xf32, #tpu.memory_space<hbm>>
    %dma_wait3A_1482 = tpu.memref_squeeze %dma_wait3A_1481 : memref<1x1x100001xf32, #tpu.memory_space<hbm>> -> memref<100001xf32, #tpu.memory_space<hbm>>
    %dma_wait3A_1483 = arith.constant 0 : i32
    %dma_wait3A_1484 = tpu.memref_slice %dma_wait3A_1482[%dma_wait3A_1483] : memref<100001xf32, #tpu.memory_space<hbm>> -> memref<100001xf32, #tpu.memory_space<hbm>>
    tpu.wait_indirect_dma semaphore(%arg7 : memref<!tpu.dma_semaphore, #tpu.memory_space<semaphore_mem>>) src(%dma_wait3A_1484 : memref<100001xf32, #tpu.memory_space<hbm>>) dst(%dma_wait3A_1476 : memref<4096xf32, #tpu.memory_space<vmem>>)
    %dma_wait3A_1485 = arith.constant 3 : i32
    %dma_wait3A_1486 = arith.constant 0 : i32
    %dma_wait3A_1487 = tpu.memref_slice %arg6[%dma_wait3A_1485, %dma_wait3A_1486] : memref<26x4096xf32, #tpu.memory_space<vmem>> -> memref<1x4096xf32, #tpu.memory_space<vmem>>
    %dma_wait3A_1488 = tpu.memref_squeeze %dma_wait3A_1487 : memref<1x4096xf32, #tpu.memory_space<vmem>> -> memref<4096xf32, #tpu.memory_space<vmem>>
    %dma_wait3A_1489 = arith.constant 0 : i32
    %dma_wait3A_1490 = tpu.memref_slice %arg5[%sub3A_227, %dma_wait3A_1489] : memref<2x4096xi32, #tpu.memory_space<vmem>> -> memref<1x4096xi32, #tpu.memory_space<vmem>>
    %dma_wait3A_1491 = tpu.memref_squeeze %dma_wait3A_1490 : memref<1x4096xi32, #tpu.memory_space<vmem>> -> memref<4096xi32, #tpu.memory_space<vmem>>
    %dma_wait3A_1492 = arith.constant 0 : i32
    %dma_wait3A_1493 = tpu.memref_slice %arg3[%select_n3A_210, %select_n3A_226, %dma_wait3A_1492] : memref<26x32x100001xf32, #tpu.memory_space<hbm>> -> memref<1x1x100001xf32, #tpu.memory_space<hbm>>
    %dma_wait3A_1494 = tpu.memref_squeeze %dma_wait3A_1493 : memref<1x1x100001xf32, #tpu.memory_space<hbm>> -> memref<100001xf32, #tpu.memory_space<hbm>>
    %dma_wait3A_1495 = arith.constant 0 : i32
    %dma_wait3A_1496 = tpu.memref_slice %dma_wait3A_1494[%dma_wait3A_1495] : memref<100001xf32, #tpu.memory_space<hbm>> -> memref<100001xf32, #tpu.memory_space<hbm>>
    tpu.wait_indirect_dma semaphore(%arg7 : memref<!tpu.dma_semaphore, #tpu.memory_space<semaphore_mem>>) src(%dma_wait3A_1496 : memref<100001xf32, #tpu.memory_space<hbm>>) dst(%dma_wait3A_1488 : memref<4096xf32, #tpu.memory_space<vmem>>)
    %dma_wait3A_1497 = arith.constant 4 : i32
    %dma_wait3A_1498 = arith.constant 0 : i32
    %dma_wait3A_1499 = tpu.memref_slice %arg6[%dma_wait3A_1497, %dma_wait3A_1498] : memref<26x4096xf32, #tpu.memory_space<vmem>> -> memref<1x4096xf32, #tpu.memory_space<vmem>>
    %dma_wait3A_1500 = tpu.memref_squeeze %dma_wait3A_1499 : memref<1x4096xf32, #tpu.memory_space<vmem>> -> memref<4096xf32, #tpu.memory_space<vmem>>
    %dma_wait3A_1501 = arith.constant 0 : i32
    %dma_wait3A_1502 = tpu.memref_slice %arg5[%sub3A_282, %dma_wait3A_1501] : memref<2x4096xi32, #tpu.memory_space<vmem>> -> memref<1x4096xi32, #tpu.memory_space<vmem>>
    %dma_wait3A_1503 = tpu.memref_squeeze %dma_wait3A_1502 : memref<1x4096xi32, #tpu.memory_space<vmem>> -> memref<4096xi32, #tpu.memory_space<vmem>>
    %dma_wait3A_1504 = arith.constant 0 : i32
    %dma_wait3A_1505 = tpu.memref_slice %arg3[%select_n3A_265, %select_n3A_281, %dma_wait3A_1504] : memref<26x32x100001xf32, #tpu.memory_space<hbm>> -> memref<1x1x100001xf32, #tpu.memory_space<hbm>>
    %dma_wait3A_1506 = tpu.memref_squeeze %dma_wait3A_1505 : memref<1x1x100001xf32, #tpu.memory_space<hbm>> -> memref<100001xf32, #tpu.memory_space<hbm>>
    %dma_wait3A_1507 = arith.constant 0 : i32
    %dma_wait3A_1508 = tpu.memref_slice %dma_wait3A_1506[%dma_wait3A_1507] : memref<100001xf32, #tpu.memory_space<hbm>> -> memref<100001xf32, #tpu.memory_space<hbm>>
    tpu.wait_indirect_dma semaphore(%arg7 : memref<!tpu.dma_semaphore, #tpu.memory_space<semaphore_mem>>) src(%dma_wait3A_1508 : memref<100001xf32, #tpu.memory_space<hbm>>) dst(%dma_wait3A_1500 : memref<4096xf32, #tpu.memory_space<vmem>>)
    %dma_wait3A_1509 = arith.constant 5 : i32
    %dma_wait3A_1510 = arith.constant 0 : i32
    %dma_wait3A_1511 = tpu.memref_slice %arg6[%dma_wait3A_1509, %dma_wait3A_1510] : memref<26x4096xf32, #tpu.memory_space<vmem>> -> memref<1x4096xf32, #tpu.memory_space<vmem>>
    %dma_wait3A_1512 = tpu.memref_squeeze %dma_wait3A_1511 : memref<1x4096xf32, #tpu.memory_space<vmem>> -> memref<4096xf32, #tpu.memory_space<vmem>>
    %dma_wait3A_1513 = arith.constant 0 : i32
    %dma_wait3A_1514 = tpu.memref_slice %arg5[%sub3A_337, %dma_wait3A_1513] : memref<2x4096xi32, #tpu.memory_space<vmem>> -> memref<1x4096xi32, #tpu.memory_space<vmem>>
    %dma_wait3A_1515 = tpu.memref_squeeze %dma_wait3A_1514 : memref<1x4096xi32, #tpu.memory_space<vmem>> -> memref<4096xi32, #tpu.memory_space<vmem>>
    %dma_wait3A_1516 = arith.constant 0 : i32
    %dma_wait3A_1517 = tpu.memref_slice %arg3[%select_n3A_320, %select_n3A_336, %dma_wait3A_1516] : memref<26x32x100001xf32, #tpu.memory_space<hbm>> -> memref<1x1x100001xf32, #tpu.memory_space<hbm>>
    %dma_wait3A_1518 = tpu.memref_squeeze %dma_wait3A_1517 : memref<1x1x100001xf32, #tpu.memory_space<hbm>> -> memref<100001xf32, #tpu.memory_space<hbm>>
    %dma_wait3A_1519 = arith.constant 0 : i32
    %dma_wait3A_1520 = tpu.memref_slice %dma_wait3A_1518[%dma_wait3A_1519] : memref<100001xf32, #tpu.memory_space<hbm>> -> memref<100001xf32, #tpu.memory_space<hbm>>
    tpu.wait_indirect_dma semaphore(%arg7 : memref<!tpu.dma_semaphore, #tpu.memory_space<semaphore_mem>>) src(%dma_wait3A_1520 : memref<100001xf32, #tpu.memory_space<hbm>>) dst(%dma_wait3A_1512 : memref<4096xf32, #tpu.memory_space<vmem>>)
    %dma_wait3A_1521 = arith.constant 6 : i32
    %dma_wait3A_1522 = arith.constant 0 : i32
    %dma_wait3A_1523 = tpu.memref_slice %arg6[%dma_wait3A_1521, %dma_wait3A_1522] : memref<26x4096xf32, #tpu.memory_space<vmem>> -> memref<1x4096xf32, #tpu.memory_space<vmem>>
    %dma_wait3A_1524 = tpu.memref_squeeze %dma_wait3A_1523 : memref<1x4096xf32, #tpu.memory_space<vmem>> -> memref<4096xf32, #tpu.memory_space<vmem>>
    %dma_wait3A_1525 = arith.constant 0 : i32
    %dma_wait3A_1526 = tpu.memref_slice %arg5[%sub3A_392, %dma_wait3A_1525] : memref<2x4096xi32, #tpu.memory_space<vmem>> -> memref<1x4096xi32, #tpu.memory_space<vmem>>
    %dma_wait3A_1527 = tpu.memref_squeeze %dma_wait3A_1526 : memref<1x4096xi32, #tpu.memory_space<vmem>> -> memref<4096xi32, #tpu.memory_space<vmem>>
    %dma_wait3A_1528 = arith.constant 0 : i32
    %dma_wait3A_1529 = tpu.memref_slice %arg3[%select_n3A_375, %select_n3A_391, %dma_wait3A_1528] : memref<26x32x100001xf32, #tpu.memory_space<hbm>> -> memref<1x1x100001xf32, #tpu.memory_space<hbm>>
    %dma_wait3A_1530 = tpu.memref_squeeze %dma_wait3A_1529 : memref<1x1x100001xf32, #tpu.memory_space<hbm>> -> memref<100001xf32, #tpu.memory_space<hbm>>
    %dma_wait3A_1531 = arith.constant 0 : i32
    %dma_wait3A_1532 = tpu.memref_slice %dma_wait3A_1530[%dma_wait3A_1531] : memref<100001xf32, #tpu.memory_space<hbm>> -> memref<100001xf32, #tpu.memory_space<hbm>>
    tpu.wait_indirect_dma semaphore(%arg7 : memref<!tpu.dma_semaphore, #tpu.memory_space<semaphore_mem>>) src(%dma_wait3A_1532 : memref<100001xf32, #tpu.memory_space<hbm>>) dst(%dma_wait3A_1524 : memref<4096xf32, #tpu.memory_space<vmem>>)
    %dma_wait3A_1533 = arith.constant 7 : i32
    %dma_wait3A_1534 = arith.constant 0 : i32
    %dma_wait3A_1535 = tpu.memref_slice %arg6[%dma_wait3A_1533, %dma_wait3A_1534] : memref<26x4096xf32, #tpu.memory_space<vmem>> -> memref<1x4096xf32, #tpu.memory_space<vmem>>
    %dma_wait3A_1536 = tpu.memref_squeeze %dma_wait3A_1535 : memref<1x4096xf32, #tpu.memory_space<vmem>> -> memref<4096xf32, #tpu.memory_space<vmem>>
    %dma_wait3A_1537 = arith.constant 0 : i32
    %dma_wait3A_1538 = tpu.memref_slice %arg5[%sub3A_447, %dma_wait3A_1537] : memref<2x4096xi32, #tpu.memory_space<vmem>> -> memref<1x4096xi32, #tpu.memory_space<vmem>>
    %dma_wait3A_1539 = tpu.memref_squeeze %dma_wait3A_1538 : memref<1x4096xi32, #tpu.memory_space<vmem>> -> memref<4096xi32, #tpu.memory_space<vmem>>
    %dma_wait3A_1540 = arith.constant 0 : i32
    %dma_wait3A_1541 = tpu.memref_slice %arg3[%select_n3A_430, %select_n3A_446, %dma_wait3A_1540] : memref<26x32x100001xf32, #tpu.memory_space<hbm>> -> memref<1x1x100001xf32, #tpu.memory_space<hbm>>
    %dma_wait3A_1542 = tpu.memref_squeeze %dma_wait3A_1541 : memref<1x1x100001xf32, #tpu.memory_space<hbm>> -> memref<100001xf32, #tpu.memory_space<hbm>>
    %dma_wait3A_1543 = arith.constant 0 : i32
    %dma_wait3A_1544 = tpu.memref_slice %dma_wait3A_1542[%dma_wait3A_1543] : memref<100001xf32, #tpu.memory_space<hbm>> -> memref<100001xf32, #tpu.memory_space<hbm>>
    tpu.wait_indirect_dma semaphore(%arg7 : memref<!tpu.dma_semaphore, #tpu.memory_space<semaphore_mem>>) src(%dma_wait3A_1544 : memref<100001xf32, #tpu.memory_space<hbm>>) dst(%dma_wait3A_1536 : memref<4096xf32, #tpu.memory_space<vmem>>)
    %dma_wait3A_1545 = arith.constant 8 : i32
    %dma_wait3A_1546 = arith.constant 0 : i32
    %dma_wait3A_1547 = tpu.memref_slice %arg6[%dma_wait3A_1545, %dma_wait3A_1546] : memref<26x4096xf32, #tpu.memory_space<vmem>> -> memref<1x4096xf32, #tpu.memory_space<vmem>>
    %dma_wait3A_1548 = tpu.memref_squeeze %dma_wait3A_1547 : memref<1x4096xf32, #tpu.memory_space<vmem>> -> memref<4096xf32, #tpu.memory_space<vmem>>
    %dma_wait3A_1549 = arith.constant 0 : i32
    %dma_wait3A_1550 = tpu.memref_slice %arg5[%sub3A_502, %dma_wait3A_1549] : memref<2x4096xi32, #tpu.memory_space<vmem>> -> memref<1x4096xi32, #tpu.memory_space<vmem>>
    %dma_wait3A_1551 = tpu.memref_squeeze %dma_wait3A_1550 : memref<1x4096xi32, #tpu.memory_space<vmem>> -> memref<4096xi32, #tpu.memory_space<vmem>>
    %dma_wait3A_1552 = arith.constant 0 : i32
    %dma_wait3A_1553 = tpu.memref_slice %arg3[%select_n3A_485, %select_n3A_501, %dma_wait3A_1552] : memref<26x32x100001xf32, #tpu.memory_space<hbm>> -> memref<1x1x100001xf32, #tpu.memory_space<hbm>>
    %dma_wait3A_1554 = tpu.memref_squeeze %dma_wait3A_1553 : memref<1x1x100001xf32, #tpu.memory_space<hbm>> -> memref<100001xf32, #tpu.memory_space<hbm>>
    %dma_wait3A_1555 = arith.constant 0 : i32
    %dma_wait3A_1556 = tpu.memref_slice %dma_wait3A_1554[%dma_wait3A_1555] : memref<100001xf32, #tpu.memory_space<hbm>> -> memref<100001xf32, #tpu.memory_space<hbm>>
    tpu.wait_indirect_dma semaphore(%arg7 : memref<!tpu.dma_semaphore, #tpu.memory_space<semaphore_mem>>) src(%dma_wait3A_1556 : memref<100001xf32, #tpu.memory_space<hbm>>) dst(%dma_wait3A_1548 : memref<4096xf32, #tpu.memory_space<vmem>>)
    %dma_wait3A_1557 = arith.constant 9 : i32
    %dma_wait3A_1558 = arith.constant 0 : i32
    %dma_wait3A_1559 = tpu.memref_slice %arg6[%dma_wait3A_1557, %dma_wait3A_1558] : memref<26x4096xf32, #tpu.memory_space<vmem>> -> memref<1x4096xf32, #tpu.memory_space<vmem>>
    %dma_wait3A_1560 = tpu.memref_squeeze %dma_wait3A_1559 : memref<1x4096xf32, #tpu.memory_space<vmem>> -> memref<4096xf32, #tpu.memory_space<vmem>>
    %dma_wait3A_1561 = arith.constant 0 : i32
    %dma_wait3A_1562 = tpu.memref_slice %arg5[%sub3A_557, %dma_wait3A_1561] : memref<2x4096xi32, #tpu.memory_space<vmem>> -> memref<1x4096xi32, #tpu.memory_space<vmem>>
    %dma_wait3A_1563 = tpu.memref_squeeze %dma_wait3A_1562 : memref<1x4096xi32, #tpu.memory_space<vmem>> -> memref<4096xi32, #tpu.memory_space<vmem>>
    %dma_wait3A_1564 = arith.constant 0 : i32
    %dma_wait3A_1565 = tpu.memref_slice %arg3[%select_n3A_540, %select_n3A_556, %dma_wait3A_1564] : memref<26x32x100001xf32, #tpu.memory_space<hbm>> -> memref<1x1x100001xf32, #tpu.memory_space<hbm>>
    %dma_wait3A_1566 = tpu.memref_squeeze %dma_wait3A_1565 : memref<1x1x100001xf32, #tpu.memory_space<hbm>> -> memref<100001xf32, #tpu.memory_space<hbm>>
    %dma_wait3A_1567 = arith.constant 0 : i32
    %dma_wait3A_1568 = tpu.memref_slice %dma_wait3A_1566[%dma_wait3A_1567] : memref<100001xf32, #tpu.memory_space<hbm>> -> memref<100001xf32, #tpu.memory_space<hbm>>
    tpu.wait_indirect_dma semaphore(%arg7 : memref<!tpu.dma_semaphore, #tpu.memory_space<semaphore_mem>>) src(%dma_wait3A_1568 : memref<100001xf32, #tpu.memory_space<hbm>>) dst(%dma_wait3A_1560 : memref<4096xf32, #tpu.memory_space<vmem>>)
    %dma_wait3A_1569 = arith.constant 10 : i32
    %dma_wait3A_1570 = arith.constant 0 : i32
    %dma_wait3A_1571 = tpu.memref_slice %arg6[%dma_wait3A_1569, %dma_wait3A_1570] : memref<26x4096xf32, #tpu.memory_space<vmem>> -> memref<1x4096xf32, #tpu.memory_space<vmem>>
    %dma_wait3A_1572 = tpu.memref_squeeze %dma_wait3A_1571 : memref<1x4096xf32, #tpu.memory_space<vmem>> -> memref<4096xf32, #tpu.memory_space<vmem>>
    %dma_wait3A_1573 = arith.constant 0 : i32
    %dma_wait3A_1574 = tpu.memref_slice %arg5[%sub3A_612, %dma_wait3A_1573] : memref<2x4096xi32, #tpu.memory_space<vmem>> -> memref<1x4096xi32, #tpu.memory_space<vmem>>
    %dma_wait3A_1575 = tpu.memref_squeeze %dma_wait3A_1574 : memref<1x4096xi32, #tpu.memory_space<vmem>> -> memref<4096xi32, #tpu.memory_space<vmem>>
    %dma_wait3A_1576 = arith.constant 0 : i32
    %dma_wait3A_1577 = tpu.memref_slice %arg3[%select_n3A_595, %select_n3A_611, %dma_wait3A_1576] : memref<26x32x100001xf32, #tpu.memory_space<hbm>> -> memref<1x1x100001xf32, #tpu.memory_space<hbm>>
    %dma_wait3A_1578 = tpu.memref_squeeze %dma_wait3A_1577 : memref<1x1x100001xf32, #tpu.memory_space<hbm>> -> memref<100001xf32, #tpu.memory_space<hbm>>
    %dma_wait3A_1579 = arith.constant 0 : i32
    %dma_wait3A_1580 = tpu.memref_slice %dma_wait3A_1578[%dma_wait3A_1579] : memref<100001xf32, #tpu.memory_space<hbm>> -> memref<100001xf32, #tpu.memory_space<hbm>>
    tpu.wait_indirect_dma semaphore(%arg7 : memref<!tpu.dma_semaphore, #tpu.memory_space<semaphore_mem>>) src(%dma_wait3A_1580 : memref<100001xf32, #tpu.memory_space<hbm>>) dst(%dma_wait3A_1572 : memref<4096xf32, #tpu.memory_space<vmem>>)
    %dma_wait3A_1581 = arith.constant 11 : i32
    %dma_wait3A_1582 = arith.constant 0 : i32
    %dma_wait3A_1583 = tpu.memref_slice %arg6[%dma_wait3A_1581, %dma_wait3A_1582] : memref<26x4096xf32, #tpu.memory_space<vmem>> -> memref<1x4096xf32, #tpu.memory_space<vmem>>
    %dma_wait3A_1584 = tpu.memref_squeeze %dma_wait3A_1583 : memref<1x4096xf32, #tpu.memory_space<vmem>> -> memref<4096xf32, #tpu.memory_space<vmem>>
    %dma_wait3A_1585 = arith.constant 0 : i32
    %dma_wait3A_1586 = tpu.memref_slice %arg5[%sub3A_667, %dma_wait3A_1585] : memref<2x4096xi32, #tpu.memory_space<vmem>> -> memref<1x4096xi32, #tpu.memory_space<vmem>>
    %dma_wait3A_1587 = tpu.memref_squeeze %dma_wait3A_1586 : memref<1x4096xi32, #tpu.memory_space<vmem>> -> memref<4096xi32, #tpu.memory_space<vmem>>
    %dma_wait3A_1588 = arith.constant 0 : i32
    %dma_wait3A_1589 = tpu.memref_slice %arg3[%select_n3A_650, %select_n3A_666, %dma_wait3A_1588] : memref<26x32x100001xf32, #tpu.memory_space<hbm>> -> memref<1x1x100001xf32, #tpu.memory_space<hbm>>
    %dma_wait3A_1590 = tpu.memref_squeeze %dma_wait3A_1589 : memref<1x1x100001xf32, #tpu.memory_space<hbm>> -> memref<100001xf32, #tpu.memory_space<hbm>>
    %dma_wait3A_1591 = arith.constant 0 : i32
    %dma_wait3A_1592 = tpu.memref_slice %dma_wait3A_1590[%dma_wait3A_1591] : memref<100001xf32, #tpu.memory_space<hbm>> -> memref<100001xf32, #tpu.memory_space<hbm>>
    tpu.wait_indirect_dma semaphore(%arg7 : memref<!tpu.dma_semaphore, #tpu.memory_space<semaphore_mem>>) src(%dma_wait3A_1592 : memref<100001xf32, #tpu.memory_space<hbm>>) dst(%dma_wait3A_1584 : memref<4096xf32, #tpu.memory_space<vmem>>)
    %dma_wait3A_1593 = arith.constant 12 : i32
    %dma_wait3A_1594 = arith.constant 0 : i32
    %dma_wait3A_1595 = tpu.memref_slice %arg6[%dma_wait3A_1593, %dma_wait3A_1594] : memref<26x4096xf32, #tpu.memory_space<vmem>> -> memref<1x4096xf32, #tpu.memory_space<vmem>>
    %dma_wait3A_1596 = tpu.memref_squeeze %dma_wait3A_1595 : memref<1x4096xf32, #tpu.memory_space<vmem>> -> memref<4096xf32, #tpu.memory_space<vmem>>
    %dma_wait3A_1597 = arith.constant 0 : i32
    %dma_wait3A_1598 = tpu.memref_slice %arg5[%sub3A_722, %dma_wait3A_1597] : memref<2x4096xi32, #tpu.memory_space<vmem>> -> memref<1x4096xi32, #tpu.memory_space<vmem>>
    %dma_wait3A_1599 = tpu.memref_squeeze %dma_wait3A_1598 : memref<1x4096xi32, #tpu.memory_space<vmem>> -> memref<4096xi32, #tpu.memory_space<vmem>>
    %dma_wait3A_1600 = arith.constant 0 : i32
    %dma_wait3A_1601 = tpu.memref_slice %arg3[%select_n3A_705, %select_n3A_721, %dma_wait3A_1600] : memref<26x32x100001xf32, #tpu.memory_space<hbm>> -> memref<1x1x100001xf32, #tpu.memory_space<hbm>>
    %dma_wait3A_1602 = tpu.memref_squeeze %dma_wait3A_1601 : memref<1x1x100001xf32, #tpu.memory_space<hbm>> -> memref<100001xf32, #tpu.memory_space<hbm>>
    %dma_wait3A_1603 = arith.constant 0 : i32
    %dma_wait3A_1604 = tpu.memref_slice %dma_wait3A_1602[%dma_wait3A_1603] : memref<100001xf32, #tpu.memory_space<hbm>> -> memref<100001xf32, #tpu.memory_space<hbm>>
    tpu.wait_indirect_dma semaphore(%arg7 : memref<!tpu.dma_semaphore, #tpu.memory_space<semaphore_mem>>) src(%dma_wait3A_1604 : memref<100001xf32, #tpu.memory_space<hbm>>) dst(%dma_wait3A_1596 : memref<4096xf32, #tpu.memory_space<vmem>>)
    %dma_wait3A_1605 = arith.constant 13 : i32
    %dma_wait3A_1606 = arith.constant 0 : i32
    %dma_wait3A_1607 = tpu.memref_slice %arg6[%dma_wait3A_1605, %dma_wait3A_1606] : memref<26x4096xf32, #tpu.memory_space<vmem>> -> memref<1x4096xf32, #tpu.memory_space<vmem>>
    %dma_wait3A_1608 = tpu.memref_squeeze %dma_wait3A_1607 : memref<1x4096xf32, #tpu.memory_space<vmem>> -> memref<4096xf32, #tpu.memory_space<vmem>>
    %dma_wait3A_1609 = arith.constant 0 : i32
    %dma_wait3A_1610 = tpu.memref_slice %arg5[%sub3A_777, %dma_wait3A_1609] : memref<2x4096xi32, #tpu.memory_space<vmem>> -> memref<1x4096xi32, #tpu.memory_space<vmem>>
    %dma_wait3A_1611 = tpu.memref_squeeze %dma_wait3A_1610 : memref<1x4096xi32, #tpu.memory_space<vmem>> -> memref<4096xi32, #tpu.memory_space<vmem>>
    %dma_wait3A_1612 = arith.constant 0 : i32
    %dma_wait3A_1613 = tpu.memref_slice %arg3[%select_n3A_760, %select_n3A_776, %dma_wait3A_1612] : memref<26x32x100001xf32, #tpu.memory_space<hbm>> -> memref<1x1x100001xf32, #tpu.memory_space<hbm>>
    %dma_wait3A_1614 = tpu.memref_squeeze %dma_wait3A_1613 : memref<1x1x100001xf32, #tpu.memory_space<hbm>> -> memref<100001xf32, #tpu.memory_space<hbm>>
    %dma_wait3A_1615 = arith.constant 0 : i32
    %dma_wait3A_1616 = tpu.memref_slice %dma_wait3A_1614[%dma_wait3A_1615] : memref<100001xf32, #tpu.memory_space<hbm>> -> memref<100001xf32, #tpu.memory_space<hbm>>
    tpu.wait_indirect_dma semaphore(%arg7 : memref<!tpu.dma_semaphore, #tpu.memory_space<semaphore_mem>>) src(%dma_wait3A_1616 : memref<100001xf32, #tpu.memory_space<hbm>>) dst(%dma_wait3A_1608 : memref<4096xf32, #tpu.memory_space<vmem>>)
    %dma_wait3A_1617 = arith.constant 14 : i32
    %dma_wait3A_1618 = arith.constant 0 : i32
    %dma_wait3A_1619 = tpu.memref_slice %arg6[%dma_wait3A_1617, %dma_wait3A_1618] : memref<26x4096xf32, #tpu.memory_space<vmem>> -> memref<1x4096xf32, #tpu.memory_space<vmem>>
    %dma_wait3A_1620 = tpu.memref_squeeze %dma_wait3A_1619 : memref<1x4096xf32, #tpu.memory_space<vmem>> -> memref<4096xf32, #tpu.memory_space<vmem>>
    %dma_wait3A_1621 = arith.constant 0 : i32
    %dma_wait3A_1622 = tpu.memref_slice %arg5[%sub3A_832, %dma_wait3A_1621] : memref<2x4096xi32, #tpu.memory_space<vmem>> -> memref<1x4096xi32, #tpu.memory_space<vmem>>
    %dma_wait3A_1623 = tpu.memref_squeeze %dma_wait3A_1622 : memref<1x4096xi32, #tpu.memory_space<vmem>> -> memref<4096xi32, #tpu.memory_space<vmem>>
    %dma_wait3A_1624 = arith.constant 0 : i32
    %dma_wait3A_1625 = tpu.memref_slice %arg3[%select_n3A_815, %select_n3A_831, %dma_wait3A_1624] : memref<26x32x100001xf32, #tpu.memory_space<hbm>> -> memref<1x1x100001xf32, #tpu.memory_space<hbm>>
    %dma_wait3A_1626 = tpu.memref_squeeze %dma_wait3A_1625 : memref<1x1x100001xf32, #tpu.memory_space<hbm>> -> memref<100001xf32, #tpu.memory_space<hbm>>
    %dma_wait3A_1627 = arith.constant 0 : i32
    %dma_wait3A_1628 = tpu.memref_slice %dma_wait3A_1626[%dma_wait3A_1627] : memref<100001xf32, #tpu.memory_space<hbm>> -> memref<100001xf32, #tpu.memory_space<hbm>>
    tpu.wait_indirect_dma semaphore(%arg7 : memref<!tpu.dma_semaphore, #tpu.memory_space<semaphore_mem>>) src(%dma_wait3A_1628 : memref<100001xf32, #tpu.memory_space<hbm>>) dst(%dma_wait3A_1620 : memref<4096xf32, #tpu.memory_space<vmem>>)
    %dma_wait3A_1629 = arith.constant 15 : i32
    %dma_wait3A_1630 = arith.constant 0 : i32
    %dma_wait3A_1631 = tpu.memref_slice %arg6[%dma_wait3A_1629, %dma_wait3A_1630] : memref<26x4096xf32, #tpu.memory_space<vmem>> -> memref<1x4096xf32, #tpu.memory_space<vmem>>
    %dma_wait3A_1632 = tpu.memref_squeeze %dma_wait3A_1631 : memref<1x4096xf32, #tpu.memory_space<vmem>> -> memref<4096xf32, #tpu.memory_space<vmem>>
    %dma_wait3A_1633 = arith.constant 0 : i32
    %dma_wait3A_1634 = tpu.memref_slice %arg5[%sub3A_887, %dma_wait3A_1633] : memref<2x4096xi32, #tpu.memory_space<vmem>> -> memref<1x4096xi32, #tpu.memory_space<vmem>>
    %dma_wait3A_1635 = tpu.memref_squeeze %dma_wait3A_1634 : memref<1x4096xi32, #tpu.memory_space<vmem>> -> memref<4096xi32, #tpu.memory_space<vmem>>
    %dma_wait3A_1636 = arith.constant 0 : i32
    %dma_wait3A_1637 = tpu.memref_slice %arg3[%select_n3A_870, %select_n3A_886, %dma_wait3A_1636] : memref<26x32x100001xf32, #tpu.memory_space<hbm>> -> memref<1x1x100001xf32, #tpu.memory_space<hbm>>
    %dma_wait3A_1638 = tpu.memref_squeeze %dma_wait3A_1637 : memref<1x1x100001xf32, #tpu.memory_space<hbm>> -> memref<100001xf32, #tpu.memory_space<hbm>>
    %dma_wait3A_1639 = arith.constant 0 : i32
    %dma_wait3A_1640 = tpu.memref_slice %dma_wait3A_1638[%dma_wait3A_1639] : memref<100001xf32, #tpu.memory_space<hbm>> -> memref<100001xf32, #tpu.memory_space<hbm>>
    tpu.wait_indirect_dma semaphore(%arg7 : memref<!tpu.dma_semaphore, #tpu.memory_space<semaphore_mem>>) src(%dma_wait3A_1640 : memref<100001xf32, #tpu.memory_space<hbm>>) dst(%dma_wait3A_1632 : memref<4096xf32, #tpu.memory_space<vmem>>)
    %dma_wait3A_1641 = arith.constant 16 : i32
    %dma_wait3A_1642 = arith.constant 0 : i32
    %dma_wait3A_1643 = tpu.memref_slice %arg6[%dma_wait3A_1641, %dma_wait3A_1642] : memref<26x4096xf32, #tpu.memory_space<vmem>> -> memref<1x4096xf32, #tpu.memory_space<vmem>>
    %dma_wait3A_1644 = tpu.memref_squeeze %dma_wait3A_1643 : memref<1x4096xf32, #tpu.memory_space<vmem>> -> memref<4096xf32, #tpu.memory_space<vmem>>
    %dma_wait3A_1645 = arith.constant 0 : i32
    %dma_wait3A_1646 = tpu.memref_slice %arg5[%sub3A_942, %dma_wait3A_1645] : memref<2x4096xi32, #tpu.memory_space<vmem>> -> memref<1x4096xi32, #tpu.memory_space<vmem>>
    %dma_wait3A_1647 = tpu.memref_squeeze %dma_wait3A_1646 : memref<1x4096xi32, #tpu.memory_space<vmem>> -> memref<4096xi32, #tpu.memory_space<vmem>>
    %dma_wait3A_1648 = arith.constant 0 : i32
    %dma_wait3A_1649 = tpu.memref_slice %arg3[%select_n3A_925, %select_n3A_941, %dma_wait3A_1648] : memref<26x32x100001xf32, #tpu.memory_space<hbm>> -> memref<1x1x100001xf32, #tpu.memory_space<hbm>>
    %dma_wait3A_1650 = tpu.memref_squeeze %dma_wait3A_1649 : memref<1x1x100001xf32, #tpu.memory_space<hbm>> -> memref<100001xf32, #tpu.memory_space<hbm>>
    %dma_wait3A_1651 = arith.constant 0 : i32
    %dma_wait3A_1652 = tpu.memref_slice %dma_wait3A_1650[%dma_wait3A_1651] : memref<100001xf32, #tpu.memory_space<hbm>> -> memref<100001xf32, #tpu.memory_space<hbm>>
    tpu.wait_indirect_dma semaphore(%arg7 : memref<!tpu.dma_semaphore, #tpu.memory_space<semaphore_mem>>) src(%dma_wait3A_1652 : memref<100001xf32, #tpu.memory_space<hbm>>) dst(%dma_wait3A_1644 : memref<4096xf32, #tpu.memory_space<vmem>>)
    %dma_wait3A_1653 = arith.constant 17 : i32
    %dma_wait3A_1654 = arith.constant 0 : i32
    %dma_wait3A_1655 = tpu.memref_slice %arg6[%dma_wait3A_1653, %dma_wait3A_1654] : memref<26x4096xf32, #tpu.memory_space<vmem>> -> memref<1x4096xf32, #tpu.memory_space<vmem>>
    %dma_wait3A_1656 = tpu.memref_squeeze %dma_wait3A_1655 : memref<1x4096xf32, #tpu.memory_space<vmem>> -> memref<4096xf32, #tpu.memory_space<vmem>>
    %dma_wait3A_1657 = arith.constant 0 : i32
    %dma_wait3A_1658 = tpu.memref_slice %arg5[%sub3A_997, %dma_wait3A_1657] : memref<2x4096xi32, #tpu.memory_space<vmem>> -> memref<1x4096xi32, #tpu.memory_space<vmem>>
    %dma_wait3A_1659 = tpu.memref_squeeze %dma_wait3A_1658 : memref<1x4096xi32, #tpu.memory_space<vmem>> -> memref<4096xi32, #tpu.memory_space<vmem>>
    %dma_wait3A_1660 = arith.constant 0 : i32
    %dma_wait3A_1661 = tpu.memref_slice %arg3[%select_n3A_980, %select_n3A_996, %dma_wait3A_1660] : memref<26x32x100001xf32, #tpu.memory_space<hbm>> -> memref<1x1x100001xf32, #tpu.memory_space<hbm>>
    %dma_wait3A_1662 = tpu.memref_squeeze %dma_wait3A_1661 : memref<1x1x100001xf32, #tpu.memory_space<hbm>> -> memref<100001xf32, #tpu.memory_space<hbm>>
    %dma_wait3A_1663 = arith.constant 0 : i32
    %dma_wait3A_1664 = tpu.memref_slice %dma_wait3A_1662[%dma_wait3A_1663] : memref<100001xf32, #tpu.memory_space<hbm>> -> memref<100001xf32, #tpu.memory_space<hbm>>
    tpu.wait_indirect_dma semaphore(%arg7 : memref<!tpu.dma_semaphore, #tpu.memory_space<semaphore_mem>>) src(%dma_wait3A_1664 : memref<100001xf32, #tpu.memory_space<hbm>>) dst(%dma_wait3A_1656 : memref<4096xf32, #tpu.memory_space<vmem>>)
    %dma_wait3A_1665 = arith.constant 18 : i32
    %dma_wait3A_1666 = arith.constant 0 : i32
    %dma_wait3A_1667 = tpu.memref_slice %arg6[%dma_wait3A_1665, %dma_wait3A_1666] : memref<26x4096xf32, #tpu.memory_space<vmem>> -> memref<1x4096xf32, #tpu.memory_space<vmem>>
    %dma_wait3A_1668 = tpu.memref_squeeze %dma_wait3A_1667 : memref<1x4096xf32, #tpu.memory_space<vmem>> -> memref<4096xf32, #tpu.memory_space<vmem>>
    %dma_wait3A_1669 = arith.constant 0 : i32
    %dma_wait3A_1670 = tpu.memref_slice %arg5[%sub3A_1052, %dma_wait3A_1669] : memref<2x4096xi32, #tpu.memory_space<vmem>> -> memref<1x4096xi32, #tpu.memory_space<vmem>>
    %dma_wait3A_1671 = tpu.memref_squeeze %dma_wait3A_1670 : memref<1x4096xi32, #tpu.memory_space<vmem>> -> memref<4096xi32, #tpu.memory_space<vmem>>
    %dma_wait3A_1672 = arith.constant 0 : i32
    %dma_wait3A_1673 = tpu.memref_slice %arg3[%select_n3A_1035, %select_n3A_1051, %dma_wait3A_1672] : memref<26x32x100001xf32, #tpu.memory_space<hbm>> -> memref<1x1x100001xf32, #tpu.memory_space<hbm>>
    %dma_wait3A_1674 = tpu.memref_squeeze %dma_wait3A_1673 : memref<1x1x100001xf32, #tpu.memory_space<hbm>> -> memref<100001xf32, #tpu.memory_space<hbm>>
    %dma_wait3A_1675 = arith.constant 0 : i32
    %dma_wait3A_1676 = tpu.memref_slice %dma_wait3A_1674[%dma_wait3A_1675] : memref<100001xf32, #tpu.memory_space<hbm>> -> memref<100001xf32, #tpu.memory_space<hbm>>
    tpu.wait_indirect_dma semaphore(%arg7 : memref<!tpu.dma_semaphore, #tpu.memory_space<semaphore_mem>>) src(%dma_wait3A_1676 : memref<100001xf32, #tpu.memory_space<hbm>>) dst(%dma_wait3A_1668 : memref<4096xf32, #tpu.memory_space<vmem>>)
    %dma_wait3A_1677 = arith.constant 19 : i32
    %dma_wait3A_1678 = arith.constant 0 : i32
    %dma_wait3A_1679 = tpu.memref_slice %arg6[%dma_wait3A_1677, %dma_wait3A_1678] : memref<26x4096xf32, #tpu.memory_space<vmem>> -> memref<1x4096xf32, #tpu.memory_space<vmem>>
    %dma_wait3A_1680 = tpu.memref_squeeze %dma_wait3A_1679 : memref<1x4096xf32, #tpu.memory_space<vmem>> -> memref<4096xf32, #tpu.memory_space<vmem>>
    %dma_wait3A_1681 = arith.constant 0 : i32
    %dma_wait3A_1682 = tpu.memref_slice %arg5[%sub3A_1107, %dma_wait3A_1681] : memref<2x4096xi32, #tpu.memory_space<vmem>> -> memref<1x4096xi32, #tpu.memory_space<vmem>>
    %dma_wait3A_1683 = tpu.memref_squeeze %dma_wait3A_1682 : memref<1x4096xi32, #tpu.memory_space<vmem>> -> memref<4096xi32, #tpu.memory_space<vmem>>
    %dma_wait3A_1684 = arith.constant 0 : i32
    %dma_wait3A_1685 = tpu.memref_slice %arg3[%select_n3A_1090, %select_n3A_1106, %dma_wait3A_1684] : memref<26x32x100001xf32, #tpu.memory_space<hbm>> -> memref<1x1x100001xf32, #tpu.memory_space<hbm>>
    %dma_wait3A_1686 = tpu.memref_squeeze %dma_wait3A_1685 : memref<1x1x100001xf32, #tpu.memory_space<hbm>> -> memref<100001xf32, #tpu.memory_space<hbm>>
    %dma_wait3A_1687 = arith.constant 0 : i32
    %dma_wait3A_1688 = tpu.memref_slice %dma_wait3A_1686[%dma_wait3A_1687] : memref<100001xf32, #tpu.memory_space<hbm>> -> memref<100001xf32, #tpu.memory_space<hbm>>
    tpu.wait_indirect_dma semaphore(%arg7 : memref<!tpu.dma_semaphore, #tpu.memory_space<semaphore_mem>>) src(%dma_wait3A_1688 : memref<100001xf32, #tpu.memory_space<hbm>>) dst(%dma_wait3A_1680 : memref<4096xf32, #tpu.memory_space<vmem>>)
    %dma_wait3A_1689 = arith.constant 20 : i32
    %dma_wait3A_1690 = arith.constant 0 : i32
    %dma_wait3A_1691 = tpu.memref_slice %arg6[%dma_wait3A_1689, %dma_wait3A_1690] : memref<26x4096xf32, #tpu.memory_space<vmem>> -> memref<1x4096xf32, #tpu.memory_space<vmem>>
    %dma_wait3A_1692 = tpu.memref_squeeze %dma_wait3A_1691 : memref<1x4096xf32, #tpu.memory_space<vmem>> -> memref<4096xf32, #tpu.memory_space<vmem>>
    %dma_wait3A_1693 = arith.constant 0 : i32
    %dma_wait3A_1694 = tpu.memref_slice %arg5[%sub3A_1162, %dma_wait3A_1693] : memref<2x4096xi32, #tpu.memory_space<vmem>> -> memref<1x4096xi32, #tpu.memory_space<vmem>>
    %dma_wait3A_1695 = tpu.memref_squeeze %dma_wait3A_1694 : memref<1x4096xi32, #tpu.memory_space<vmem>> -> memref<4096xi32, #tpu.memory_space<vmem>>
    %dma_wait3A_1696 = arith.constant 0 : i32
    %dma_wait3A_1697 = tpu.memref_slice %arg3[%select_n3A_1145, %select_n3A_1161, %dma_wait3A_1696] : memref<26x32x100001xf32, #tpu.memory_space<hbm>> -> memref<1x1x100001xf32, #tpu.memory_space<hbm>>
    %dma_wait3A_1698 = tpu.memref_squeeze %dma_wait3A_1697 : memref<1x1x100001xf32, #tpu.memory_space<hbm>> -> memref<100001xf32, #tpu.memory_space<hbm>>
    %dma_wait3A_1699 = arith.constant 0 : i32
    %dma_wait3A_1700 = tpu.memref_slice %dma_wait3A_1698[%dma_wait3A_1699] : memref<100001xf32, #tpu.memory_space<hbm>> -> memref<100001xf32, #tpu.memory_space<hbm>>
    tpu.wait_indirect_dma semaphore(%arg7 : memref<!tpu.dma_semaphore, #tpu.memory_space<semaphore_mem>>) src(%dma_wait3A_1700 : memref<100001xf32, #tpu.memory_space<hbm>>) dst(%dma_wait3A_1692 : memref<4096xf32, #tpu.memory_space<vmem>>)
    %dma_wait3A_1701 = arith.constant 21 : i32
    %dma_wait3A_1702 = arith.constant 0 : i32
    %dma_wait3A_1703 = tpu.memref_slice %arg6[%dma_wait3A_1701, %dma_wait3A_1702] : memref<26x4096xf32, #tpu.memory_space<vmem>> -> memref<1x4096xf32, #tpu.memory_space<vmem>>
    %dma_wait3A_1704 = tpu.memref_squeeze %dma_wait3A_1703 : memref<1x4096xf32, #tpu.memory_space<vmem>> -> memref<4096xf32, #tpu.memory_space<vmem>>
    %dma_wait3A_1705 = arith.constant 0 : i32
    %dma_wait3A_1706 = tpu.memref_slice %arg5[%sub3A_1217, %dma_wait3A_1705] : memref<2x4096xi32, #tpu.memory_space<vmem>> -> memref<1x4096xi32, #tpu.memory_space<vmem>>
    %dma_wait3A_1707 = tpu.memref_squeeze %dma_wait3A_1706 : memref<1x4096xi32, #tpu.memory_space<vmem>> -> memref<4096xi32, #tpu.memory_space<vmem>>
    %dma_wait3A_1708 = arith.constant 0 : i32
    %dma_wait3A_1709 = tpu.memref_slice %arg3[%select_n3A_1200, %select_n3A_1216, %dma_wait3A_1708] : memref<26x32x100001xf32, #tpu.memory_space<hbm>> -> memref<1x1x100001xf32, #tpu.memory_space<hbm>>
    %dma_wait3A_1710 = tpu.memref_squeeze %dma_wait3A_1709 : memref<1x1x100001xf32, #tpu.memory_space<hbm>> -> memref<100001xf32, #tpu.memory_space<hbm>>
    %dma_wait3A_1711 = arith.constant 0 : i32
    %dma_wait3A_1712 = tpu.memref_slice %dma_wait3A_1710[%dma_wait3A_1711] : memref<100001xf32, #tpu.memory_space<hbm>> -> memref<100001xf32, #tpu.memory_space<hbm>>
    tpu.wait_indirect_dma semaphore(%arg7 : memref<!tpu.dma_semaphore, #tpu.memory_space<semaphore_mem>>) src(%dma_wait3A_1712 : memref<100001xf32, #tpu.memory_space<hbm>>) dst(%dma_wait3A_1704 : memref<4096xf32, #tpu.memory_space<vmem>>)
    %dma_wait3A_1713 = arith.constant 22 : i32
    %dma_wait3A_1714 = arith.constant 0 : i32
    %dma_wait3A_1715 = tpu.memref_slice %arg6[%dma_wait3A_1713, %dma_wait3A_1714] : memref<26x4096xf32, #tpu.memory_space<vmem>> -> memref<1x4096xf32, #tpu.memory_space<vmem>>
    %dma_wait3A_1716 = tpu.memref_squeeze %dma_wait3A_1715 : memref<1x4096xf32, #tpu.memory_space<vmem>> -> memref<4096xf32, #tpu.memory_space<vmem>>
    %dma_wait3A_1717 = arith.constant 0 : i32
    %dma_wait3A_1718 = tpu.memref_slice %arg5[%sub3A_1272, %dma_wait3A_1717] : memref<2x4096xi32, #tpu.memory_space<vmem>> -> memref<1x4096xi32, #tpu.memory_space<vmem>>
    %dma_wait3A_1719 = tpu.memref_squeeze %dma_wait3A_1718 : memref<1x4096xi32, #tpu.memory_space<vmem>> -> memref<4096xi32, #tpu.memory_space<vmem>>
    %dma_wait3A_1720 = arith.constant 0 : i32
    %dma_wait3A_1721 = tpu.memref_slice %arg3[%select_n3A_1255, %select_n3A_1271, %dma_wait3A_1720] : memref<26x32x100001xf32, #tpu.memory_space<hbm>> -> memref<1x1x100001xf32, #tpu.memory_space<hbm>>
    %dma_wait3A_1722 = tpu.memref_squeeze %dma_wait3A_1721 : memref<1x1x100001xf32, #tpu.memory_space<hbm>> -> memref<100001xf32, #tpu.memory_space<hbm>>
    %dma_wait3A_1723 = arith.constant 0 : i32
    %dma_wait3A_1724 = tpu.memref_slice %dma_wait3A_1722[%dma_wait3A_1723] : memref<100001xf32, #tpu.memory_space<hbm>> -> memref<100001xf32, #tpu.memory_space<hbm>>
    tpu.wait_indirect_dma semaphore(%arg7 : memref<!tpu.dma_semaphore, #tpu.memory_space<semaphore_mem>>) src(%dma_wait3A_1724 : memref<100001xf32, #tpu.memory_space<hbm>>) dst(%dma_wait3A_1716 : memref<4096xf32, #tpu.memory_space<vmem>>)
    %dma_wait3A_1725 = arith.constant 23 : i32
    %dma_wait3A_1726 = arith.constant 0 : i32
    %dma_wait3A_1727 = tpu.memref_slice %arg6[%dma_wait3A_1725, %dma_wait3A_1726] : memref<26x4096xf32, #tpu.memory_space<vmem>> -> memref<1x4096xf32, #tpu.memory_space<vmem>>
    %dma_wait3A_1728 = tpu.memref_squeeze %dma_wait3A_1727 : memref<1x4096xf32, #tpu.memory_space<vmem>> -> memref<4096xf32, #tpu.memory_space<vmem>>
    %dma_wait3A_1729 = arith.constant 0 : i32
    %dma_wait3A_1730 = tpu.memref_slice %arg5[%sub3A_1327, %dma_wait3A_1729] : memref<2x4096xi32, #tpu.memory_space<vmem>> -> memref<1x4096xi32, #tpu.memory_space<vmem>>
    %dma_wait3A_1731 = tpu.memref_squeeze %dma_wait3A_1730 : memref<1x4096xi32, #tpu.memory_space<vmem>> -> memref<4096xi32, #tpu.memory_space<vmem>>
    %dma_wait3A_1732 = arith.constant 0 : i32
    %dma_wait3A_1733 = tpu.memref_slice %arg3[%select_n3A_1310, %select_n3A_1326, %dma_wait3A_1732] : memref<26x32x100001xf32, #tpu.memory_space<hbm>> -> memref<1x1x100001xf32, #tpu.memory_space<hbm>>
    %dma_wait3A_1734 = tpu.memref_squeeze %dma_wait3A_1733 : memref<1x1x100001xf32, #tpu.memory_space<hbm>> -> memref<100001xf32, #tpu.memory_space<hbm>>
    %dma_wait3A_1735 = arith.constant 0 : i32
    %dma_wait3A_1736 = tpu.memref_slice %dma_wait3A_1734[%dma_wait3A_1735] : memref<100001xf32, #tpu.memory_space<hbm>> -> memref<100001xf32, #tpu.memory_space<hbm>>
    tpu.wait_indirect_dma semaphore(%arg7 : memref<!tpu.dma_semaphore, #tpu.memory_space<semaphore_mem>>) src(%dma_wait3A_1736 : memref<100001xf32, #tpu.memory_space<hbm>>) dst(%dma_wait3A_1728 : memref<4096xf32, #tpu.memory_space<vmem>>)
    %dma_wait3A_1737 = arith.constant 24 : i32
    %dma_wait3A_1738 = arith.constant 0 : i32
    %dma_wait3A_1739 = tpu.memref_slice %arg6[%dma_wait3A_1737, %dma_wait3A_1738] : memref<26x4096xf32, #tpu.memory_space<vmem>> -> memref<1x4096xf32, #tpu.memory_space<vmem>>
    %dma_wait3A_1740 = tpu.memref_squeeze %dma_wait3A_1739 : memref<1x4096xf32, #tpu.memory_space<vmem>> -> memref<4096xf32, #tpu.memory_space<vmem>>
    %dma_wait3A_1741 = arith.constant 0 : i32
    %dma_wait3A_1742 = tpu.memref_slice %arg5[%sub3A_1382, %dma_wait3A_1741] : memref<2x4096xi32, #tpu.memory_space<vmem>> -> memref<1x4096xi32, #tpu.memory_space<vmem>>
    %dma_wait3A_1743 = tpu.memref_squeeze %dma_wait3A_1742 : memref<1x4096xi32, #tpu.memory_space<vmem>> -> memref<4096xi32, #tpu.memory_space<vmem>>
    %dma_wait3A_1744 = arith.constant 0 : i32
    %dma_wait3A_1745 = tpu.memref_slice %arg3[%select_n3A_1365, %select_n3A_1381, %dma_wait3A_1744] : memref<26x32x100001xf32, #tpu.memory_space<hbm>> -> memref<1x1x100001xf32, #tpu.memory_space<hbm>>
    %dma_wait3A_1746 = tpu.memref_squeeze %dma_wait3A_1745 : memref<1x1x100001xf32, #tpu.memory_space<hbm>> -> memref<100001xf32, #tpu.memory_space<hbm>>
    %dma_wait3A_1747 = arith.constant 0 : i32
    %dma_wait3A_1748 = tpu.memref_slice %dma_wait3A_1746[%dma_wait3A_1747] : memref<100001xf32, #tpu.memory_space<hbm>> -> memref<100001xf32, #tpu.memory_space<hbm>>
    tpu.wait_indirect_dma semaphore(%arg7 : memref<!tpu.dma_semaphore, #tpu.memory_space<semaphore_mem>>) src(%dma_wait3A_1748 : memref<100001xf32, #tpu.memory_space<hbm>>) dst(%dma_wait3A_1740 : memref<4096xf32, #tpu.memory_space<vmem>>)
    %dma_wait3A_1749 = arith.constant 25 : i32
    %dma_wait3A_1750 = arith.constant 0 : i32
    %dma_wait3A_1751 = tpu.memref_slice %arg6[%dma_wait3A_1749, %dma_wait3A_1750] : memref<26x4096xf32, #tpu.memory_space<vmem>> -> memref<1x4096xf32, #tpu.memory_space<vmem>>
    %dma_wait3A_1752 = tpu.memref_squeeze %dma_wait3A_1751 : memref<1x4096xf32, #tpu.memory_space<vmem>> -> memref<4096xf32, #tpu.memory_space<vmem>>
    %dma_wait3A_1753 = arith.constant 0 : i32
    %dma_wait3A_1754 = tpu.memref_slice %arg5[%sub3A_1437, %dma_wait3A_1753] : memref<2x4096xi32, #tpu.memory_space<vmem>> -> memref<1x4096xi32, #tpu.memory_space<vmem>>
    %dma_wait3A_1755 = tpu.memref_squeeze %dma_wait3A_1754 : memref<1x4096xi32, #tpu.memory_space<vmem>> -> memref<4096xi32, #tpu.memory_space<vmem>>
    %dma_wait3A_1756 = arith.constant 0 : i32
    %dma_wait3A_1757 = tpu.memref_slice %arg3[%select_n3A_1420, %select_n3A_1436, %dma_wait3A_1756] : memref<26x32x100001xf32, #tpu.memory_space<hbm>> -> memref<1x1x100001xf32, #tpu.memory_space<hbm>>
    %dma_wait3A_1758 = tpu.memref_squeeze %dma_wait3A_1757 : memref<1x1x100001xf32, #tpu.memory_space<hbm>> -> memref<100001xf32, #tpu.memory_space<hbm>>
    %dma_wait3A_1759 = arith.constant 0 : i32
    %dma_wait3A_1760 = tpu.memref_slice %dma_wait3A_1758[%dma_wait3A_1759] : memref<100001xf32, #tpu.memory_space<hbm>> -> memref<100001xf32, #tpu.memory_space<hbm>>
    tpu.wait_indirect_dma semaphore(%arg7 : memref<!tpu.dma_semaphore, #tpu.memory_space<semaphore_mem>>) src(%dma_wait3A_1760 : memref<100001xf32, #tpu.memory_space<hbm>>) dst(%dma_wait3A_1752 : memref<4096xf32, #tpu.memory_space<vmem>>)
    %add3A_1761 = arith.constant 0 : i32
    %add3A_1762 = arith.addi %mul3A_2, %add3A_1761 : i32
    %jit3A_1763 = arith.constant 32 : i32
    %div3A_1764 = arith.divsi %add3A_1762, %jit3A_1763 : i32
    %sign3A_1765 = arith.constant 0 : i32
    %sign3A_1766 = arith.cmpi sgt, %add3A_1762, %sign3A_1765 : i32
    %sign3A_1767 = arith.extui %sign3A_1766 : i1 to i32
    %sign3A_1768 = arith.constant 0 : i32
    %sign3A_1769 = arith.cmpi slt, %add3A_1762, %sign3A_1768 : i32
    %sign3A_1770 = arith.extui %sign3A_1769 : i1 to i32
    %sign3A_1771 = arith.subi %sign3A_1767, %sign3A_1770 : i32
    %sign3A_1772 = arith.constant 0 : i32
    %sign3A_1773 = arith.cmpi sgt, %jit3A_1763, %sign3A_1772 : i32
    %sign3A_1774 = arith.extui %sign3A_1773 : i1 to i32
    %sign3A_1775 = arith.constant 0 : i32
    %sign3A_1776 = arith.cmpi slt, %jit3A_1763, %sign3A_1775 : i32
    %sign3A_1777 = arith.extui %sign3A_1776 : i1 to i32
    %sign3A_1778 = arith.subi %sign3A_1774, %sign3A_1777 : i32
    %ne3A_1779 = arith.cmpi ne, %sign3A_1771, %sign3A_1778 : i32
    %rem3A_1780 = arith.remsi %add3A_1762, %jit3A_1763 : i32
    %ne3A_1781 = arith.constant 0 : i32
    %ne3A_1782 = arith.cmpi ne, %rem3A_1780, %ne3A_1781 : i32
    %and3A_1783 = arith.andi %ne3A_1779, %ne3A_1782 : i1
    %sub3A_1784 = arith.constant 1 : i32
    %sub3A_1785 = arith.subi %div3A_1764, %sub3A_1784 : i32
    %select_n3A_1786 = arith.select %and3A_1783, %sub3A_1785, %div3A_1764 : i32
    %jit3A_1787 = arith.constant 32 : i32
    %eq3A_1788 = arith.constant 0 : i32
    %eq3A_1789 = arith.cmpi eq, %jit3A_1787, %eq3A_1788 : i32
    %jit3A_1790 = arith.constant 1 : i32
    %select_n3A_1791 = arith.select %eq3A_1789, %jit3A_1790, %jit3A_1787 : i32
    %rem3A_1792 = arith.remsi %add3A_1762, %select_n3A_1791 : i32
    %ne3A_1793 = arith.constant 0 : i32
    %ne3A_1794 = arith.cmpi ne, %rem3A_1792, %ne3A_1793 : i32
    %lt3A_1795 = arith.constant 0 : i32
    %lt3A_1796 = arith.cmpi slt, %rem3A_1792, %lt3A_1795 : i32
    %lt3A_1797 = arith.constant 0 : i32
    %lt3A_1798 = arith.cmpi slt, %select_n3A_1791, %lt3A_1797 : i32
    %ne3A_1799 = arith.xori %lt3A_1796, %lt3A_1798 : i1
    %and3A_1800 = arith.andi %ne3A_1799, %ne3A_1794 : i1
    %add3A_1801 = arith.addi %rem3A_1792, %select_n3A_1791 : i32
    %select_n3A_1802 = arith.select %and3A_1800, %add3A_1801, %rem3A_1792 : i32
    %dma_start3A_1803 = arith.constant 0 : i32
    %dma_start3A_1804 = arith.constant 0 : i32
    %dma_start3A_1805 = tpu.memref_slice %arg6[%dma_start3A_1803, %dma_start3A_1804] : memref<26x4096xf32, #tpu.memory_space<vmem>> -> memref<1x4096xf32, #tpu.memory_space<vmem>>
    %dma_start3A_1806 = tpu.memref_squeeze %dma_start3A_1805 : memref<1x4096xf32, #tpu.memory_space<vmem>> -> memref<4096xf32, #tpu.memory_space<vmem>>
    %dma_start3A_1807 = arith.constant 0 : i32
    %dma_start3A_1808 = tpu.memref_slice %arg4[%select_n3A_1786, %select_n3A_1802, %dma_start3A_1807] : memref<26x32x4096xf32, #tpu.memory_space<hbm>> -> memref<1x1x4096xf32, #tpu.memory_space<hbm>>
    %dma_start3A_1809 = tpu.memref_squeeze %dma_start3A_1808 : memref<1x1x4096xf32, #tpu.memory_space<hbm>> -> memref<4096xf32, #tpu.memory_space<hbm>>
    %dma_start3A_1810 = arith.constant 0 : i32
    %dma_start3A_1811 = tpu.memref_slice %arg4[%select_n3A_1786, %select_n3A_1802, %dma_start3A_1810] : memref<26x32x4096xf32, #tpu.memory_space<hbm>> -> memref<1x1x4096xf32, #tpu.memory_space<hbm>>
    %dma_start3A_1812 = tpu.memref_squeeze %dma_start3A_1811 : memref<1x1x4096xf32, #tpu.memory_space<hbm>> -> memref<4096xf32, #tpu.memory_space<hbm>>
    %dma_start3A_1813 = arith.constant 0 : i32
    %dma_start3A_1814 = tpu.memref_slice %arg6[%dma_start3A_1803, %dma_start3A_1813] : memref<26x4096xf32, #tpu.memory_space<vmem>> -> memref<1x4096xf32, #tpu.memory_space<vmem>>
    %dma_start3A_1815 = tpu.memref_squeeze %dma_start3A_1814 : memref<1x4096xf32, #tpu.memory_space<vmem>> -> memref<4096xf32, #tpu.memory_space<vmem>>
    tpu.enqueue_dma source(%dma_start3A_1815 : memref<4096xf32, #tpu.memory_space<vmem>>) target(%dma_start3A_1812 : memref<4096xf32, #tpu.memory_space<hbm>>) target_semaphore(%arg8 : memref<!tpu.dma_semaphore, #tpu.memory_space<semaphore_mem>>)
    %add3A_1816 = arith.constant 1 : i32
    %add3A_1817 = arith.addi %mul3A_2, %add3A_1816 : i32
    %jit3A_1818 = arith.constant 32 : i32
    %div3A_1819 = arith.divsi %add3A_1817, %jit3A_1818 : i32
    %sign3A_1820 = arith.constant 0 : i32
    %sign3A_1821 = arith.cmpi sgt, %add3A_1817, %sign3A_1820 : i32
    %sign3A_1822 = arith.extui %sign3A_1821 : i1 to i32
    %sign3A_1823 = arith.constant 0 : i32
    %sign3A_1824 = arith.cmpi slt, %add3A_1817, %sign3A_1823 : i32
    %sign3A_1825 = arith.extui %sign3A_1824 : i1 to i32
    %sign3A_1826 = arith.subi %sign3A_1822, %sign3A_1825 : i32
    %sign3A_1827 = arith.constant 0 : i32
    %sign3A_1828 = arith.cmpi sgt, %jit3A_1818, %sign3A_1827 : i32
    %sign3A_1829 = arith.extui %sign3A_1828 : i1 to i32
    %sign3A_1830 = arith.constant 0 : i32
    %sign3A_1831 = arith.cmpi slt, %jit3A_1818, %sign3A_1830 : i32
    %sign3A_1832 = arith.extui %sign3A_1831 : i1 to i32
    %sign3A_1833 = arith.subi %sign3A_1829, %sign3A_1832 : i32
    %ne3A_1834 = arith.cmpi ne, %sign3A_1826, %sign3A_1833 : i32
    %rem3A_1835 = arith.remsi %add3A_1817, %jit3A_1818 : i32
    %ne3A_1836 = arith.constant 0 : i32
    %ne3A_1837 = arith.cmpi ne, %rem3A_1835, %ne3A_1836 : i32
    %and3A_1838 = arith.andi %ne3A_1834, %ne3A_1837 : i1
    %sub3A_1839 = arith.constant 1 : i32
    %sub3A_1840 = arith.subi %div3A_1819, %sub3A_1839 : i32
    %select_n3A_1841 = arith.select %and3A_1838, %sub3A_1840, %div3A_1819 : i32
    %jit3A_1842 = arith.constant 32 : i32
    %eq3A_1843 = arith.constant 0 : i32
    %eq3A_1844 = arith.cmpi eq, %jit3A_1842, %eq3A_1843 : i32
    %jit3A_1845 = arith.constant 1 : i32
    %select_n3A_1846 = arith.select %eq3A_1844, %jit3A_1845, %jit3A_1842 : i32
    %rem3A_1847 = arith.remsi %add3A_1817, %select_n3A_1846 : i32
    %ne3A_1848 = arith.constant 0 : i32
    %ne3A_1849 = arith.cmpi ne, %rem3A_1847, %ne3A_1848 : i32
    %lt3A_1850 = arith.constant 0 : i32
    %lt3A_1851 = arith.cmpi slt, %rem3A_1847, %lt3A_1850 : i32
    %lt3A_1852 = arith.constant 0 : i32
    %lt3A_1853 = arith.cmpi slt, %select_n3A_1846, %lt3A_1852 : i32
    %ne3A_1854 = arith.xori %lt3A_1851, %lt3A_1853 : i1
    %and3A_1855 = arith.andi %ne3A_1854, %ne3A_1849 : i1
    %add3A_1856 = arith.addi %rem3A_1847, %select_n3A_1846 : i32
    %select_n3A_1857 = arith.select %and3A_1855, %add3A_1856, %rem3A_1847 : i32
    %dma_start3A_1858 = arith.constant 1 : i32
    %dma_start3A_1859 = arith.constant 0 : i32
    %dma_start3A_1860 = tpu.memref_slice %arg6[%dma_start3A_1858, %dma_start3A_1859] : memref<26x4096xf32, #tpu.memory_space<vmem>> -> memref<1x4096xf32, #tpu.memory_space<vmem>>
    %dma_start3A_1861 = tpu.memref_squeeze %dma_start3A_1860 : memref<1x4096xf32, #tpu.memory_space<vmem>> -> memref<4096xf32, #tpu.memory_space<vmem>>
    %dma_start3A_1862 = arith.constant 0 : i32
    %dma_start3A_1863 = tpu.memref_slice %arg4[%select_n3A_1841, %select_n3A_1857, %dma_start3A_1862] : memref<26x32x4096xf32, #tpu.memory_space<hbm>> -> memref<1x1x4096xf32, #tpu.memory_space<hbm>>
    %dma_start3A_1864 = tpu.memref_squeeze %dma_start3A_1863 : memref<1x1x4096xf32, #tpu.memory_space<hbm>> -> memref<4096xf32, #tpu.memory_space<hbm>>
    %dma_start3A_1865 = arith.constant 0 : i32
    %dma_start3A_1866 = tpu.memref_slice %arg4[%select_n3A_1841, %select_n3A_1857, %dma_start3A_1865] : memref<26x32x4096xf32, #tpu.memory_space<hbm>> -> memref<1x1x4096xf32, #tpu.memory_space<hbm>>
    %dma_start3A_1867 = tpu.memref_squeeze %dma_start3A_1866 : memref<1x1x4096xf32, #tpu.memory_space<hbm>> -> memref<4096xf32, #tpu.memory_space<hbm>>
    %dma_start3A_1868 = arith.constant 0 : i32
    %dma_start3A_1869 = tpu.memref_slice %arg6[%dma_start3A_1858, %dma_start3A_1868] : memref<26x4096xf32, #tpu.memory_space<vmem>> -> memref<1x4096xf32, #tpu.memory_space<vmem>>
    %dma_start3A_1870 = tpu.memref_squeeze %dma_start3A_1869 : memref<1x4096xf32, #tpu.memory_space<vmem>> -> memref<4096xf32, #tpu.memory_space<vmem>>
    tpu.enqueue_dma source(%dma_start3A_1870 : memref<4096xf32, #tpu.memory_space<vmem>>) target(%dma_start3A_1867 : memref<4096xf32, #tpu.memory_space<hbm>>) target_semaphore(%arg8 : memref<!tpu.dma_semaphore, #tpu.memory_space<semaphore_mem>>)
    %add3A_1871 = arith.constant 2 : i32
    %add3A_1872 = arith.addi %mul3A_2, %add3A_1871 : i32
    %jit3A_1873 = arith.constant 32 : i32
    %div3A_1874 = arith.divsi %add3A_1872, %jit3A_1873 : i32
    %sign3A_1875 = arith.constant 0 : i32
    %sign3A_1876 = arith.cmpi sgt, %add3A_1872, %sign3A_1875 : i32
    %sign3A_1877 = arith.extui %sign3A_1876 : i1 to i32
    %sign3A_1878 = arith.constant 0 : i32
    %sign3A_1879 = arith.cmpi slt, %add3A_1872, %sign3A_1878 : i32
    %sign3A_1880 = arith.extui %sign3A_1879 : i1 to i32
    %sign3A_1881 = arith.subi %sign3A_1877, %sign3A_1880 : i32
    %sign3A_1882 = arith.constant 0 : i32
    %sign3A_1883 = arith.cmpi sgt, %jit3A_1873, %sign3A_1882 : i32
    %sign3A_1884 = arith.extui %sign3A_1883 : i1 to i32
    %sign3A_1885 = arith.constant 0 : i32
    %sign3A_1886 = arith.cmpi slt, %jit3A_1873, %sign3A_1885 : i32
    %sign3A_1887 = arith.extui %sign3A_1886 : i1 to i32
    %sign3A_1888 = arith.subi %sign3A_1884, %sign3A_1887 : i32
    %ne3A_1889 = arith.cmpi ne, %sign3A_1881, %sign3A_1888 : i32
    %rem3A_1890 = arith.remsi %add3A_1872, %jit3A_1873 : i32
    %ne3A_1891 = arith.constant 0 : i32
    %ne3A_1892 = arith.cmpi ne, %rem3A_1890, %ne3A_1891 : i32
    %and3A_1893 = arith.andi %ne3A_1889, %ne3A_1892 : i1
    %sub3A_1894 = arith.constant 1 : i32
    %sub3A_1895 = arith.subi %div3A_1874, %sub3A_1894 : i32
    %select_n3A_1896 = arith.select %and3A_1893, %sub3A_1895, %div3A_1874 : i32
    %jit3A_1897 = arith.constant 32 : i32
    %eq3A_1898 = arith.constant 0 : i32
    %eq3A_1899 = arith.cmpi eq, %jit3A_1897, %eq3A_1898 : i32
    %jit3A_1900 = arith.constant 1 : i32
    %select_n3A_1901 = arith.select %eq3A_1899, %jit3A_1900, %jit3A_1897 : i32
    %rem3A_1902 = arith.remsi %add3A_1872, %select_n3A_1901 : i32
    %ne3A_1903 = arith.constant 0 : i32
    %ne3A_1904 = arith.cmpi ne, %rem3A_1902, %ne3A_1903 : i32
    %lt3A_1905 = arith.constant 0 : i32
    %lt3A_1906 = arith.cmpi slt, %rem3A_1902, %lt3A_1905 : i32
    %lt3A_1907 = arith.constant 0 : i32
    %lt3A_1908 = arith.cmpi slt, %select_n3A_1901, %lt3A_1907 : i32
    %ne3A_1909 = arith.xori %lt3A_1906, %lt3A_1908 : i1
    %and3A_1910 = arith.andi %ne3A_1909, %ne3A_1904 : i1
    %add3A_1911 = arith.addi %rem3A_1902, %select_n3A_1901 : i32
    %select_n3A_1912 = arith.select %and3A_1910, %add3A_1911, %rem3A_1902 : i32
    %dma_start3A_1913 = arith.constant 2 : i32
    %dma_start3A_1914 = arith.constant 0 : i32
    %dma_start3A_1915 = tpu.memref_slice %arg6[%dma_start3A_1913, %dma_start3A_1914] : memref<26x4096xf32, #tpu.memory_space<vmem>> -> memref<1x4096xf32, #tpu.memory_space<vmem>>
    %dma_start3A_1916 = tpu.memref_squeeze %dma_start3A_1915 : memref<1x4096xf32, #tpu.memory_space<vmem>> -> memref<4096xf32, #tpu.memory_space<vmem>>
    %dma_start3A_1917 = arith.constant 0 : i32
    %dma_start3A_1918 = tpu.memref_slice %arg4[%select_n3A_1896, %select_n3A_1912, %dma_start3A_1917] : memref<26x32x4096xf32, #tpu.memory_space<hbm>> -> memref<1x1x4096xf32, #tpu.memory_space<hbm>>
    %dma_start3A_1919 = tpu.memref_squeeze %dma_start3A_1918 : memref<1x1x4096xf32, #tpu.memory_space<hbm>> -> memref<4096xf32, #tpu.memory_space<hbm>>
    %dma_start3A_1920 = arith.constant 0 : i32
    %dma_start3A_1921 = tpu.memref_slice %arg4[%select_n3A_1896, %select_n3A_1912, %dma_start3A_1920] : memref<26x32x4096xf32, #tpu.memory_space<hbm>> -> memref<1x1x4096xf32, #tpu.memory_space<hbm>>
    %dma_start3A_1922 = tpu.memref_squeeze %dma_start3A_1921 : memref<1x1x4096xf32, #tpu.memory_space<hbm>> -> memref<4096xf32, #tpu.memory_space<hbm>>
    %dma_start3A_1923 = arith.constant 0 : i32
    %dma_start3A_1924 = tpu.memref_slice %arg6[%dma_start3A_1913, %dma_start3A_1923] : memref<26x4096xf32, #tpu.memory_space<vmem>> -> memref<1x4096xf32, #tpu.memory_space<vmem>>
    %dma_start3A_1925 = tpu.memref_squeeze %dma_start3A_1924 : memref<1x4096xf32, #tpu.memory_space<vmem>> -> memref<4096xf32, #tpu.memory_space<vmem>>
    tpu.enqueue_dma source(%dma_start3A_1925 : memref<4096xf32, #tpu.memory_space<vmem>>) target(%dma_start3A_1922 : memref<4096xf32, #tpu.memory_space<hbm>>) target_semaphore(%arg8 : memref<!tpu.dma_semaphore, #tpu.memory_space<semaphore_mem>>)
    %add3A_1926 = arith.constant 3 : i32
    %add3A_1927 = arith.addi %mul3A_2, %add3A_1926 : i32
    %jit3A_1928 = arith.constant 32 : i32
    %div3A_1929 = arith.divsi %add3A_1927, %jit3A_1928 : i32
    %sign3A_1930 = arith.constant 0 : i32
    %sign3A_1931 = arith.cmpi sgt, %add3A_1927, %sign3A_1930 : i32
    %sign3A_1932 = arith.extui %sign3A_1931 : i1 to i32
    %sign3A_1933 = arith.constant 0 : i32
    %sign3A_1934 = arith.cmpi slt, %add3A_1927, %sign3A_1933 : i32
    %sign3A_1935 = arith.extui %sign3A_1934 : i1 to i32
    %sign3A_1936 = arith.subi %sign3A_1932, %sign3A_1935 : i32
    %sign3A_1937 = arith.constant 0 : i32
    %sign3A_1938 = arith.cmpi sgt, %jit3A_1928, %sign3A_1937 : i32
    %sign3A_1939 = arith.extui %sign3A_1938 : i1 to i32
    %sign3A_1940 = arith.constant 0 : i32
    %sign3A_1941 = arith.cmpi slt, %jit3A_1928, %sign3A_1940 : i32
    %sign3A_1942 = arith.extui %sign3A_1941 : i1 to i32
    %sign3A_1943 = arith.subi %sign3A_1939, %sign3A_1942 : i32
    %ne3A_1944 = arith.cmpi ne, %sign3A_1936, %sign3A_1943 : i32
    %rem3A_1945 = arith.remsi %add3A_1927, %jit3A_1928 : i32
    %ne3A_1946 = arith.constant 0 : i32
    %ne3A_1947 = arith.cmpi ne, %rem3A_1945, %ne3A_1946 : i32
    %and3A_1948 = arith.andi %ne3A_1944, %ne3A_1947 : i1
    %sub3A_1949 = arith.constant 1 : i32
    %sub3A_1950 = arith.subi %div3A_1929, %sub3A_1949 : i32
    %select_n3A_1951 = arith.select %and3A_1948, %sub3A_1950, %div3A_1929 : i32
    %jit3A_1952 = arith.constant 32 : i32
    %eq3A_1953 = arith.constant 0 : i32
    %eq3A_1954 = arith.cmpi eq, %jit3A_1952, %eq3A_1953 : i32
    %jit3A_1955 = arith.constant 1 : i32
    %select_n3A_1956 = arith.select %eq3A_1954, %jit3A_1955, %jit3A_1952 : i32
    %rem3A_1957 = arith.remsi %add3A_1927, %select_n3A_1956 : i32
    %ne3A_1958 = arith.constant 0 : i32
    %ne3A_1959 = arith.cmpi ne, %rem3A_1957, %ne3A_1958 : i32
    %lt3A_1960 = arith.constant 0 : i32
    %lt3A_1961 = arith.cmpi slt, %rem3A_1957, %lt3A_1960 : i32
    %lt3A_1962 = arith.constant 0 : i32
    %lt3A_1963 = arith.cmpi slt, %select_n3A_1956, %lt3A_1962 : i32
    %ne3A_1964 = arith.xori %lt3A_1961, %lt3A_1963 : i1
    %and3A_1965 = arith.andi %ne3A_1964, %ne3A_1959 : i1
    %add3A_1966 = arith.addi %rem3A_1957, %select_n3A_1956 : i32
    %select_n3A_1967 = arith.select %and3A_1965, %add3A_1966, %rem3A_1957 : i32
    %dma_start3A_1968 = arith.constant 3 : i32
    %dma_start3A_1969 = arith.constant 0 : i32
    %dma_start3A_1970 = tpu.memref_slice %arg6[%dma_start3A_1968, %dma_start3A_1969] : memref<26x4096xf32, #tpu.memory_space<vmem>> -> memref<1x4096xf32, #tpu.memory_space<vmem>>
    %dma_start3A_1971 = tpu.memref_squeeze %dma_start3A_1970 : memref<1x4096xf32, #tpu.memory_space<vmem>> -> memref<4096xf32, #tpu.memory_space<vmem>>
    %dma_start3A_1972 = arith.constant 0 : i32
    %dma_start3A_1973 = tpu.memref_slice %arg4[%select_n3A_1951, %select_n3A_1967, %dma_start3A_1972] : memref<26x32x4096xf32, #tpu.memory_space<hbm>> -> memref<1x1x4096xf32, #tpu.memory_space<hbm>>
    %dma_start3A_1974 = tpu.memref_squeeze %dma_start3A_1973 : memref<1x1x4096xf32, #tpu.memory_space<hbm>> -> memref<4096xf32, #tpu.memory_space<hbm>>
    %dma_start3A_1975 = arith.constant 0 : i32
    %dma_start3A_1976 = tpu.memref_slice %arg4[%select_n3A_1951, %select_n3A_1967, %dma_start3A_1975] : memref<26x32x4096xf32, #tpu.memory_space<hbm>> -> memref<1x1x4096xf32, #tpu.memory_space<hbm>>
    %dma_start3A_1977 = tpu.memref_squeeze %dma_start3A_1976 : memref<1x1x4096xf32, #tpu.memory_space<hbm>> -> memref<4096xf32, #tpu.memory_space<hbm>>
    %dma_start3A_1978 = arith.constant 0 : i32
    %dma_start3A_1979 = tpu.memref_slice %arg6[%dma_start3A_1968, %dma_start3A_1978] : memref<26x4096xf32, #tpu.memory_space<vmem>> -> memref<1x4096xf32, #tpu.memory_space<vmem>>
    %dma_start3A_1980 = tpu.memref_squeeze %dma_start3A_1979 : memref<1x4096xf32, #tpu.memory_space<vmem>> -> memref<4096xf32, #tpu.memory_space<vmem>>
    tpu.enqueue_dma source(%dma_start3A_1980 : memref<4096xf32, #tpu.memory_space<vmem>>) target(%dma_start3A_1977 : memref<4096xf32, #tpu.memory_space<hbm>>) target_semaphore(%arg8 : memref<!tpu.dma_semaphore, #tpu.memory_space<semaphore_mem>>)
    %add3A_1981 = arith.constant 4 : i32
    %add3A_1982 = arith.addi %mul3A_2, %add3A_1981 : i32
    %jit3A_1983 = arith.constant 32 : i32
    %div3A_1984 = arith.divsi %add3A_1982, %jit3A_1983 : i32
    %sign3A_1985 = arith.constant 0 : i32
    %sign3A_1986 = arith.cmpi sgt, %add3A_1982, %sign3A_1985 : i32
    %sign3A_1987 = arith.extui %sign3A_1986 : i1 to i32
    %sign3A_1988 = arith.constant 0 : i32
    %sign3A_1989 = arith.cmpi slt, %add3A_1982, %sign3A_1988 : i32
    %sign3A_1990 = arith.extui %sign3A_1989 : i1 to i32
    %sign3A_1991 = arith.subi %sign3A_1987, %sign3A_1990 : i32
    %sign3A_1992 = arith.constant 0 : i32
    %sign3A_1993 = arith.cmpi sgt, %jit3A_1983, %sign3A_1992 : i32
    %sign3A_1994 = arith.extui %sign3A_1993 : i1 to i32
    %sign3A_1995 = arith.constant 0 : i32
    %sign3A_1996 = arith.cmpi slt, %jit3A_1983, %sign3A_1995 : i32
    %sign3A_1997 = arith.extui %sign3A_1996 : i1 to i32
    %sign3A_1998 = arith.subi %sign3A_1994, %sign3A_1997 : i32
    %ne3A_1999 = arith.cmpi ne, %sign3A_1991, %sign3A_1998 : i32
    %rem3A_2000 = arith.remsi %add3A_1982, %jit3A_1983 : i32
    %ne3A_2001 = arith.constant 0 : i32
    %ne3A_2002 = arith.cmpi ne, %rem3A_2000, %ne3A_2001 : i32
    %and3A_2003 = arith.andi %ne3A_1999, %ne3A_2002 : i1
    %sub3A_2004 = arith.constant 1 : i32
    %sub3A_2005 = arith.subi %div3A_1984, %sub3A_2004 : i32
    %select_n3A_2006 = arith.select %and3A_2003, %sub3A_2005, %div3A_1984 : i32
    %jit3A_2007 = arith.constant 32 : i32
    %eq3A_2008 = arith.constant 0 : i32
    %eq3A_2009 = arith.cmpi eq, %jit3A_2007, %eq3A_2008 : i32
    %jit3A_2010 = arith.constant 1 : i32
    %select_n3A_2011 = arith.select %eq3A_2009, %jit3A_2010, %jit3A_2007 : i32
    %rem3A_2012 = arith.remsi %add3A_1982, %select_n3A_2011 : i32
    %ne3A_2013 = arith.constant 0 : i32
    %ne3A_2014 = arith.cmpi ne, %rem3A_2012, %ne3A_2013 : i32
    %lt3A_2015 = arith.constant 0 : i32
    %lt3A_2016 = arith.cmpi slt, %rem3A_2012, %lt3A_2015 : i32
    %lt3A_2017 = arith.constant 0 : i32
    %lt3A_2018 = arith.cmpi slt, %select_n3A_2011, %lt3A_2017 : i32
    %ne3A_2019 = arith.xori %lt3A_2016, %lt3A_2018 : i1
    %and3A_2020 = arith.andi %ne3A_2019, %ne3A_2014 : i1
    %add3A_2021 = arith.addi %rem3A_2012, %select_n3A_2011 : i32
    %select_n3A_2022 = arith.select %and3A_2020, %add3A_2021, %rem3A_2012 : i32
    %dma_start3A_2023 = arith.constant 4 : i32
    %dma_start3A_2024 = arith.constant 0 : i32
    %dma_start3A_2025 = tpu.memref_slice %arg6[%dma_start3A_2023, %dma_start3A_2024] : memref<26x4096xf32, #tpu.memory_space<vmem>> -> memref<1x4096xf32, #tpu.memory_space<vmem>>
    %dma_start3A_2026 = tpu.memref_squeeze %dma_start3A_2025 : memref<1x4096xf32, #tpu.memory_space<vmem>> -> memref<4096xf32, #tpu.memory_space<vmem>>
    %dma_start3A_2027 = arith.constant 0 : i32
    %dma_start3A_2028 = tpu.memref_slice %arg4[%select_n3A_2006, %select_n3A_2022, %dma_start3A_2027] : memref<26x32x4096xf32, #tpu.memory_space<hbm>> -> memref<1x1x4096xf32, #tpu.memory_space<hbm>>
    %dma_start3A_2029 = tpu.memref_squeeze %dma_start3A_2028 : memref<1x1x4096xf32, #tpu.memory_space<hbm>> -> memref<4096xf32, #tpu.memory_space<hbm>>
    %dma_start3A_2030 = arith.constant 0 : i32
    %dma_start3A_2031 = tpu.memref_slice %arg4[%select_n3A_2006, %select_n3A_2022, %dma_start3A_2030] : memref<26x32x4096xf32, #tpu.memory_space<hbm>> -> memref<1x1x4096xf32, #tpu.memory_space<hbm>>
    %dma_start3A_2032 = tpu.memref_squeeze %dma_start3A_2031 : memref<1x1x4096xf32, #tpu.memory_space<hbm>> -> memref<4096xf32, #tpu.memory_space<hbm>>
    %dma_start3A_2033 = arith.constant 0 : i32
    %dma_start3A_2034 = tpu.memref_slice %arg6[%dma_start3A_2023, %dma_start3A_2033] : memref<26x4096xf32, #tpu.memory_space<vmem>> -> memref<1x4096xf32, #tpu.memory_space<vmem>>
    %dma_start3A_2035 = tpu.memref_squeeze %dma_start3A_2034 : memref<1x4096xf32, #tpu.memory_space<vmem>> -> memref<4096xf32, #tpu.memory_space<vmem>>
    tpu.enqueue_dma source(%dma_start3A_2035 : memref<4096xf32, #tpu.memory_space<vmem>>) target(%dma_start3A_2032 : memref<4096xf32, #tpu.memory_space<hbm>>) target_semaphore(%arg8 : memref<!tpu.dma_semaphore, #tpu.memory_space<semaphore_mem>>)
    %add3A_2036 = arith.constant 5 : i32
    %add3A_2037 = arith.addi %mul3A_2, %add3A_2036 : i32
    %jit3A_2038 = arith.constant 32 : i32
    %div3A_2039 = arith.divsi %add3A_2037, %jit3A_2038 : i32
    %sign3A_2040 = arith.constant 0 : i32
    %sign3A_2041 = arith.cmpi sgt, %add3A_2037, %sign3A_2040 : i32
    %sign3A_2042 = arith.extui %sign3A_2041 : i1 to i32
    %sign3A_2043 = arith.constant 0 : i32
    %sign3A_2044 = arith.cmpi slt, %add3A_2037, %sign3A_2043 : i32
    %sign3A_2045 = arith.extui %sign3A_2044 : i1 to i32
    %sign3A_2046 = arith.subi %sign3A_2042, %sign3A_2045 : i32
    %sign3A_2047 = arith.constant 0 : i32
    %sign3A_2048 = arith.cmpi sgt, %jit3A_2038, %sign3A_2047 : i32
    %sign3A_2049 = arith.extui %sign3A_2048 : i1 to i32
    %sign3A_2050 = arith.constant 0 : i32
    %sign3A_2051 = arith.cmpi slt, %jit3A_2038, %sign3A_2050 : i32
    %sign3A_2052 = arith.extui %sign3A_2051 : i1 to i32
    %sign3A_2053 = arith.subi %sign3A_2049, %sign3A_2052 : i32
    %ne3A_2054 = arith.cmpi ne, %sign3A_2046, %sign3A_2053 : i32
    %rem3A_2055 = arith.remsi %add3A_2037, %jit3A_2038 : i32
    %ne3A_2056 = arith.constant 0 : i32
    %ne3A_2057 = arith.cmpi ne, %rem3A_2055, %ne3A_2056 : i32
    %and3A_2058 = arith.andi %ne3A_2054, %ne3A_2057 : i1
    %sub3A_2059 = arith.constant 1 : i32
    %sub3A_2060 = arith.subi %div3A_2039, %sub3A_2059 : i32
    %select_n3A_2061 = arith.select %and3A_2058, %sub3A_2060, %div3A_2039 : i32
    %jit3A_2062 = arith.constant 32 : i32
    %eq3A_2063 = arith.constant 0 : i32
    %eq3A_2064 = arith.cmpi eq, %jit3A_2062, %eq3A_2063 : i32
    %jit3A_2065 = arith.constant 1 : i32
    %select_n3A_2066 = arith.select %eq3A_2064, %jit3A_2065, %jit3A_2062 : i32
    %rem3A_2067 = arith.remsi %add3A_2037, %select_n3A_2066 : i32
    %ne3A_2068 = arith.constant 0 : i32
    %ne3A_2069 = arith.cmpi ne, %rem3A_2067, %ne3A_2068 : i32
    %lt3A_2070 = arith.constant 0 : i32
    %lt3A_2071 = arith.cmpi slt, %rem3A_2067, %lt3A_2070 : i32
    %lt3A_2072 = arith.constant 0 : i32
    %lt3A_2073 = arith.cmpi slt, %select_n3A_2066, %lt3A_2072 : i32
    %ne3A_2074 = arith.xori %lt3A_2071, %lt3A_2073 : i1
    %and3A_2075 = arith.andi %ne3A_2074, %ne3A_2069 : i1
    %add3A_2076 = arith.addi %rem3A_2067, %select_n3A_2066 : i32
    %select_n3A_2077 = arith.select %and3A_2075, %add3A_2076, %rem3A_2067 : i32
    %dma_start3A_2078 = arith.constant 5 : i32
    %dma_start3A_2079 = arith.constant 0 : i32
    %dma_start3A_2080 = tpu.memref_slice %arg6[%dma_start3A_2078, %dma_start3A_2079] : memref<26x4096xf32, #tpu.memory_space<vmem>> -> memref<1x4096xf32, #tpu.memory_space<vmem>>
    %dma_start3A_2081 = tpu.memref_squeeze %dma_start3A_2080 : memref<1x4096xf32, #tpu.memory_space<vmem>> -> memref<4096xf32, #tpu.memory_space<vmem>>
    %dma_start3A_2082 = arith.constant 0 : i32
    %dma_start3A_2083 = tpu.memref_slice %arg4[%select_n3A_2061, %select_n3A_2077, %dma_start3A_2082] : memref<26x32x4096xf32, #tpu.memory_space<hbm>> -> memref<1x1x4096xf32, #tpu.memory_space<hbm>>
    %dma_start3A_2084 = tpu.memref_squeeze %dma_start3A_2083 : memref<1x1x4096xf32, #tpu.memory_space<hbm>> -> memref<4096xf32, #tpu.memory_space<hbm>>
    %dma_start3A_2085 = arith.constant 0 : i32
    %dma_start3A_2086 = tpu.memref_slice %arg4[%select_n3A_2061, %select_n3A_2077, %dma_start3A_2085] : memref<26x32x4096xf32, #tpu.memory_space<hbm>> -> memref<1x1x4096xf32, #tpu.memory_space<hbm>>
    %dma_start3A_2087 = tpu.memref_squeeze %dma_start3A_2086 : memref<1x1x4096xf32, #tpu.memory_space<hbm>> -> memref<4096xf32, #tpu.memory_space<hbm>>
    %dma_start3A_2088 = arith.constant 0 : i32
    %dma_start3A_2089 = tpu.memref_slice %arg6[%dma_start3A_2078, %dma_start3A_2088] : memref<26x4096xf32, #tpu.memory_space<vmem>> -> memref<1x4096xf32, #tpu.memory_space<vmem>>
    %dma_start3A_2090 = tpu.memref_squeeze %dma_start3A_2089 : memref<1x4096xf32, #tpu.memory_space<vmem>> -> memref<4096xf32, #tpu.memory_space<vmem>>
    tpu.enqueue_dma source(%dma_start3A_2090 : memref<4096xf32, #tpu.memory_space<vmem>>) target(%dma_start3A_2087 : memref<4096xf32, #tpu.memory_space<hbm>>) target_semaphore(%arg8 : memref<!tpu.dma_semaphore, #tpu.memory_space<semaphore_mem>>)
    %add3A_2091 = arith.constant 6 : i32
    %add3A_2092 = arith.addi %mul3A_2, %add3A_2091 : i32
    %jit3A_2093 = arith.constant 32 : i32
    %div3A_2094 = arith.divsi %add3A_2092, %jit3A_2093 : i32
    %sign3A_2095 = arith.constant 0 : i32
    %sign3A_2096 = arith.cmpi sgt, %add3A_2092, %sign3A_2095 : i32
    %sign3A_2097 = arith.extui %sign3A_2096 : i1 to i32
    %sign3A_2098 = arith.constant 0 : i32
    %sign3A_2099 = arith.cmpi slt, %add3A_2092, %sign3A_2098 : i32
    %sign3A_2100 = arith.extui %sign3A_2099 : i1 to i32
    %sign3A_2101 = arith.subi %sign3A_2097, %sign3A_2100 : i32
    %sign3A_2102 = arith.constant 0 : i32
    %sign3A_2103 = arith.cmpi sgt, %jit3A_2093, %sign3A_2102 : i32
    %sign3A_2104 = arith.extui %sign3A_2103 : i1 to i32
    %sign3A_2105 = arith.constant 0 : i32
    %sign3A_2106 = arith.cmpi slt, %jit3A_2093, %sign3A_2105 : i32
    %sign3A_2107 = arith.extui %sign3A_2106 : i1 to i32
    %sign3A_2108 = arith.subi %sign3A_2104, %sign3A_2107 : i32
    %ne3A_2109 = arith.cmpi ne, %sign3A_2101, %sign3A_2108 : i32
    %rem3A_2110 = arith.remsi %add3A_2092, %jit3A_2093 : i32
    %ne3A_2111 = arith.constant 0 : i32
    %ne3A_2112 = arith.cmpi ne, %rem3A_2110, %ne3A_2111 : i32
    %and3A_2113 = arith.andi %ne3A_2109, %ne3A_2112 : i1
    %sub3A_2114 = arith.constant 1 : i32
    %sub3A_2115 = arith.subi %div3A_2094, %sub3A_2114 : i32
    %select_n3A_2116 = arith.select %and3A_2113, %sub3A_2115, %div3A_2094 : i32
    %jit3A_2117 = arith.constant 32 : i32
    %eq3A_2118 = arith.constant 0 : i32
    %eq3A_2119 = arith.cmpi eq, %jit3A_2117, %eq3A_2118 : i32
    %jit3A_2120 = arith.constant 1 : i32
    %select_n3A_2121 = arith.select %eq3A_2119, %jit3A_2120, %jit3A_2117 : i32
    %rem3A_2122 = arith.remsi %add3A_2092, %select_n3A_2121 : i32
    %ne3A_2123 = arith.constant 0 : i32
    %ne3A_2124 = arith.cmpi ne, %rem3A_2122, %ne3A_2123 : i32
    %lt3A_2125 = arith.constant 0 : i32
    %lt3A_2126 = arith.cmpi slt, %rem3A_2122, %lt3A_2125 : i32
    %lt3A_2127 = arith.constant 0 : i32
    %lt3A_2128 = arith.cmpi slt, %select_n3A_2121, %lt3A_2127 : i32
    %ne3A_2129 = arith.xori %lt3A_2126, %lt3A_2128 : i1
    %and3A_2130 = arith.andi %ne3A_2129, %ne3A_2124 : i1
    %add3A_2131 = arith.addi %rem3A_2122, %select_n3A_2121 : i32
    %select_n3A_2132 = arith.select %and3A_2130, %add3A_2131, %rem3A_2122 : i32
    %dma_start3A_2133 = arith.constant 6 : i32
    %dma_start3A_2134 = arith.constant 0 : i32
    %dma_start3A_2135 = tpu.memref_slice %arg6[%dma_start3A_2133, %dma_start3A_2134] : memref<26x4096xf32, #tpu.memory_space<vmem>> -> memref<1x4096xf32, #tpu.memory_space<vmem>>
    %dma_start3A_2136 = tpu.memref_squeeze %dma_start3A_2135 : memref<1x4096xf32, #tpu.memory_space<vmem>> -> memref<4096xf32, #tpu.memory_space<vmem>>
    %dma_start3A_2137 = arith.constant 0 : i32
    %dma_start3A_2138 = tpu.memref_slice %arg4[%select_n3A_2116, %select_n3A_2132, %dma_start3A_2137] : memref<26x32x4096xf32, #tpu.memory_space<hbm>> -> memref<1x1x4096xf32, #tpu.memory_space<hbm>>
    %dma_start3A_2139 = tpu.memref_squeeze %dma_start3A_2138 : memref<1x1x4096xf32, #tpu.memory_space<hbm>> -> memref<4096xf32, #tpu.memory_space<hbm>>
    %dma_start3A_2140 = arith.constant 0 : i32
    %dma_start3A_2141 = tpu.memref_slice %arg4[%select_n3A_2116, %select_n3A_2132, %dma_start3A_2140] : memref<26x32x4096xf32, #tpu.memory_space<hbm>> -> memref<1x1x4096xf32, #tpu.memory_space<hbm>>
    %dma_start3A_2142 = tpu.memref_squeeze %dma_start3A_2141 : memref<1x1x4096xf32, #tpu.memory_space<hbm>> -> memref<4096xf32, #tpu.memory_space<hbm>>
    %dma_start3A_2143 = arith.constant 0 : i32
    %dma_start3A_2144 = tpu.memref_slice %arg6[%dma_start3A_2133, %dma_start3A_2143] : memref<26x4096xf32, #tpu.memory_space<vmem>> -> memref<1x4096xf32, #tpu.memory_space<vmem>>
    %dma_start3A_2145 = tpu.memref_squeeze %dma_start3A_2144 : memref<1x4096xf32, #tpu.memory_space<vmem>> -> memref<4096xf32, #tpu.memory_space<vmem>>
    tpu.enqueue_dma source(%dma_start3A_2145 : memref<4096xf32, #tpu.memory_space<vmem>>) target(%dma_start3A_2142 : memref<4096xf32, #tpu.memory_space<hbm>>) target_semaphore(%arg8 : memref<!tpu.dma_semaphore, #tpu.memory_space<semaphore_mem>>)
    %add3A_2146 = arith.constant 7 : i32
    %add3A_2147 = arith.addi %mul3A_2, %add3A_2146 : i32
    %jit3A_2148 = arith.constant 32 : i32
    %div3A_2149 = arith.divsi %add3A_2147, %jit3A_2148 : i32
    %sign3A_2150 = arith.constant 0 : i32
    %sign3A_2151 = arith.cmpi sgt, %add3A_2147, %sign3A_2150 : i32
    %sign3A_2152 = arith.extui %sign3A_2151 : i1 to i32
    %sign3A_2153 = arith.constant 0 : i32
    %sign3A_2154 = arith.cmpi slt, %add3A_2147, %sign3A_2153 : i32
    %sign3A_2155 = arith.extui %sign3A_2154 : i1 to i32
    %sign3A_2156 = arith.subi %sign3A_2152, %sign3A_2155 : i32
    %sign3A_2157 = arith.constant 0 : i32
    %sign3A_2158 = arith.cmpi sgt, %jit3A_2148, %sign3A_2157 : i32
    %sign3A_2159 = arith.extui %sign3A_2158 : i1 to i32
    %sign3A_2160 = arith.constant 0 : i32
    %sign3A_2161 = arith.cmpi slt, %jit3A_2148, %sign3A_2160 : i32
    %sign3A_2162 = arith.extui %sign3A_2161 : i1 to i32
    %sign3A_2163 = arith.subi %sign3A_2159, %sign3A_2162 : i32
    %ne3A_2164 = arith.cmpi ne, %sign3A_2156, %sign3A_2163 : i32
    %rem3A_2165 = arith.remsi %add3A_2147, %jit3A_2148 : i32
    %ne3A_2166 = arith.constant 0 : i32
    %ne3A_2167 = arith.cmpi ne, %rem3A_2165, %ne3A_2166 : i32
    %and3A_2168 = arith.andi %ne3A_2164, %ne3A_2167 : i1
    %sub3A_2169 = arith.constant 1 : i32
    %sub3A_2170 = arith.subi %div3A_2149, %sub3A_2169 : i32
    %select_n3A_2171 = arith.select %and3A_2168, %sub3A_2170, %div3A_2149 : i32
    %jit3A_2172 = arith.constant 32 : i32
    %eq3A_2173 = arith.constant 0 : i32
    %eq3A_2174 = arith.cmpi eq, %jit3A_2172, %eq3A_2173 : i32
    %jit3A_2175 = arith.constant 1 : i32
    %select_n3A_2176 = arith.select %eq3A_2174, %jit3A_2175, %jit3A_2172 : i32
    %rem3A_2177 = arith.remsi %add3A_2147, %select_n3A_2176 : i32
    %ne3A_2178 = arith.constant 0 : i32
    %ne3A_2179 = arith.cmpi ne, %rem3A_2177, %ne3A_2178 : i32
    %lt3A_2180 = arith.constant 0 : i32
    %lt3A_2181 = arith.cmpi slt, %rem3A_2177, %lt3A_2180 : i32
    %lt3A_2182 = arith.constant 0 : i32
    %lt3A_2183 = arith.cmpi slt, %select_n3A_2176, %lt3A_2182 : i32
    %ne3A_2184 = arith.xori %lt3A_2181, %lt3A_2183 : i1
    %and3A_2185 = arith.andi %ne3A_2184, %ne3A_2179 : i1
    %add3A_2186 = arith.addi %rem3A_2177, %select_n3A_2176 : i32
    %select_n3A_2187 = arith.select %and3A_2185, %add3A_2186, %rem3A_2177 : i32
    %dma_start3A_2188 = arith.constant 7 : i32
    %dma_start3A_2189 = arith.constant 0 : i32
    %dma_start3A_2190 = tpu.memref_slice %arg6[%dma_start3A_2188, %dma_start3A_2189] : memref<26x4096xf32, #tpu.memory_space<vmem>> -> memref<1x4096xf32, #tpu.memory_space<vmem>>
    %dma_start3A_2191 = tpu.memref_squeeze %dma_start3A_2190 : memref<1x4096xf32, #tpu.memory_space<vmem>> -> memref<4096xf32, #tpu.memory_space<vmem>>
    %dma_start3A_2192 = arith.constant 0 : i32
    %dma_start3A_2193 = tpu.memref_slice %arg4[%select_n3A_2171, %select_n3A_2187, %dma_start3A_2192] : memref<26x32x4096xf32, #tpu.memory_space<hbm>> -> memref<1x1x4096xf32, #tpu.memory_space<hbm>>
    %dma_start3A_2194 = tpu.memref_squeeze %dma_start3A_2193 : memref<1x1x4096xf32, #tpu.memory_space<hbm>> -> memref<4096xf32, #tpu.memory_space<hbm>>
    %dma_start3A_2195 = arith.constant 0 : i32
    %dma_start3A_2196 = tpu.memref_slice %arg4[%select_n3A_2171, %select_n3A_2187, %dma_start3A_2195] : memref<26x32x4096xf32, #tpu.memory_space<hbm>> -> memref<1x1x4096xf32, #tpu.memory_space<hbm>>
    %dma_start3A_2197 = tpu.memref_squeeze %dma_start3A_2196 : memref<1x1x4096xf32, #tpu.memory_space<hbm>> -> memref<4096xf32, #tpu.memory_space<hbm>>
    %dma_start3A_2198 = arith.constant 0 : i32
    %dma_start3A_2199 = tpu.memref_slice %arg6[%dma_start3A_2188, %dma_start3A_2198] : memref<26x4096xf32, #tpu.memory_space<vmem>> -> memref<1x4096xf32, #tpu.memory_space<vmem>>
    %dma_start3A_2200 = tpu.memref_squeeze %dma_start3A_2199 : memref<1x4096xf32, #tpu.memory_space<vmem>> -> memref<4096xf32, #tpu.memory_space<vmem>>
    tpu.enqueue_dma source(%dma_start3A_2200 : memref<4096xf32, #tpu.memory_space<vmem>>) target(%dma_start3A_2197 : memref<4096xf32, #tpu.memory_space<hbm>>) target_semaphore(%arg8 : memref<!tpu.dma_semaphore, #tpu.memory_space<semaphore_mem>>)
    %add3A_2201 = arith.constant 8 : i32
    %add3A_2202 = arith.addi %mul3A_2, %add3A_2201 : i32
    %jit3A_2203 = arith.constant 32 : i32
    %div3A_2204 = arith.divsi %add3A_2202, %jit3A_2203 : i32
    %sign3A_2205 = arith.constant 0 : i32
    %sign3A_2206 = arith.cmpi sgt, %add3A_2202, %sign3A_2205 : i32
    %sign3A_2207 = arith.extui %sign3A_2206 : i1 to i32
    %sign3A_2208 = arith.constant 0 : i32
    %sign3A_2209 = arith.cmpi slt, %add3A_2202, %sign3A_2208 : i32
    %sign3A_2210 = arith.extui %sign3A_2209 : i1 to i32
    %sign3A_2211 = arith.subi %sign3A_2207, %sign3A_2210 : i32
    %sign3A_2212 = arith.constant 0 : i32
    %sign3A_2213 = arith.cmpi sgt, %jit3A_2203, %sign3A_2212 : i32
    %sign3A_2214 = arith.extui %sign3A_2213 : i1 to i32
    %sign3A_2215 = arith.constant 0 : i32
    %sign3A_2216 = arith.cmpi slt, %jit3A_2203, %sign3A_2215 : i32
    %sign3A_2217 = arith.extui %sign3A_2216 : i1 to i32
    %sign3A_2218 = arith.subi %sign3A_2214, %sign3A_2217 : i32
    %ne3A_2219 = arith.cmpi ne, %sign3A_2211, %sign3A_2218 : i32
    %rem3A_2220 = arith.remsi %add3A_2202, %jit3A_2203 : i32
    %ne3A_2221 = arith.constant 0 : i32
    %ne3A_2222 = arith.cmpi ne, %rem3A_2220, %ne3A_2221 : i32
    %and3A_2223 = arith.andi %ne3A_2219, %ne3A_2222 : i1
    %sub3A_2224 = arith.constant 1 : i32
    %sub3A_2225 = arith.subi %div3A_2204, %sub3A_2224 : i32
    %select_n3A_2226 = arith.select %and3A_2223, %sub3A_2225, %div3A_2204 : i32
    %jit3A_2227 = arith.constant 32 : i32
    %eq3A_2228 = arith.constant 0 : i32
    %eq3A_2229 = arith.cmpi eq, %jit3A_2227, %eq3A_2228 : i32
    %jit3A_2230 = arith.constant 1 : i32
    %select_n3A_2231 = arith.select %eq3A_2229, %jit3A_2230, %jit3A_2227 : i32
    %rem3A_2232 = arith.remsi %add3A_2202, %select_n3A_2231 : i32
    %ne3A_2233 = arith.constant 0 : i32
    %ne3A_2234 = arith.cmpi ne, %rem3A_2232, %ne3A_2233 : i32
    %lt3A_2235 = arith.constant 0 : i32
    %lt3A_2236 = arith.cmpi slt, %rem3A_2232, %lt3A_2235 : i32
    %lt3A_2237 = arith.constant 0 : i32
    %lt3A_2238 = arith.cmpi slt, %select_n3A_2231, %lt3A_2237 : i32
    %ne3A_2239 = arith.xori %lt3A_2236, %lt3A_2238 : i1
    %and3A_2240 = arith.andi %ne3A_2239, %ne3A_2234 : i1
    %add3A_2241 = arith.addi %rem3A_2232, %select_n3A_2231 : i32
    %select_n3A_2242 = arith.select %and3A_2240, %add3A_2241, %rem3A_2232 : i32
    %dma_start3A_2243 = arith.constant 8 : i32
    %dma_start3A_2244 = arith.constant 0 : i32
    %dma_start3A_2245 = tpu.memref_slice %arg6[%dma_start3A_2243, %dma_start3A_2244] : memref<26x4096xf32, #tpu.memory_space<vmem>> -> memref<1x4096xf32, #tpu.memory_space<vmem>>
    %dma_start3A_2246 = tpu.memref_squeeze %dma_start3A_2245 : memref<1x4096xf32, #tpu.memory_space<vmem>> -> memref<4096xf32, #tpu.memory_space<vmem>>
    %dma_start3A_2247 = arith.constant 0 : i32
    %dma_start3A_2248 = tpu.memref_slice %arg4[%select_n3A_2226, %select_n3A_2242, %dma_start3A_2247] : memref<26x32x4096xf32, #tpu.memory_space<hbm>> -> memref<1x1x4096xf32, #tpu.memory_space<hbm>>
    %dma_start3A_2249 = tpu.memref_squeeze %dma_start3A_2248 : memref<1x1x4096xf32, #tpu.memory_space<hbm>> -> memref<4096xf32, #tpu.memory_space<hbm>>
    %dma_start3A_2250 = arith.constant 0 : i32
    %dma_start3A_2251 = tpu.memref_slice %arg4[%select_n3A_2226, %select_n3A_2242, %dma_start3A_2250] : memref<26x32x4096xf32, #tpu.memory_space<hbm>> -> memref<1x1x4096xf32, #tpu.memory_space<hbm>>
    %dma_start3A_2252 = tpu.memref_squeeze %dma_start3A_2251 : memref<1x1x4096xf32, #tpu.memory_space<hbm>> -> memref<4096xf32, #tpu.memory_space<hbm>>
    %dma_start3A_2253 = arith.constant 0 : i32
    %dma_start3A_2254 = tpu.memref_slice %arg6[%dma_start3A_2243, %dma_start3A_2253] : memref<26x4096xf32, #tpu.memory_space<vmem>> -> memref<1x4096xf32, #tpu.memory_space<vmem>>
    %dma_start3A_2255 = tpu.memref_squeeze %dma_start3A_2254 : memref<1x4096xf32, #tpu.memory_space<vmem>> -> memref<4096xf32, #tpu.memory_space<vmem>>
    tpu.enqueue_dma source(%dma_start3A_2255 : memref<4096xf32, #tpu.memory_space<vmem>>) target(%dma_start3A_2252 : memref<4096xf32, #tpu.memory_space<hbm>>) target_semaphore(%arg8 : memref<!tpu.dma_semaphore, #tpu.memory_space<semaphore_mem>>)
    %add3A_2256 = arith.constant 9 : i32
    %add3A_2257 = arith.addi %mul3A_2, %add3A_2256 : i32
    %jit3A_2258 = arith.constant 32 : i32
    %div3A_2259 = arith.divsi %add3A_2257, %jit3A_2258 : i32
    %sign3A_2260 = arith.constant 0 : i32
    %sign3A_2261 = arith.cmpi sgt, %add3A_2257, %sign3A_2260 : i32
    %sign3A_2262 = arith.extui %sign3A_2261 : i1 to i32
    %sign3A_2263 = arith.constant 0 : i32
    %sign3A_2264 = arith.cmpi slt, %add3A_2257, %sign3A_2263 : i32
    %sign3A_2265 = arith.extui %sign3A_2264 : i1 to i32
    %sign3A_2266 = arith.subi %sign3A_2262, %sign3A_2265 : i32
    %sign3A_2267 = arith.constant 0 : i32
    %sign3A_2268 = arith.cmpi sgt, %jit3A_2258, %sign3A_2267 : i32
    %sign3A_2269 = arith.extui %sign3A_2268 : i1 to i32
    %sign3A_2270 = arith.constant 0 : i32
    %sign3A_2271 = arith.cmpi slt, %jit3A_2258, %sign3A_2270 : i32
    %sign3A_2272 = arith.extui %sign3A_2271 : i1 to i32
    %sign3A_2273 = arith.subi %sign3A_2269, %sign3A_2272 : i32
    %ne3A_2274 = arith.cmpi ne, %sign3A_2266, %sign3A_2273 : i32
    %rem3A_2275 = arith.remsi %add3A_2257, %jit3A_2258 : i32
    %ne3A_2276 = arith.constant 0 : i32
    %ne3A_2277 = arith.cmpi ne, %rem3A_2275, %ne3A_2276 : i32
    %and3A_2278 = arith.andi %ne3A_2274, %ne3A_2277 : i1
    %sub3A_2279 = arith.constant 1 : i32
    %sub3A_2280 = arith.subi %div3A_2259, %sub3A_2279 : i32
    %select_n3A_2281 = arith.select %and3A_2278, %sub3A_2280, %div3A_2259 : i32
    %jit3A_2282 = arith.constant 32 : i32
    %eq3A_2283 = arith.constant 0 : i32
    %eq3A_2284 = arith.cmpi eq, %jit3A_2282, %eq3A_2283 : i32
    %jit3A_2285 = arith.constant 1 : i32
    %select_n3A_2286 = arith.select %eq3A_2284, %jit3A_2285, %jit3A_2282 : i32
    %rem3A_2287 = arith.remsi %add3A_2257, %select_n3A_2286 : i32
    %ne3A_2288 = arith.constant 0 : i32
    %ne3A_2289 = arith.cmpi ne, %rem3A_2287, %ne3A_2288 : i32
    %lt3A_2290 = arith.constant 0 : i32
    %lt3A_2291 = arith.cmpi slt, %rem3A_2287, %lt3A_2290 : i32
    %lt3A_2292 = arith.constant 0 : i32
    %lt3A_2293 = arith.cmpi slt, %select_n3A_2286, %lt3A_2292 : i32
    %ne3A_2294 = arith.xori %lt3A_2291, %lt3A_2293 : i1
    %and3A_2295 = arith.andi %ne3A_2294, %ne3A_2289 : i1
    %add3A_2296 = arith.addi %rem3A_2287, %select_n3A_2286 : i32
    %select_n3A_2297 = arith.select %and3A_2295, %add3A_2296, %rem3A_2287 : i32
    %dma_start3A_2298 = arith.constant 9 : i32
    %dma_start3A_2299 = arith.constant 0 : i32
    %dma_start3A_2300 = tpu.memref_slice %arg6[%dma_start3A_2298, %dma_start3A_2299] : memref<26x4096xf32, #tpu.memory_space<vmem>> -> memref<1x4096xf32, #tpu.memory_space<vmem>>
    %dma_start3A_2301 = tpu.memref_squeeze %dma_start3A_2300 : memref<1x4096xf32, #tpu.memory_space<vmem>> -> memref<4096xf32, #tpu.memory_space<vmem>>
    %dma_start3A_2302 = arith.constant 0 : i32
    %dma_start3A_2303 = tpu.memref_slice %arg4[%select_n3A_2281, %select_n3A_2297, %dma_start3A_2302] : memref<26x32x4096xf32, #tpu.memory_space<hbm>> -> memref<1x1x4096xf32, #tpu.memory_space<hbm>>
    %dma_start3A_2304 = tpu.memref_squeeze %dma_start3A_2303 : memref<1x1x4096xf32, #tpu.memory_space<hbm>> -> memref<4096xf32, #tpu.memory_space<hbm>>
    %dma_start3A_2305 = arith.constant 0 : i32
    %dma_start3A_2306 = tpu.memref_slice %arg4[%select_n3A_2281, %select_n3A_2297, %dma_start3A_2305] : memref<26x32x4096xf32, #tpu.memory_space<hbm>> -> memref<1x1x4096xf32, #tpu.memory_space<hbm>>
    %dma_start3A_2307 = tpu.memref_squeeze %dma_start3A_2306 : memref<1x1x4096xf32, #tpu.memory_space<hbm>> -> memref<4096xf32, #tpu.memory_space<hbm>>
    %dma_start3A_2308 = arith.constant 0 : i32
    %dma_start3A_2309 = tpu.memref_slice %arg6[%dma_start3A_2298, %dma_start3A_2308] : memref<26x4096xf32, #tpu.memory_space<vmem>> -> memref<1x4096xf32, #tpu.memory_space<vmem>>
    %dma_start3A_2310 = tpu.memref_squeeze %dma_start3A_2309 : memref<1x4096xf32, #tpu.memory_space<vmem>> -> memref<4096xf32, #tpu.memory_space<vmem>>
    tpu.enqueue_dma source(%dma_start3A_2310 : memref<4096xf32, #tpu.memory_space<vmem>>) target(%dma_start3A_2307 : memref<4096xf32, #tpu.memory_space<hbm>>) target_semaphore(%arg8 : memref<!tpu.dma_semaphore, #tpu.memory_space<semaphore_mem>>)
    %add3A_2311 = arith.constant 10 : i32
    %add3A_2312 = arith.addi %mul3A_2, %add3A_2311 : i32
    %jit3A_2313 = arith.constant 32 : i32
    %div3A_2314 = arith.divsi %add3A_2312, %jit3A_2313 : i32
    %sign3A_2315 = arith.constant 0 : i32
    %sign3A_2316 = arith.cmpi sgt, %add3A_2312, %sign3A_2315 : i32
    %sign3A_2317 = arith.extui %sign3A_2316 : i1 to i32
    %sign3A_2318 = arith.constant 0 : i32
    %sign3A_2319 = arith.cmpi slt, %add3A_2312, %sign3A_2318 : i32
    %sign3A_2320 = arith.extui %sign3A_2319 : i1 to i32
    %sign3A_2321 = arith.subi %sign3A_2317, %sign3A_2320 : i32
    %sign3A_2322 = arith.constant 0 : i32
    %sign3A_2323 = arith.cmpi sgt, %jit3A_2313, %sign3A_2322 : i32
    %sign3A_2324 = arith.extui %sign3A_2323 : i1 to i32
    %sign3A_2325 = arith.constant 0 : i32
    %sign3A_2326 = arith.cmpi slt, %jit3A_2313, %sign3A_2325 : i32
    %sign3A_2327 = arith.extui %sign3A_2326 : i1 to i32
    %sign3A_2328 = arith.subi %sign3A_2324, %sign3A_2327 : i32
    %ne3A_2329 = arith.cmpi ne, %sign3A_2321, %sign3A_2328 : i32
    %rem3A_2330 = arith.remsi %add3A_2312, %jit3A_2313 : i32
    %ne3A_2331 = arith.constant 0 : i32
    %ne3A_2332 = arith.cmpi ne, %rem3A_2330, %ne3A_2331 : i32
    %and3A_2333 = arith.andi %ne3A_2329, %ne3A_2332 : i1
    %sub3A_2334 = arith.constant 1 : i32
    %sub3A_2335 = arith.subi %div3A_2314, %sub3A_2334 : i32
    %select_n3A_2336 = arith.select %and3A_2333, %sub3A_2335, %div3A_2314 : i32
    %jit3A_2337 = arith.constant 32 : i32
    %eq3A_2338 = arith.constant 0 : i32
    %eq3A_2339 = arith.cmpi eq, %jit3A_2337, %eq3A_2338 : i32
    %jit3A_2340 = arith.constant 1 : i32
    %select_n3A_2341 = arith.select %eq3A_2339, %jit3A_2340, %jit3A_2337 : i32
    %rem3A_2342 = arith.remsi %add3A_2312, %select_n3A_2341 : i32
    %ne3A_2343 = arith.constant 0 : i32
    %ne3A_2344 = arith.cmpi ne, %rem3A_2342, %ne3A_2343 : i32
    %lt3A_2345 = arith.constant 0 : i32
    %lt3A_2346 = arith.cmpi slt, %rem3A_2342, %lt3A_2345 : i32
    %lt3A_2347 = arith.constant 0 : i32
    %lt3A_2348 = arith.cmpi slt, %select_n3A_2341, %lt3A_2347 : i32
    %ne3A_2349 = arith.xori %lt3A_2346, %lt3A_2348 : i1
    %and3A_2350 = arith.andi %ne3A_2349, %ne3A_2344 : i1
    %add3A_2351 = arith.addi %rem3A_2342, %select_n3A_2341 : i32
    %select_n3A_2352 = arith.select %and3A_2350, %add3A_2351, %rem3A_2342 : i32
    %dma_start3A_2353 = arith.constant 10 : i32
    %dma_start3A_2354 = arith.constant 0 : i32
    %dma_start3A_2355 = tpu.memref_slice %arg6[%dma_start3A_2353, %dma_start3A_2354] : memref<26x4096xf32, #tpu.memory_space<vmem>> -> memref<1x4096xf32, #tpu.memory_space<vmem>>
    %dma_start3A_2356 = tpu.memref_squeeze %dma_start3A_2355 : memref<1x4096xf32, #tpu.memory_space<vmem>> -> memref<4096xf32, #tpu.memory_space<vmem>>
    %dma_start3A_2357 = arith.constant 0 : i32
    %dma_start3A_2358 = tpu.memref_slice %arg4[%select_n3A_2336, %select_n3A_2352, %dma_start3A_2357] : memref<26x32x4096xf32, #tpu.memory_space<hbm>> -> memref<1x1x4096xf32, #tpu.memory_space<hbm>>
    %dma_start3A_2359 = tpu.memref_squeeze %dma_start3A_2358 : memref<1x1x4096xf32, #tpu.memory_space<hbm>> -> memref<4096xf32, #tpu.memory_space<hbm>>
    %dma_start3A_2360 = arith.constant 0 : i32
    %dma_start3A_2361 = tpu.memref_slice %arg4[%select_n3A_2336, %select_n3A_2352, %dma_start3A_2360] : memref<26x32x4096xf32, #tpu.memory_space<hbm>> -> memref<1x1x4096xf32, #tpu.memory_space<hbm>>
    %dma_start3A_2362 = tpu.memref_squeeze %dma_start3A_2361 : memref<1x1x4096xf32, #tpu.memory_space<hbm>> -> memref<4096xf32, #tpu.memory_space<hbm>>
    %dma_start3A_2363 = arith.constant 0 : i32
    %dma_start3A_2364 = tpu.memref_slice %arg6[%dma_start3A_2353, %dma_start3A_2363] : memref<26x4096xf32, #tpu.memory_space<vmem>> -> memref<1x4096xf32, #tpu.memory_space<vmem>>
    %dma_start3A_2365 = tpu.memref_squeeze %dma_start3A_2364 : memref<1x4096xf32, #tpu.memory_space<vmem>> -> memref<4096xf32, #tpu.memory_space<vmem>>
    tpu.enqueue_dma source(%dma_start3A_2365 : memref<4096xf32, #tpu.memory_space<vmem>>) target(%dma_start3A_2362 : memref<4096xf32, #tpu.memory_space<hbm>>) target_semaphore(%arg8 : memref<!tpu.dma_semaphore, #tpu.memory_space<semaphore_mem>>)
    %add3A_2366 = arith.constant 11 : i32
    %add3A_2367 = arith.addi %mul3A_2, %add3A_2366 : i32
    %jit3A_2368 = arith.constant 32 : i32
    %div3A_2369 = arith.divsi %add3A_2367, %jit3A_2368 : i32
    %sign3A_2370 = arith.constant 0 : i32
    %sign3A_2371 = arith.cmpi sgt, %add3A_2367, %sign3A_2370 : i32
    %sign3A_2372 = arith.extui %sign3A_2371 : i1 to i32
    %sign3A_2373 = arith.constant 0 : i32
    %sign3A_2374 = arith.cmpi slt, %add3A_2367, %sign3A_2373 : i32
    %sign3A_2375 = arith.extui %sign3A_2374 : i1 to i32
    %sign3A_2376 = arith.subi %sign3A_2372, %sign3A_2375 : i32
    %sign3A_2377 = arith.constant 0 : i32
    %sign3A_2378 = arith.cmpi sgt, %jit3A_2368, %sign3A_2377 : i32
    %sign3A_2379 = arith.extui %sign3A_2378 : i1 to i32
    %sign3A_2380 = arith.constant 0 : i32
    %sign3A_2381 = arith.cmpi slt, %jit3A_2368, %sign3A_2380 : i32
    %sign3A_2382 = arith.extui %sign3A_2381 : i1 to i32
    %sign3A_2383 = arith.subi %sign3A_2379, %sign3A_2382 : i32
    %ne3A_2384 = arith.cmpi ne, %sign3A_2376, %sign3A_2383 : i32
    %rem3A_2385 = arith.remsi %add3A_2367, %jit3A_2368 : i32
    %ne3A_2386 = arith.constant 0 : i32
    %ne3A_2387 = arith.cmpi ne, %rem3A_2385, %ne3A_2386 : i32
    %and3A_2388 = arith.andi %ne3A_2384, %ne3A_2387 : i1
    %sub3A_2389 = arith.constant 1 : i32
    %sub3A_2390 = arith.subi %div3A_2369, %sub3A_2389 : i32
    %select_n3A_2391 = arith.select %and3A_2388, %sub3A_2390, %div3A_2369 : i32
    %jit3A_2392 = arith.constant 32 : i32
    %eq3A_2393 = arith.constant 0 : i32
    %eq3A_2394 = arith.cmpi eq, %jit3A_2392, %eq3A_2393 : i32
    %jit3A_2395 = arith.constant 1 : i32
    %select_n3A_2396 = arith.select %eq3A_2394, %jit3A_2395, %jit3A_2392 : i32
    %rem3A_2397 = arith.remsi %add3A_2367, %select_n3A_2396 : i32
    %ne3A_2398 = arith.constant 0 : i32
    %ne3A_2399 = arith.cmpi ne, %rem3A_2397, %ne3A_2398 : i32
    %lt3A_2400 = arith.constant 0 : i32
    %lt3A_2401 = arith.cmpi slt, %rem3A_2397, %lt3A_2400 : i32
    %lt3A_2402 = arith.constant 0 : i32
    %lt3A_2403 = arith.cmpi slt, %select_n3A_2396, %lt3A_2402 : i32
    %ne3A_2404 = arith.xori %lt3A_2401, %lt3A_2403 : i1
    %and3A_2405 = arith.andi %ne3A_2404, %ne3A_2399 : i1
    %add3A_2406 = arith.addi %rem3A_2397, %select_n3A_2396 : i32
    %select_n3A_2407 = arith.select %and3A_2405, %add3A_2406, %rem3A_2397 : i32
    %dma_start3A_2408 = arith.constant 11 : i32
    %dma_start3A_2409 = arith.constant 0 : i32
    %dma_start3A_2410 = tpu.memref_slice %arg6[%dma_start3A_2408, %dma_start3A_2409] : memref<26x4096xf32, #tpu.memory_space<vmem>> -> memref<1x4096xf32, #tpu.memory_space<vmem>>
    %dma_start3A_2411 = tpu.memref_squeeze %dma_start3A_2410 : memref<1x4096xf32, #tpu.memory_space<vmem>> -> memref<4096xf32, #tpu.memory_space<vmem>>
    %dma_start3A_2412 = arith.constant 0 : i32
    %dma_start3A_2413 = tpu.memref_slice %arg4[%select_n3A_2391, %select_n3A_2407, %dma_start3A_2412] : memref<26x32x4096xf32, #tpu.memory_space<hbm>> -> memref<1x1x4096xf32, #tpu.memory_space<hbm>>
    %dma_start3A_2414 = tpu.memref_squeeze %dma_start3A_2413 : memref<1x1x4096xf32, #tpu.memory_space<hbm>> -> memref<4096xf32, #tpu.memory_space<hbm>>
    %dma_start3A_2415 = arith.constant 0 : i32
    %dma_start3A_2416 = tpu.memref_slice %arg4[%select_n3A_2391, %select_n3A_2407, %dma_start3A_2415] : memref<26x32x4096xf32, #tpu.memory_space<hbm>> -> memref<1x1x4096xf32, #tpu.memory_space<hbm>>
    %dma_start3A_2417 = tpu.memref_squeeze %dma_start3A_2416 : memref<1x1x4096xf32, #tpu.memory_space<hbm>> -> memref<4096xf32, #tpu.memory_space<hbm>>
    %dma_start3A_2418 = arith.constant 0 : i32
    %dma_start3A_2419 = tpu.memref_slice %arg6[%dma_start3A_2408, %dma_start3A_2418] : memref<26x4096xf32, #tpu.memory_space<vmem>> -> memref<1x4096xf32, #tpu.memory_space<vmem>>
    %dma_start3A_2420 = tpu.memref_squeeze %dma_start3A_2419 : memref<1x4096xf32, #tpu.memory_space<vmem>> -> memref<4096xf32, #tpu.memory_space<vmem>>
    tpu.enqueue_dma source(%dma_start3A_2420 : memref<4096xf32, #tpu.memory_space<vmem>>) target(%dma_start3A_2417 : memref<4096xf32, #tpu.memory_space<hbm>>) target_semaphore(%arg8 : memref<!tpu.dma_semaphore, #tpu.memory_space<semaphore_mem>>)
    %add3A_2421 = arith.constant 12 : i32
    %add3A_2422 = arith.addi %mul3A_2, %add3A_2421 : i32
    %jit3A_2423 = arith.constant 32 : i32
    %div3A_2424 = arith.divsi %add3A_2422, %jit3A_2423 : i32
    %sign3A_2425 = arith.constant 0 : i32
    %sign3A_2426 = arith.cmpi sgt, %add3A_2422, %sign3A_2425 : i32
    %sign3A_2427 = arith.extui %sign3A_2426 : i1 to i32
    %sign3A_2428 = arith.constant 0 : i32
    %sign3A_2429 = arith.cmpi slt, %add3A_2422, %sign3A_2428 : i32
    %sign3A_2430 = arith.extui %sign3A_2429 : i1 to i32
    %sign3A_2431 = arith.subi %sign3A_2427, %sign3A_2430 : i32
    %sign3A_2432 = arith.constant 0 : i32
    %sign3A_2433 = arith.cmpi sgt, %jit3A_2423, %sign3A_2432 : i32
    %sign3A_2434 = arith.extui %sign3A_2433 : i1 to i32
    %sign3A_2435 = arith.constant 0 : i32
    %sign3A_2436 = arith.cmpi slt, %jit3A_2423, %sign3A_2435 : i32
    %sign3A_2437 = arith.extui %sign3A_2436 : i1 to i32
    %sign3A_2438 = arith.subi %sign3A_2434, %sign3A_2437 : i32
    %ne3A_2439 = arith.cmpi ne, %sign3A_2431, %sign3A_2438 : i32
    %rem3A_2440 = arith.remsi %add3A_2422, %jit3A_2423 : i32
    %ne3A_2441 = arith.constant 0 : i32
    %ne3A_2442 = arith.cmpi ne, %rem3A_2440, %ne3A_2441 : i32
    %and3A_2443 = arith.andi %ne3A_2439, %ne3A_2442 : i1
    %sub3A_2444 = arith.constant 1 : i32
    %sub3A_2445 = arith.subi %div3A_2424, %sub3A_2444 : i32
    %select_n3A_2446 = arith.select %and3A_2443, %sub3A_2445, %div3A_2424 : i32
    %jit3A_2447 = arith.constant 32 : i32
    %eq3A_2448 = arith.constant 0 : i32
    %eq3A_2449 = arith.cmpi eq, %jit3A_2447, %eq3A_2448 : i32
    %jit3A_2450 = arith.constant 1 : i32
    %select_n3A_2451 = arith.select %eq3A_2449, %jit3A_2450, %jit3A_2447 : i32
    %rem3A_2452 = arith.remsi %add3A_2422, %select_n3A_2451 : i32
    %ne3A_2453 = arith.constant 0 : i32
    %ne3A_2454 = arith.cmpi ne, %rem3A_2452, %ne3A_2453 : i32
    %lt3A_2455 = arith.constant 0 : i32
    %lt3A_2456 = arith.cmpi slt, %rem3A_2452, %lt3A_2455 : i32
    %lt3A_2457 = arith.constant 0 : i32
    %lt3A_2458 = arith.cmpi slt, %select_n3A_2451, %lt3A_2457 : i32
    %ne3A_2459 = arith.xori %lt3A_2456, %lt3A_2458 : i1
    %and3A_2460 = arith.andi %ne3A_2459, %ne3A_2454 : i1
    %add3A_2461 = arith.addi %rem3A_2452, %select_n3A_2451 : i32
    %select_n3A_2462 = arith.select %and3A_2460, %add3A_2461, %rem3A_2452 : i32
    %dma_start3A_2463 = arith.constant 12 : i32
    %dma_start3A_2464 = arith.constant 0 : i32
    %dma_start3A_2465 = tpu.memref_slice %arg6[%dma_start3A_2463, %dma_start3A_2464] : memref<26x4096xf32, #tpu.memory_space<vmem>> -> memref<1x4096xf32, #tpu.memory_space<vmem>>
    %dma_start3A_2466 = tpu.memref_squeeze %dma_start3A_2465 : memref<1x4096xf32, #tpu.memory_space<vmem>> -> memref<4096xf32, #tpu.memory_space<vmem>>
    %dma_start3A_2467 = arith.constant 0 : i32
    %dma_start3A_2468 = tpu.memref_slice %arg4[%select_n3A_2446, %select_n3A_2462, %dma_start3A_2467] : memref<26x32x4096xf32, #tpu.memory_space<hbm>> -> memref<1x1x4096xf32, #tpu.memory_space<hbm>>
    %dma_start3A_2469 = tpu.memref_squeeze %dma_start3A_2468 : memref<1x1x4096xf32, #tpu.memory_space<hbm>> -> memref<4096xf32, #tpu.memory_space<hbm>>
    %dma_start3A_2470 = arith.constant 0 : i32
    %dma_start3A_2471 = tpu.memref_slice %arg4[%select_n3A_2446, %select_n3A_2462, %dma_start3A_2470] : memref<26x32x4096xf32, #tpu.memory_space<hbm>> -> memref<1x1x4096xf32, #tpu.memory_space<hbm>>
    %dma_start3A_2472 = tpu.memref_squeeze %dma_start3A_2471 : memref<1x1x4096xf32, #tpu.memory_space<hbm>> -> memref<4096xf32, #tpu.memory_space<hbm>>
    %dma_start3A_2473 = arith.constant 0 : i32
    %dma_start3A_2474 = tpu.memref_slice %arg6[%dma_start3A_2463, %dma_start3A_2473] : memref<26x4096xf32, #tpu.memory_space<vmem>> -> memref<1x4096xf32, #tpu.memory_space<vmem>>
    %dma_start3A_2475 = tpu.memref_squeeze %dma_start3A_2474 : memref<1x4096xf32, #tpu.memory_space<vmem>> -> memref<4096xf32, #tpu.memory_space<vmem>>
    tpu.enqueue_dma source(%dma_start3A_2475 : memref<4096xf32, #tpu.memory_space<vmem>>) target(%dma_start3A_2472 : memref<4096xf32, #tpu.memory_space<hbm>>) target_semaphore(%arg8 : memref<!tpu.dma_semaphore, #tpu.memory_space<semaphore_mem>>)
    %add3A_2476 = arith.constant 13 : i32
    %add3A_2477 = arith.addi %mul3A_2, %add3A_2476 : i32
    %jit3A_2478 = arith.constant 32 : i32
    %div3A_2479 = arith.divsi %add3A_2477, %jit3A_2478 : i32
    %sign3A_2480 = arith.constant 0 : i32
    %sign3A_2481 = arith.cmpi sgt, %add3A_2477, %sign3A_2480 : i32
    %sign3A_2482 = arith.extui %sign3A_2481 : i1 to i32
    %sign3A_2483 = arith.constant 0 : i32
    %sign3A_2484 = arith.cmpi slt, %add3A_2477, %sign3A_2483 : i32
    %sign3A_2485 = arith.extui %sign3A_2484 : i1 to i32
    %sign3A_2486 = arith.subi %sign3A_2482, %sign3A_2485 : i32
    %sign3A_2487 = arith.constant 0 : i32
    %sign3A_2488 = arith.cmpi sgt, %jit3A_2478, %sign3A_2487 : i32
    %sign3A_2489 = arith.extui %sign3A_2488 : i1 to i32
    %sign3A_2490 = arith.constant 0 : i32
    %sign3A_2491 = arith.cmpi slt, %jit3A_2478, %sign3A_2490 : i32
    %sign3A_2492 = arith.extui %sign3A_2491 : i1 to i32
    %sign3A_2493 = arith.subi %sign3A_2489, %sign3A_2492 : i32
    %ne3A_2494 = arith.cmpi ne, %sign3A_2486, %sign3A_2493 : i32
    %rem3A_2495 = arith.remsi %add3A_2477, %jit3A_2478 : i32
    %ne3A_2496 = arith.constant 0 : i32
    %ne3A_2497 = arith.cmpi ne, %rem3A_2495, %ne3A_2496 : i32
    %and3A_2498 = arith.andi %ne3A_2494, %ne3A_2497 : i1
    %sub3A_2499 = arith.constant 1 : i32
    %sub3A_2500 = arith.subi %div3A_2479, %sub3A_2499 : i32
    %select_n3A_2501 = arith.select %and3A_2498, %sub3A_2500, %div3A_2479 : i32
    %jit3A_2502 = arith.constant 32 : i32
    %eq3A_2503 = arith.constant 0 : i32
    %eq3A_2504 = arith.cmpi eq, %jit3A_2502, %eq3A_2503 : i32
    %jit3A_2505 = arith.constant 1 : i32
    %select_n3A_2506 = arith.select %eq3A_2504, %jit3A_2505, %jit3A_2502 : i32
    %rem3A_2507 = arith.remsi %add3A_2477, %select_n3A_2506 : i32
    %ne3A_2508 = arith.constant 0 : i32
    %ne3A_2509 = arith.cmpi ne, %rem3A_2507, %ne3A_2508 : i32
    %lt3A_2510 = arith.constant 0 : i32
    %lt3A_2511 = arith.cmpi slt, %rem3A_2507, %lt3A_2510 : i32
    %lt3A_2512 = arith.constant 0 : i32
    %lt3A_2513 = arith.cmpi slt, %select_n3A_2506, %lt3A_2512 : i32
    %ne3A_2514 = arith.xori %lt3A_2511, %lt3A_2513 : i1
    %and3A_2515 = arith.andi %ne3A_2514, %ne3A_2509 : i1
    %add3A_2516 = arith.addi %rem3A_2507, %select_n3A_2506 : i32
    %select_n3A_2517 = arith.select %and3A_2515, %add3A_2516, %rem3A_2507 : i32
    %dma_start3A_2518 = arith.constant 13 : i32
    %dma_start3A_2519 = arith.constant 0 : i32
    %dma_start3A_2520 = tpu.memref_slice %arg6[%dma_start3A_2518, %dma_start3A_2519] : memref<26x4096xf32, #tpu.memory_space<vmem>> -> memref<1x4096xf32, #tpu.memory_space<vmem>>
    %dma_start3A_2521 = tpu.memref_squeeze %dma_start3A_2520 : memref<1x4096xf32, #tpu.memory_space<vmem>> -> memref<4096xf32, #tpu.memory_space<vmem>>
    %dma_start3A_2522 = arith.constant 0 : i32
    %dma_start3A_2523 = tpu.memref_slice %arg4[%select_n3A_2501, %select_n3A_2517, %dma_start3A_2522] : memref<26x32x4096xf32, #tpu.memory_space<hbm>> -> memref<1x1x4096xf32, #tpu.memory_space<hbm>>
    %dma_start3A_2524 = tpu.memref_squeeze %dma_start3A_2523 : memref<1x1x4096xf32, #tpu.memory_space<hbm>> -> memref<4096xf32, #tpu.memory_space<hbm>>
    %dma_start3A_2525 = arith.constant 0 : i32
    %dma_start3A_2526 = tpu.memref_slice %arg4[%select_n3A_2501, %select_n3A_2517, %dma_start3A_2525] : memref<26x32x4096xf32, #tpu.memory_space<hbm>> -> memref<1x1x4096xf32, #tpu.memory_space<hbm>>
    %dma_start3A_2527 = tpu.memref_squeeze %dma_start3A_2526 : memref<1x1x4096xf32, #tpu.memory_space<hbm>> -> memref<4096xf32, #tpu.memory_space<hbm>>
    %dma_start3A_2528 = arith.constant 0 : i32
    %dma_start3A_2529 = tpu.memref_slice %arg6[%dma_start3A_2518, %dma_start3A_2528] : memref<26x4096xf32, #tpu.memory_space<vmem>> -> memref<1x4096xf32, #tpu.memory_space<vmem>>
    %dma_start3A_2530 = tpu.memref_squeeze %dma_start3A_2529 : memref<1x4096xf32, #tpu.memory_space<vmem>> -> memref<4096xf32, #tpu.memory_space<vmem>>
    tpu.enqueue_dma source(%dma_start3A_2530 : memref<4096xf32, #tpu.memory_space<vmem>>) target(%dma_start3A_2527 : memref<4096xf32, #tpu.memory_space<hbm>>) target_semaphore(%arg8 : memref<!tpu.dma_semaphore, #tpu.memory_space<semaphore_mem>>)
    %add3A_2531 = arith.constant 14 : i32
    %add3A_2532 = arith.addi %mul3A_2, %add3A_2531 : i32
    %jit3A_2533 = arith.constant 32 : i32
    %div3A_2534 = arith.divsi %add3A_2532, %jit3A_2533 : i32
    %sign3A_2535 = arith.constant 0 : i32
    %sign3A_2536 = arith.cmpi sgt, %add3A_2532, %sign3A_2535 : i32
    %sign3A_2537 = arith.extui %sign3A_2536 : i1 to i32
    %sign3A_2538 = arith.constant 0 : i32
    %sign3A_2539 = arith.cmpi slt, %add3A_2532, %sign3A_2538 : i32
    %sign3A_2540 = arith.extui %sign3A_2539 : i1 to i32
    %sign3A_2541 = arith.subi %sign3A_2537, %sign3A_2540 : i32
    %sign3A_2542 = arith.constant 0 : i32
    %sign3A_2543 = arith.cmpi sgt, %jit3A_2533, %sign3A_2542 : i32
    %sign3A_2544 = arith.extui %sign3A_2543 : i1 to i32
    %sign3A_2545 = arith.constant 0 : i32
    %sign3A_2546 = arith.cmpi slt, %jit3A_2533, %sign3A_2545 : i32
    %sign3A_2547 = arith.extui %sign3A_2546 : i1 to i32
    %sign3A_2548 = arith.subi %sign3A_2544, %sign3A_2547 : i32
    %ne3A_2549 = arith.cmpi ne, %sign3A_2541, %sign3A_2548 : i32
    %rem3A_2550 = arith.remsi %add3A_2532, %jit3A_2533 : i32
    %ne3A_2551 = arith.constant 0 : i32
    %ne3A_2552 = arith.cmpi ne, %rem3A_2550, %ne3A_2551 : i32
    %and3A_2553 = arith.andi %ne3A_2549, %ne3A_2552 : i1
    %sub3A_2554 = arith.constant 1 : i32
    %sub3A_2555 = arith.subi %div3A_2534, %sub3A_2554 : i32
    %select_n3A_2556 = arith.select %and3A_2553, %sub3A_2555, %div3A_2534 : i32
    %jit3A_2557 = arith.constant 32 : i32
    %eq3A_2558 = arith.constant 0 : i32
    %eq3A_2559 = arith.cmpi eq, %jit3A_2557, %eq3A_2558 : i32
    %jit3A_2560 = arith.constant 1 : i32
    %select_n3A_2561 = arith.select %eq3A_2559, %jit3A_2560, %jit3A_2557 : i32
    %rem3A_2562 = arith.remsi %add3A_2532, %select_n3A_2561 : i32
    %ne3A_2563 = arith.constant 0 : i32
    %ne3A_2564 = arith.cmpi ne, %rem3A_2562, %ne3A_2563 : i32
    %lt3A_2565 = arith.constant 0 : i32
    %lt3A_2566 = arith.cmpi slt, %rem3A_2562, %lt3A_2565 : i32
    %lt3A_2567 = arith.constant 0 : i32
    %lt3A_2568 = arith.cmpi slt, %select_n3A_2561, %lt3A_2567 : i32
    %ne3A_2569 = arith.xori %lt3A_2566, %lt3A_2568 : i1
    %and3A_2570 = arith.andi %ne3A_2569, %ne3A_2564 : i1
    %add3A_2571 = arith.addi %rem3A_2562, %select_n3A_2561 : i32
    %select_n3A_2572 = arith.select %and3A_2570, %add3A_2571, %rem3A_2562 : i32
    %dma_start3A_2573 = arith.constant 14 : i32
    %dma_start3A_2574 = arith.constant 0 : i32
    %dma_start3A_2575 = tpu.memref_slice %arg6[%dma_start3A_2573, %dma_start3A_2574] : memref<26x4096xf32, #tpu.memory_space<vmem>> -> memref<1x4096xf32, #tpu.memory_space<vmem>>
    %dma_start3A_2576 = tpu.memref_squeeze %dma_start3A_2575 : memref<1x4096xf32, #tpu.memory_space<vmem>> -> memref<4096xf32, #tpu.memory_space<vmem>>
    %dma_start3A_2577 = arith.constant 0 : i32
    %dma_start3A_2578 = tpu.memref_slice %arg4[%select_n3A_2556, %select_n3A_2572, %dma_start3A_2577] : memref<26x32x4096xf32, #tpu.memory_space<hbm>> -> memref<1x1x4096xf32, #tpu.memory_space<hbm>>
    %dma_start3A_2579 = tpu.memref_squeeze %dma_start3A_2578 : memref<1x1x4096xf32, #tpu.memory_space<hbm>> -> memref<4096xf32, #tpu.memory_space<hbm>>
    %dma_start3A_2580 = arith.constant 0 : i32
    %dma_start3A_2581 = tpu.memref_slice %arg4[%select_n3A_2556, %select_n3A_2572, %dma_start3A_2580] : memref<26x32x4096xf32, #tpu.memory_space<hbm>> -> memref<1x1x4096xf32, #tpu.memory_space<hbm>>
    %dma_start3A_2582 = tpu.memref_squeeze %dma_start3A_2581 : memref<1x1x4096xf32, #tpu.memory_space<hbm>> -> memref<4096xf32, #tpu.memory_space<hbm>>
    %dma_start3A_2583 = arith.constant 0 : i32
    %dma_start3A_2584 = tpu.memref_slice %arg6[%dma_start3A_2573, %dma_start3A_2583] : memref<26x4096xf32, #tpu.memory_space<vmem>> -> memref<1x4096xf32, #tpu.memory_space<vmem>>
    %dma_start3A_2585 = tpu.memref_squeeze %dma_start3A_2584 : memref<1x4096xf32, #tpu.memory_space<vmem>> -> memref<4096xf32, #tpu.memory_space<vmem>>
    tpu.enqueue_dma source(%dma_start3A_2585 : memref<4096xf32, #tpu.memory_space<vmem>>) target(%dma_start3A_2582 : memref<4096xf32, #tpu.memory_space<hbm>>) target_semaphore(%arg8 : memref<!tpu.dma_semaphore, #tpu.memory_space<semaphore_mem>>)
    %add3A_2586 = arith.constant 15 : i32
    %add3A_2587 = arith.addi %mul3A_2, %add3A_2586 : i32
    %jit3A_2588 = arith.constant 32 : i32
    %div3A_2589 = arith.divsi %add3A_2587, %jit3A_2588 : i32
    %sign3A_2590 = arith.constant 0 : i32
    %sign3A_2591 = arith.cmpi sgt, %add3A_2587, %sign3A_2590 : i32
    %sign3A_2592 = arith.extui %sign3A_2591 : i1 to i32
    %sign3A_2593 = arith.constant 0 : i32
    %sign3A_2594 = arith.cmpi slt, %add3A_2587, %sign3A_2593 : i32
    %sign3A_2595 = arith.extui %sign3A_2594 : i1 to i32
    %sign3A_2596 = arith.subi %sign3A_2592, %sign3A_2595 : i32
    %sign3A_2597 = arith.constant 0 : i32
    %sign3A_2598 = arith.cmpi sgt, %jit3A_2588, %sign3A_2597 : i32
    %sign3A_2599 = arith.extui %sign3A_2598 : i1 to i32
    %sign3A_2600 = arith.constant 0 : i32
    %sign3A_2601 = arith.cmpi slt, %jit3A_2588, %sign3A_2600 : i32
    %sign3A_2602 = arith.extui %sign3A_2601 : i1 to i32
    %sign3A_2603 = arith.subi %sign3A_2599, %sign3A_2602 : i32
    %ne3A_2604 = arith.cmpi ne, %sign3A_2596, %sign3A_2603 : i32
    %rem3A_2605 = arith.remsi %add3A_2587, %jit3A_2588 : i32
    %ne3A_2606 = arith.constant 0 : i32
    %ne3A_2607 = arith.cmpi ne, %rem3A_2605, %ne3A_2606 : i32
    %and3A_2608 = arith.andi %ne3A_2604, %ne3A_2607 : i1
    %sub3A_2609 = arith.constant 1 : i32
    %sub3A_2610 = arith.subi %div3A_2589, %sub3A_2609 : i32
    %select_n3A_2611 = arith.select %and3A_2608, %sub3A_2610, %div3A_2589 : i32
    %jit3A_2612 = arith.constant 32 : i32
    %eq3A_2613 = arith.constant 0 : i32
    %eq3A_2614 = arith.cmpi eq, %jit3A_2612, %eq3A_2613 : i32
    %jit3A_2615 = arith.constant 1 : i32
    %select_n3A_2616 = arith.select %eq3A_2614, %jit3A_2615, %jit3A_2612 : i32
    %rem3A_2617 = arith.remsi %add3A_2587, %select_n3A_2616 : i32
    %ne3A_2618 = arith.constant 0 : i32
    %ne3A_2619 = arith.cmpi ne, %rem3A_2617, %ne3A_2618 : i32
    %lt3A_2620 = arith.constant 0 : i32
    %lt3A_2621 = arith.cmpi slt, %rem3A_2617, %lt3A_2620 : i32
    %lt3A_2622 = arith.constant 0 : i32
    %lt3A_2623 = arith.cmpi slt, %select_n3A_2616, %lt3A_2622 : i32
    %ne3A_2624 = arith.xori %lt3A_2621, %lt3A_2623 : i1
    %and3A_2625 = arith.andi %ne3A_2624, %ne3A_2619 : i1
    %add3A_2626 = arith.addi %rem3A_2617, %select_n3A_2616 : i32
    %select_n3A_2627 = arith.select %and3A_2625, %add3A_2626, %rem3A_2617 : i32
    %dma_start3A_2628 = arith.constant 15 : i32
    %dma_start3A_2629 = arith.constant 0 : i32
    %dma_start3A_2630 = tpu.memref_slice %arg6[%dma_start3A_2628, %dma_start3A_2629] : memref<26x4096xf32, #tpu.memory_space<vmem>> -> memref<1x4096xf32, #tpu.memory_space<vmem>>
    %dma_start3A_2631 = tpu.memref_squeeze %dma_start3A_2630 : memref<1x4096xf32, #tpu.memory_space<vmem>> -> memref<4096xf32, #tpu.memory_space<vmem>>
    %dma_start3A_2632 = arith.constant 0 : i32
    %dma_start3A_2633 = tpu.memref_slice %arg4[%select_n3A_2611, %select_n3A_2627, %dma_start3A_2632] : memref<26x32x4096xf32, #tpu.memory_space<hbm>> -> memref<1x1x4096xf32, #tpu.memory_space<hbm>>
    %dma_start3A_2634 = tpu.memref_squeeze %dma_start3A_2633 : memref<1x1x4096xf32, #tpu.memory_space<hbm>> -> memref<4096xf32, #tpu.memory_space<hbm>>
    %dma_start3A_2635 = arith.constant 0 : i32
    %dma_start3A_2636 = tpu.memref_slice %arg4[%select_n3A_2611, %select_n3A_2627, %dma_start3A_2635] : memref<26x32x4096xf32, #tpu.memory_space<hbm>> -> memref<1x1x4096xf32, #tpu.memory_space<hbm>>
    %dma_start3A_2637 = tpu.memref_squeeze %dma_start3A_2636 : memref<1x1x4096xf32, #tpu.memory_space<hbm>> -> memref<4096xf32, #tpu.memory_space<hbm>>
    %dma_start3A_2638 = arith.constant 0 : i32
    %dma_start3A_2639 = tpu.memref_slice %arg6[%dma_start3A_2628, %dma_start3A_2638] : memref<26x4096xf32, #tpu.memory_space<vmem>> -> memref<1x4096xf32, #tpu.memory_space<vmem>>
    %dma_start3A_2640 = tpu.memref_squeeze %dma_start3A_2639 : memref<1x4096xf32, #tpu.memory_space<vmem>> -> memref<4096xf32, #tpu.memory_space<vmem>>
    tpu.enqueue_dma source(%dma_start3A_2640 : memref<4096xf32, #tpu.memory_space<vmem>>) target(%dma_start3A_2637 : memref<4096xf32, #tpu.memory_space<hbm>>) target_semaphore(%arg8 : memref<!tpu.dma_semaphore, #tpu.memory_space<semaphore_mem>>)
    %add3A_2641 = arith.constant 16 : i32
    %add3A_2642 = arith.addi %mul3A_2, %add3A_2641 : i32
    %jit3A_2643 = arith.constant 32 : i32
    %div3A_2644 = arith.divsi %add3A_2642, %jit3A_2643 : i32
    %sign3A_2645 = arith.constant 0 : i32
    %sign3A_2646 = arith.cmpi sgt, %add3A_2642, %sign3A_2645 : i32
    %sign3A_2647 = arith.extui %sign3A_2646 : i1 to i32
    %sign3A_2648 = arith.constant 0 : i32
    %sign3A_2649 = arith.cmpi slt, %add3A_2642, %sign3A_2648 : i32
    %sign3A_2650 = arith.extui %sign3A_2649 : i1 to i32
    %sign3A_2651 = arith.subi %sign3A_2647, %sign3A_2650 : i32
    %sign3A_2652 = arith.constant 0 : i32
    %sign3A_2653 = arith.cmpi sgt, %jit3A_2643, %sign3A_2652 : i32
    %sign3A_2654 = arith.extui %sign3A_2653 : i1 to i32
    %sign3A_2655 = arith.constant 0 : i32
    %sign3A_2656 = arith.cmpi slt, %jit3A_2643, %sign3A_2655 : i32
    %sign3A_2657 = arith.extui %sign3A_2656 : i1 to i32
    %sign3A_2658 = arith.subi %sign3A_2654, %sign3A_2657 : i32
    %ne3A_2659 = arith.cmpi ne, %sign3A_2651, %sign3A_2658 : i32
    %rem3A_2660 = arith.remsi %add3A_2642, %jit3A_2643 : i32
    %ne3A_2661 = arith.constant 0 : i32
    %ne3A_2662 = arith.cmpi ne, %rem3A_2660, %ne3A_2661 : i32
    %and3A_2663 = arith.andi %ne3A_2659, %ne3A_2662 : i1
    %sub3A_2664 = arith.constant 1 : i32
    %sub3A_2665 = arith.subi %div3A_2644, %sub3A_2664 : i32
    %select_n3A_2666 = arith.select %and3A_2663, %sub3A_2665, %div3A_2644 : i32
    %jit3A_2667 = arith.constant 32 : i32
    %eq3A_2668 = arith.constant 0 : i32
    %eq3A_2669 = arith.cmpi eq, %jit3A_2667, %eq3A_2668 : i32
    %jit3A_2670 = arith.constant 1 : i32
    %select_n3A_2671 = arith.select %eq3A_2669, %jit3A_2670, %jit3A_2667 : i32
    %rem3A_2672 = arith.remsi %add3A_2642, %select_n3A_2671 : i32
    %ne3A_2673 = arith.constant 0 : i32
    %ne3A_2674 = arith.cmpi ne, %rem3A_2672, %ne3A_2673 : i32
    %lt3A_2675 = arith.constant 0 : i32
    %lt3A_2676 = arith.cmpi slt, %rem3A_2672, %lt3A_2675 : i32
    %lt3A_2677 = arith.constant 0 : i32
    %lt3A_2678 = arith.cmpi slt, %select_n3A_2671, %lt3A_2677 : i32
    %ne3A_2679 = arith.xori %lt3A_2676, %lt3A_2678 : i1
    %and3A_2680 = arith.andi %ne3A_2679, %ne3A_2674 : i1
    %add3A_2681 = arith.addi %rem3A_2672, %select_n3A_2671 : i32
    %select_n3A_2682 = arith.select %and3A_2680, %add3A_2681, %rem3A_2672 : i32
    %dma_start3A_2683 = arith.constant 16 : i32
    %dma_start3A_2684 = arith.constant 0 : i32
    %dma_start3A_2685 = tpu.memref_slice %arg6[%dma_start3A_2683, %dma_start3A_2684] : memref<26x4096xf32, #tpu.memory_space<vmem>> -> memref<1x4096xf32, #tpu.memory_space<vmem>>
    %dma_start3A_2686 = tpu.memref_squeeze %dma_start3A_2685 : memref<1x4096xf32, #tpu.memory_space<vmem>> -> memref<4096xf32, #tpu.memory_space<vmem>>
    %dma_start3A_2687 = arith.constant 0 : i32
    %dma_start3A_2688 = tpu.memref_slice %arg4[%select_n3A_2666, %select_n3A_2682, %dma_start3A_2687] : memref<26x32x4096xf32, #tpu.memory_space<hbm>> -> memref<1x1x4096xf32, #tpu.memory_space<hbm>>
    %dma_start3A_2689 = tpu.memref_squeeze %dma_start3A_2688 : memref<1x1x4096xf32, #tpu.memory_space<hbm>> -> memref<4096xf32, #tpu.memory_space<hbm>>
    %dma_start3A_2690 = arith.constant 0 : i32
    %dma_start3A_2691 = tpu.memref_slice %arg4[%select_n3A_2666, %select_n3A_2682, %dma_start3A_2690] : memref<26x32x4096xf32, #tpu.memory_space<hbm>> -> memref<1x1x4096xf32, #tpu.memory_space<hbm>>
    %dma_start3A_2692 = tpu.memref_squeeze %dma_start3A_2691 : memref<1x1x4096xf32, #tpu.memory_space<hbm>> -> memref<4096xf32, #tpu.memory_space<hbm>>
    %dma_start3A_2693 = arith.constant 0 : i32
    %dma_start3A_2694 = tpu.memref_slice %arg6[%dma_start3A_2683, %dma_start3A_2693] : memref<26x4096xf32, #tpu.memory_space<vmem>> -> memref<1x4096xf32, #tpu.memory_space<vmem>>
    %dma_start3A_2695 = tpu.memref_squeeze %dma_start3A_2694 : memref<1x4096xf32, #tpu.memory_space<vmem>> -> memref<4096xf32, #tpu.memory_space<vmem>>
    tpu.enqueue_dma source(%dma_start3A_2695 : memref<4096xf32, #tpu.memory_space<vmem>>) target(%dma_start3A_2692 : memref<4096xf32, #tpu.memory_space<hbm>>) target_semaphore(%arg8 : memref<!tpu.dma_semaphore, #tpu.memory_space<semaphore_mem>>)
    %add3A_2696 = arith.constant 17 : i32
    %add3A_2697 = arith.addi %mul3A_2, %add3A_2696 : i32
    %jit3A_2698 = arith.constant 32 : i32
    %div3A_2699 = arith.divsi %add3A_2697, %jit3A_2698 : i32
    %sign3A_2700 = arith.constant 0 : i32
    %sign3A_2701 = arith.cmpi sgt, %add3A_2697, %sign3A_2700 : i32
    %sign3A_2702 = arith.extui %sign3A_2701 : i1 to i32
    %sign3A_2703 = arith.constant 0 : i32
    %sign3A_2704 = arith.cmpi slt, %add3A_2697, %sign3A_2703 : i32
    %sign3A_2705 = arith.extui %sign3A_2704 : i1 to i32
    %sign3A_2706 = arith.subi %sign3A_2702, %sign3A_2705 : i32
    %sign3A_2707 = arith.constant 0 : i32
    %sign3A_2708 = arith.cmpi sgt, %jit3A_2698, %sign3A_2707 : i32
    %sign3A_2709 = arith.extui %sign3A_2708 : i1 to i32
    %sign3A_2710 = arith.constant 0 : i32
    %sign3A_2711 = arith.cmpi slt, %jit3A_2698, %sign3A_2710 : i32
    %sign3A_2712 = arith.extui %sign3A_2711 : i1 to i32
    %sign3A_2713 = arith.subi %sign3A_2709, %sign3A_2712 : i32
    %ne3A_2714 = arith.cmpi ne, %sign3A_2706, %sign3A_2713 : i32
    %rem3A_2715 = arith.remsi %add3A_2697, %jit3A_2698 : i32
    %ne3A_2716 = arith.constant 0 : i32
    %ne3A_2717 = arith.cmpi ne, %rem3A_2715, %ne3A_2716 : i32
    %and3A_2718 = arith.andi %ne3A_2714, %ne3A_2717 : i1
    %sub3A_2719 = arith.constant 1 : i32
    %sub3A_2720 = arith.subi %div3A_2699, %sub3A_2719 : i32
    %select_n3A_2721 = arith.select %and3A_2718, %sub3A_2720, %div3A_2699 : i32
    %jit3A_2722 = arith.constant 32 : i32
    %eq3A_2723 = arith.constant 0 : i32
    %eq3A_2724 = arith.cmpi eq, %jit3A_2722, %eq3A_2723 : i32
    %jit3A_2725 = arith.constant 1 : i32
    %select_n3A_2726 = arith.select %eq3A_2724, %jit3A_2725, %jit3A_2722 : i32
    %rem3A_2727 = arith.remsi %add3A_2697, %select_n3A_2726 : i32
    %ne3A_2728 = arith.constant 0 : i32
    %ne3A_2729 = arith.cmpi ne, %rem3A_2727, %ne3A_2728 : i32
    %lt3A_2730 = arith.constant 0 : i32
    %lt3A_2731 = arith.cmpi slt, %rem3A_2727, %lt3A_2730 : i32
    %lt3A_2732 = arith.constant 0 : i32
    %lt3A_2733 = arith.cmpi slt, %select_n3A_2726, %lt3A_2732 : i32
    %ne3A_2734 = arith.xori %lt3A_2731, %lt3A_2733 : i1
    %and3A_2735 = arith.andi %ne3A_2734, %ne3A_2729 : i1
    %add3A_2736 = arith.addi %rem3A_2727, %select_n3A_2726 : i32
    %select_n3A_2737 = arith.select %and3A_2735, %add3A_2736, %rem3A_2727 : i32
    %dma_start3A_2738 = arith.constant 17 : i32
    %dma_start3A_2739 = arith.constant 0 : i32
    %dma_start3A_2740 = tpu.memref_slice %arg6[%dma_start3A_2738, %dma_start3A_2739] : memref<26x4096xf32, #tpu.memory_space<vmem>> -> memref<1x4096xf32, #tpu.memory_space<vmem>>
    %dma_start3A_2741 = tpu.memref_squeeze %dma_start3A_2740 : memref<1x4096xf32, #tpu.memory_space<vmem>> -> memref<4096xf32, #tpu.memory_space<vmem>>
    %dma_start3A_2742 = arith.constant 0 : i32
    %dma_start3A_2743 = tpu.memref_slice %arg4[%select_n3A_2721, %select_n3A_2737, %dma_start3A_2742] : memref<26x32x4096xf32, #tpu.memory_space<hbm>> -> memref<1x1x4096xf32, #tpu.memory_space<hbm>>
    %dma_start3A_2744 = tpu.memref_squeeze %dma_start3A_2743 : memref<1x1x4096xf32, #tpu.memory_space<hbm>> -> memref<4096xf32, #tpu.memory_space<hbm>>
    %dma_start3A_2745 = arith.constant 0 : i32
    %dma_start3A_2746 = tpu.memref_slice %arg4[%select_n3A_2721, %select_n3A_2737, %dma_start3A_2745] : memref<26x32x4096xf32, #tpu.memory_space<hbm>> -> memref<1x1x4096xf32, #tpu.memory_space<hbm>>
    %dma_start3A_2747 = tpu.memref_squeeze %dma_start3A_2746 : memref<1x1x4096xf32, #tpu.memory_space<hbm>> -> memref<4096xf32, #tpu.memory_space<hbm>>
    %dma_start3A_2748 = arith.constant 0 : i32
    %dma_start3A_2749 = tpu.memref_slice %arg6[%dma_start3A_2738, %dma_start3A_2748] : memref<26x4096xf32, #tpu.memory_space<vmem>> -> memref<1x4096xf32, #tpu.memory_space<vmem>>
    %dma_start3A_2750 = tpu.memref_squeeze %dma_start3A_2749 : memref<1x4096xf32, #tpu.memory_space<vmem>> -> memref<4096xf32, #tpu.memory_space<vmem>>
    tpu.enqueue_dma source(%dma_start3A_2750 : memref<4096xf32, #tpu.memory_space<vmem>>) target(%dma_start3A_2747 : memref<4096xf32, #tpu.memory_space<hbm>>) target_semaphore(%arg8 : memref<!tpu.dma_semaphore, #tpu.memory_space<semaphore_mem>>)
    %add3A_2751 = arith.constant 18 : i32
    %add3A_2752 = arith.addi %mul3A_2, %add3A_2751 : i32
    %jit3A_2753 = arith.constant 32 : i32
    %div3A_2754 = arith.divsi %add3A_2752, %jit3A_2753 : i32
    %sign3A_2755 = arith.constant 0 : i32
    %sign3A_2756 = arith.cmpi sgt, %add3A_2752, %sign3A_2755 : i32
    %sign3A_2757 = arith.extui %sign3A_2756 : i1 to i32
    %sign3A_2758 = arith.constant 0 : i32
    %sign3A_2759 = arith.cmpi slt, %add3A_2752, %sign3A_2758 : i32
    %sign3A_2760 = arith.extui %sign3A_2759 : i1 to i32
    %sign3A_2761 = arith.subi %sign3A_2757, %sign3A_2760 : i32
    %sign3A_2762 = arith.constant 0 : i32
    %sign3A_2763 = arith.cmpi sgt, %jit3A_2753, %sign3A_2762 : i32
    %sign3A_2764 = arith.extui %sign3A_2763 : i1 to i32
    %sign3A_2765 = arith.constant 0 : i32
    %sign3A_2766 = arith.cmpi slt, %jit3A_2753, %sign3A_2765 : i32
    %sign3A_2767 = arith.extui %sign3A_2766 : i1 to i32
    %sign3A_2768 = arith.subi %sign3A_2764, %sign3A_2767 : i32
    %ne3A_2769 = arith.cmpi ne, %sign3A_2761, %sign3A_2768 : i32
    %rem3A_2770 = arith.remsi %add3A_2752, %jit3A_2753 : i32
    %ne3A_2771 = arith.constant 0 : i32
    %ne3A_2772 = arith.cmpi ne, %rem3A_2770, %ne3A_2771 : i32
    %and3A_2773 = arith.andi %ne3A_2769, %ne3A_2772 : i1
    %sub3A_2774 = arith.constant 1 : i32
    %sub3A_2775 = arith.subi %div3A_2754, %sub3A_2774 : i32
    %select_n3A_2776 = arith.select %and3A_2773, %sub3A_2775, %div3A_2754 : i32
    %jit3A_2777 = arith.constant 32 : i32
    %eq3A_2778 = arith.constant 0 : i32
    %eq3A_2779 = arith.cmpi eq, %jit3A_2777, %eq3A_2778 : i32
    %jit3A_2780 = arith.constant 1 : i32
    %select_n3A_2781 = arith.select %eq3A_2779, %jit3A_2780, %jit3A_2777 : i32
    %rem3A_2782 = arith.remsi %add3A_2752, %select_n3A_2781 : i32
    %ne3A_2783 = arith.constant 0 : i32
    %ne3A_2784 = arith.cmpi ne, %rem3A_2782, %ne3A_2783 : i32
    %lt3A_2785 = arith.constant 0 : i32
    %lt3A_2786 = arith.cmpi slt, %rem3A_2782, %lt3A_2785 : i32
    %lt3A_2787 = arith.constant 0 : i32
    %lt3A_2788 = arith.cmpi slt, %select_n3A_2781, %lt3A_2787 : i32
    %ne3A_2789 = arith.xori %lt3A_2786, %lt3A_2788 : i1
    %and3A_2790 = arith.andi %ne3A_2789, %ne3A_2784 : i1
    %add3A_2791 = arith.addi %rem3A_2782, %select_n3A_2781 : i32
    %select_n3A_2792 = arith.select %and3A_2790, %add3A_2791, %rem3A_2782 : i32
    %dma_start3A_2793 = arith.constant 18 : i32
    %dma_start3A_2794 = arith.constant 0 : i32
    %dma_start3A_2795 = tpu.memref_slice %arg6[%dma_start3A_2793, %dma_start3A_2794] : memref<26x4096xf32, #tpu.memory_space<vmem>> -> memref<1x4096xf32, #tpu.memory_space<vmem>>
    %dma_start3A_2796 = tpu.memref_squeeze %dma_start3A_2795 : memref<1x4096xf32, #tpu.memory_space<vmem>> -> memref<4096xf32, #tpu.memory_space<vmem>>
    %dma_start3A_2797 = arith.constant 0 : i32
    %dma_start3A_2798 = tpu.memref_slice %arg4[%select_n3A_2776, %select_n3A_2792, %dma_start3A_2797] : memref<26x32x4096xf32, #tpu.memory_space<hbm>> -> memref<1x1x4096xf32, #tpu.memory_space<hbm>>
    %dma_start3A_2799 = tpu.memref_squeeze %dma_start3A_2798 : memref<1x1x4096xf32, #tpu.memory_space<hbm>> -> memref<4096xf32, #tpu.memory_space<hbm>>
    %dma_start3A_2800 = arith.constant 0 : i32
    %dma_start3A_2801 = tpu.memref_slice %arg4[%select_n3A_2776, %select_n3A_2792, %dma_start3A_2800] : memref<26x32x4096xf32, #tpu.memory_space<hbm>> -> memref<1x1x4096xf32, #tpu.memory_space<hbm>>
    %dma_start3A_2802 = tpu.memref_squeeze %dma_start3A_2801 : memref<1x1x4096xf32, #tpu.memory_space<hbm>> -> memref<4096xf32, #tpu.memory_space<hbm>>
    %dma_start3A_2803 = arith.constant 0 : i32
    %dma_start3A_2804 = tpu.memref_slice %arg6[%dma_start3A_2793, %dma_start3A_2803] : memref<26x4096xf32, #tpu.memory_space<vmem>> -> memref<1x4096xf32, #tpu.memory_space<vmem>>
    %dma_start3A_2805 = tpu.memref_squeeze %dma_start3A_2804 : memref<1x4096xf32, #tpu.memory_space<vmem>> -> memref<4096xf32, #tpu.memory_space<vmem>>
    tpu.enqueue_dma source(%dma_start3A_2805 : memref<4096xf32, #tpu.memory_space<vmem>>) target(%dma_start3A_2802 : memref<4096xf32, #tpu.memory_space<hbm>>) target_semaphore(%arg8 : memref<!tpu.dma_semaphore, #tpu.memory_space<semaphore_mem>>)
    %add3A_2806 = arith.constant 19 : i32
    %add3A_2807 = arith.addi %mul3A_2, %add3A_2806 : i32
    %jit3A_2808 = arith.constant 32 : i32
    %div3A_2809 = arith.divsi %add3A_2807, %jit3A_2808 : i32
    %sign3A_2810 = arith.constant 0 : i32
    %sign3A_2811 = arith.cmpi sgt, %add3A_2807, %sign3A_2810 : i32
    %sign3A_2812 = arith.extui %sign3A_2811 : i1 to i32
    %sign3A_2813 = arith.constant 0 : i32
    %sign3A_2814 = arith.cmpi slt, %add3A_2807, %sign3A_2813 : i32
    %sign3A_2815 = arith.extui %sign3A_2814 : i1 to i32
    %sign3A_2816 = arith.subi %sign3A_2812, %sign3A_2815 : i32
    %sign3A_2817 = arith.constant 0 : i32
    %sign3A_2818 = arith.cmpi sgt, %jit3A_2808, %sign3A_2817 : i32
    %sign3A_2819 = arith.extui %sign3A_2818 : i1 to i32
    %sign3A_2820 = arith.constant 0 : i32
    %sign3A_2821 = arith.cmpi slt, %jit3A_2808, %sign3A_2820 : i32
    %sign3A_2822 = arith.extui %sign3A_2821 : i1 to i32
    %sign3A_2823 = arith.subi %sign3A_2819, %sign3A_2822 : i32
    %ne3A_2824 = arith.cmpi ne, %sign3A_2816, %sign3A_2823 : i32
    %rem3A_2825 = arith.remsi %add3A_2807, %jit3A_2808 : i32
    %ne3A_2826 = arith.constant 0 : i32
    %ne3A_2827 = arith.cmpi ne, %rem3A_2825, %ne3A_2826 : i32
    %and3A_2828 = arith.andi %ne3A_2824, %ne3A_2827 : i1
    %sub3A_2829 = arith.constant 1 : i32
    %sub3A_2830 = arith.subi %div3A_2809, %sub3A_2829 : i32
    %select_n3A_2831 = arith.select %and3A_2828, %sub3A_2830, %div3A_2809 : i32
    %jit3A_2832 = arith.constant 32 : i32
    %eq3A_2833 = arith.constant 0 : i32
    %eq3A_2834 = arith.cmpi eq, %jit3A_2832, %eq3A_2833 : i32
    %jit3A_2835 = arith.constant 1 : i32
    %select_n3A_2836 = arith.select %eq3A_2834, %jit3A_2835, %jit3A_2832 : i32
    %rem3A_2837 = arith.remsi %add3A_2807, %select_n3A_2836 : i32
    %ne3A_2838 = arith.constant 0 : i32
    %ne3A_2839 = arith.cmpi ne, %rem3A_2837, %ne3A_2838 : i32
    %lt3A_2840 = arith.constant 0 : i32
    %lt3A_2841 = arith.cmpi slt, %rem3A_2837, %lt3A_2840 : i32
    %lt3A_2842 = arith.constant 0 : i32
    %lt3A_2843 = arith.cmpi slt, %select_n3A_2836, %lt3A_2842 : i32
    %ne3A_2844 = arith.xori %lt3A_2841, %lt3A_2843 : i1
    %and3A_2845 = arith.andi %ne3A_2844, %ne3A_2839 : i1
    %add3A_2846 = arith.addi %rem3A_2837, %select_n3A_2836 : i32
    %select_n3A_2847 = arith.select %and3A_2845, %add3A_2846, %rem3A_2837 : i32
    %dma_start3A_2848 = arith.constant 19 : i32
    %dma_start3A_2849 = arith.constant 0 : i32
    %dma_start3A_2850 = tpu.memref_slice %arg6[%dma_start3A_2848, %dma_start3A_2849] : memref<26x4096xf32, #tpu.memory_space<vmem>> -> memref<1x4096xf32, #tpu.memory_space<vmem>>
    %dma_start3A_2851 = tpu.memref_squeeze %dma_start3A_2850 : memref<1x4096xf32, #tpu.memory_space<vmem>> -> memref<4096xf32, #tpu.memory_space<vmem>>
    %dma_start3A_2852 = arith.constant 0 : i32
    %dma_start3A_2853 = tpu.memref_slice %arg4[%select_n3A_2831, %select_n3A_2847, %dma_start3A_2852] : memref<26x32x4096xf32, #tpu.memory_space<hbm>> -> memref<1x1x4096xf32, #tpu.memory_space<hbm>>
    %dma_start3A_2854 = tpu.memref_squeeze %dma_start3A_2853 : memref<1x1x4096xf32, #tpu.memory_space<hbm>> -> memref<4096xf32, #tpu.memory_space<hbm>>
    %dma_start3A_2855 = arith.constant 0 : i32
    %dma_start3A_2856 = tpu.memref_slice %arg4[%select_n3A_2831, %select_n3A_2847, %dma_start3A_2855] : memref<26x32x4096xf32, #tpu.memory_space<hbm>> -> memref<1x1x4096xf32, #tpu.memory_space<hbm>>
    %dma_start3A_2857 = tpu.memref_squeeze %dma_start3A_2856 : memref<1x1x4096xf32, #tpu.memory_space<hbm>> -> memref<4096xf32, #tpu.memory_space<hbm>>
    %dma_start3A_2858 = arith.constant 0 : i32
    %dma_start3A_2859 = tpu.memref_slice %arg6[%dma_start3A_2848, %dma_start3A_2858] : memref<26x4096xf32, #tpu.memory_space<vmem>> -> memref<1x4096xf32, #tpu.memory_space<vmem>>
    %dma_start3A_2860 = tpu.memref_squeeze %dma_start3A_2859 : memref<1x4096xf32, #tpu.memory_space<vmem>> -> memref<4096xf32, #tpu.memory_space<vmem>>
    tpu.enqueue_dma source(%dma_start3A_2860 : memref<4096xf32, #tpu.memory_space<vmem>>) target(%dma_start3A_2857 : memref<4096xf32, #tpu.memory_space<hbm>>) target_semaphore(%arg8 : memref<!tpu.dma_semaphore, #tpu.memory_space<semaphore_mem>>)
    %add3A_2861 = arith.constant 20 : i32
    %add3A_2862 = arith.addi %mul3A_2, %add3A_2861 : i32
    %jit3A_2863 = arith.constant 32 : i32
    %div3A_2864 = arith.divsi %add3A_2862, %jit3A_2863 : i32
    %sign3A_2865 = arith.constant 0 : i32
    %sign3A_2866 = arith.cmpi sgt, %add3A_2862, %sign3A_2865 : i32
    %sign3A_2867 = arith.extui %sign3A_2866 : i1 to i32
    %sign3A_2868 = arith.constant 0 : i32
    %sign3A_2869 = arith.cmpi slt, %add3A_2862, %sign3A_2868 : i32
    %sign3A_2870 = arith.extui %sign3A_2869 : i1 to i32
    %sign3A_2871 = arith.subi %sign3A_2867, %sign3A_2870 : i32
    %sign3A_2872 = arith.constant 0 : i32
    %sign3A_2873 = arith.cmpi sgt, %jit3A_2863, %sign3A_2872 : i32
    %sign3A_2874 = arith.extui %sign3A_2873 : i1 to i32
    %sign3A_2875 = arith.constant 0 : i32
    %sign3A_2876 = arith.cmpi slt, %jit3A_2863, %sign3A_2875 : i32
    %sign3A_2877 = arith.extui %sign3A_2876 : i1 to i32
    %sign3A_2878 = arith.subi %sign3A_2874, %sign3A_2877 : i32
    %ne3A_2879 = arith.cmpi ne, %sign3A_2871, %sign3A_2878 : i32
    %rem3A_2880 = arith.remsi %add3A_2862, %jit3A_2863 : i32
    %ne3A_2881 = arith.constant 0 : i32
    %ne3A_2882 = arith.cmpi ne, %rem3A_2880, %ne3A_2881 : i32
    %and3A_2883 = arith.andi %ne3A_2879, %ne3A_2882 : i1
    %sub3A_2884 = arith.constant 1 : i32
    %sub3A_2885 = arith.subi %div3A_2864, %sub3A_2884 : i32
    %select_n3A_2886 = arith.select %and3A_2883, %sub3A_2885, %div3A_2864 : i32
    %jit3A_2887 = arith.constant 32 : i32
    %eq3A_2888 = arith.constant 0 : i32
    %eq3A_2889 = arith.cmpi eq, %jit3A_2887, %eq3A_2888 : i32
    %jit3A_2890 = arith.constant 1 : i32
    %select_n3A_2891 = arith.select %eq3A_2889, %jit3A_2890, %jit3A_2887 : i32
    %rem3A_2892 = arith.remsi %add3A_2862, %select_n3A_2891 : i32
    %ne3A_2893 = arith.constant 0 : i32
    %ne3A_2894 = arith.cmpi ne, %rem3A_2892, %ne3A_2893 : i32
    %lt3A_2895 = arith.constant 0 : i32
    %lt3A_2896 = arith.cmpi slt, %rem3A_2892, %lt3A_2895 : i32
    %lt3A_2897 = arith.constant 0 : i32
    %lt3A_2898 = arith.cmpi slt, %select_n3A_2891, %lt3A_2897 : i32
    %ne3A_2899 = arith.xori %lt3A_2896, %lt3A_2898 : i1
    %and3A_2900 = arith.andi %ne3A_2899, %ne3A_2894 : i1
    %add3A_2901 = arith.addi %rem3A_2892, %select_n3A_2891 : i32
    %select_n3A_2902 = arith.select %and3A_2900, %add3A_2901, %rem3A_2892 : i32
    %dma_start3A_2903 = arith.constant 20 : i32
    %dma_start3A_2904 = arith.constant 0 : i32
    %dma_start3A_2905 = tpu.memref_slice %arg6[%dma_start3A_2903, %dma_start3A_2904] : memref<26x4096xf32, #tpu.memory_space<vmem>> -> memref<1x4096xf32, #tpu.memory_space<vmem>>
    %dma_start3A_2906 = tpu.memref_squeeze %dma_start3A_2905 : memref<1x4096xf32, #tpu.memory_space<vmem>> -> memref<4096xf32, #tpu.memory_space<vmem>>
    %dma_start3A_2907 = arith.constant 0 : i32
    %dma_start3A_2908 = tpu.memref_slice %arg4[%select_n3A_2886, %select_n3A_2902, %dma_start3A_2907] : memref<26x32x4096xf32, #tpu.memory_space<hbm>> -> memref<1x1x4096xf32, #tpu.memory_space<hbm>>
    %dma_start3A_2909 = tpu.memref_squeeze %dma_start3A_2908 : memref<1x1x4096xf32, #tpu.memory_space<hbm>> -> memref<4096xf32, #tpu.memory_space<hbm>>
    %dma_start3A_2910 = arith.constant 0 : i32
    %dma_start3A_2911 = tpu.memref_slice %arg4[%select_n3A_2886, %select_n3A_2902, %dma_start3A_2910] : memref<26x32x4096xf32, #tpu.memory_space<hbm>> -> memref<1x1x4096xf32, #tpu.memory_space<hbm>>
    %dma_start3A_2912 = tpu.memref_squeeze %dma_start3A_2911 : memref<1x1x4096xf32, #tpu.memory_space<hbm>> -> memref<4096xf32, #tpu.memory_space<hbm>>
    %dma_start3A_2913 = arith.constant 0 : i32
    %dma_start3A_2914 = tpu.memref_slice %arg6[%dma_start3A_2903, %dma_start3A_2913] : memref<26x4096xf32, #tpu.memory_space<vmem>> -> memref<1x4096xf32, #tpu.memory_space<vmem>>
    %dma_start3A_2915 = tpu.memref_squeeze %dma_start3A_2914 : memref<1x4096xf32, #tpu.memory_space<vmem>> -> memref<4096xf32, #tpu.memory_space<vmem>>
    tpu.enqueue_dma source(%dma_start3A_2915 : memref<4096xf32, #tpu.memory_space<vmem>>) target(%dma_start3A_2912 : memref<4096xf32, #tpu.memory_space<hbm>>) target_semaphore(%arg8 : memref<!tpu.dma_semaphore, #tpu.memory_space<semaphore_mem>>)
    %add3A_2916 = arith.constant 21 : i32
    %add3A_2917 = arith.addi %mul3A_2, %add3A_2916 : i32
    %jit3A_2918 = arith.constant 32 : i32
    %div3A_2919 = arith.divsi %add3A_2917, %jit3A_2918 : i32
    %sign3A_2920 = arith.constant 0 : i32
    %sign3A_2921 = arith.cmpi sgt, %add3A_2917, %sign3A_2920 : i32
    %sign3A_2922 = arith.extui %sign3A_2921 : i1 to i32
    %sign3A_2923 = arith.constant 0 : i32
    %sign3A_2924 = arith.cmpi slt, %add3A_2917, %sign3A_2923 : i32
    %sign3A_2925 = arith.extui %sign3A_2924 : i1 to i32
    %sign3A_2926 = arith.subi %sign3A_2922, %sign3A_2925 : i32
    %sign3A_2927 = arith.constant 0 : i32
    %sign3A_2928 = arith.cmpi sgt, %jit3A_2918, %sign3A_2927 : i32
    %sign3A_2929 = arith.extui %sign3A_2928 : i1 to i32
    %sign3A_2930 = arith.constant 0 : i32
    %sign3A_2931 = arith.cmpi slt, %jit3A_2918, %sign3A_2930 : i32
    %sign3A_2932 = arith.extui %sign3A_2931 : i1 to i32
    %sign3A_2933 = arith.subi %sign3A_2929, %sign3A_2932 : i32
    %ne3A_2934 = arith.cmpi ne, %sign3A_2926, %sign3A_2933 : i32
    %rem3A_2935 = arith.remsi %add3A_2917, %jit3A_2918 : i32
    %ne3A_2936 = arith.constant 0 : i32
    %ne3A_2937 = arith.cmpi ne, %rem3A_2935, %ne3A_2936 : i32
    %and3A_2938 = arith.andi %ne3A_2934, %ne3A_2937 : i1
    %sub3A_2939 = arith.constant 1 : i32
    %sub3A_2940 = arith.subi %div3A_2919, %sub3A_2939 : i32
    %select_n3A_2941 = arith.select %and3A_2938, %sub3A_2940, %div3A_2919 : i32
    %jit3A_2942 = arith.constant 32 : i32
    %eq3A_2943 = arith.constant 0 : i32
    %eq3A_2944 = arith.cmpi eq, %jit3A_2942, %eq3A_2943 : i32
    %jit3A_2945 = arith.constant 1 : i32
    %select_n3A_2946 = arith.select %eq3A_2944, %jit3A_2945, %jit3A_2942 : i32
    %rem3A_2947 = arith.remsi %add3A_2917, %select_n3A_2946 : i32
    %ne3A_2948 = arith.constant 0 : i32
    %ne3A_2949 = arith.cmpi ne, %rem3A_2947, %ne3A_2948 : i32
    %lt3A_2950 = arith.constant 0 : i32
    %lt3A_2951 = arith.cmpi slt, %rem3A_2947, %lt3A_2950 : i32
    %lt3A_2952 = arith.constant 0 : i32
    %lt3A_2953 = arith.cmpi slt, %select_n3A_2946, %lt3A_2952 : i32
    %ne3A_2954 = arith.xori %lt3A_2951, %lt3A_2953 : i1
    %and3A_2955 = arith.andi %ne3A_2954, %ne3A_2949 : i1
    %add3A_2956 = arith.addi %rem3A_2947, %select_n3A_2946 : i32
    %select_n3A_2957 = arith.select %and3A_2955, %add3A_2956, %rem3A_2947 : i32
    %dma_start3A_2958 = arith.constant 21 : i32
    %dma_start3A_2959 = arith.constant 0 : i32
    %dma_start3A_2960 = tpu.memref_slice %arg6[%dma_start3A_2958, %dma_start3A_2959] : memref<26x4096xf32, #tpu.memory_space<vmem>> -> memref<1x4096xf32, #tpu.memory_space<vmem>>
    %dma_start3A_2961 = tpu.memref_squeeze %dma_start3A_2960 : memref<1x4096xf32, #tpu.memory_space<vmem>> -> memref<4096xf32, #tpu.memory_space<vmem>>
    %dma_start3A_2962 = arith.constant 0 : i32
    %dma_start3A_2963 = tpu.memref_slice %arg4[%select_n3A_2941, %select_n3A_2957, %dma_start3A_2962] : memref<26x32x4096xf32, #tpu.memory_space<hbm>> -> memref<1x1x4096xf32, #tpu.memory_space<hbm>>
    %dma_start3A_2964 = tpu.memref_squeeze %dma_start3A_2963 : memref<1x1x4096xf32, #tpu.memory_space<hbm>> -> memref<4096xf32, #tpu.memory_space<hbm>>
    %dma_start3A_2965 = arith.constant 0 : i32
    %dma_start3A_2966 = tpu.memref_slice %arg4[%select_n3A_2941, %select_n3A_2957, %dma_start3A_2965] : memref<26x32x4096xf32, #tpu.memory_space<hbm>> -> memref<1x1x4096xf32, #tpu.memory_space<hbm>>
    %dma_start3A_2967 = tpu.memref_squeeze %dma_start3A_2966 : memref<1x1x4096xf32, #tpu.memory_space<hbm>> -> memref<4096xf32, #tpu.memory_space<hbm>>
    %dma_start3A_2968 = arith.constant 0 : i32
    %dma_start3A_2969 = tpu.memref_slice %arg6[%dma_start3A_2958, %dma_start3A_2968] : memref<26x4096xf32, #tpu.memory_space<vmem>> -> memref<1x4096xf32, #tpu.memory_space<vmem>>
    %dma_start3A_2970 = tpu.memref_squeeze %dma_start3A_2969 : memref<1x4096xf32, #tpu.memory_space<vmem>> -> memref<4096xf32, #tpu.memory_space<vmem>>
    tpu.enqueue_dma source(%dma_start3A_2970 : memref<4096xf32, #tpu.memory_space<vmem>>) target(%dma_start3A_2967 : memref<4096xf32, #tpu.memory_space<hbm>>) target_semaphore(%arg8 : memref<!tpu.dma_semaphore, #tpu.memory_space<semaphore_mem>>)
    %add3A_2971 = arith.constant 22 : i32
    %add3A_2972 = arith.addi %mul3A_2, %add3A_2971 : i32
    %jit3A_2973 = arith.constant 32 : i32
    %div3A_2974 = arith.divsi %add3A_2972, %jit3A_2973 : i32
    %sign3A_2975 = arith.constant 0 : i32
    %sign3A_2976 = arith.cmpi sgt, %add3A_2972, %sign3A_2975 : i32
    %sign3A_2977 = arith.extui %sign3A_2976 : i1 to i32
    %sign3A_2978 = arith.constant 0 : i32
    %sign3A_2979 = arith.cmpi slt, %add3A_2972, %sign3A_2978 : i32
    %sign3A_2980 = arith.extui %sign3A_2979 : i1 to i32
    %sign3A_2981 = arith.subi %sign3A_2977, %sign3A_2980 : i32
    %sign3A_2982 = arith.constant 0 : i32
    %sign3A_2983 = arith.cmpi sgt, %jit3A_2973, %sign3A_2982 : i32
    %sign3A_2984 = arith.extui %sign3A_2983 : i1 to i32
    %sign3A_2985 = arith.constant 0 : i32
    %sign3A_2986 = arith.cmpi slt, %jit3A_2973, %sign3A_2985 : i32
    %sign3A_2987 = arith.extui %sign3A_2986 : i1 to i32
    %sign3A_2988 = arith.subi %sign3A_2984, %sign3A_2987 : i32
    %ne3A_2989 = arith.cmpi ne, %sign3A_2981, %sign3A_2988 : i32
    %rem3A_2990 = arith.remsi %add3A_2972, %jit3A_2973 : i32
    %ne3A_2991 = arith.constant 0 : i32
    %ne3A_2992 = arith.cmpi ne, %rem3A_2990, %ne3A_2991 : i32
    %and3A_2993 = arith.andi %ne3A_2989, %ne3A_2992 : i1
    %sub3A_2994 = arith.constant 1 : i32
    %sub3A_2995 = arith.subi %div3A_2974, %sub3A_2994 : i32
    %select_n3A_2996 = arith.select %and3A_2993, %sub3A_2995, %div3A_2974 : i32
    %jit3A_2997 = arith.constant 32 : i32
    %eq3A_2998 = arith.constant 0 : i32
    %eq3A_2999 = arith.cmpi eq, %jit3A_2997, %eq3A_2998 : i32
    %jit3A_3000 = arith.constant 1 : i32
    %select_n3A_3001 = arith.select %eq3A_2999, %jit3A_3000, %jit3A_2997 : i32
    %rem3A_3002 = arith.remsi %add3A_2972, %select_n3A_3001 : i32
    %ne3A_3003 = arith.constant 0 : i32
    %ne3A_3004 = arith.cmpi ne, %rem3A_3002, %ne3A_3003 : i32
    %lt3A_3005 = arith.constant 0 : i32
    %lt3A_3006 = arith.cmpi slt, %rem3A_3002, %lt3A_3005 : i32
    %lt3A_3007 = arith.constant 0 : i32
    %lt3A_3008 = arith.cmpi slt, %select_n3A_3001, %lt3A_3007 : i32
    %ne3A_3009 = arith.xori %lt3A_3006, %lt3A_3008 : i1
    %and3A_3010 = arith.andi %ne3A_3009, %ne3A_3004 : i1
    %add3A_3011 = arith.addi %rem3A_3002, %select_n3A_3001 : i32
    %select_n3A_3012 = arith.select %and3A_3010, %add3A_3011, %rem3A_3002 : i32
    %dma_start3A_3013 = arith.constant 22 : i32
    %dma_start3A_3014 = arith.constant 0 : i32
    %dma_start3A_3015 = tpu.memref_slice %arg6[%dma_start3A_3013, %dma_start3A_3014] : memref<26x4096xf32, #tpu.memory_space<vmem>> -> memref<1x4096xf32, #tpu.memory_space<vmem>>
    %dma_start3A_3016 = tpu.memref_squeeze %dma_start3A_3015 : memref<1x4096xf32, #tpu.memory_space<vmem>> -> memref<4096xf32, #tpu.memory_space<vmem>>
    %dma_start3A_3017 = arith.constant 0 : i32
    %dma_start3A_3018 = tpu.memref_slice %arg4[%select_n3A_2996, %select_n3A_3012, %dma_start3A_3017] : memref<26x32x4096xf32, #tpu.memory_space<hbm>> -> memref<1x1x4096xf32, #tpu.memory_space<hbm>>
    %dma_start3A_3019 = tpu.memref_squeeze %dma_start3A_3018 : memref<1x1x4096xf32, #tpu.memory_space<hbm>> -> memref<4096xf32, #tpu.memory_space<hbm>>
    %dma_start3A_3020 = arith.constant 0 : i32
    %dma_start3A_3021 = tpu.memref_slice %arg4[%select_n3A_2996, %select_n3A_3012, %dma_start3A_3020] : memref<26x32x4096xf32, #tpu.memory_space<hbm>> -> memref<1x1x4096xf32, #tpu.memory_space<hbm>>
    %dma_start3A_3022 = tpu.memref_squeeze %dma_start3A_3021 : memref<1x1x4096xf32, #tpu.memory_space<hbm>> -> memref<4096xf32, #tpu.memory_space<hbm>>
    %dma_start3A_3023 = arith.constant 0 : i32
    %dma_start3A_3024 = tpu.memref_slice %arg6[%dma_start3A_3013, %dma_start3A_3023] : memref<26x4096xf32, #tpu.memory_space<vmem>> -> memref<1x4096xf32, #tpu.memory_space<vmem>>
    %dma_start3A_3025 = tpu.memref_squeeze %dma_start3A_3024 : memref<1x4096xf32, #tpu.memory_space<vmem>> -> memref<4096xf32, #tpu.memory_space<vmem>>
    tpu.enqueue_dma source(%dma_start3A_3025 : memref<4096xf32, #tpu.memory_space<vmem>>) target(%dma_start3A_3022 : memref<4096xf32, #tpu.memory_space<hbm>>) target_semaphore(%arg8 : memref<!tpu.dma_semaphore, #tpu.memory_space<semaphore_mem>>)
    %add3A_3026 = arith.constant 23 : i32
    %add3A_3027 = arith.addi %mul3A_2, %add3A_3026 : i32
    %jit3A_3028 = arith.constant 32 : i32
    %div3A_3029 = arith.divsi %add3A_3027, %jit3A_3028 : i32
    %sign3A_3030 = arith.constant 0 : i32
    %sign3A_3031 = arith.cmpi sgt, %add3A_3027, %sign3A_3030 : i32
    %sign3A_3032 = arith.extui %sign3A_3031 : i1 to i32
    %sign3A_3033 = arith.constant 0 : i32
    %sign3A_3034 = arith.cmpi slt, %add3A_3027, %sign3A_3033 : i32
    %sign3A_3035 = arith.extui %sign3A_3034 : i1 to i32
    %sign3A_3036 = arith.subi %sign3A_3032, %sign3A_3035 : i32
    %sign3A_3037 = arith.constant 0 : i32
    %sign3A_3038 = arith.cmpi sgt, %jit3A_3028, %sign3A_3037 : i32
    %sign3A_3039 = arith.extui %sign3A_3038 : i1 to i32
    %sign3A_3040 = arith.constant 0 : i32
    %sign3A_3041 = arith.cmpi slt, %jit3A_3028, %sign3A_3040 : i32
    %sign3A_3042 = arith.extui %sign3A_3041 : i1 to i32
    %sign3A_3043 = arith.subi %sign3A_3039, %sign3A_3042 : i32
    %ne3A_3044 = arith.cmpi ne, %sign3A_3036, %sign3A_3043 : i32
    %rem3A_3045 = arith.remsi %add3A_3027, %jit3A_3028 : i32
    %ne3A_3046 = arith.constant 0 : i32
    %ne3A_3047 = arith.cmpi ne, %rem3A_3045, %ne3A_3046 : i32
    %and3A_3048 = arith.andi %ne3A_3044, %ne3A_3047 : i1
    %sub3A_3049 = arith.constant 1 : i32
    %sub3A_3050 = arith.subi %div3A_3029, %sub3A_3049 : i32
    %select_n3A_3051 = arith.select %and3A_3048, %sub3A_3050, %div3A_3029 : i32
    %jit3A_3052 = arith.constant 32 : i32
    %eq3A_3053 = arith.constant 0 : i32
    %eq3A_3054 = arith.cmpi eq, %jit3A_3052, %eq3A_3053 : i32
    %jit3A_3055 = arith.constant 1 : i32
    %select_n3A_3056 = arith.select %eq3A_3054, %jit3A_3055, %jit3A_3052 : i32
    %rem3A_3057 = arith.remsi %add3A_3027, %select_n3A_3056 : i32
    %ne3A_3058 = arith.constant 0 : i32
    %ne3A_3059 = arith.cmpi ne, %rem3A_3057, %ne3A_3058 : i32
    %lt3A_3060 = arith.constant 0 : i32
    %lt3A_3061 = arith.cmpi slt, %rem3A_3057, %lt3A_3060 : i32
    %lt3A_3062 = arith.constant 0 : i32
    %lt3A_3063 = arith.cmpi slt, %select_n3A_3056, %lt3A_3062 : i32
    %ne3A_3064 = arith.xori %lt3A_3061, %lt3A_3063 : i1
    %and3A_3065 = arith.andi %ne3A_3064, %ne3A_3059 : i1
    %add3A_3066 = arith.addi %rem3A_3057, %select_n3A_3056 : i32
    %select_n3A_3067 = arith.select %and3A_3065, %add3A_3066, %rem3A_3057 : i32
    %dma_start3A_3068 = arith.constant 23 : i32
    %dma_start3A_3069 = arith.constant 0 : i32
    %dma_start3A_3070 = tpu.memref_slice %arg6[%dma_start3A_3068, %dma_start3A_3069] : memref<26x4096xf32, #tpu.memory_space<vmem>> -> memref<1x4096xf32, #tpu.memory_space<vmem>>
    %dma_start3A_3071 = tpu.memref_squeeze %dma_start3A_3070 : memref<1x4096xf32, #tpu.memory_space<vmem>> -> memref<4096xf32, #tpu.memory_space<vmem>>
    %dma_start3A_3072 = arith.constant 0 : i32
    %dma_start3A_3073 = tpu.memref_slice %arg4[%select_n3A_3051, %select_n3A_3067, %dma_start3A_3072] : memref<26x32x4096xf32, #tpu.memory_space<hbm>> -> memref<1x1x4096xf32, #tpu.memory_space<hbm>>
    %dma_start3A_3074 = tpu.memref_squeeze %dma_start3A_3073 : memref<1x1x4096xf32, #tpu.memory_space<hbm>> -> memref<4096xf32, #tpu.memory_space<hbm>>
    %dma_start3A_3075 = arith.constant 0 : i32
    %dma_start3A_3076 = tpu.memref_slice %arg4[%select_n3A_3051, %select_n3A_3067, %dma_start3A_3075] : memref<26x32x4096xf32, #tpu.memory_space<hbm>> -> memref<1x1x4096xf32, #tpu.memory_space<hbm>>
    %dma_start3A_3077 = tpu.memref_squeeze %dma_start3A_3076 : memref<1x1x4096xf32, #tpu.memory_space<hbm>> -> memref<4096xf32, #tpu.memory_space<hbm>>
    %dma_start3A_3078 = arith.constant 0 : i32
    %dma_start3A_3079 = tpu.memref_slice %arg6[%dma_start3A_3068, %dma_start3A_3078] : memref<26x4096xf32, #tpu.memory_space<vmem>> -> memref<1x4096xf32, #tpu.memory_space<vmem>>
    %dma_start3A_3080 = tpu.memref_squeeze %dma_start3A_3079 : memref<1x4096xf32, #tpu.memory_space<vmem>> -> memref<4096xf32, #tpu.memory_space<vmem>>
    tpu.enqueue_dma source(%dma_start3A_3080 : memref<4096xf32, #tpu.memory_space<vmem>>) target(%dma_start3A_3077 : memref<4096xf32, #tpu.memory_space<hbm>>) target_semaphore(%arg8 : memref<!tpu.dma_semaphore, #tpu.memory_space<semaphore_mem>>)
    %add3A_3081 = arith.constant 24 : i32
    %add3A_3082 = arith.addi %mul3A_2, %add3A_3081 : i32
    %jit3A_3083 = arith.constant 32 : i32
    %div3A_3084 = arith.divsi %add3A_3082, %jit3A_3083 : i32
    %sign3A_3085 = arith.constant 0 : i32
    %sign3A_3086 = arith.cmpi sgt, %add3A_3082, %sign3A_3085 : i32
    %sign3A_3087 = arith.extui %sign3A_3086 : i1 to i32
    %sign3A_3088 = arith.constant 0 : i32
    %sign3A_3089 = arith.cmpi slt, %add3A_3082, %sign3A_3088 : i32
    %sign3A_3090 = arith.extui %sign3A_3089 : i1 to i32
    %sign3A_3091 = arith.subi %sign3A_3087, %sign3A_3090 : i32
    %sign3A_3092 = arith.constant 0 : i32
    %sign3A_3093 = arith.cmpi sgt, %jit3A_3083, %sign3A_3092 : i32
    %sign3A_3094 = arith.extui %sign3A_3093 : i1 to i32
    %sign3A_3095 = arith.constant 0 : i32
    %sign3A_3096 = arith.cmpi slt, %jit3A_3083, %sign3A_3095 : i32
    %sign3A_3097 = arith.extui %sign3A_3096 : i1 to i32
    %sign3A_3098 = arith.subi %sign3A_3094, %sign3A_3097 : i32
    %ne3A_3099 = arith.cmpi ne, %sign3A_3091, %sign3A_3098 : i32
    %rem3A_3100 = arith.remsi %add3A_3082, %jit3A_3083 : i32
    %ne3A_3101 = arith.constant 0 : i32
    %ne3A_3102 = arith.cmpi ne, %rem3A_3100, %ne3A_3101 : i32
    %and3A_3103 = arith.andi %ne3A_3099, %ne3A_3102 : i1
    %sub3A_3104 = arith.constant 1 : i32
    %sub3A_3105 = arith.subi %div3A_3084, %sub3A_3104 : i32
    %select_n3A_3106 = arith.select %and3A_3103, %sub3A_3105, %div3A_3084 : i32
    %jit3A_3107 = arith.constant 32 : i32
    %eq3A_3108 = arith.constant 0 : i32
    %eq3A_3109 = arith.cmpi eq, %jit3A_3107, %eq3A_3108 : i32
    %jit3A_3110 = arith.constant 1 : i32
    %select_n3A_3111 = arith.select %eq3A_3109, %jit3A_3110, %jit3A_3107 : i32
    %rem3A_3112 = arith.remsi %add3A_3082, %select_n3A_3111 : i32
    %ne3A_3113 = arith.constant 0 : i32
    %ne3A_3114 = arith.cmpi ne, %rem3A_3112, %ne3A_3113 : i32
    %lt3A_3115 = arith.constant 0 : i32
    %lt3A_3116 = arith.cmpi slt, %rem3A_3112, %lt3A_3115 : i32
    %lt3A_3117 = arith.constant 0 : i32
    %lt3A_3118 = arith.cmpi slt, %select_n3A_3111, %lt3A_3117 : i32
    %ne3A_3119 = arith.xori %lt3A_3116, %lt3A_3118 : i1
    %and3A_3120 = arith.andi %ne3A_3119, %ne3A_3114 : i1
    %add3A_3121 = arith.addi %rem3A_3112, %select_n3A_3111 : i32
    %select_n3A_3122 = arith.select %and3A_3120, %add3A_3121, %rem3A_3112 : i32
    %dma_start3A_3123 = arith.constant 24 : i32
    %dma_start3A_3124 = arith.constant 0 : i32
    %dma_start3A_3125 = tpu.memref_slice %arg6[%dma_start3A_3123, %dma_start3A_3124] : memref<26x4096xf32, #tpu.memory_space<vmem>> -> memref<1x4096xf32, #tpu.memory_space<vmem>>
    %dma_start3A_3126 = tpu.memref_squeeze %dma_start3A_3125 : memref<1x4096xf32, #tpu.memory_space<vmem>> -> memref<4096xf32, #tpu.memory_space<vmem>>
    %dma_start3A_3127 = arith.constant 0 : i32
    %dma_start3A_3128 = tpu.memref_slice %arg4[%select_n3A_3106, %select_n3A_3122, %dma_start3A_3127] : memref<26x32x4096xf32, #tpu.memory_space<hbm>> -> memref<1x1x4096xf32, #tpu.memory_space<hbm>>
    %dma_start3A_3129 = tpu.memref_squeeze %dma_start3A_3128 : memref<1x1x4096xf32, #tpu.memory_space<hbm>> -> memref<4096xf32, #tpu.memory_space<hbm>>
    %dma_start3A_3130 = arith.constant 0 : i32
    %dma_start3A_3131 = tpu.memref_slice %arg4[%select_n3A_3106, %select_n3A_3122, %dma_start3A_3130] : memref<26x32x4096xf32, #tpu.memory_space<hbm>> -> memref<1x1x4096xf32, #tpu.memory_space<hbm>>
    %dma_start3A_3132 = tpu.memref_squeeze %dma_start3A_3131 : memref<1x1x4096xf32, #tpu.memory_space<hbm>> -> memref<4096xf32, #tpu.memory_space<hbm>>
    %dma_start3A_3133 = arith.constant 0 : i32
    %dma_start3A_3134 = tpu.memref_slice %arg6[%dma_start3A_3123, %dma_start3A_3133] : memref<26x4096xf32, #tpu.memory_space<vmem>> -> memref<1x4096xf32, #tpu.memory_space<vmem>>
    %dma_start3A_3135 = tpu.memref_squeeze %dma_start3A_3134 : memref<1x4096xf32, #tpu.memory_space<vmem>> -> memref<4096xf32, #tpu.memory_space<vmem>>
    tpu.enqueue_dma source(%dma_start3A_3135 : memref<4096xf32, #tpu.memory_space<vmem>>) target(%dma_start3A_3132 : memref<4096xf32, #tpu.memory_space<hbm>>) target_semaphore(%arg8 : memref<!tpu.dma_semaphore, #tpu.memory_space<semaphore_mem>>)
    %add3A_3136 = arith.constant 25 : i32
    %add3A_3137 = arith.addi %mul3A_2, %add3A_3136 : i32
    %jit3A_3138 = arith.constant 32 : i32
    %div3A_3139 = arith.divsi %add3A_3137, %jit3A_3138 : i32
    %sign3A_3140 = arith.constant 0 : i32
    %sign3A_3141 = arith.cmpi sgt, %add3A_3137, %sign3A_3140 : i32
    %sign3A_3142 = arith.extui %sign3A_3141 : i1 to i32
    %sign3A_3143 = arith.constant 0 : i32
    %sign3A_3144 = arith.cmpi slt, %add3A_3137, %sign3A_3143 : i32
    %sign3A_3145 = arith.extui %sign3A_3144 : i1 to i32
    %sign3A_3146 = arith.subi %sign3A_3142, %sign3A_3145 : i32
    %sign3A_3147 = arith.constant 0 : i32
    %sign3A_3148 = arith.cmpi sgt, %jit3A_3138, %sign3A_3147 : i32
    %sign3A_3149 = arith.extui %sign3A_3148 : i1 to i32
    %sign3A_3150 = arith.constant 0 : i32
    %sign3A_3151 = arith.cmpi slt, %jit3A_3138, %sign3A_3150 : i32
    %sign3A_3152 = arith.extui %sign3A_3151 : i1 to i32
    %sign3A_3153 = arith.subi %sign3A_3149, %sign3A_3152 : i32
    %ne3A_3154 = arith.cmpi ne, %sign3A_3146, %sign3A_3153 : i32
    %rem3A_3155 = arith.remsi %add3A_3137, %jit3A_3138 : i32
    %ne3A_3156 = arith.constant 0 : i32
    %ne3A_3157 = arith.cmpi ne, %rem3A_3155, %ne3A_3156 : i32
    %and3A_3158 = arith.andi %ne3A_3154, %ne3A_3157 : i1
    %sub3A_3159 = arith.constant 1 : i32
    %sub3A_3160 = arith.subi %div3A_3139, %sub3A_3159 : i32
    %select_n3A_3161 = arith.select %and3A_3158, %sub3A_3160, %div3A_3139 : i32
    %jit3A_3162 = arith.constant 32 : i32
    %eq3A_3163 = arith.constant 0 : i32
    %eq3A_3164 = arith.cmpi eq, %jit3A_3162, %eq3A_3163 : i32
    %jit3A_3165 = arith.constant 1 : i32
    %select_n3A_3166 = arith.select %eq3A_3164, %jit3A_3165, %jit3A_3162 : i32
    %rem3A_3167 = arith.remsi %add3A_3137, %select_n3A_3166 : i32
    %ne3A_3168 = arith.constant 0 : i32
    %ne3A_3169 = arith.cmpi ne, %rem3A_3167, %ne3A_3168 : i32
    %lt3A_3170 = arith.constant 0 : i32
    %lt3A_3171 = arith.cmpi slt, %rem3A_3167, %lt3A_3170 : i32
    %lt3A_3172 = arith.constant 0 : i32
    %lt3A_3173 = arith.cmpi slt, %select_n3A_3166, %lt3A_3172 : i32
    %ne3A_3174 = arith.xori %lt3A_3171, %lt3A_3173 : i1
    %and3A_3175 = arith.andi %ne3A_3174, %ne3A_3169 : i1
    %add3A_3176 = arith.addi %rem3A_3167, %select_n3A_3166 : i32
    %select_n3A_3177 = arith.select %and3A_3175, %add3A_3176, %rem3A_3167 : i32
    %dma_start3A_3178 = arith.constant 25 : i32
    %dma_start3A_3179 = arith.constant 0 : i32
    %dma_start3A_3180 = tpu.memref_slice %arg6[%dma_start3A_3178, %dma_start3A_3179] : memref<26x4096xf32, #tpu.memory_space<vmem>> -> memref<1x4096xf32, #tpu.memory_space<vmem>>
    %dma_start3A_3181 = tpu.memref_squeeze %dma_start3A_3180 : memref<1x4096xf32, #tpu.memory_space<vmem>> -> memref<4096xf32, #tpu.memory_space<vmem>>
    %dma_start3A_3182 = arith.constant 0 : i32
    %dma_start3A_3183 = tpu.memref_slice %arg4[%select_n3A_3161, %select_n3A_3177, %dma_start3A_3182] : memref<26x32x4096xf32, #tpu.memory_space<hbm>> -> memref<1x1x4096xf32, #tpu.memory_space<hbm>>
    %dma_start3A_3184 = tpu.memref_squeeze %dma_start3A_3183 : memref<1x1x4096xf32, #tpu.memory_space<hbm>> -> memref<4096xf32, #tpu.memory_space<hbm>>
    %dma_start3A_3185 = arith.constant 0 : i32
    %dma_start3A_3186 = tpu.memref_slice %arg4[%select_n3A_3161, %select_n3A_3177, %dma_start3A_3185] : memref<26x32x4096xf32, #tpu.memory_space<hbm>> -> memref<1x1x4096xf32, #tpu.memory_space<hbm>>
    %dma_start3A_3187 = tpu.memref_squeeze %dma_start3A_3186 : memref<1x1x4096xf32, #tpu.memory_space<hbm>> -> memref<4096xf32, #tpu.memory_space<hbm>>
    %dma_start3A_3188 = arith.constant 0 : i32
    %dma_start3A_3189 = tpu.memref_slice %arg6[%dma_start3A_3178, %dma_start3A_3188] : memref<26x4096xf32, #tpu.memory_space<vmem>> -> memref<1x4096xf32, #tpu.memory_space<vmem>>
    %dma_start3A_3190 = tpu.memref_squeeze %dma_start3A_3189 : memref<1x4096xf32, #tpu.memory_space<vmem>> -> memref<4096xf32, #tpu.memory_space<vmem>>
    tpu.enqueue_dma source(%dma_start3A_3190 : memref<4096xf32, #tpu.memory_space<vmem>>) target(%dma_start3A_3187 : memref<4096xf32, #tpu.memory_space<hbm>>) target_semaphore(%arg8 : memref<!tpu.dma_semaphore, #tpu.memory_space<semaphore_mem>>)
    %dma_wait3A_3191 = arith.constant 0 : i32
    %dma_wait3A_3192 = arith.constant 0 : i32
    %dma_wait3A_3193 = tpu.memref_slice %arg6[%dma_wait3A_3191, %dma_wait3A_3192] : memref<26x4096xf32, #tpu.memory_space<vmem>> -> memref<1x4096xf32, #tpu.memory_space<vmem>>
    %dma_wait3A_3194 = tpu.memref_squeeze %dma_wait3A_3193 : memref<1x4096xf32, #tpu.memory_space<vmem>> -> memref<4096xf32, #tpu.memory_space<vmem>>
    %dma_wait3A_3195 = arith.constant 0 : i32
    %dma_wait3A_3196 = tpu.memref_slice %arg4[%select_n3A_1786, %select_n3A_1802, %dma_wait3A_3195] : memref<26x32x4096xf32, #tpu.memory_space<hbm>> -> memref<1x1x4096xf32, #tpu.memory_space<hbm>>
    %dma_wait3A_3197 = tpu.memref_squeeze %dma_wait3A_3196 : memref<1x1x4096xf32, #tpu.memory_space<hbm>> -> memref<4096xf32, #tpu.memory_space<hbm>>
    %dma_wait3A_3198 = arith.constant 0 : i32
    %dma_wait3A_3199 = tpu.memref_slice %arg4[%select_n3A_1786, %select_n3A_1802, %dma_wait3A_3198] : memref<26x32x4096xf32, #tpu.memory_space<hbm>> -> memref<1x1x4096xf32, #tpu.memory_space<hbm>>
    %dma_wait3A_3200 = tpu.memref_squeeze %dma_wait3A_3199 : memref<1x1x4096xf32, #tpu.memory_space<hbm>> -> memref<4096xf32, #tpu.memory_space<hbm>>
    %dma_wait3A_3201 = arith.constant 0 : i32
    %dma_wait3A_3202 = tpu.memref_slice %arg6[%dma_wait3A_3191, %dma_wait3A_3201] : memref<26x4096xf32, #tpu.memory_space<vmem>> -> memref<1x4096xf32, #tpu.memory_space<vmem>>
    %dma_wait3A_3203 = tpu.memref_squeeze %dma_wait3A_3202 : memref<1x4096xf32, #tpu.memory_space<vmem>> -> memref<4096xf32, #tpu.memory_space<vmem>>
    tpu.wait_dma2 semaphore(%arg8 : memref<!tpu.dma_semaphore, #tpu.memory_space<semaphore_mem>>) src(%dma_wait3A_3203 : memref<4096xf32, #tpu.memory_space<vmem>>) dst(%dma_wait3A_3200 : memref<4096xf32, #tpu.memory_space<hbm>>)
    %dma_wait3A_3204 = arith.constant 1 : i32
    %dma_wait3A_3205 = arith.constant 0 : i32
    %dma_wait3A_3206 = tpu.memref_slice %arg6[%dma_wait3A_3204, %dma_wait3A_3205] : memref<26x4096xf32, #tpu.memory_space<vmem>> -> memref<1x4096xf32, #tpu.memory_space<vmem>>
    %dma_wait3A_3207 = tpu.memref_squeeze %dma_wait3A_3206 : memref<1x4096xf32, #tpu.memory_space<vmem>> -> memref<4096xf32, #tpu.memory_space<vmem>>
    %dma_wait3A_3208 = arith.constant 0 : i32
    %dma_wait3A_3209 = tpu.memref_slice %arg4[%select_n3A_1841, %select_n3A_1857, %dma_wait3A_3208] : memref<26x32x4096xf32, #tpu.memory_space<hbm>> -> memref<1x1x4096xf32, #tpu.memory_space<hbm>>
    %dma_wait3A_3210 = tpu.memref_squeeze %dma_wait3A_3209 : memref<1x1x4096xf32, #tpu.memory_space<hbm>> -> memref<4096xf32, #tpu.memory_space<hbm>>
    %dma_wait3A_3211 = arith.constant 0 : i32
    %dma_wait3A_3212 = tpu.memref_slice %arg4[%select_n3A_1841, %select_n3A_1857, %dma_wait3A_3211] : memref<26x32x4096xf32, #tpu.memory_space<hbm>> -> memref<1x1x4096xf32, #tpu.memory_space<hbm>>
    %dma_wait3A_3213 = tpu.memref_squeeze %dma_wait3A_3212 : memref<1x1x4096xf32, #tpu.memory_space<hbm>> -> memref<4096xf32, #tpu.memory_space<hbm>>
    %dma_wait3A_3214 = arith.constant 0 : i32
    %dma_wait3A_3215 = tpu.memref_slice %arg6[%dma_wait3A_3204, %dma_wait3A_3214] : memref<26x4096xf32, #tpu.memory_space<vmem>> -> memref<1x4096xf32, #tpu.memory_space<vmem>>
    %dma_wait3A_3216 = tpu.memref_squeeze %dma_wait3A_3215 : memref<1x4096xf32, #tpu.memory_space<vmem>> -> memref<4096xf32, #tpu.memory_space<vmem>>
    tpu.wait_dma2 semaphore(%arg8 : memref<!tpu.dma_semaphore, #tpu.memory_space<semaphore_mem>>) src(%dma_wait3A_3216 : memref<4096xf32, #tpu.memory_space<vmem>>) dst(%dma_wait3A_3213 : memref<4096xf32, #tpu.memory_space<hbm>>)
    %dma_wait3A_3217 = arith.constant 2 : i32
    %dma_wait3A_3218 = arith.constant 0 : i32
    %dma_wait3A_3219 = tpu.memref_slice %arg6[%dma_wait3A_3217, %dma_wait3A_3218] : memref<26x4096xf32, #tpu.memory_space<vmem>> -> memref<1x4096xf32, #tpu.memory_space<vmem>>
    %dma_wait3A_3220 = tpu.memref_squeeze %dma_wait3A_3219 : memref<1x4096xf32, #tpu.memory_space<vmem>> -> memref<4096xf32, #tpu.memory_space<vmem>>
    %dma_wait3A_3221 = arith.constant 0 : i32
    %dma_wait3A_3222 = tpu.memref_slice %arg4[%select_n3A_1896, %select_n3A_1912, %dma_wait3A_3221] : memref<26x32x4096xf32, #tpu.memory_space<hbm>> -> memref<1x1x4096xf32, #tpu.memory_space<hbm>>
    %dma_wait3A_3223 = tpu.memref_squeeze %dma_wait3A_3222 : memref<1x1x4096xf32, #tpu.memory_space<hbm>> -> memref<4096xf32, #tpu.memory_space<hbm>>
    %dma_wait3A_3224 = arith.constant 0 : i32
    %dma_wait3A_3225 = tpu.memref_slice %arg4[%select_n3A_1896, %select_n3A_1912, %dma_wait3A_3224] : memref<26x32x4096xf32, #tpu.memory_space<hbm>> -> memref<1x1x4096xf32, #tpu.memory_space<hbm>>
    %dma_wait3A_3226 = tpu.memref_squeeze %dma_wait3A_3225 : memref<1x1x4096xf32, #tpu.memory_space<hbm>> -> memref<4096xf32, #tpu.memory_space<hbm>>
    %dma_wait3A_3227 = arith.constant 0 : i32
    %dma_wait3A_3228 = tpu.memref_slice %arg6[%dma_wait3A_3217, %dma_wait3A_3227] : memref<26x4096xf32, #tpu.memory_space<vmem>> -> memref<1x4096xf32, #tpu.memory_space<vmem>>
    %dma_wait3A_3229 = tpu.memref_squeeze %dma_wait3A_3228 : memref<1x4096xf32, #tpu.memory_space<vmem>> -> memref<4096xf32, #tpu.memory_space<vmem>>
    tpu.wait_dma2 semaphore(%arg8 : memref<!tpu.dma_semaphore, #tpu.memory_space<semaphore_mem>>) src(%dma_wait3A_3229 : memref<4096xf32, #tpu.memory_space<vmem>>) dst(%dma_wait3A_3226 : memref<4096xf32, #tpu.memory_space<hbm>>)
    %dma_wait3A_3230 = arith.constant 3 : i32
    %dma_wait3A_3231 = arith.constant 0 : i32
    %dma_wait3A_3232 = tpu.memref_slice %arg6[%dma_wait3A_3230, %dma_wait3A_3231] : memref<26x4096xf32, #tpu.memory_space<vmem>> -> memref<1x4096xf32, #tpu.memory_space<vmem>>
    %dma_wait3A_3233 = tpu.memref_squeeze %dma_wait3A_3232 : memref<1x4096xf32, #tpu.memory_space<vmem>> -> memref<4096xf32, #tpu.memory_space<vmem>>
    %dma_wait3A_3234 = arith.constant 0 : i32
    %dma_wait3A_3235 = tpu.memref_slice %arg4[%select_n3A_1951, %select_n3A_1967, %dma_wait3A_3234] : memref<26x32x4096xf32, #tpu.memory_space<hbm>> -> memref<1x1x4096xf32, #tpu.memory_space<hbm>>
    %dma_wait3A_3236 = tpu.memref_squeeze %dma_wait3A_3235 : memref<1x1x4096xf32, #tpu.memory_space<hbm>> -> memref<4096xf32, #tpu.memory_space<hbm>>
    %dma_wait3A_3237 = arith.constant 0 : i32
    %dma_wait3A_3238 = tpu.memref_slice %arg4[%select_n3A_1951, %select_n3A_1967, %dma_wait3A_3237] : memref<26x32x4096xf32, #tpu.memory_space<hbm>> -> memref<1x1x4096xf32, #tpu.memory_space<hbm>>
    %dma_wait3A_3239 = tpu.memref_squeeze %dma_wait3A_3238 : memref<1x1x4096xf32, #tpu.memory_space<hbm>> -> memref<4096xf32, #tpu.memory_space<hbm>>
    %dma_wait3A_3240 = arith.constant 0 : i32
    %dma_wait3A_3241 = tpu.memref_slice %arg6[%dma_wait3A_3230, %dma_wait3A_3240] : memref<26x4096xf32, #tpu.memory_space<vmem>> -> memref<1x4096xf32, #tpu.memory_space<vmem>>
    %dma_wait3A_3242 = tpu.memref_squeeze %dma_wait3A_3241 : memref<1x4096xf32, #tpu.memory_space<vmem>> -> memref<4096xf32, #tpu.memory_space<vmem>>
    tpu.wait_dma2 semaphore(%arg8 : memref<!tpu.dma_semaphore, #tpu.memory_space<semaphore_mem>>) src(%dma_wait3A_3242 : memref<4096xf32, #tpu.memory_space<vmem>>) dst(%dma_wait3A_3239 : memref<4096xf32, #tpu.memory_space<hbm>>)
    %dma_wait3A_3243 = arith.constant 4 : i32
    %dma_wait3A_3244 = arith.constant 0 : i32
    %dma_wait3A_3245 = tpu.memref_slice %arg6[%dma_wait3A_3243, %dma_wait3A_3244] : memref<26x4096xf32, #tpu.memory_space<vmem>> -> memref<1x4096xf32, #tpu.memory_space<vmem>>
    %dma_wait3A_3246 = tpu.memref_squeeze %dma_wait3A_3245 : memref<1x4096xf32, #tpu.memory_space<vmem>> -> memref<4096xf32, #tpu.memory_space<vmem>>
    %dma_wait3A_3247 = arith.constant 0 : i32
    %dma_wait3A_3248 = tpu.memref_slice %arg4[%select_n3A_2006, %select_n3A_2022, %dma_wait3A_3247] : memref<26x32x4096xf32, #tpu.memory_space<hbm>> -> memref<1x1x4096xf32, #tpu.memory_space<hbm>>
    %dma_wait3A_3249 = tpu.memref_squeeze %dma_wait3A_3248 : memref<1x1x4096xf32, #tpu.memory_space<hbm>> -> memref<4096xf32, #tpu.memory_space<hbm>>
    %dma_wait3A_3250 = arith.constant 0 : i32
    %dma_wait3A_3251 = tpu.memref_slice %arg4[%select_n3A_2006, %select_n3A_2022, %dma_wait3A_3250] : memref<26x32x4096xf32, #tpu.memory_space<hbm>> -> memref<1x1x4096xf32, #tpu.memory_space<hbm>>
    %dma_wait3A_3252 = tpu.memref_squeeze %dma_wait3A_3251 : memref<1x1x4096xf32, #tpu.memory_space<hbm>> -> memref<4096xf32, #tpu.memory_space<hbm>>
    %dma_wait3A_3253 = arith.constant 0 : i32
    %dma_wait3A_3254 = tpu.memref_slice %arg6[%dma_wait3A_3243, %dma_wait3A_3253] : memref<26x4096xf32, #tpu.memory_space<vmem>> -> memref<1x4096xf32, #tpu.memory_space<vmem>>
    %dma_wait3A_3255 = tpu.memref_squeeze %dma_wait3A_3254 : memref<1x4096xf32, #tpu.memory_space<vmem>> -> memref<4096xf32, #tpu.memory_space<vmem>>
    tpu.wait_dma2 semaphore(%arg8 : memref<!tpu.dma_semaphore, #tpu.memory_space<semaphore_mem>>) src(%dma_wait3A_3255 : memref<4096xf32, #tpu.memory_space<vmem>>) dst(%dma_wait3A_3252 : memref<4096xf32, #tpu.memory_space<hbm>>)
    %dma_wait3A_3256 = arith.constant 5 : i32
    %dma_wait3A_3257 = arith.constant 0 : i32
    %dma_wait3A_3258 = tpu.memref_slice %arg6[%dma_wait3A_3256, %dma_wait3A_3257] : memref<26x4096xf32, #tpu.memory_space<vmem>> -> memref<1x4096xf32, #tpu.memory_space<vmem>>
    %dma_wait3A_3259 = tpu.memref_squeeze %dma_wait3A_3258 : memref<1x4096xf32, #tpu.memory_space<vmem>> -> memref<4096xf32, #tpu.memory_space<vmem>>
    %dma_wait3A_3260 = arith.constant 0 : i32
    %dma_wait3A_3261 = tpu.memref_slice %arg4[%select_n3A_2061, %select_n3A_2077, %dma_wait3A_3260] : memref<26x32x4096xf32, #tpu.memory_space<hbm>> -> memref<1x1x4096xf32, #tpu.memory_space<hbm>>
    %dma_wait3A_3262 = tpu.memref_squeeze %dma_wait3A_3261 : memref<1x1x4096xf32, #tpu.memory_space<hbm>> -> memref<4096xf32, #tpu.memory_space<hbm>>
    %dma_wait3A_3263 = arith.constant 0 : i32
    %dma_wait3A_3264 = tpu.memref_slice %arg4[%select_n3A_2061, %select_n3A_2077, %dma_wait3A_3263] : memref<26x32x4096xf32, #tpu.memory_space<hbm>> -> memref<1x1x4096xf32, #tpu.memory_space<hbm>>
    %dma_wait3A_3265 = tpu.memref_squeeze %dma_wait3A_3264 : memref<1x1x4096xf32, #tpu.memory_space<hbm>> -> memref<4096xf32, #tpu.memory_space<hbm>>
    %dma_wait3A_3266 = arith.constant 0 : i32
    %dma_wait3A_3267 = tpu.memref_slice %arg6[%dma_wait3A_3256, %dma_wait3A_3266] : memref<26x4096xf32, #tpu.memory_space<vmem>> -> memref<1x4096xf32, #tpu.memory_space<vmem>>
    %dma_wait3A_3268 = tpu.memref_squeeze %dma_wait3A_3267 : memref<1x4096xf32, #tpu.memory_space<vmem>> -> memref<4096xf32, #tpu.memory_space<vmem>>
    tpu.wait_dma2 semaphore(%arg8 : memref<!tpu.dma_semaphore, #tpu.memory_space<semaphore_mem>>) src(%dma_wait3A_3268 : memref<4096xf32, #tpu.memory_space<vmem>>) dst(%dma_wait3A_3265 : memref<4096xf32, #tpu.memory_space<hbm>>)
    %dma_wait3A_3269 = arith.constant 6 : i32
    %dma_wait3A_3270 = arith.constant 0 : i32
    %dma_wait3A_3271 = tpu.memref_slice %arg6[%dma_wait3A_3269, %dma_wait3A_3270] : memref<26x4096xf32, #tpu.memory_space<vmem>> -> memref<1x4096xf32, #tpu.memory_space<vmem>>
    %dma_wait3A_3272 = tpu.memref_squeeze %dma_wait3A_3271 : memref<1x4096xf32, #tpu.memory_space<vmem>> -> memref<4096xf32, #tpu.memory_space<vmem>>
    %dma_wait3A_3273 = arith.constant 0 : i32
    %dma_wait3A_3274 = tpu.memref_slice %arg4[%select_n3A_2116, %select_n3A_2132, %dma_wait3A_3273] : memref<26x32x4096xf32, #tpu.memory_space<hbm>> -> memref<1x1x4096xf32, #tpu.memory_space<hbm>>
    %dma_wait3A_3275 = tpu.memref_squeeze %dma_wait3A_3274 : memref<1x1x4096xf32, #tpu.memory_space<hbm>> -> memref<4096xf32, #tpu.memory_space<hbm>>
    %dma_wait3A_3276 = arith.constant 0 : i32
    %dma_wait3A_3277 = tpu.memref_slice %arg4[%select_n3A_2116, %select_n3A_2132, %dma_wait3A_3276] : memref<26x32x4096xf32, #tpu.memory_space<hbm>> -> memref<1x1x4096xf32, #tpu.memory_space<hbm>>
    %dma_wait3A_3278 = tpu.memref_squeeze %dma_wait3A_3277 : memref<1x1x4096xf32, #tpu.memory_space<hbm>> -> memref<4096xf32, #tpu.memory_space<hbm>>
    %dma_wait3A_3279 = arith.constant 0 : i32
    %dma_wait3A_3280 = tpu.memref_slice %arg6[%dma_wait3A_3269, %dma_wait3A_3279] : memref<26x4096xf32, #tpu.memory_space<vmem>> -> memref<1x4096xf32, #tpu.memory_space<vmem>>
    %dma_wait3A_3281 = tpu.memref_squeeze %dma_wait3A_3280 : memref<1x4096xf32, #tpu.memory_space<vmem>> -> memref<4096xf32, #tpu.memory_space<vmem>>
    tpu.wait_dma2 semaphore(%arg8 : memref<!tpu.dma_semaphore, #tpu.memory_space<semaphore_mem>>) src(%dma_wait3A_3281 : memref<4096xf32, #tpu.memory_space<vmem>>) dst(%dma_wait3A_3278 : memref<4096xf32, #tpu.memory_space<hbm>>)
    %dma_wait3A_3282 = arith.constant 7 : i32
    %dma_wait3A_3283 = arith.constant 0 : i32
    %dma_wait3A_3284 = tpu.memref_slice %arg6[%dma_wait3A_3282, %dma_wait3A_3283] : memref<26x4096xf32, #tpu.memory_space<vmem>> -> memref<1x4096xf32, #tpu.memory_space<vmem>>
    %dma_wait3A_3285 = tpu.memref_squeeze %dma_wait3A_3284 : memref<1x4096xf32, #tpu.memory_space<vmem>> -> memref<4096xf32, #tpu.memory_space<vmem>>
    %dma_wait3A_3286 = arith.constant 0 : i32
    %dma_wait3A_3287 = tpu.memref_slice %arg4[%select_n3A_2171, %select_n3A_2187, %dma_wait3A_3286] : memref<26x32x4096xf32, #tpu.memory_space<hbm>> -> memref<1x1x4096xf32, #tpu.memory_space<hbm>>
    %dma_wait3A_3288 = tpu.memref_squeeze %dma_wait3A_3287 : memref<1x1x4096xf32, #tpu.memory_space<hbm>> -> memref<4096xf32, #tpu.memory_space<hbm>>
    %dma_wait3A_3289 = arith.constant 0 : i32
    %dma_wait3A_3290 = tpu.memref_slice %arg4[%select_n3A_2171, %select_n3A_2187, %dma_wait3A_3289] : memref<26x32x4096xf32, #tpu.memory_space<hbm>> -> memref<1x1x4096xf32, #tpu.memory_space<hbm>>
    %dma_wait3A_3291 = tpu.memref_squeeze %dma_wait3A_3290 : memref<1x1x4096xf32, #tpu.memory_space<hbm>> -> memref<4096xf32, #tpu.memory_space<hbm>>
    %dma_wait3A_3292 = arith.constant 0 : i32
    %dma_wait3A_3293 = tpu.memref_slice %arg6[%dma_wait3A_3282, %dma_wait3A_3292] : memref<26x4096xf32, #tpu.memory_space<vmem>> -> memref<1x4096xf32, #tpu.memory_space<vmem>>
    %dma_wait3A_3294 = tpu.memref_squeeze %dma_wait3A_3293 : memref<1x4096xf32, #tpu.memory_space<vmem>> -> memref<4096xf32, #tpu.memory_space<vmem>>
    tpu.wait_dma2 semaphore(%arg8 : memref<!tpu.dma_semaphore, #tpu.memory_space<semaphore_mem>>) src(%dma_wait3A_3294 : memref<4096xf32, #tpu.memory_space<vmem>>) dst(%dma_wait3A_3291 : memref<4096xf32, #tpu.memory_space<hbm>>)
    %dma_wait3A_3295 = arith.constant 8 : i32
    %dma_wait3A_3296 = arith.constant 0 : i32
    %dma_wait3A_3297 = tpu.memref_slice %arg6[%dma_wait3A_3295, %dma_wait3A_3296] : memref<26x4096xf32, #tpu.memory_space<vmem>> -> memref<1x4096xf32, #tpu.memory_space<vmem>>
    %dma_wait3A_3298 = tpu.memref_squeeze %dma_wait3A_3297 : memref<1x4096xf32, #tpu.memory_space<vmem>> -> memref<4096xf32, #tpu.memory_space<vmem>>
    %dma_wait3A_3299 = arith.constant 0 : i32
    %dma_wait3A_3300 = tpu.memref_slice %arg4[%select_n3A_2226, %select_n3A_2242, %dma_wait3A_3299] : memref<26x32x4096xf32, #tpu.memory_space<hbm>> -> memref<1x1x4096xf32, #tpu.memory_space<hbm>>
    %dma_wait3A_3301 = tpu.memref_squeeze %dma_wait3A_3300 : memref<1x1x4096xf32, #tpu.memory_space<hbm>> -> memref<4096xf32, #tpu.memory_space<hbm>>
    %dma_wait3A_3302 = arith.constant 0 : i32
    %dma_wait3A_3303 = tpu.memref_slice %arg4[%select_n3A_2226, %select_n3A_2242, %dma_wait3A_3302] : memref<26x32x4096xf32, #tpu.memory_space<hbm>> -> memref<1x1x4096xf32, #tpu.memory_space<hbm>>
    %dma_wait3A_3304 = tpu.memref_squeeze %dma_wait3A_3303 : memref<1x1x4096xf32, #tpu.memory_space<hbm>> -> memref<4096xf32, #tpu.memory_space<hbm>>
    %dma_wait3A_3305 = arith.constant 0 : i32
    %dma_wait3A_3306 = tpu.memref_slice %arg6[%dma_wait3A_3295, %dma_wait3A_3305] : memref<26x4096xf32, #tpu.memory_space<vmem>> -> memref<1x4096xf32, #tpu.memory_space<vmem>>
    %dma_wait3A_3307 = tpu.memref_squeeze %dma_wait3A_3306 : memref<1x4096xf32, #tpu.memory_space<vmem>> -> memref<4096xf32, #tpu.memory_space<vmem>>
    tpu.wait_dma2 semaphore(%arg8 : memref<!tpu.dma_semaphore, #tpu.memory_space<semaphore_mem>>) src(%dma_wait3A_3307 : memref<4096xf32, #tpu.memory_space<vmem>>) dst(%dma_wait3A_3304 : memref<4096xf32, #tpu.memory_space<hbm>>)
    %dma_wait3A_3308 = arith.constant 9 : i32
    %dma_wait3A_3309 = arith.constant 0 : i32
    %dma_wait3A_3310 = tpu.memref_slice %arg6[%dma_wait3A_3308, %dma_wait3A_3309] : memref<26x4096xf32, #tpu.memory_space<vmem>> -> memref<1x4096xf32, #tpu.memory_space<vmem>>
    %dma_wait3A_3311 = tpu.memref_squeeze %dma_wait3A_3310 : memref<1x4096xf32, #tpu.memory_space<vmem>> -> memref<4096xf32, #tpu.memory_space<vmem>>
    %dma_wait3A_3312 = arith.constant 0 : i32
    %dma_wait3A_3313 = tpu.memref_slice %arg4[%select_n3A_2281, %select_n3A_2297, %dma_wait3A_3312] : memref<26x32x4096xf32, #tpu.memory_space<hbm>> -> memref<1x1x4096xf32, #tpu.memory_space<hbm>>
    %dma_wait3A_3314 = tpu.memref_squeeze %dma_wait3A_3313 : memref<1x1x4096xf32, #tpu.memory_space<hbm>> -> memref<4096xf32, #tpu.memory_space<hbm>>
    %dma_wait3A_3315 = arith.constant 0 : i32
    %dma_wait3A_3316 = tpu.memref_slice %arg4[%select_n3A_2281, %select_n3A_2297, %dma_wait3A_3315] : memref<26x32x4096xf32, #tpu.memory_space<hbm>> -> memref<1x1x4096xf32, #tpu.memory_space<hbm>>
    %dma_wait3A_3317 = tpu.memref_squeeze %dma_wait3A_3316 : memref<1x1x4096xf32, #tpu.memory_space<hbm>> -> memref<4096xf32, #tpu.memory_space<hbm>>
    %dma_wait3A_3318 = arith.constant 0 : i32
    %dma_wait3A_3319 = tpu.memref_slice %arg6[%dma_wait3A_3308, %dma_wait3A_3318] : memref<26x4096xf32, #tpu.memory_space<vmem>> -> memref<1x4096xf32, #tpu.memory_space<vmem>>
    %dma_wait3A_3320 = tpu.memref_squeeze %dma_wait3A_3319 : memref<1x4096xf32, #tpu.memory_space<vmem>> -> memref<4096xf32, #tpu.memory_space<vmem>>
    tpu.wait_dma2 semaphore(%arg8 : memref<!tpu.dma_semaphore, #tpu.memory_space<semaphore_mem>>) src(%dma_wait3A_3320 : memref<4096xf32, #tpu.memory_space<vmem>>) dst(%dma_wait3A_3317 : memref<4096xf32, #tpu.memory_space<hbm>>)
    %dma_wait3A_3321 = arith.constant 10 : i32
    %dma_wait3A_3322 = arith.constant 0 : i32
    %dma_wait3A_3323 = tpu.memref_slice %arg6[%dma_wait3A_3321, %dma_wait3A_3322] : memref<26x4096xf32, #tpu.memory_space<vmem>> -> memref<1x4096xf32, #tpu.memory_space<vmem>>
    %dma_wait3A_3324 = tpu.memref_squeeze %dma_wait3A_3323 : memref<1x4096xf32, #tpu.memory_space<vmem>> -> memref<4096xf32, #tpu.memory_space<vmem>>
    %dma_wait3A_3325 = arith.constant 0 : i32
    %dma_wait3A_3326 = tpu.memref_slice %arg4[%select_n3A_2336, %select_n3A_2352, %dma_wait3A_3325] : memref<26x32x4096xf32, #tpu.memory_space<hbm>> -> memref<1x1x4096xf32, #tpu.memory_space<hbm>>
    %dma_wait3A_3327 = tpu.memref_squeeze %dma_wait3A_3326 : memref<1x1x4096xf32, #tpu.memory_space<hbm>> -> memref<4096xf32, #tpu.memory_space<hbm>>
    %dma_wait3A_3328 = arith.constant 0 : i32
    %dma_wait3A_3329 = tpu.memref_slice %arg4[%select_n3A_2336, %select_n3A_2352, %dma_wait3A_3328] : memref<26x32x4096xf32, #tpu.memory_space<hbm>> -> memref<1x1x4096xf32, #tpu.memory_space<hbm>>
    %dma_wait3A_3330 = tpu.memref_squeeze %dma_wait3A_3329 : memref<1x1x4096xf32, #tpu.memory_space<hbm>> -> memref<4096xf32, #tpu.memory_space<hbm>>
    %dma_wait3A_3331 = arith.constant 0 : i32
    %dma_wait3A_3332 = tpu.memref_slice %arg6[%dma_wait3A_3321, %dma_wait3A_3331] : memref<26x4096xf32, #tpu.memory_space<vmem>> -> memref<1x4096xf32, #tpu.memory_space<vmem>>
    %dma_wait3A_3333 = tpu.memref_squeeze %dma_wait3A_3332 : memref<1x4096xf32, #tpu.memory_space<vmem>> -> memref<4096xf32, #tpu.memory_space<vmem>>
    tpu.wait_dma2 semaphore(%arg8 : memref<!tpu.dma_semaphore, #tpu.memory_space<semaphore_mem>>) src(%dma_wait3A_3333 : memref<4096xf32, #tpu.memory_space<vmem>>) dst(%dma_wait3A_3330 : memref<4096xf32, #tpu.memory_space<hbm>>)
    %dma_wait3A_3334 = arith.constant 11 : i32
    %dma_wait3A_3335 = arith.constant 0 : i32
    %dma_wait3A_3336 = tpu.memref_slice %arg6[%dma_wait3A_3334, %dma_wait3A_3335] : memref<26x4096xf32, #tpu.memory_space<vmem>> -> memref<1x4096xf32, #tpu.memory_space<vmem>>
    %dma_wait3A_3337 = tpu.memref_squeeze %dma_wait3A_3336 : memref<1x4096xf32, #tpu.memory_space<vmem>> -> memref<4096xf32, #tpu.memory_space<vmem>>
    %dma_wait3A_3338 = arith.constant 0 : i32
    %dma_wait3A_3339 = tpu.memref_slice %arg4[%select_n3A_2391, %select_n3A_2407, %dma_wait3A_3338] : memref<26x32x4096xf32, #tpu.memory_space<hbm>> -> memref<1x1x4096xf32, #tpu.memory_space<hbm>>
    %dma_wait3A_3340 = tpu.memref_squeeze %dma_wait3A_3339 : memref<1x1x4096xf32, #tpu.memory_space<hbm>> -> memref<4096xf32, #tpu.memory_space<hbm>>
    %dma_wait3A_3341 = arith.constant 0 : i32
    %dma_wait3A_3342 = tpu.memref_slice %arg4[%select_n3A_2391, %select_n3A_2407, %dma_wait3A_3341] : memref<26x32x4096xf32, #tpu.memory_space<hbm>> -> memref<1x1x4096xf32, #tpu.memory_space<hbm>>
    %dma_wait3A_3343 = tpu.memref_squeeze %dma_wait3A_3342 : memref<1x1x4096xf32, #tpu.memory_space<hbm>> -> memref<4096xf32, #tpu.memory_space<hbm>>
    %dma_wait3A_3344 = arith.constant 0 : i32
    %dma_wait3A_3345 = tpu.memref_slice %arg6[%dma_wait3A_3334, %dma_wait3A_3344] : memref<26x4096xf32, #tpu.memory_space<vmem>> -> memref<1x4096xf32, #tpu.memory_space<vmem>>
    %dma_wait3A_3346 = tpu.memref_squeeze %dma_wait3A_3345 : memref<1x4096xf32, #tpu.memory_space<vmem>> -> memref<4096xf32, #tpu.memory_space<vmem>>
    tpu.wait_dma2 semaphore(%arg8 : memref<!tpu.dma_semaphore, #tpu.memory_space<semaphore_mem>>) src(%dma_wait3A_3346 : memref<4096xf32, #tpu.memory_space<vmem>>) dst(%dma_wait3A_3343 : memref<4096xf32, #tpu.memory_space<hbm>>)
    %dma_wait3A_3347 = arith.constant 12 : i32
    %dma_wait3A_3348 = arith.constant 0 : i32
    %dma_wait3A_3349 = tpu.memref_slice %arg6[%dma_wait3A_3347, %dma_wait3A_3348] : memref<26x4096xf32, #tpu.memory_space<vmem>> -> memref<1x4096xf32, #tpu.memory_space<vmem>>
    %dma_wait3A_3350 = tpu.memref_squeeze %dma_wait3A_3349 : memref<1x4096xf32, #tpu.memory_space<vmem>> -> memref<4096xf32, #tpu.memory_space<vmem>>
    %dma_wait3A_3351 = arith.constant 0 : i32
    %dma_wait3A_3352 = tpu.memref_slice %arg4[%select_n3A_2446, %select_n3A_2462, %dma_wait3A_3351] : memref<26x32x4096xf32, #tpu.memory_space<hbm>> -> memref<1x1x4096xf32, #tpu.memory_space<hbm>>
    %dma_wait3A_3353 = tpu.memref_squeeze %dma_wait3A_3352 : memref<1x1x4096xf32, #tpu.memory_space<hbm>> -> memref<4096xf32, #tpu.memory_space<hbm>>
    %dma_wait3A_3354 = arith.constant 0 : i32
    %dma_wait3A_3355 = tpu.memref_slice %arg4[%select_n3A_2446, %select_n3A_2462, %dma_wait3A_3354] : memref<26x32x4096xf32, #tpu.memory_space<hbm>> -> memref<1x1x4096xf32, #tpu.memory_space<hbm>>
    %dma_wait3A_3356 = tpu.memref_squeeze %dma_wait3A_3355 : memref<1x1x4096xf32, #tpu.memory_space<hbm>> -> memref<4096xf32, #tpu.memory_space<hbm>>
    %dma_wait3A_3357 = arith.constant 0 : i32
    %dma_wait3A_3358 = tpu.memref_slice %arg6[%dma_wait3A_3347, %dma_wait3A_3357] : memref<26x4096xf32, #tpu.memory_space<vmem>> -> memref<1x4096xf32, #tpu.memory_space<vmem>>
    %dma_wait3A_3359 = tpu.memref_squeeze %dma_wait3A_3358 : memref<1x4096xf32, #tpu.memory_space<vmem>> -> memref<4096xf32, #tpu.memory_space<vmem>>
    tpu.wait_dma2 semaphore(%arg8 : memref<!tpu.dma_semaphore, #tpu.memory_space<semaphore_mem>>) src(%dma_wait3A_3359 : memref<4096xf32, #tpu.memory_space<vmem>>) dst(%dma_wait3A_3356 : memref<4096xf32, #tpu.memory_space<hbm>>)
    %dma_wait3A_3360 = arith.constant 13 : i32
    %dma_wait3A_3361 = arith.constant 0 : i32
    %dma_wait3A_3362 = tpu.memref_slice %arg6[%dma_wait3A_3360, %dma_wait3A_3361] : memref<26x4096xf32, #tpu.memory_space<vmem>> -> memref<1x4096xf32, #tpu.memory_space<vmem>>
    %dma_wait3A_3363 = tpu.memref_squeeze %dma_wait3A_3362 : memref<1x4096xf32, #tpu.memory_space<vmem>> -> memref<4096xf32, #tpu.memory_space<vmem>>
    %dma_wait3A_3364 = arith.constant 0 : i32
    %dma_wait3A_3365 = tpu.memref_slice %arg4[%select_n3A_2501, %select_n3A_2517, %dma_wait3A_3364] : memref<26x32x4096xf32, #tpu.memory_space<hbm>> -> memref<1x1x4096xf32, #tpu.memory_space<hbm>>
    %dma_wait3A_3366 = tpu.memref_squeeze %dma_wait3A_3365 : memref<1x1x4096xf32, #tpu.memory_space<hbm>> -> memref<4096xf32, #tpu.memory_space<hbm>>
    %dma_wait3A_3367 = arith.constant 0 : i32
    %dma_wait3A_3368 = tpu.memref_slice %arg4[%select_n3A_2501, %select_n3A_2517, %dma_wait3A_3367] : memref<26x32x4096xf32, #tpu.memory_space<hbm>> -> memref<1x1x4096xf32, #tpu.memory_space<hbm>>
    %dma_wait3A_3369 = tpu.memref_squeeze %dma_wait3A_3368 : memref<1x1x4096xf32, #tpu.memory_space<hbm>> -> memref<4096xf32, #tpu.memory_space<hbm>>
    %dma_wait3A_3370 = arith.constant 0 : i32
    %dma_wait3A_3371 = tpu.memref_slice %arg6[%dma_wait3A_3360, %dma_wait3A_3370] : memref<26x4096xf32, #tpu.memory_space<vmem>> -> memref<1x4096xf32, #tpu.memory_space<vmem>>
    %dma_wait3A_3372 = tpu.memref_squeeze %dma_wait3A_3371 : memref<1x4096xf32, #tpu.memory_space<vmem>> -> memref<4096xf32, #tpu.memory_space<vmem>>
    tpu.wait_dma2 semaphore(%arg8 : memref<!tpu.dma_semaphore, #tpu.memory_space<semaphore_mem>>) src(%dma_wait3A_3372 : memref<4096xf32, #tpu.memory_space<vmem>>) dst(%dma_wait3A_3369 : memref<4096xf32, #tpu.memory_space<hbm>>)
    %dma_wait3A_3373 = arith.constant 14 : i32
    %dma_wait3A_3374 = arith.constant 0 : i32
    %dma_wait3A_3375 = tpu.memref_slice %arg6[%dma_wait3A_3373, %dma_wait3A_3374] : memref<26x4096xf32, #tpu.memory_space<vmem>> -> memref<1x4096xf32, #tpu.memory_space<vmem>>
    %dma_wait3A_3376 = tpu.memref_squeeze %dma_wait3A_3375 : memref<1x4096xf32, #tpu.memory_space<vmem>> -> memref<4096xf32, #tpu.memory_space<vmem>>
    %dma_wait3A_3377 = arith.constant 0 : i32
    %dma_wait3A_3378 = tpu.memref_slice %arg4[%select_n3A_2556, %select_n3A_2572, %dma_wait3A_3377] : memref<26x32x4096xf32, #tpu.memory_space<hbm>> -> memref<1x1x4096xf32, #tpu.memory_space<hbm>>
    %dma_wait3A_3379 = tpu.memref_squeeze %dma_wait3A_3378 : memref<1x1x4096xf32, #tpu.memory_space<hbm>> -> memref<4096xf32, #tpu.memory_space<hbm>>
    %dma_wait3A_3380 = arith.constant 0 : i32
    %dma_wait3A_3381 = tpu.memref_slice %arg4[%select_n3A_2556, %select_n3A_2572, %dma_wait3A_3380] : memref<26x32x4096xf32, #tpu.memory_space<hbm>> -> memref<1x1x4096xf32, #tpu.memory_space<hbm>>
    %dma_wait3A_3382 = tpu.memref_squeeze %dma_wait3A_3381 : memref<1x1x4096xf32, #tpu.memory_space<hbm>> -> memref<4096xf32, #tpu.memory_space<hbm>>
    %dma_wait3A_3383 = arith.constant 0 : i32
    %dma_wait3A_3384 = tpu.memref_slice %arg6[%dma_wait3A_3373, %dma_wait3A_3383] : memref<26x4096xf32, #tpu.memory_space<vmem>> -> memref<1x4096xf32, #tpu.memory_space<vmem>>
    %dma_wait3A_3385 = tpu.memref_squeeze %dma_wait3A_3384 : memref<1x4096xf32, #tpu.memory_space<vmem>> -> memref<4096xf32, #tpu.memory_space<vmem>>
    tpu.wait_dma2 semaphore(%arg8 : memref<!tpu.dma_semaphore, #tpu.memory_space<semaphore_mem>>) src(%dma_wait3A_3385 : memref<4096xf32, #tpu.memory_space<vmem>>) dst(%dma_wait3A_3382 : memref<4096xf32, #tpu.memory_space<hbm>>)
    %dma_wait3A_3386 = arith.constant 15 : i32
    %dma_wait3A_3387 = arith.constant 0 : i32
    %dma_wait3A_3388 = tpu.memref_slice %arg6[%dma_wait3A_3386, %dma_wait3A_3387] : memref<26x4096xf32, #tpu.memory_space<vmem>> -> memref<1x4096xf32, #tpu.memory_space<vmem>>
    %dma_wait3A_3389 = tpu.memref_squeeze %dma_wait3A_3388 : memref<1x4096xf32, #tpu.memory_space<vmem>> -> memref<4096xf32, #tpu.memory_space<vmem>>
    %dma_wait3A_3390 = arith.constant 0 : i32
    %dma_wait3A_3391 = tpu.memref_slice %arg4[%select_n3A_2611, %select_n3A_2627, %dma_wait3A_3390] : memref<26x32x4096xf32, #tpu.memory_space<hbm>> -> memref<1x1x4096xf32, #tpu.memory_space<hbm>>
    %dma_wait3A_3392 = tpu.memref_squeeze %dma_wait3A_3391 : memref<1x1x4096xf32, #tpu.memory_space<hbm>> -> memref<4096xf32, #tpu.memory_space<hbm>>
    %dma_wait3A_3393 = arith.constant 0 : i32
    %dma_wait3A_3394 = tpu.memref_slice %arg4[%select_n3A_2611, %select_n3A_2627, %dma_wait3A_3393] : memref<26x32x4096xf32, #tpu.memory_space<hbm>> -> memref<1x1x4096xf32, #tpu.memory_space<hbm>>
    %dma_wait3A_3395 = tpu.memref_squeeze %dma_wait3A_3394 : memref<1x1x4096xf32, #tpu.memory_space<hbm>> -> memref<4096xf32, #tpu.memory_space<hbm>>
    %dma_wait3A_3396 = arith.constant 0 : i32
    %dma_wait3A_3397 = tpu.memref_slice %arg6[%dma_wait3A_3386, %dma_wait3A_3396] : memref<26x4096xf32, #tpu.memory_space<vmem>> -> memref<1x4096xf32, #tpu.memory_space<vmem>>
    %dma_wait3A_3398 = tpu.memref_squeeze %dma_wait3A_3397 : memref<1x4096xf32, #tpu.memory_space<vmem>> -> memref<4096xf32, #tpu.memory_space<vmem>>
    tpu.wait_dma2 semaphore(%arg8 : memref<!tpu.dma_semaphore, #tpu.memory_space<semaphore_mem>>) src(%dma_wait3A_3398 : memref<4096xf32, #tpu.memory_space<vmem>>) dst(%dma_wait3A_3395 : memref<4096xf32, #tpu.memory_space<hbm>>)
    %dma_wait3A_3399 = arith.constant 16 : i32
    %dma_wait3A_3400 = arith.constant 0 : i32
    %dma_wait3A_3401 = tpu.memref_slice %arg6[%dma_wait3A_3399, %dma_wait3A_3400] : memref<26x4096xf32, #tpu.memory_space<vmem>> -> memref<1x4096xf32, #tpu.memory_space<vmem>>
    %dma_wait3A_3402 = tpu.memref_squeeze %dma_wait3A_3401 : memref<1x4096xf32, #tpu.memory_space<vmem>> -> memref<4096xf32, #tpu.memory_space<vmem>>
    %dma_wait3A_3403 = arith.constant 0 : i32
    %dma_wait3A_3404 = tpu.memref_slice %arg4[%select_n3A_2666, %select_n3A_2682, %dma_wait3A_3403] : memref<26x32x4096xf32, #tpu.memory_space<hbm>> -> memref<1x1x4096xf32, #tpu.memory_space<hbm>>
    %dma_wait3A_3405 = tpu.memref_squeeze %dma_wait3A_3404 : memref<1x1x4096xf32, #tpu.memory_space<hbm>> -> memref<4096xf32, #tpu.memory_space<hbm>>
    %dma_wait3A_3406 = arith.constant 0 : i32
    %dma_wait3A_3407 = tpu.memref_slice %arg4[%select_n3A_2666, %select_n3A_2682, %dma_wait3A_3406] : memref<26x32x4096xf32, #tpu.memory_space<hbm>> -> memref<1x1x4096xf32, #tpu.memory_space<hbm>>
    %dma_wait3A_3408 = tpu.memref_squeeze %dma_wait3A_3407 : memref<1x1x4096xf32, #tpu.memory_space<hbm>> -> memref<4096xf32, #tpu.memory_space<hbm>>
    %dma_wait3A_3409 = arith.constant 0 : i32
    %dma_wait3A_3410 = tpu.memref_slice %arg6[%dma_wait3A_3399, %dma_wait3A_3409] : memref<26x4096xf32, #tpu.memory_space<vmem>> -> memref<1x4096xf32, #tpu.memory_space<vmem>>
    %dma_wait3A_3411 = tpu.memref_squeeze %dma_wait3A_3410 : memref<1x4096xf32, #tpu.memory_space<vmem>> -> memref<4096xf32, #tpu.memory_space<vmem>>
    tpu.wait_dma2 semaphore(%arg8 : memref<!tpu.dma_semaphore, #tpu.memory_space<semaphore_mem>>) src(%dma_wait3A_3411 : memref<4096xf32, #tpu.memory_space<vmem>>) dst(%dma_wait3A_3408 : memref<4096xf32, #tpu.memory_space<hbm>>)
    %dma_wait3A_3412 = arith.constant 17 : i32
    %dma_wait3A_3413 = arith.constant 0 : i32
    %dma_wait3A_3414 = tpu.memref_slice %arg6[%dma_wait3A_3412, %dma_wait3A_3413] : memref<26x4096xf32, #tpu.memory_space<vmem>> -> memref<1x4096xf32, #tpu.memory_space<vmem>>
    %dma_wait3A_3415 = tpu.memref_squeeze %dma_wait3A_3414 : memref<1x4096xf32, #tpu.memory_space<vmem>> -> memref<4096xf32, #tpu.memory_space<vmem>>
    %dma_wait3A_3416 = arith.constant 0 : i32
    %dma_wait3A_3417 = tpu.memref_slice %arg4[%select_n3A_2721, %select_n3A_2737, %dma_wait3A_3416] : memref<26x32x4096xf32, #tpu.memory_space<hbm>> -> memref<1x1x4096xf32, #tpu.memory_space<hbm>>
    %dma_wait3A_3418 = tpu.memref_squeeze %dma_wait3A_3417 : memref<1x1x4096xf32, #tpu.memory_space<hbm>> -> memref<4096xf32, #tpu.memory_space<hbm>>
    %dma_wait3A_3419 = arith.constant 0 : i32
    %dma_wait3A_3420 = tpu.memref_slice %arg4[%select_n3A_2721, %select_n3A_2737, %dma_wait3A_3419] : memref<26x32x4096xf32, #tpu.memory_space<hbm>> -> memref<1x1x4096xf32, #tpu.memory_space<hbm>>
    %dma_wait3A_3421 = tpu.memref_squeeze %dma_wait3A_3420 : memref<1x1x4096xf32, #tpu.memory_space<hbm>> -> memref<4096xf32, #tpu.memory_space<hbm>>
    %dma_wait3A_3422 = arith.constant 0 : i32
    %dma_wait3A_3423 = tpu.memref_slice %arg6[%dma_wait3A_3412, %dma_wait3A_3422] : memref<26x4096xf32, #tpu.memory_space<vmem>> -> memref<1x4096xf32, #tpu.memory_space<vmem>>
    %dma_wait3A_3424 = tpu.memref_squeeze %dma_wait3A_3423 : memref<1x4096xf32, #tpu.memory_space<vmem>> -> memref<4096xf32, #tpu.memory_space<vmem>>
    tpu.wait_dma2 semaphore(%arg8 : memref<!tpu.dma_semaphore, #tpu.memory_space<semaphore_mem>>) src(%dma_wait3A_3424 : memref<4096xf32, #tpu.memory_space<vmem>>) dst(%dma_wait3A_3421 : memref<4096xf32, #tpu.memory_space<hbm>>)
    %dma_wait3A_3425 = arith.constant 18 : i32
    %dma_wait3A_3426 = arith.constant 0 : i32
    %dma_wait3A_3427 = tpu.memref_slice %arg6[%dma_wait3A_3425, %dma_wait3A_3426] : memref<26x4096xf32, #tpu.memory_space<vmem>> -> memref<1x4096xf32, #tpu.memory_space<vmem>>
    %dma_wait3A_3428 = tpu.memref_squeeze %dma_wait3A_3427 : memref<1x4096xf32, #tpu.memory_space<vmem>> -> memref<4096xf32, #tpu.memory_space<vmem>>
    %dma_wait3A_3429 = arith.constant 0 : i32
    %dma_wait3A_3430 = tpu.memref_slice %arg4[%select_n3A_2776, %select_n3A_2792, %dma_wait3A_3429] : memref<26x32x4096xf32, #tpu.memory_space<hbm>> -> memref<1x1x4096xf32, #tpu.memory_space<hbm>>
    %dma_wait3A_3431 = tpu.memref_squeeze %dma_wait3A_3430 : memref<1x1x4096xf32, #tpu.memory_space<hbm>> -> memref<4096xf32, #tpu.memory_space<hbm>>
    %dma_wait3A_3432 = arith.constant 0 : i32
    %dma_wait3A_3433 = tpu.memref_slice %arg4[%select_n3A_2776, %select_n3A_2792, %dma_wait3A_3432] : memref<26x32x4096xf32, #tpu.memory_space<hbm>> -> memref<1x1x4096xf32, #tpu.memory_space<hbm>>
    %dma_wait3A_3434 = tpu.memref_squeeze %dma_wait3A_3433 : memref<1x1x4096xf32, #tpu.memory_space<hbm>> -> memref<4096xf32, #tpu.memory_space<hbm>>
    %dma_wait3A_3435 = arith.constant 0 : i32
    %dma_wait3A_3436 = tpu.memref_slice %arg6[%dma_wait3A_3425, %dma_wait3A_3435] : memref<26x4096xf32, #tpu.memory_space<vmem>> -> memref<1x4096xf32, #tpu.memory_space<vmem>>
    %dma_wait3A_3437 = tpu.memref_squeeze %dma_wait3A_3436 : memref<1x4096xf32, #tpu.memory_space<vmem>> -> memref<4096xf32, #tpu.memory_space<vmem>>
    tpu.wait_dma2 semaphore(%arg8 : memref<!tpu.dma_semaphore, #tpu.memory_space<semaphore_mem>>) src(%dma_wait3A_3437 : memref<4096xf32, #tpu.memory_space<vmem>>) dst(%dma_wait3A_3434 : memref<4096xf32, #tpu.memory_space<hbm>>)
    %dma_wait3A_3438 = arith.constant 19 : i32
    %dma_wait3A_3439 = arith.constant 0 : i32
    %dma_wait3A_3440 = tpu.memref_slice %arg6[%dma_wait3A_3438, %dma_wait3A_3439] : memref<26x4096xf32, #tpu.memory_space<vmem>> -> memref<1x4096xf32, #tpu.memory_space<vmem>>
    %dma_wait3A_3441 = tpu.memref_squeeze %dma_wait3A_3440 : memref<1x4096xf32, #tpu.memory_space<vmem>> -> memref<4096xf32, #tpu.memory_space<vmem>>
    %dma_wait3A_3442 = arith.constant 0 : i32
    %dma_wait3A_3443 = tpu.memref_slice %arg4[%select_n3A_2831, %select_n3A_2847, %dma_wait3A_3442] : memref<26x32x4096xf32, #tpu.memory_space<hbm>> -> memref<1x1x4096xf32, #tpu.memory_space<hbm>>
    %dma_wait3A_3444 = tpu.memref_squeeze %dma_wait3A_3443 : memref<1x1x4096xf32, #tpu.memory_space<hbm>> -> memref<4096xf32, #tpu.memory_space<hbm>>
    %dma_wait3A_3445 = arith.constant 0 : i32
    %dma_wait3A_3446 = tpu.memref_slice %arg4[%select_n3A_2831, %select_n3A_2847, %dma_wait3A_3445] : memref<26x32x4096xf32, #tpu.memory_space<hbm>> -> memref<1x1x4096xf32, #tpu.memory_space<hbm>>
    %dma_wait3A_3447 = tpu.memref_squeeze %dma_wait3A_3446 : memref<1x1x4096xf32, #tpu.memory_space<hbm>> -> memref<4096xf32, #tpu.memory_space<hbm>>
    %dma_wait3A_3448 = arith.constant 0 : i32
    %dma_wait3A_3449 = tpu.memref_slice %arg6[%dma_wait3A_3438, %dma_wait3A_3448] : memref<26x4096xf32, #tpu.memory_space<vmem>> -> memref<1x4096xf32, #tpu.memory_space<vmem>>
    %dma_wait3A_3450 = tpu.memref_squeeze %dma_wait3A_3449 : memref<1x4096xf32, #tpu.memory_space<vmem>> -> memref<4096xf32, #tpu.memory_space<vmem>>
    tpu.wait_dma2 semaphore(%arg8 : memref<!tpu.dma_semaphore, #tpu.memory_space<semaphore_mem>>) src(%dma_wait3A_3450 : memref<4096xf32, #tpu.memory_space<vmem>>) dst(%dma_wait3A_3447 : memref<4096xf32, #tpu.memory_space<hbm>>)
    %dma_wait3A_3451 = arith.constant 20 : i32
    %dma_wait3A_3452 = arith.constant 0 : i32
    %dma_wait3A_3453 = tpu.memref_slice %arg6[%dma_wait3A_3451, %dma_wait3A_3452] : memref<26x4096xf32, #tpu.memory_space<vmem>> -> memref<1x4096xf32, #tpu.memory_space<vmem>>
    %dma_wait3A_3454 = tpu.memref_squeeze %dma_wait3A_3453 : memref<1x4096xf32, #tpu.memory_space<vmem>> -> memref<4096xf32, #tpu.memory_space<vmem>>
    %dma_wait3A_3455 = arith.constant 0 : i32
    %dma_wait3A_3456 = tpu.memref_slice %arg4[%select_n3A_2886, %select_n3A_2902, %dma_wait3A_3455] : memref<26x32x4096xf32, #tpu.memory_space<hbm>> -> memref<1x1x4096xf32, #tpu.memory_space<hbm>>
    %dma_wait3A_3457 = tpu.memref_squeeze %dma_wait3A_3456 : memref<1x1x4096xf32, #tpu.memory_space<hbm>> -> memref<4096xf32, #tpu.memory_space<hbm>>
    %dma_wait3A_3458 = arith.constant 0 : i32
    %dma_wait3A_3459 = tpu.memref_slice %arg4[%select_n3A_2886, %select_n3A_2902, %dma_wait3A_3458] : memref<26x32x4096xf32, #tpu.memory_space<hbm>> -> memref<1x1x4096xf32, #tpu.memory_space<hbm>>
    %dma_wait3A_3460 = tpu.memref_squeeze %dma_wait3A_3459 : memref<1x1x4096xf32, #tpu.memory_space<hbm>> -> memref<4096xf32, #tpu.memory_space<hbm>>
    %dma_wait3A_3461 = arith.constant 0 : i32
    %dma_wait3A_3462 = tpu.memref_slice %arg6[%dma_wait3A_3451, %dma_wait3A_3461] : memref<26x4096xf32, #tpu.memory_space<vmem>> -> memref<1x4096xf32, #tpu.memory_space<vmem>>
    %dma_wait3A_3463 = tpu.memref_squeeze %dma_wait3A_3462 : memref<1x4096xf32, #tpu.memory_space<vmem>> -> memref<4096xf32, #tpu.memory_space<vmem>>
    tpu.wait_dma2 semaphore(%arg8 : memref<!tpu.dma_semaphore, #tpu.memory_space<semaphore_mem>>) src(%dma_wait3A_3463 : memref<4096xf32, #tpu.memory_space<vmem>>) dst(%dma_wait3A_3460 : memref<4096xf32, #tpu.memory_space<hbm>>)
    %dma_wait3A_3464 = arith.constant 21 : i32
    %dma_wait3A_3465 = arith.constant 0 : i32
    %dma_wait3A_3466 = tpu.memref_slice %arg6[%dma_wait3A_3464, %dma_wait3A_3465] : memref<26x4096xf32, #tpu.memory_space<vmem>> -> memref<1x4096xf32, #tpu.memory_space<vmem>>
    %dma_wait3A_3467 = tpu.memref_squeeze %dma_wait3A_3466 : memref<1x4096xf32, #tpu.memory_space<vmem>> -> memref<4096xf32, #tpu.memory_space<vmem>>
    %dma_wait3A_3468 = arith.constant 0 : i32
    %dma_wait3A_3469 = tpu.memref_slice %arg4[%select_n3A_2941, %select_n3A_2957, %dma_wait3A_3468] : memref<26x32x4096xf32, #tpu.memory_space<hbm>> -> memref<1x1x4096xf32, #tpu.memory_space<hbm>>
    %dma_wait3A_3470 = tpu.memref_squeeze %dma_wait3A_3469 : memref<1x1x4096xf32, #tpu.memory_space<hbm>> -> memref<4096xf32, #tpu.memory_space<hbm>>
    %dma_wait3A_3471 = arith.constant 0 : i32
    %dma_wait3A_3472 = tpu.memref_slice %arg4[%select_n3A_2941, %select_n3A_2957, %dma_wait3A_3471] : memref<26x32x4096xf32, #tpu.memory_space<hbm>> -> memref<1x1x4096xf32, #tpu.memory_space<hbm>>
    %dma_wait3A_3473 = tpu.memref_squeeze %dma_wait3A_3472 : memref<1x1x4096xf32, #tpu.memory_space<hbm>> -> memref<4096xf32, #tpu.memory_space<hbm>>
    %dma_wait3A_3474 = arith.constant 0 : i32
    %dma_wait3A_3475 = tpu.memref_slice %arg6[%dma_wait3A_3464, %dma_wait3A_3474] : memref<26x4096xf32, #tpu.memory_space<vmem>> -> memref<1x4096xf32, #tpu.memory_space<vmem>>
    %dma_wait3A_3476 = tpu.memref_squeeze %dma_wait3A_3475 : memref<1x4096xf32, #tpu.memory_space<vmem>> -> memref<4096xf32, #tpu.memory_space<vmem>>
    tpu.wait_dma2 semaphore(%arg8 : memref<!tpu.dma_semaphore, #tpu.memory_space<semaphore_mem>>) src(%dma_wait3A_3476 : memref<4096xf32, #tpu.memory_space<vmem>>) dst(%dma_wait3A_3473 : memref<4096xf32, #tpu.memory_space<hbm>>)
    %dma_wait3A_3477 = arith.constant 22 : i32
    %dma_wait3A_3478 = arith.constant 0 : i32
    %dma_wait3A_3479 = tpu.memref_slice %arg6[%dma_wait3A_3477, %dma_wait3A_3478] : memref<26x4096xf32, #tpu.memory_space<vmem>> -> memref<1x4096xf32, #tpu.memory_space<vmem>>
    %dma_wait3A_3480 = tpu.memref_squeeze %dma_wait3A_3479 : memref<1x4096xf32, #tpu.memory_space<vmem>> -> memref<4096xf32, #tpu.memory_space<vmem>>
    %dma_wait3A_3481 = arith.constant 0 : i32
    %dma_wait3A_3482 = tpu.memref_slice %arg4[%select_n3A_2996, %select_n3A_3012, %dma_wait3A_3481] : memref<26x32x4096xf32, #tpu.memory_space<hbm>> -> memref<1x1x4096xf32, #tpu.memory_space<hbm>>
    %dma_wait3A_3483 = tpu.memref_squeeze %dma_wait3A_3482 : memref<1x1x4096xf32, #tpu.memory_space<hbm>> -> memref<4096xf32, #tpu.memory_space<hbm>>
    %dma_wait3A_3484 = arith.constant 0 : i32
    %dma_wait3A_3485 = tpu.memref_slice %arg4[%select_n3A_2996, %select_n3A_3012, %dma_wait3A_3484] : memref<26x32x4096xf32, #tpu.memory_space<hbm>> -> memref<1x1x4096xf32, #tpu.memory_space<hbm>>
    %dma_wait3A_3486 = tpu.memref_squeeze %dma_wait3A_3485 : memref<1x1x4096xf32, #tpu.memory_space<hbm>> -> memref<4096xf32, #tpu.memory_space<hbm>>
    %dma_wait3A_3487 = arith.constant 0 : i32
    %dma_wait3A_3488 = tpu.memref_slice %arg6[%dma_wait3A_3477, %dma_wait3A_3487] : memref<26x4096xf32, #tpu.memory_space<vmem>> -> memref<1x4096xf32, #tpu.memory_space<vmem>>
    %dma_wait3A_3489 = tpu.memref_squeeze %dma_wait3A_3488 : memref<1x4096xf32, #tpu.memory_space<vmem>> -> memref<4096xf32, #tpu.memory_space<vmem>>
    tpu.wait_dma2 semaphore(%arg8 : memref<!tpu.dma_semaphore, #tpu.memory_space<semaphore_mem>>) src(%dma_wait3A_3489 : memref<4096xf32, #tpu.memory_space<vmem>>) dst(%dma_wait3A_3486 : memref<4096xf32, #tpu.memory_space<hbm>>)
    %dma_wait3A_3490 = arith.constant 23 : i32
    %dma_wait3A_3491 = arith.constant 0 : i32
    %dma_wait3A_3492 = tpu.memref_slice %arg6[%dma_wait3A_3490, %dma_wait3A_3491] : memref<26x4096xf32, #tpu.memory_space<vmem>> -> memref<1x4096xf32, #tpu.memory_space<vmem>>
    %dma_wait3A_3493 = tpu.memref_squeeze %dma_wait3A_3492 : memref<1x4096xf32, #tpu.memory_space<vmem>> -> memref<4096xf32, #tpu.memory_space<vmem>>
    %dma_wait3A_3494 = arith.constant 0 : i32
    %dma_wait3A_3495 = tpu.memref_slice %arg4[%select_n3A_3051, %select_n3A_3067, %dma_wait3A_3494] : memref<26x32x4096xf32, #tpu.memory_space<hbm>> -> memref<1x1x4096xf32, #tpu.memory_space<hbm>>
    %dma_wait3A_3496 = tpu.memref_squeeze %dma_wait3A_3495 : memref<1x1x4096xf32, #tpu.memory_space<hbm>> -> memref<4096xf32, #tpu.memory_space<hbm>>
    %dma_wait3A_3497 = arith.constant 0 : i32
    %dma_wait3A_3498 = tpu.memref_slice %arg4[%select_n3A_3051, %select_n3A_3067, %dma_wait3A_3497] : memref<26x32x4096xf32, #tpu.memory_space<hbm>> -> memref<1x1x4096xf32, #tpu.memory_space<hbm>>
    %dma_wait3A_3499 = tpu.memref_squeeze %dma_wait3A_3498 : memref<1x1x4096xf32, #tpu.memory_space<hbm>> -> memref<4096xf32, #tpu.memory_space<hbm>>
    %dma_wait3A_3500 = arith.constant 0 : i32
    %dma_wait3A_3501 = tpu.memref_slice %arg6[%dma_wait3A_3490, %dma_wait3A_3500] : memref<26x4096xf32, #tpu.memory_space<vmem>> -> memref<1x4096xf32, #tpu.memory_space<vmem>>
    %dma_wait3A_3502 = tpu.memref_squeeze %dma_wait3A_3501 : memref<1x4096xf32, #tpu.memory_space<vmem>> -> memref<4096xf32, #tpu.memory_space<vmem>>
    tpu.wait_dma2 semaphore(%arg8 : memref<!tpu.dma_semaphore, #tpu.memory_space<semaphore_mem>>) src(%dma_wait3A_3502 : memref<4096xf32, #tpu.memory_space<vmem>>) dst(%dma_wait3A_3499 : memref<4096xf32, #tpu.memory_space<hbm>>)
    %dma_wait3A_3503 = arith.constant 24 : i32
    %dma_wait3A_3504 = arith.constant 0 : i32
    %dma_wait3A_3505 = tpu.memref_slice %arg6[%dma_wait3A_3503, %dma_wait3A_3504] : memref<26x4096xf32, #tpu.memory_space<vmem>> -> memref<1x4096xf32, #tpu.memory_space<vmem>>
    %dma_wait3A_3506 = tpu.memref_squeeze %dma_wait3A_3505 : memref<1x4096xf32, #tpu.memory_space<vmem>> -> memref<4096xf32, #tpu.memory_space<vmem>>
    %dma_wait3A_3507 = arith.constant 0 : i32
    %dma_wait3A_3508 = tpu.memref_slice %arg4[%select_n3A_3106, %select_n3A_3122, %dma_wait3A_3507] : memref<26x32x4096xf32, #tpu.memory_space<hbm>> -> memref<1x1x4096xf32, #tpu.memory_space<hbm>>
    %dma_wait3A_3509 = tpu.memref_squeeze %dma_wait3A_3508 : memref<1x1x4096xf32, #tpu.memory_space<hbm>> -> memref<4096xf32, #tpu.memory_space<hbm>>
    %dma_wait3A_3510 = arith.constant 0 : i32
    %dma_wait3A_3511 = tpu.memref_slice %arg4[%select_n3A_3106, %select_n3A_3122, %dma_wait3A_3510] : memref<26x32x4096xf32, #tpu.memory_space<hbm>> -> memref<1x1x4096xf32, #tpu.memory_space<hbm>>
    %dma_wait3A_3512 = tpu.memref_squeeze %dma_wait3A_3511 : memref<1x1x4096xf32, #tpu.memory_space<hbm>> -> memref<4096xf32, #tpu.memory_space<hbm>>
    %dma_wait3A_3513 = arith.constant 0 : i32
    %dma_wait3A_3514 = tpu.memref_slice %arg6[%dma_wait3A_3503, %dma_wait3A_3513] : memref<26x4096xf32, #tpu.memory_space<vmem>> -> memref<1x4096xf32, #tpu.memory_space<vmem>>
    %dma_wait3A_3515 = tpu.memref_squeeze %dma_wait3A_3514 : memref<1x4096xf32, #tpu.memory_space<vmem>> -> memref<4096xf32, #tpu.memory_space<vmem>>
    tpu.wait_dma2 semaphore(%arg8 : memref<!tpu.dma_semaphore, #tpu.memory_space<semaphore_mem>>) src(%dma_wait3A_3515 : memref<4096xf32, #tpu.memory_space<vmem>>) dst(%dma_wait3A_3512 : memref<4096xf32, #tpu.memory_space<hbm>>)
    %dma_wait3A_3516 = arith.constant 25 : i32
    %dma_wait3A_3517 = arith.constant 0 : i32
    %dma_wait3A_3518 = tpu.memref_slice %arg6[%dma_wait3A_3516, %dma_wait3A_3517] : memref<26x4096xf32, #tpu.memory_space<vmem>> -> memref<1x4096xf32, #tpu.memory_space<vmem>>
    %dma_wait3A_3519 = tpu.memref_squeeze %dma_wait3A_3518 : memref<1x4096xf32, #tpu.memory_space<vmem>> -> memref<4096xf32, #tpu.memory_space<vmem>>
    %dma_wait3A_3520 = arith.constant 0 : i32
    %dma_wait3A_3521 = tpu.memref_slice %arg4[%select_n3A_3161, %select_n3A_3177, %dma_wait3A_3520] : memref<26x32x4096xf32, #tpu.memory_space<hbm>> -> memref<1x1x4096xf32, #tpu.memory_space<hbm>>
    %dma_wait3A_3522 = tpu.memref_squeeze %dma_wait3A_3521 : memref<1x1x4096xf32, #tpu.memory_space<hbm>> -> memref<4096xf32, #tpu.memory_space<hbm>>
    %dma_wait3A_3523 = arith.constant 0 : i32
    %dma_wait3A_3524 = tpu.memref_slice %arg4[%select_n3A_3161, %select_n3A_3177, %dma_wait3A_3523] : memref<26x32x4096xf32, #tpu.memory_space<hbm>> -> memref<1x1x4096xf32, #tpu.memory_space<hbm>>
    %dma_wait3A_3525 = tpu.memref_squeeze %dma_wait3A_3524 : memref<1x1x4096xf32, #tpu.memory_space<hbm>> -> memref<4096xf32, #tpu.memory_space<hbm>>
    %dma_wait3A_3526 = arith.constant 0 : i32
    %dma_wait3A_3527 = tpu.memref_slice %arg6[%dma_wait3A_3516, %dma_wait3A_3526] : memref<26x4096xf32, #tpu.memory_space<vmem>> -> memref<1x4096xf32, #tpu.memory_space<vmem>>
    %dma_wait3A_3528 = tpu.memref_squeeze %dma_wait3A_3527 : memref<1x4096xf32, #tpu.memory_space<vmem>> -> memref<4096xf32, #tpu.memory_space<vmem>>
    tpu.wait_dma2 semaphore(%arg8 : memref<!tpu.dma_semaphore, #tpu.memory_space<semaphore_mem>>) src(%dma_wait3A_3528 : memref<4096xf32, #tpu.memory_space<vmem>>) dst(%dma_wait3A_3525 : memref<4096xf32, #tpu.memory_space<hbm>>)
    return
  }
}

</mosaic_0001>

<sc_bundles>
// kernel: kernel.3.cloned.1.call-start
scs
__scs_entry_jumppad:
0x0: {  	(pc) =	sbr.rel $0x88, $3  }
0x1: {  	(tag) =	ssettag $0x0;
	lr =	simm.s32 $0x1  }
0x2: {  	[smem:$0x3F9F] =	sst lr;
	_ =	strace $0xD0000000  }
0x3: {  	_ = 	snop  }
0x4: {  	_ = 	snop  }
0x5: {  	_ = 	snop  }
0x6: {  	_ = 	snop  }
0x7: {  	_ = 	snop  }
__scs_overlays_trampoline_lowered:
0x8: {  	[smem:$0x3FAE] =	sst s0  }
0x9: {  	[smem:$0x3FAF] =	sst s1  }
0xa: {  	[smem:$0x3FB0] =	sst s2  }
0xb: {  	[smem:$0x3FB1] =	sst s3  }
0xc: {  	[smem:$0x3FB2] =	sst s4  }
0xd: {  	[smem:$0x3FB3] =	sst s5  }
0xe: {  	[smem:$0x3FB4] =	sst s6  }
0xf: {  	[smem:$0x3FB5] =	sst s7  }
0x10: {  	[smem:$0x3FB6] =	sst s8  }
0x11: {  	[smem:$0x3FB7] =	sst s9;
	s0 =	simm.s32 @!p0 $0x0  }
0x12: {  	s1 =	sld [smem:$0x3F9D];
	s0 =	simm.s32 @p0 $0x1  }
0x13: {  	[smem:$0x3FB8] =	sst s0;
	s0 =	simm.s32 @!p1 $0x0  }
0x14: {  	s2 =	sld [smem:$0x3F9C];
	s0 =	simm.s32 @p1 $0x1  }
0x15: {  	[smem:$0x3FB9] =	sst s0;
	s0 =	simm.s32 @!p2 $0x0  }
0x16: {  	s3 =	sld [smem:$0x3FDB];
	s0 =	simm.s32 @p2 $0x1  }
0x17: {  	s4 =	simm.s32 $0x1BF5;
	[smem:$0x3FBB] =	sst s0  }
0x18: {  	s0 =	sld [smem:$0x3F9E];
	_ =	swait.ge [sflag:s4], $0x0  }
0x19: {  	s7 =	sld [smem:$0x3F9F]  }
0x1a: {  	s8 =	sadd.s32 $0xFFFFE003, lr  }
0x1b: {  	s9 =	sadd.s32 $0xFFFFFEF7, lr;
	s5 =	simm.s32 $0xFFFFFFFF;
	p2 =	slt.u32 s8, $0xFFFFF086  }
0x1c: {  	p1 =	slt.u32 s9, $0xF7A;
	s5 =	simm.s32 @!p2 $0x0  }
0x1d: {  	s5 =	simm.s32 @p1 $0x1;
	p0 =	seq.s32 s7, s2  }
0x1e: {  	s7 =	smul.u32 @!p0 $0xF7A, s2;
	p2 =	seq.s32 @!p0 s5, $0x0  }
0x1f: {  	s9 =	smul.u32 $0xF7A, s1;
	s8 =	simm.s32 @!p0 $0x1BF5;
	p2 =	por !p2, p0  }
0x20: {  	[sflag:s8] =	ssyncset.s32 @!p0 $0xFFFFF086;
	s6 =	sadd.s32 @!p0 s3, s7;
	s7 =	simm.s32 @!p0 $0x108  }
0x21: {  	s3 =	sadd.s32 s3, s9;
	s6 =	sadd.s32 @!p0 $0x88, s6;
	s7 =	simm.s32 @p2 $0x1082  }
0x22: {  	[simem:s7], [sflag:s8] =	dma.local @!p0 [hbm:s6], $0xF7A  }
0x23: {  	s9 =	sor.u32 $0xD0000000, s2;
	s6 =	simm.s32 $0x108;
	_ =	swait.ge @!p0 [sflag:s8], $0x0  }
0x24: {  	s3 =	sadd.s32 $0x88, s3;
	s6 =	simm.s32 @!p1 $0x1082;
	[sflag:s4] =	ssyncset.s32 $0xFFFFF086  }
0x25: {  	[simem:s6], [sflag:s4] =	dma.local [hbm:s3], $0xF7A  }
0x26: {  	[smem:$0x3F9F] =	sst s1;
	(tag) =	ssettag s2;
	_ =	strace s9  }
0x27: {  	s1 =	sld [smem:$0x3FAF]  }
0x28: {  	s2 =	sld [smem:$0x3FB0]  }
0x29: {  	s4 =	sld [smem:$0x3FB2]  }
0x2a: {  	p0 =	seq.s32 s5, $0x0;
	s5 =	sld [smem:$0x3FB3]  }
0x2b: {  	s6 =	sld [smem:$0x3FB4]  }
0x2c: {  	s7 =	sld [smem:$0x3FB5]  }
0x2d: {  	s3 =	simm.s32 $0x108;
	s8 =	sld [smem:$0x3FB6]  }
0x2e: {  	s3 =	simm.s32 @!p0 $0x1082;
	s9 =	sld [smem:$0x3FB7]  }
0x2f: {  	lr =	sadd.s32 s0, s3;
	s0 =	sld [smem:$0x3FAE]  }
0x30: {  	s3 =	sld [smem:$0x3FB1]  }
0x31: {  	[smem:$0x3FBA] =	sst s10  }
0x32: {  	s10 =	sld [smem:$0x3FB8];
	_ =	sdelay $0x3  }
0x33: {  	p0 =	seq.s32 s10, $0x1;
	s10 =	sld [smem:$0x3FBA];
	_ =	sdelay $0x3  }
0x34: {  	[smem:$0x3FBA] =	sst s10  }
0x35: {  	s10 =	sld [smem:$0x3FB9];
	_ =	sdelay $0x3  }
0x36: {  	p1 =	seq.s32 s10, $0x1;
	s10 =	sld [smem:$0x3FBA];
	_ =	sdelay $0x3  }
0x37: {  	[smem:$0x3FBA] =	sst s10  }
0x38: {  	s10 =	sld [smem:$0x3FBB]  }
0x39: {  	_ = 	snop;
	(pc) =	sbr.ind lr, $3  }
0x3a: {  	_ = 	snop  }
0x3b: {  	_ = 	snop  }
0x3c: {  	p2 =	seq.s32 s10, $0x1;
	s10 =	sld [smem:$0x3FBA]  }
0x3d: {  	_ =	shalt  }
0x3e: {  	_ =	shalt  }
0x3f: {  	_ =	shalt  }
0x40: {  	_ =	shalt  }
0x41: {  	_ =	shalt  }
0x42: {  	_ =	shalt  }
0x43: {  	_ =	shalt  }
0x44: {  	_ =	shalt  }
0x45: {  	_ =	shalt  }
0x46: {  	_ =	shalt  }
0x47: {  	_ =	shalt  }
0x48: {  	_ =	shalt  }
0x49: {  	_ =	shalt  }
0x4a: {  	_ =	shalt  }
0x4b: {  	_ =	shalt  }
0x4c: {  	_ =	shalt  }
0x4d: {  	_ =	shalt  }
0x4e: {  	_ =	shalt  }
0x4f: {  	_ =	shalt  }
0x50: {  	_ =	shalt  }
0x51: {  	_ =	shalt  }
0x52: {  	_ =	shalt  }
0x53: {  	_ =	shalt  }
0x54: {  	_ =	shalt  }
0x55: {  	_ =	shalt  }
0x56: {  	_ =	shalt  }
0x57: {  	_ =	shalt  }
0x58: {  	_ =	shalt  }
0x59: {  	_ =	shalt  }
0x5a: {  	_ =	shalt  }
0x5b: {  	_ =	shalt  }
0x5c: {  	_ =	shalt  }
0x5d: {  	_ =	shalt  }
0x5e: {  	_ =	shalt  }
0x5f: {  	_ =	shalt  }
0x60: {  	_ =	shalt  }
0x61: {  	_ =	shalt  }
0x62: {  	_ =	shalt  }
0x63: {  	_ =	shalt  }
0x64: {  	_ =	shalt  }
0x65: {  	_ =	shalt  }
0x66: {  	_ =	shalt  }
0x67: {  	_ =	shalt  }
0x68: {  	_ =	shalt  }
0x69: {  	_ =	shalt  }
0x6a: {  	_ =	shalt  }
0x6b: {  	_ =	shalt  }
0x6c: {  	_ =	shalt  }
0x6d: {  	_ =	shalt  }
0x6e: {  	_ =	shalt  }
0x6f: {  	_ =	shalt  }
0x70: {  	_ =	shalt  }
0x71: {  	_ =	shalt  }
0x72: {  	_ =	shalt  }
0x73: {  	_ =	shalt  }
0x74: {  	_ =	shalt  }
0x75: {  	_ =	shalt  }
0x76: {  	_ =	shalt  }
0x77: {  	_ =	shalt  }
0x78: {  	_ =	shalt  }
0x79: {  	_ =	shalt  }
0x7a: {  	_ =	shalt  }
0x7b: {  	_ =	shalt  }
0x7c: {  	_ =	shalt  }
0x7d: {  	_ =	shalt  }
0x7e: {  	_ =	shalt  }
0x7f: {  	_ =	shalt  }
0x80: {  	_ =	shalt  }
0x81: {  	_ =	shalt  }
0x82: {  	_ =	shalt  }
0x83: {  	_ =	shalt  }
0x84: {  	_ =	shalt  }
0x85: {  	_ =	shalt  }
0x86: {  	_ =	shalt  }
0x87: {  	_ =	shalt  }
.Lfunc_end0:
.L_simem_size_0:
called_computation_lowered:
.L_overlay_start_0:
0x88: {  	s2 =	sld [smem:$0x3FD9]  }
0x89: {  	s3 =	sld [smem:$0x3FFE];
	_ =	sdelay $0x1  }
0x8a: {  	s1 =	srdreg.scid  }
0x8b: {  	s0 =	sand.u32 $0x1, s1  }
0x8c: {  	s17 =	sshll.u32 s0, $0xA;
	s2 =	sadd.s32 s3, s2  }
0x8d: {  	s2 =	sadd.s32 s2, s17  }
0x8e: {  	[smem:$0x3FC6] =	sst s2  }
0x8f: {  	_ = 	snop  }
0x90: {  	s2 =	sld [smem:$0x3FD0];
	(tm) =	ssettm $0x1  }
0x91: {  	s18 =	sld [smem:$0x3FFB];
	_ =	sdelay $0x3  }
0x92: {  	_ =	strace s18  }
0x93: {  	s3 =	sld [smem:$0x3FFC];
	_ =	sdelay $0x3  }
0x94: {  	_ =	strace s3  }
0x95: {  	s3 =	sld [smem:$0x3FFD];
	_ =	sdelay $0x3  }
0x96: {  	_ =	strace s3  }
0x97: {  	_ =	strace $0x8FFFFFFF  }
0x98: {  	s19 =	sld [smem:$0x3FDB];
	_ =	sdelay $0x1  }
0x99: {  	s4 =	simm.s32 $_scs_section_size  }
0x9a: {  	s5 =	simm.s32 $_size__tile_overlayer_lowered;
	s6 =	simm.s32 $_tile_overlayer_lowered  }
0x9b: {  	s22 =	simm.s32 $0x1BFF;
	s21 =	sshll.u32 s6, $0x1;
	s3 =	sadd.s32 s4, s19  }
0x9c: {  	s7 =	simm.s32 $0x0;
	s20 =	sshll.u32 s5, $0x1;
	s5 =	sadd.s32 s21, s3  }
0x9d: {  	[timem:s7], [sflag:s22] =	dma.local [hbm:s5], s20  }
0x9e: {  	_ =	swait.ge [sflag:s22], s20  }
0x9f: {  	s4 =	ssub.s32 $0x0, s20;
	[sflag:s22] =	ssyncset.done $0x0  }
0xa0: {  	[sflag:s22] =	ssyncadd.s32 s4;
	_ =	sdelay $0x1  }
0xa1: {  	s23 =	simm.s32 $0x1B8B  }
0xa2: {  	_ =	swait.ge [sflag:s23], $0x1  }
0xa3: {  	[sflag:s23] =	ssyncset.done $0x0  }
0xa4: {  	s25 =	simm.s32 $0x1B8E;
	s24 =	sld [smem:$0x3FFE];
	[sflag:s23] =	ssyncadd.s32 $0xFFFFFFFF  }
0xa5: {  	s26 =	simm.s32 $execute0_lowered;
	[smem:$0x3FD2] =	sst s25  }
0xa6: {  	s5 =	sshll.u32 s26, $0x1;
	_ =	strace $0x80000046;
	[dreg:$0x1] =	wrdreg $0xFFFFFFFF  }
0xa7: {  	s28 =	simm.s32 $_size_execute0_lowered;
	s3 =	sadd.s32 s3, s5;
	[dreg:$0x0] =	wrdreg $0x0  }
0xa8: {  	s5 =	sshll.u32 s28, $0x1;
	[dreg:$0x2] =	wrdreg s3  }
0xa9: {  	[dreg:$0x3] =	wrdreg s5  }
0xaa: {  	[dreg:$0x4] =	wrdreg $0xC0  }
0xab: {  	_ =	task [dreg:s7], $0x5FFFF  }
0xac: {  	[dreg:$0x1] =	wrdreg $0xFFFFFFFF  }
0xad: {  	[dreg:$0x0] =	wrdreg $0x60  }
0xae: {  	[dreg:$0x2] =	wrdreg s2  }
0xaf: {  	[dreg:$0x3] =	wrdreg s24  }
0xb0: {  	[dreg:$0x4] =	wrdreg $0x9  }
0xb1: {  	_ =	task.clear_ibuf [dreg:s7], $0x5FFFF;
	_ =	strace $0x90000046  }
0xb2: {  	s29 =	simm.s32 $0x9;
	_ =	strace $0x80000048  }
0xb3: {  	_ =	swait.ge [sflag:s29], $0x1  }
0xb4: {  	[sflag:s29] =	ssyncadd.s32 $0xFFFFFFFF  }
0xb5: {  	_ =	strace $0x90000048  }
0xb6: {  	_ =	sfence  }
0xb7: {  	s30 =	sld [smem:$0x0];
	_ =	sdelay $0x2  }
0xb8: {  	s31 =	sshll.u32 s1, $0xD;
	s1 =	sshrl.u32 s1, $0x2  }
0xb9: {  	s3 =	sand.u32 $0x4000, s31;
	s1 =	sadd.s32 s1, s30  }
0xba: {  	s0 =	sor.u32 s3, s0;
	s1 =	sshll.u32 s1, $0x11  }
0xbb: {  	s0 =	sor.u32 s1, s0  }
0xbc: {  	s0 =	sadd.s32 $0x8F2B, s0  }
0xbd: {  	[sflag:s0] =	ssyncadd.remote.s32 $0x1  }
0xbe: {  	_ =	sfence.sel $0xFFFF  }
0xbf: {  	[dreg:$0x0] =	wrdreg $0xFFFFFFFF;
	(pc) =	sbr.abs _section_cstart, $3  }
0xc0: {  	[dreg:$0x1] =	wrdreg $0xFFFFFFFF  }
0xc1: {  	_ =	task.clear_ibuf [dreg:s7], $0x2FFFF;
	_ =	strace $0x9FFFFFFF  }
0xc2: {  	(tm) =	ssettm $0x7FFFFFFF  }
0xc3: {  	_ =	shalt  }
tec
execute0_lowered:
.L_overlay_start_1:
0x0: {  	(tag) =	ssettag $0x1  }
0x1: {  	s1 =	srdreg.scid;
	s2 =	stileid.u32  }
0x2: {  	s3 =	sand.u32 $0x1, s1;
	s15 =	sshll.u32 s2, $0x1  }
0x3: {  	s0 =	rddreg [dreg:$0x0];
	s1 =	sor.u32 s3, s15  }
0x4: {  	s2 =	simm.s32 $0x0;
	[smem:$0x7FD] =	sst s3;
	s9 =	smul.u32 $0x1A, s1  }
0x5: {  	[smem:$0x7FF] =	sst s2  }
0x6: {  	s8 =	rddreg [dreg:$0x1];
	_ =	strace $0x80000047;
	s1 =	sshrl.u32 s9, $0x5  }
0x7: {  	s7 =	sand.u32 $0x1E, s9;
	s16 =	sshll.u32 s9, $0x4;
	s21 =	sadd.s32 $0x2, s9  }
0x8: {  	s30 =	sadd.s32 $0x3, s9;
	s12 =	sadd.s32 $0x4, s9;
	[smem:$0x7B1] =	sst s7  }
0x9: {  	s3 =	sand.u32 $0x3E00, s16;
	s4 =	smin.u32 s1, $0x18;
	s5 =	smul.u32 $0x30D500, s1  }
0xa: {  	s6 =	smul.u32 $0x186A8, s7;
	s17 =	sor.u32 $0x1, s7;
	s7 =	sadd.s32 $0x4000, s8  }
0xb: {  	s23 =	sshrl.u32 s21, $0x5;
	s24 =	sand.u32 $0x1E, s21;
	[smem:$0x7B2] =	sst s17  }
0xc: {  	s31 =	sshrl.u32 s30, $0x5;
	s14 =	sshrl.u32 s12, $0x5;
	[smem:$0x7B4] =	sst s23  }
0xd: {  	s15 =	sand.u32 $0x1E, s12;
	s3 =	sadd.s32 s0, s3;
	[smem:$0x7B3] =	sst s24  }
0xe: {  	s4 =	sshll.u32 s4, $0x9;
	s25 =	smul.u32 $0x30D500, s23;
	[smem:$0x7B6] =	sst s31  }
0xf: {  	s26 =	ssub.s32 s23, s1;
	s28 =	smul.u32 $0x186A8, s24;
	[smem:$0x7B8] =	sst s14  }
0x10: {  	s8 =	smul.u32 $0x30D500, s31;
	s10 =	ssub.s32 s31, s1;
	[smem:$0x7B7] =	sst s15  }
0x11: {  	s16 =	smul.u32 $0x30D500, s14;
	[dreg:$0x3] =	wrdreg s3;
	s0 =	sadd.s32 s4, s0  }
0x12: {  	s18 =	sadd.s32 s6, s5;
	s4 =	smul.u32 $0x186A8, s17;
	s11 =	sshll.u32 s10, $0xE  }
0x13: {  	s17 =	ssub.s32 s14, s1;
	s0 =	sadd.s32 $0x200, s0;
	s19 =	sshrl.u32 s18, $0x3  }
0x14: {  	s3 =	sadd.s32 s28, s25;
	s18 =	smul.u32 $0x186A8, s15;
	[dreg:$0x4] =	wrdreg s0  }
0x15: {  	s0 =	sadd.s32 s7, s19;
	s20 =	sadd.s32 s5, s4;
	s4 =	sshll.u32 s26, $0xE  }
0x16: {  	s5 =	sshrl.u32 s3, $0x3;
	[dreg:$0x5] =	wrdreg s0;
	s29 =	sshra.s32 s4, $0x2  }
0x17: {  	s26 =	sadd.s32 $0x6, s9;
	s4 =	sand.u32 $0x1F, s30;
	[dreg:$0x7] =	wrdreg s29  }
0x18: {  	s22 =	sshrl.u32 s20, $0x3;
	s30 =	sand.u32 $0x1E, s26;
	[smem:$0x7B5] =	sst s4  }
0x19: {  	s20 =	sadd.s32 $0x5, s9;
	s0 =	sadd.s32 s7, s22;
	[smem:$0x7BB] =	sst s30  }
0x1a: {  	s4 =	smul.u32 $0x186A8, s4;
	s21 =	sshrl.u32 s20, $0x5;
	[dreg:$0x6] =	wrdreg s0  }
0x1b: {  	s29 =	sshrl.u32 s26, $0x5;
	s0 =	sadd.s32 s7, s5;
	[smem:$0x7BA] =	sst s21  }
0x1c: {  	s23 =	smul.u32 $0x30D500, s21;
	s24 =	ssub.s32 s21, s1;
	[smem:$0x7BC] =	sst s29  }
0x1d: {  	s31 =	smul.u32 $0x30D500, s29;
	s5 =	ssub.s32 s29, s1;
	[dreg:$0x8] =	wrdreg s0  }
0x1e: {  	s3 =	sadd.s32 s4, s8;
	s0 =	sshra.s32 s11, $0x2;
	s4 =	sshll.u32 s17, $0xE  }
0x1f: {  	s25 =	sshll.u32 s24, $0xE;
	s8 =	smul.u32 $0x186A8, s30;
	s11 =	sadd.s32 $0x7, s9  }
0x20: {  	s17 =	sadd.s32 $0x8, s9;
	[dreg:$0x9] =	wrdreg s0;
	s13 =	sshrl.u32 s3, $0x3  }
0x21: {  	s19 =	sshra.s32 s4, $0x2;
	s3 =	sadd.s32 s18, s16;
	s4 =	sand.u32 $0x1F, s20  }
0x22: {  	s12 =	sshrl.u32 s11, $0x5;
	s20 =	sand.u32 $0x1E, s17;
	[dreg:$0xb] =	wrdreg s19  }
0x23: {  	s0 =	sadd.s32 s7, s13;
	[smem:$0x7B9] =	sst s4;
	s4 =	smul.u32 $0x186A8, s4  }
0x24: {  	s22 =	sshrl.u32 s3, $0x3;
	[smem:$0x7BE] =	sst s12;
	s14 =	smul.u32 $0x30D500, s12  }
0x25: {  	s15 =	ssub.s32 s12, s1;
	s19 =	sshrl.u32 s17, $0x5;
	[smem:$0x7BF] =	sst s20  }
0x26: {  	[dreg:$0xa] =	wrdreg s0;
	s0 =	sadd.s32 s7, s22;
	s16 =	sshll.u32 s15, $0xE  }
0x27: {  	[smem:$0x7C0] =	sst s19;
	s21 =	smul.u32 $0x30D500, s19;
	s22 =	ssub.s32 s19, s1  }
0x28: {  	[dreg:$0xc] =	wrdreg s0;
	s3 =	sadd.s32 s4, s23;
	s0 =	sshra.s32 s25, $0x2  }
0x29: {  	s4 =	sshll.u32 s5, $0xE;
	s23 =	smul.u32 $0x186A8, s20;
	s25 =	sadd.s32 $0x9, s9  }
0x2a: {  	s5 =	sadd.s32 $0xA, s9;
	[dreg:$0xd] =	wrdreg s0;
	s10 =	sshra.s32 s4, $0x2  }
0x2b: {  	s28 =	sshrl.u32 s3, $0x3;
	s4 =	sand.u32 $0x1F, s11;
	[dreg:$0xf] =	wrdreg s10  }
0x2c: {  	s3 =	sadd.s32 s8, s31;
	s26 =	sshrl.u32 s25, $0x5;
	[smem:$0x7BD] =	sst s4  }
0x2d: {  	s8 =	sand.u32 $0x1E, s5;
	s0 =	sadd.s32 s7, s28;
	[smem:$0x7C2] =	sst s26  }
0x2e: {  	s13 =	sshrl.u32 s3, $0x3;
	s4 =	smul.u32 $0x186A8, s4;
	[smem:$0x7C3] =	sst s8  }
0x2f: {  	s29 =	smul.u32 $0x30D500, s26;
	s30 =	ssub.s32 s26, s1;
	[dreg:$0xe] =	wrdreg s0  }
0x30: {  	s0 =	sadd.s32 s7, s13;
	s31 =	sshll.u32 s30, $0xE;
	s13 =	sadd.s32 $0xB, s9  }
0x31: {  	[dreg:$0x10] =	wrdreg s0;
	s3 =	sadd.s32 s4, s14;
	s0 =	sshra.s32 s16, $0x2  }
0x32: {  	s4 =	sshll.u32 s22, $0xE;
	s26 =	sshrl.u32 s13, $0x5;
	[dreg:$0x11] =	wrdreg s0  }
0x33: {  	s18 =	sshrl.u32 s3, $0x3;
	s24 =	sshra.s32 s4, $0x2;
	s3 =	sadd.s32 s23, s21  }
0x34: {  	s4 =	sand.u32 $0x1F, s25;
	s15 =	smul.u32 $0x30D500, s26;
	s16 =	ssub.s32 s26, s1  }
0x35: {  	s0 =	sadd.s32 s7, s18;
	[dreg:$0x13] =	wrdreg s24;
	s28 =	sshrl.u32 s3, $0x3  }
0x36: {  	[smem:$0x7C1] =	sst s4;
	s4 =	smul.u32 $0x186A8, s4;
	s17 =	sshll.u32 s16, $0xE  }
0x37: {  	s18 =	sadd.s32 $0xC, s9;
	s24 =	sadd.s32 $0xD, s9;
	s16 =	sadd.s32 $0xF, s9  }
0x38: {  	[dreg:$0x12] =	wrdreg s0;
	s0 =	sadd.s32 s7, s28;
	s28 =	sshrl.u32 s18, $0x5  }
0x39: {  	s20 =	sand.u32 $0x1E, s18;
	s30 =	sshrl.u32 s24, $0x5;
	[dreg:$0x14] =	wrdreg s0  }
0x3a: {  	s0 =	sshra.s32 s31, $0x2;
	s31 =	sshrl.u32 s5, $0x5;
	s5 =	smul.u32 $0x186A8, s8  }
0x3b: {  	s3 =	sadd.s32 s4, s29;
	[smem:$0x7C5] =	sst s20;
	s21 =	smul.u32 $0x30D500, s28  }
0x3c: {  	s22 =	ssub.s32 s28, s1;
	s29 =	smul.u32 $0x30D500, s30;
	[dreg:$0x15] =	wrdreg s0  }
0x3d: {  	s6 =	sshrl.u32 s3, $0x3;
	s10 =	smul.u32 $0x30D500, s31;
	s11 =	ssub.s32 s31, s1  }
0x3e: {  	s0 =	sadd.s32 s7, s6;
	s4 =	sshll.u32 s11, $0xE;
	s6 =	ssub.s32 s30, s1  }
0x3f: {  	[dreg:$0x16] =	wrdreg s0;
	s12 =	sshra.s32 s4, $0x2;
	s3 =	sadd.s32 s5, s10  }
0x40: {  	s4 =	sand.u32 $0x1F, s13;
	s10 =	sadd.s32 $0xE, s9;
	[dreg:$0x17] =	wrdreg s12  }
0x41: {  	s14 =	sshrl.u32 s3, $0x3;
	[smem:$0x7C4] =	sst s4;
	s12 =	sand.u32 $0x1E, s10  }
0x42: {  	s4 =	smul.u32 $0x186A8, s4;
	s0 =	sadd.s32 s7, s14;
	[smem:$0x7C7] =	sst s12  }
0x43: {  	s5 =	smul.u32 $0x186A8, s20;
	s8 =	sshll.u32 s6, $0xE;
	[dreg:$0x18] =	wrdreg s0  }
0x44: {  	s3 =	sadd.s32 s4, s15;
	s0 =	sshra.s32 s17, $0x2;
	s4 =	sshll.u32 s22, $0xE  }
0x45: {  	s22 =	sadd.s32 $0x10, s9;
	[dreg:$0x19] =	wrdreg s0;
	s19 =	sshrl.u32 s3, $0x3  }
0x46: {  	s23 =	sshra.s32 s4, $0x2;
	s3 =	sadd.s32 s5, s21;
	s4 =	sand.u32 $0x1F, s24  }
0x47: {  	s5 =	smul.u32 $0x186A8, s12;
	s21 =	sshrl.u32 s16, $0x5;
	[dreg:$0x1b] =	wrdreg s23  }
0x48: {  	s0 =	sadd.s32 s7, s19;
	[smem:$0x7C6] =	sst s4;
	s4 =	smul.u32 $0x186A8, s4  }
0x49: {  	s25 =	sshrl.u32 s3, $0x3;
	s23 =	sshrl.u32 s10, $0x5;
	s18 =	smul.u32 $0x30D500, s21  }
0x4a: {  	s19 =	ssub.s32 s21, s1;
	s10 =	sadd.s32 $0x11, s9;
	[dreg:$0x1a] =	wrdreg s0  }
0x4b: {  	s0 =	sadd.s32 s7, s25;
	s13 =	smul.u32 $0x30D500, s23;
	s14 =	ssub.s32 s23, s1  }
0x4c: {  	s20 =	sshll.u32 s19, $0xE;
	s19 =	sshrl.u32 s22, $0x5;
	s25 =	sand.u32 $0x1E, s22  }
0x4d: {  	[dreg:$0x1c] =	wrdreg s0;
	s3 =	sadd.s32 s4, s29;
	s0 =	sshra.s32 s8, $0x2  }
0x4e: {  	s4 =	sshll.u32 s14, $0xE;
	[smem:$0x7C9] =	sst s25;
	s29 =	smul.u32 $0x30D500, s19  }
0x4f: {  	s6 =	ssub.s32 s19, s1;
	[dreg:$0x1d] =	wrdreg s0;
	s11 =	sshrl.u32 s3, $0x3  }
0x50: {  	s15 =	sshra.s32 s4, $0x2;
	s3 =	sadd.s32 s5, s13;
	s4 =	sand.u32 $0x1F, s16  }
0x51: {  	s5 =	smul.u32 $0x186A8, s25;
	s0 =	sadd.s32 s7, s11;
	[dreg:$0x1f] =	wrdreg s15  }
0x52: {  	s17 =	sshrl.u32 s3, $0x3;
	[smem:$0x7C8] =	sst s4;
	s4 =	smul.u32 $0x186A8, s4  }
0x53: {  	s15 =	sadd.s32 $0x12, s9;
	[dreg:$0x1e] =	wrdreg s0;
	s0 =	sadd.s32 s7, s17  }
0x54: {  	s16 =	sshrl.u32 s15, $0x5;
	[smem:$0x7CE] =	sst s0;
	s3 =	sadd.s32 s4, s18  }
0x55: {  	s0 =	sshra.s32 s20, $0x2;
	s4 =	sshll.u32 s6, $0xE;
	s18 =	sshrl.u32 s10, $0x5  }
0x56: {  	s20 =	sand.u32 $0x1E, s15;
	s22 =	smul.u32 $0x30D500, s16;
	[smem:$0x7CF] =	sst s0  }
0x57: {  	s24 =	sshrl.u32 s3, $0x3;
	s8 =	sshra.s32 s4, $0x2;
	s3 =	sadd.s32 s5, s29  }
0x58: {  	s4 =	sand.u32 $0x1F, s10;
	s12 =	smul.u32 $0x30D500, s18;
	s13 =	ssub.s32 s18, s1  }
0x59: {  	[smem:$0x7CB] =	sst s20;
	s5 =	smul.u32 $0x186A8, s20;
	s29 =	sadd.s32 $0x13, s9  }
0x5a: {  	s0 =	sadd.s32 s7, s24;
	[smem:$0x7D0] =	sst s8;
	s11 =	sshrl.u32 s3, $0x3  }
0x5b: {  	[smem:$0x7CA] =	sst s4;
	s4 =	smul.u32 $0x186A8, s4;
	s14 =	sshll.u32 s13, $0xE  }
0x5c: {  	s24 =	ssub.s32 s16, s1;
	s15 =	sshrl.u32 s29, $0x5;
	s29 =	sand.u32 $0x1F, s29  }
0x5d: {  	[smem:$0x7CD] =	sst s0;
	s0 =	sadd.s32 s7, s11;
	s6 =	smul.u32 $0x30D500, s15  }
0x5e: {  	s8 =	ssub.s32 s15, s1;
	s11 =	sadd.s32 $0x14, s9;
	[smem:$0x7CC] =	sst s0  }
0x5f: {  	s3 =	sadd.s32 s4, s12;
	s0 =	sshra.s32 s14, $0x2;
	s4 =	sshll.u32 s24, $0xE  }
0x60: {  	s10 =	sshll.u32 s8, $0xE;
	s14 =	sshrl.u32 s11, $0x5;
	s24 =	sadd.s32 $0x15, s9  }
0x61: {  	s8 =	sadd.s32 $0x16, s9;
	[smem:$0x7D2] =	sst s0;
	s17 =	sshrl.u32 s3, $0x3  }
0x62: {  	s25 =	sshra.s32 s4, $0x2;
	s3 =	sadd.s32 s5, s22;
	s4 =	smul.u32 $0x186A8, s29  }
0x63: {  	s13 =	smul.u32 $0x30D500, s14;
	s0 =	sadd.s32 s7, s17;
	[smem:$0x7D4] =	sst s25  }
0x64: {  	s5 =	sshrl.u32 s3, $0x3;
	s25 =	sand.u32 $0x1E, s11;
	s17 =	ssub.s32 s14, s1  }
0x65: {  	s11 =	sshrl.u32 s8, $0x5;
	[smem:$0x7D1] =	sst s0;
	s0 =	sadd.s32 s7, s5  }
0x66: {  	s3 =	sadd.s32 s4, s6;
	s4 =	sshll.u32 s17, $0xE;
	s20 =	smul.u32 $0x186A8, s25  }
0x67: {  	s17 =	smul.u32 $0x30D500, s11;
	[smem:$0x7D3] =	sst s0;
	s0 =	sshra.s32 s10, $0x2  }
0x68: {  	s12 =	sshrl.u32 s3, $0x3;
	s22 =	sshra.s32 s4, $0x2;
	[smem:$0x7D6] =	sst s0  }
0x69: {  	s0 =	sadd.s32 s7, s12;
	s3 =	sadd.s32 s20, s13;
	[smem:$0x7D8] =	sst s22  }
0x6a: {  	s13 =	sshrl.u32 s24, $0x5;
	s24 =	sand.u32 $0x1F, s24;
	s22 =	sand.u32 $0x1E, s8  }
0x6b: {  	s20 =	ssub.s32 s11, s1;
	[smem:$0x7D5] =	sst s0;
	s5 =	smul.u32 $0x30D500, s13  }
0x6c: {  	s3 =	sshrl.u32 s3, $0x3;
	s4 =	smul.u32 $0x186A8, s24;
	s10 =	ssub.s32 s13, s1  }
0x6d: {  	s0 =	sadd.s32 s7, s3;
	s6 =	sshll.u32 s10, $0xE;
	s10 =	sshll.u32 s20, $0xE  }
0x6e: {  	[smem:$0x7D7] =	sst s0;
	s3 =	sadd.s32 s4, s5;
	s0 =	sshra.s32 s6, $0x2  }
0x6f: {  	s4 =	sshra.s32 s10, $0x2;
	s5 =	sadd.s32 $0x17, s9;
	s12 =	sshrl.u32 s3, $0x3  }
0x70: {  	[smem:$0x7DA] =	sst s0;
	s0 =	sadd.s32 s7, s12;
	s12 =	smul.u32 $0x186A8, s22  }
0x71: {  	[smem:$0x7DC] =	sst s4;
	s8 =	sshrl.u32 s5, $0x5  }
0x72: {  	s20 =	sand.u32 $0x1F, s5;
	s4 =	sadd.s32 $0x18, s9;
	s12 =	sadd.s32 s12, s17  }
0x73: {  	[smem:$0x7D9] =	sst s0;
	s6 =	sshrl.u32 s12, $0x3;
	s12 =	smul.u32 $0x30D500, s8  }
0x74: {  	s17 =	ssub.s32 s8, s1;
	s5 =	sadd.s32 s7, s6;
	s6 =	smul.u32 $0x186A8, s20  }
0x75: {  	s0 =	sshll.u32 s17, $0xE;
	s17 =	sand.u32 $0x1E, s4;
	[smem:$0x7DB] =	sst s5  }
0x76: {  	s5 =	sshra.s32 s0, $0x2;
	s10 =	sadd.s32 s6, s12;
	s6 =	sshrl.u32 s4, $0x5  }
0x77: {  	[smem:$0x7DE] =	sst s5;
	s4 =	smul.u32 $0x186A8, s17;
	s10 =	sshrl.u32 s10, $0x3  }
0x78: {  	s5 =	sadd.s32 $0x19, s9;
	s0 =	smul.u32 $0x30D500, s6;
	s10 =	sadd.s32 s7, s10  }
0x79: {  	s3 =	ssub.s32 s6, s1;
	s9 =	sshrl.u32 s5, $0x5;
	[smem:$0x7DD] =	sst s10  }
0x7a: {  	s0 =	sadd.s32 s4, s0;
	s4 =	sshll.u32 s3, $0xE;
	s10 =	sand.u32 $0x1F, s5  }
0x7b: {  	s5 =	smul.u32 $0x30D500, s9;
	s12 =	sshra.s32 s4, $0x2;
	s3 =	sshrl.u32 s0, $0x3  }
0x7c: {  	s4 =	smul.u32 $0x186A8, s10;
	s0 =	ssub.s32 s9, s1;
	[smem:$0x7E0] =	sst s12  }
0x7d: {  	s3 =	sadd.s32 s7, s3;
	s0 =	sshll.u32 s0, $0xE;
	s12 =	sld [smem:$0x7B1]  }
0x7e: {  	[smem:$0x7DF] =	sst s3;
	s5 =	sadd.s32 s4, s5;
	s0 =	sshra.s32 s0, $0x2  }
0x7f: {  	s3 =	sshrl.u32 s5, $0x3;
	[smem:$0x7E2] =	sst s0  }
0x80: {  	s0 =	sadd.s32 s7, s3;
	s7 =	rddreg [dreg:$0x1]  }
0x81: {  	s4 =	sshll.u32 s1, $0x11;
	s1 =	sshll.u32 s12, $0xC;
	s12 =	sld [smem:$0x7B2]  }
0x82: {  	s5 =	sor.u32 s1, s4;
	[smem:$0x7E1] =	sst s0  }
0x83: {  	s1 =	sadd.s32 $0x9EF600, s7;
	s7 =	sld [smem:$0x7B3];
	s3 =	sshrl.u32 s5, $0x3  }
0x84: {  	s5 =	sshll.u32 s12, $0xC;
	s3 =	sadd.s32 s1, s3;
	s12 =	sld [smem:$0x7B4]  }
0x85: {  	[smem:$0x7E3] =	sst s3  }
0x86: {  	s5 =	sor.u32 s4, s5;
	s3 =	sshll.u32 s7, $0x9;
	s7 =	sld [smem:$0x7B7]  }
0x87: {  	s0 =	sshrl.u32 s5, $0x3;
	s5 =	sld [smem:$0x7B6]  }
0x88: {  	s3 =	sadd.s32 s1, s3;
	s4 =	sshll.u32 s12, $0xE;
	s12 =	sld [smem:$0x7B8]  }
0x89: {  	s0 =	sadd.s32 s1, s0;
	s3 =	sadd.s32 s4, s3;
	s4 =	sld [smem:$0x7B5]  }
0x8a: {  	[smem:$0x7E4] =	sst s0  }
0x8b: {  	[smem:$0x7E5] =	sst s3;
	s3 =	sshll.u32 s5, $0xE  }
0x8c: {  	s5 =	sld [smem:$0x7BA];
	s0 =	sshll.u32 s4, $0x9;
	s4 =	sshll.u32 s7, $0x9  }
0x8d: {  	s7 =	sld [smem:$0x7BB];
	s0 =	sadd.s32 s1, s0;
	s4 =	sadd.s32 s1, s4  }
0x8e: {  	s0 =	sadd.s32 s3, s0;
	s3 =	sshll.u32 s12, $0xE;
	s12 =	sld [smem:$0x7BC]  }
0x8f: {  	s3 =	sadd.s32 s3, s4;
	s4 =	sld [smem:$0x7B9]  }
0x90: {  	[smem:$0x7E6] =	sst s0  }
0x91: {  	[smem:$0x7E7] =	sst s3;
	s3 =	sshll.u32 s5, $0xE  }
0x92: {  	s5 =	sld [smem:$0x7BE];
	s0 =	sshll.u32 s4, $0x9;
	s4 =	sshll.u32 s7, $0x9  }
0x93: {  	s7 =	sld [smem:$0x7BF];
	s0 =	sadd.s32 s1, s0;
	s4 =	sadd.s32 s1, s4  }
0x94: {  	s0 =	sadd.s32 s3, s0;
	s3 =	sshll.u32 s12, $0xE;
	s12 =	sld [smem:$0x7C0]  }
0x95: {  	s3 =	sadd.s32 s3, s4;
	s4 =	sld [smem:$0x7BD]  }
0x96: {  	[smem:$0x7E8] =	sst s0  }
0x97: {  	[smem:$0x7E9] =	sst s3;
	s3 =	sshll.u32 s5, $0xE  }
0x98: {  	s5 =	sld [smem:$0x7C1];
	s0 =	sshll.u32 s4, $0x9;
	s4 =	sshll.u32 s7, $0x9  }
0x99: {  	s7 =	sld [smem:$0x7C2];
	s0 =	sadd.s32 s1, s0;
	s4 =	sadd.s32 s1, s4  }
0x9a: {  	s0 =	sadd.s32 s3, s0;
	s3 =	sshll.u32 s12, $0xE;
	s12 =	sld [smem:$0x7C3]  }
0x9b: {  	s31 =	sshll.u32 s31, $0xE;
	[smem:$0x7EA] =	sst s0;
	s4 =	sadd.s32 s3, s4  }
0x9c: {  	s0 =	sshll.u32 s5, $0x9;
	s3 =	sshll.u32 s7, $0xE;
	s7 =	sld [smem:$0x7C4]  }
0x9d: {  	[smem:$0x7EB] =	sst s4;
	s0 =	sadd.s32 s1, s0;
	s4 =	sshll.u32 s12, $0x9  }
0x9e: {  	s0 =	sadd.s32 s3, s0;
	s12 =	sshll.u32 s26, $0xE;
	s26 =	sld [smem:$0x7C5]  }
0x9f: {  	s4 =	sadd.s32 s1, s4;
	[smem:$0x7EC] =	sst s0;
	s0 =	sshll.u32 s7, $0x9  }
0xa0: {  	s7 =	sshll.u32 s30, $0xE;
	s30 =	sshll.u32 s21, $0xE;
	s21 =	sld [smem:$0x7CB]  }
0xa1: {  	s5 =	sadd.s32 s31, s4;
	s31 =	sshll.u32 s28, $0xE;
	s28 =	sld [smem:$0x7C8]  }
0xa2: {  	[smem:$0x7ED] =	sst s5  }
0xa3: {  	s0 =	sadd.s32 s1, s0;
	s5 =	sld [smem:$0x7C6]  }
0xa4: {  	s4 =	sshll.u32 s26, $0x9;
	s0 =	sadd.s32 s12, s0;
	s12 =	sld [smem:$0x7C7]  }
0xa5: {  	s4 =	sadd.s32 s1, s4;
	[smem:$0x7EE] =	sst s0  }
0xa6: {  	s4 =	sadd.s32 s31, s4;
	s31 =	sld [smem:$0x7C9]  }
0xa7: {  	s23 =	sshll.u32 s23, $0xE;
	[smem:$0x7EF] =	sst s4;
	s0 =	sshll.u32 s5, $0x9  }
0xa8: {  	s4 =	sshll.u32 s12, $0x9;
	s5 =	sshll.u32 s19, $0xE;
	s12 =	sld [smem:$0x7CA]  }
0xa9: {  	s19 =	sshll.u32 s18, $0xE;
	s0 =	sadd.s32 s1, s0;
	s4 =	sadd.s32 s1, s4  }
0xaa: {  	s18 =	sshll.u32 s17, $0x9;
	s0 =	sadd.s32 s7, s0;
	s26 =	sadd.s32 s23, s4  }
0xab: {  	s4 =	sshll.u32 s31, $0x9;
	s23 =	sshll.u32 s16, $0xE;
	[smem:$0x7F0] =	sst s0  }
0xac: {  	s31 =	sshll.u32 s14, $0xE;
	s16 =	sshll.u32 s8, $0xE;
	[smem:$0x7F1] =	sst s26  }
0xad: {  	s0 =	sshll.u32 s28, $0x9;
	s4 =	sadd.s32 s1, s4;
	s28 =	sshll.u32 s29, $0x9  }
0xae: {  	s29 =	sshll.u32 s15, $0xE;
	s15 =	sshll.u32 s20, $0x9;
	s0 =	sadd.s32 s1, s0  }
0xaf: {  	s7 =	sadd.s32 s5, s4;
	s4 =	sshll.u32 s21, $0x9;
	s5 =	sshll.u32 s24, $0x9  }
0xb0: {  	s21 =	sshll.u32 s10, $0x9;
	s0 =	sadd.s32 s30, s0;
	[smem:$0x7F3] =	sst s7  }
0xb1: {  	s4 =	sadd.s32 s1, s4;
	s30 =	sshll.u32 s25, $0x9;
	s7 =	sshll.u32 s13, $0xE  }
0xb2: {  	s13 =	sshll.u32 s11, $0xE;
	[smem:$0x7F2] =	sst s0;
	s0 =	sshll.u32 s12, $0x9  }
0xb3: {  	s26 =	sadd.s32 s23, s4;
	s4 =	sadd.s32 s1, s30;
	s23 =	rddreg [dreg:$0x3]  }
0xb4: {  	s0 =	sadd.s32 s1, s0;
	[smem:$0x7F5] =	sst s26;
	s4 =	sadd.s32 s31, s4  }
0xb5: {  	[tilespmem:s2], [sflag:$0x3] =	stream.linear.gather [hbm4b:s23+s2], $0x1000, $0x38;
	[tilespmem:$0x1C000] =	vst v63  }
0xb6: {  	s12 =	sshll.u32 s22, $0x9;
	s0 =	sadd.s32 s19, s0;
	[smem:$0x7F7] =	sst s4  }
0xb7: {  	s22 =	sshll.u32 s9, $0xE;
	[smem:$0x7F4] =	sst s0;
	s0 =	sadd.s32 s1, s28  }
0xb8: {  	s4 =	sadd.s32 s1, s12;
	s19 =	sshll.u32 s6, $0xE;
	s0 =	sadd.s32 s29, s0  }
0xb9: {  	s14 =	sadd.s32 s13, s4;
	[smem:$0x7F6] =	sst s0;
	s0 =	sadd.s32 s1, s5  }
0xba: {  	s4 =	sadd.s32 s1, s18;
	[smem:$0x7F9] =	sst s14;
	s0 =	sadd.s32 s7, s0  }
0xbb: {  	s20 =	sadd.s32 s19, s4;
	[smem:$0x7F8] =	sst s0;
	s0 =	sadd.s32 s1, s15  }
0xbc: {  	[smem:$0x7FB] =	sst s20;
	s1 =	sadd.s32 s1, s21;
	s0 =	sadd.s32 s16, s0  }
0xbd: {  	s24 =	sadd.s32 s22, s1;
	[smem:$0x7FA] =	sst s0  }
0xbe: {  	s25 =	simm.s32 $0x3;
	[smem:$0x7FC] =	sst s24  }
0xbf: {  	_ =	swait.ge [sflag:s25], $0x1000  }
0xc0: {  	[sflag:s25] =	ssyncset.done $0x0  }
0xc1: {  	s8 =	simm.s32 $0x1000;
	s26 =	rddreg [dreg:$0x4];
	[sflag:s25] =	ssyncadd.s32 $0xFFFFF000  }
0xc2: {  	[tilespmem:s8], [sflag:$0x3] =	stream.linear.gather [hbm4b:s26+s2], $0x1000, $0x38;
	[tilespmem:$0x1C000] =	vst v63  }
0xc3: {  	_ =	swait.ge [sflag:s25], $0x1000  }
0xc4: {  	s0 =	sld [smem:$0x7CC]  }
0xc5: {  	s1 =	sld [smem:$0x7CD]  }
0xc6: {  	s5 =	sld [smem:$0x7CE]  }
0xc7: {  	s6 =	rddreg [dreg:$0x1e]  }
0xc8: {  	s7 =	rddreg [dreg:$0x1c]  }
0xc9: {  	s4 =	rddreg [dreg:$0x1a]  }
0xca: {  	s9 =	rddreg [dreg:$0x18]  }
0xcb: {  	s10 =	rddreg [dreg:$0x16]  }
0xcc: {  	s11 =	rddreg [dreg:$0x14]  }
0xcd: {  	s12 =	rddreg [dreg:$0x12]  }
0xce: {  	s13 =	rddreg [dreg:$0x10]  }
0xcf: {  	s14 =	rddreg [dreg:$0xe]  }
0xd0: {  	s28 =	rddreg [dreg:$0x6]  }
0xd1: {  	s29 =	rddreg [dreg:$0x8]  }
0xd2: {  	s30 =	rddreg [dreg:$0x5]  }
0xd3: {  	s31 =	rddreg [dreg:$0xc]  }
0xd4: {  	s23 =	rddreg [dreg:$0xa]  }
0xd5: {  	s24 =	rddreg [dreg:$0x7]  }
0xd6: {  	s26 =	rddreg [dreg:$0xb]  }
0xd7: {  	[sflag:s25] =	ssyncset.done $0x0;
	s3 =	rddreg [dreg:$0x15]  }
0xd8: {  	s22 =	simm.s32 $0x2000;
	[sflag:s25] =	ssyncadd.s32 $0xFFFFF000;
	s25 =	rddreg [dreg:$0x9]  }
0xd9: {  	[tilespmem:s22], [sflag:$0x1] =	stream.indirect.gather [hbm4b:s30+s8], $0x1, s2, s8, $0xb8;
	[tilespmem:$0x1C000] =	vst v63  }
0xda: {  	s30 =	rddreg [dreg:$0x11]  }
0xdb: {  	s20 =	simm.s32 $0x3000;
	s22 =	rddreg [dreg:$0x17]  }
0xdc: {  	[tilespmem:s20], [sflag:$0x1] =	stream.indirect.gather [hbm4b:s28+s8], $0x1, s2, s8, $0xb8;
	[tilespmem:$0x1C000] =	vst v63  }
0xdd: {  	s21 =	simm.s32 $0x4000;
	s28 =	rddreg [dreg:$0xd]  }
0xde: {  	[tilespmem:s21], [sflag:$0x1] =	stream.indirect.gather [hbm4b:s29+s8], $0x1, s24, s8, $0xb8;
	[tilespmem:$0x1C000] =	vst v63  }
0xdf: {  	s17 =	simm.s32 $0x5000;
	s29 =	rddreg [dreg:$0xf]  }
0xe0: {  	[tilespmem:s17], [sflag:$0x1] =	stream.indirect.gather [hbm4b:s23+s8], $0x1, s25, s8, $0xb8;
	[tilespmem:$0x1C000] =	vst v63  }
0xe1: {  	s19 =	simm.s32 $0x6000;
	s24 =	rddreg [dreg:$0x1b]  }
0xe2: {  	[tilespmem:s19], [sflag:$0x1] =	stream.indirect.gather [hbm4b:s31+s8], $0x1, s26, s8, $0xb8;
	[tilespmem:$0x1C000] =	vst v63  }
0xe3: {  	s18 =	simm.s32 $0x7000;
	s23 =	rddreg [dreg:$0x19]  }
0xe4: {  	[tilespmem:s18], [sflag:$0x1] =	stream.indirect.gather [hbm4b:s14+s8], $0x1, s28, s8, $0xb8;
	[tilespmem:$0x1C000] =	vst v63  }
0xe5: {  	s15 =	simm.s32 $0x8000;
	s25 =	rddreg [dreg:$0x1d]  }
0xe6: {  	[tilespmem:s15], [sflag:$0x1] =	stream.indirect.gather [hbm4b:s13+s8], $0x1, s29, s8, $0xb8;
	[tilespmem:$0x1C000] =	vst v63  }
0xe7: {  	s16 =	simm.s32 $0x9000;
	s31 =	rddreg [dreg:$0x13]  }
0xe8: {  	[tilespmem:s16], [sflag:$0x1] =	stream.indirect.gather [hbm4b:s12+s8], $0x1, s30, s8, $0xb8;
	[tilespmem:$0x1C000] =	vst v63  }
0xe9: {  	s26 =	rddreg [dreg:$0x1f];
	s14 =	simm.s32 $0xA000  }
0xea: {  	[tilespmem:s14], [sflag:$0x1] =	stream.indirect.gather [hbm4b:s11+s8], $0x1, s31, s8, $0xb8;
	[tilespmem:$0x1C000] =	vst v63  }
0xeb: {  	s28 =	sld [smem:$0x7CF];
	s13 =	simm.s32 $0xB000  }
0xec: {  	[tilespmem:s13], [sflag:$0x1] =	stream.indirect.gather [hbm4b:s10+s8], $0x1, s3, s8, $0xb8;
	[tilespmem:$0x1C000] =	vst v63  }
0xed: {  	s29 =	sld [smem:$0x7D0];
	s12 =	simm.s32 $0xC000  }
0xee: {  	[tilespmem:s12], [sflag:$0x1] =	stream.indirect.gather [hbm4b:s9+s8], $0x1, s22, s8, $0xb8;
	[tilespmem:$0x1C000] =	vst v63  }
0xef: {  	s30 =	sld [smem:$0x7D1];
	s11 =	simm.s32 $0xD000  }
0xf0: {  	[tilespmem:s11], [sflag:$0x1] =	stream.indirect.gather [hbm4b:s4+s8], $0x1, s23, s8, $0xb8;
	[tilespmem:$0x1C000] =	vst v63  }
0xf1: {  	s31 =	sld [smem:$0x7D2];
	s10 =	simm.s32 $0xE000  }
0xf2: {  	[tilespmem:s10], [sflag:$0x1] =	stream.indirect.gather [hbm4b:s7+s8], $0x1, s24, s8, $0xb8;
	[tilespmem:$0x1C000] =	vst v63  }
0xf3: {  	s3 =	sld [smem:$0x7D3];
	s9 =	simm.s32 $0xF000  }
0xf4: {  	[tilespmem:s9], [sflag:$0x1] =	stream.indirect.gather [hbm4b:s6+s8], $0x1, s25, s8, $0xb8;
	[tilespmem:$0x1C000] =	vst v63  }
0xf5: {  	s4 =	simm.s32 $0x10000;
	s6 =	sld [smem:$0x7D5]  }
0xf6: {  	[tilespmem:s4], [sflag:$0x1] =	stream.indirect.gather [hbm4b:s5+s8], $0x1, s26, s8, $0xb8;
	[tilespmem:$0x1C000] =	vst v63  }
0xf7: {  	s5 =	sld [smem:$0x7D4]  }
0xf8: {  	s7 =	simm.s32 $0x11000;
	s26 =	sld [smem:$0x7D6]  }
0xf9: {  	[tilespmem:s7], [sflag:$0x1] =	stream.indirect.gather [hbm4b:s1+s8], $0x1, s28, s8, $0xb8;
	[tilespmem:$0x1C000] =	vst v63  }
0xfa: {  	s28 =	sld [smem:$0x7D7]  }
0xfb: {  	s22 =	simm.s32 $0x12000;
	s1 =	sld [smem:$0x7DF]  }
0xfc: {  	[tilespmem:s22], [sflag:$0x1] =	stream.indirect.gather [hbm4b:s0+s8], $0x1, s29, s8, $0xb8;
	[tilespmem:$0x1C000] =	vst v63  }
0xfd: {  	s23 =	simm.s32 $0x13000;
	s29 =	sld [smem:$0x7D8]  }
0xfe: {  	[tilespmem:s23], [sflag:$0x1] =	stream.indirect.gather [hbm4b:s30+s8], $0x1, s31, s8, $0xb8;
	[tilespmem:$0x1C000] =	vst v63  }
0xff: {  	s30 =	sld [smem:$0x7D9]  }
0x100: {  	s24 =	simm.s32 $0x14000;
	s31 =	sld [smem:$0x7DA]  }
0x101: {  	[tilespmem:s24], [sflag:$0x1] =	stream.indirect.gather [hbm4b:s3+s8], $0x1, s5, s8, $0xb8;
	[tilespmem:$0x1C000] =	vst v63  }
0x102: {  	s25 =	simm.s32 $0x15000;
	s3 =	sld [smem:$0x7DB]  }
0x103: {  	[tilespmem:s25], [sflag:$0x1] =	stream.indirect.gather [hbm4b:s6+s8], $0x1, s26, s8, $0xb8;
	[tilespmem:$0x1C000] =	vst v63  }
0x104: {  	s5 =	sld [smem:$0x7DC];
	s26 =	simm.s32 $0x16000  }
0x105: {  	[tilespmem:s26], [sflag:$0x1] =	stream.indirect.gather [hbm4b:s28+s8], $0x1, s29, s8, $0xb8;
	[tilespmem:$0x1C000] =	vst v63  }
0x106: {  	s6 =	sld [smem:$0x7DD];
	s28 =	simm.s32 $0x17000  }
0x107: {  	[tilespmem:s28], [sflag:$0x1] =	stream.indirect.gather [hbm4b:s30+s8], $0x1, s31, s8, $0xb8;
	[tilespmem:$0x1C000] =	vst v63  }
0x108: {  	s29 =	simm.s32 $0x18000;
	s31 =	sld [smem:$0x7DE]  }
0x109: {  	[tilespmem:s29], [sflag:$0x1] =	stream.indirect.gather [hbm4b:s3+s8], $0x1, s5, s8, $0xb8;
	[tilespmem:$0x1C000] =	vst v63  }
0x10a: {  	s3 =	sld [smem:$0x7E0]  }
0x10b: {  	s30 =	simm.s32 $0x19000;
	s5 =	sld [smem:$0x7E1]  }
0x10c: {  	[tilespmem:s30], [sflag:$0x1] =	stream.indirect.gather [hbm4b:s6+s8], $0x1, s31, s8, $0xb8;
	[tilespmem:$0x1C000] =	vst v63  }
0x10d: {  	s31 =	simm.s32 $0x1A000;
	s6 =	sld [smem:$0x7E2]  }
0x10e: {  	[tilespmem:s31], [sflag:$0x1] =	stream.indirect.gather [hbm4b:s1+s8], $0x1, s3, s8, $0xb8;
	[tilespmem:$0x1C000] =	vst v63  }
0x10f: {  	s3 =	simm.s32 $0x1B000;
	s1 =	simm.s32 $0x1  }
0x110: {  	[tilespmem:s3], [sflag:$0x1] =	stream.indirect.gather [hbm4b:s5+s8], $0x1, s6, s8, $0xb8;
	[tilespmem:$0x1C000] =	vst v63  }
0x111: {  	_ =	swait.ge [sflag:s1], $0x1000  }
0x112: {  	[sflag:s1] =	ssyncset.done $0x0  }
0x113: {  	[sflag:s1] =	ssyncadd.s32 $0xFFFFF000  }
0x114: {  	_ =	swait.ge [sflag:s1], $0x1000  }
0x115: {  	[sflag:s1] =	ssyncset.done $0x0  }
0x116: {  	[sflag:s1] =	ssyncadd.s32 $0xFFFFF000  }
0x117: {  	_ =	swait.ge [sflag:s1], $0x1000  }
0x118: {  	[sflag:s1] =	ssyncset.done $0x0  }
0x119: {  	[sflag:s1] =	ssyncadd.s32 $0xFFFFF000  }
0x11a: {  	_ =	swait.ge [sflag:s1], $0x1000  }
0x11b: {  	[sflag:s1] =	ssyncset.done $0x0  }
0x11c: {  	[sflag:s1] =	ssyncadd.s32 $0xFFFFF000  }
0x11d: {  	_ =	swait.ge [sflag:s1], $0x1000  }
0x11e: {  	[sflag:s1] =	ssyncset.done $0x0  }
0x11f: {  	[sflag:s1] =	ssyncadd.s32 $0xFFFFF000  }
0x120: {  	_ =	swait.ge [sflag:s1], $0x1000  }
0x121: {  	[sflag:s1] =	ssyncset.done $0x0  }
0x122: {  	[sflag:s1] =	ssyncadd.s32 $0xFFFFF000  }
0x123: {  	_ =	swait.ge [sflag:s1], $0x1000  }
0x124: {  	[sflag:s1] =	ssyncset.done $0x0  }
0x125: {  	[sflag:s1] =	ssyncadd.s32 $0xFFFFF000  }
0x126: {  	_ =	swait.ge [sflag:s1], $0x1000  }
0x127: {  	[sflag:s1] =	ssyncset.done $0x0  }
0x128: {  	[sflag:s1] =	ssyncadd.s32 $0xFFFFF000  }
0x129: {  	_ =	swait.ge [sflag:s1], $0x1000  }
0x12a: {  	[sflag:s1] =	ssyncset.done $0x0  }
0x12b: {  	[sflag:s1] =	ssyncadd.s32 $0xFFFFF000  }
0x12c: {  	_ =	swait.ge [sflag:s1], $0x1000  }
0x12d: {  	[sflag:s1] =	ssyncset.done $0x0  }
0x12e: {  	[sflag:s1] =	ssyncadd.s32 $0xFFFFF000  }
0x12f: {  	_ =	swait.ge [sflag:s1], $0x1000  }
0x130: {  	[sflag:s1] =	ssyncset.done $0x0  }
0x131: {  	[sflag:s1] =	ssyncadd.s32 $0xFFFFF000  }
0x132: {  	_ =	swait.ge [sflag:s1], $0x1000  }
0x133: {  	[sflag:s1] =	ssyncset.done $0x0  }
0x134: {  	[sflag:s1] =	ssyncadd.s32 $0xFFFFF000  }
0x135: {  	_ =	swait.ge [sflag:s1], $0x1000  }
0x136: {  	[sflag:s1] =	ssyncset.done $0x0  }
0x137: {  	[sflag:s1] =	ssyncadd.s32 $0xFFFFF000  }
0x138: {  	_ =	swait.ge [sflag:s1], $0x1000  }
0x139: {  	[sflag:s1] =	ssyncset.done $0x0  }
0x13a: {  	[sflag:s1] =	ssyncadd.s32 $0xFFFFF000  }
0x13b: {  	_ =	swait.ge [sflag:s1], $0x1000  }
0x13c: {  	[sflag:s1] =	ssyncset.done $0x0  }
0x13d: {  	[sflag:s1] =	ssyncadd.s32 $0xFFFFF000  }
0x13e: {  	_ =	swait.ge [sflag:s1], $0x1000  }
0x13f: {  	[sflag:s1] =	ssyncset.done $0x0  }
0x140: {  	[sflag:s1] =	ssyncadd.s32 $0xFFFFF000  }
0x141: {  	_ =	swait.ge [sflag:s1], $0x1000  }
0x142: {  	[sflag:s1] =	ssyncset.done $0x0  }
0x143: {  	[sflag:s1] =	ssyncadd.s32 $0xFFFFF000  }
0x144: {  	_ =	swait.ge [sflag:s1], $0x1000  }
0x145: {  	[sflag:s1] =	ssyncset.done $0x0  }
0x146: {  	[sflag:s1] =	ssyncadd.s32 $0xFFFFF000  }
0x147: {  	_ =	swait.ge [sflag:s1], $0x1000  }
0x148: {  	[sflag:s1] =	ssyncset.done $0x0  }
0x149: {  	[sflag:s1] =	ssyncadd.s32 $0xFFFFF000  }
0x14a: {  	_ =	swait.ge [sflag:s1], $0x1000  }
0x14b: {  	[sflag:s1] =	ssyncset.done $0x0  }
0x14c: {  	[sflag:s1] =	ssyncadd.s32 $0xFFFFF000  }
0x14d: {  	_ =	swait.ge [sflag:s1], $0x1000  }
0x14e: {  	[sflag:s1] =	ssyncset.done $0x0  }
0x14f: {  	[sflag:s1] =	ssyncadd.s32 $0xFFFFF000  }
0x150: {  	_ =	swait.ge [sflag:s1], $0x1000  }
0x151: {  	[sflag:s1] =	ssyncset.done $0x0  }
0x152: {  	[sflag:s1] =	ssyncadd.s32 $0xFFFFF000  }
0x153: {  	_ =	swait.ge [sflag:s1], $0x1000  }
0x154: {  	[sflag:s1] =	ssyncset.done $0x0  }
0x155: {  	[sflag:s1] =	ssyncadd.s32 $0xFFFFF000  }
0x156: {  	_ =	swait.ge [sflag:s1], $0x1000  }
0x157: {  	[sflag:s1] =	ssyncset.done $0x0  }
0x158: {  	[sflag:s1] =	ssyncadd.s32 $0xFFFFF000  }
0x159: {  	_ =	swait.ge [sflag:s1], $0x1000  }
0x15a: {  	[sflag:s1] =	ssyncset.done $0x0  }
0x15b: {  	[sflag:s1] =	ssyncadd.s32 $0xFFFFF000  }
0x15c: {  	_ =	swait.ge [sflag:s1], $0x1000  }
0x15d: {  	s0 =	sld [smem:$0x7E3]  }
0x15e: {  	[sflag:s1] =	ssyncset.done $0x0  }
0x15f: {  	s6 =	simm.s32 $0x2000;
	s5 =	sld [smem:$0x7E4];
	[sflag:s1] =	ssyncadd.s32 $0xFFFFF000  }
0x160: {  	[hbm4b:s0+s2] =	stream.linear.scatter [tilespmem:s6], [sflag:$0x2], $0x1000, $0x38;
	[tilespmem:$0x1C000] =	vst v63  }
0x161: {  	s6 =	sld [smem:$0x7E5]  }
0x162: {  	[hbm4b:s5+s2] =	stream.linear.scatter [tilespmem:s20], [sflag:$0x2], $0x1000, $0x38;
	[tilespmem:$0x1C000] =	vst v63  }
0x163: {  	s20 =	sld [smem:$0x7E6]  }
0x164: {  	[hbm4b:s6+s2] =	stream.linear.scatter [tilespmem:s21], [sflag:$0x2], $0x1000, $0x38;
	[tilespmem:$0x1C000] =	vst v63  }
0x165: {  	s21 =	sld [smem:$0x7E7]  }
0x166: {  	[hbm4b:s20+s2] =	stream.linear.scatter [tilespmem:s17], [sflag:$0x2], $0x1000, $0x38;
	[tilespmem:$0x1C000] =	vst v63  }
0x167: {  	s6 =	sld [smem:$0x7E8]  }
0x168: {  	[hbm4b:s21+s2] =	stream.linear.scatter [tilespmem:s19], [sflag:$0x2], $0x1000, $0x38;
	[tilespmem:$0x1C000] =	vst v63  }
0x169: {  	s17 =	sld [smem:$0x7E9]  }
0x16a: {  	[hbm4b:s6+s2] =	stream.linear.scatter [tilespmem:s18], [sflag:$0x2], $0x1000, $0x38;
	[tilespmem:$0x1C000] =	vst v63  }
0x16b: {  	s19 =	sld [smem:$0x7EA]  }
0x16c: {  	[hbm4b:s17+s2] =	stream.linear.scatter [tilespmem:s15], [sflag:$0x2], $0x1000, $0x38;
	[tilespmem:$0x1C000] =	vst v63  }
0x16d: {  	s20 =	sld [smem:$0x7EB]  }
0x16e: {  	[hbm4b:s19+s2] =	stream.linear.scatter [tilespmem:s16], [sflag:$0x2], $0x1000, $0x38;
	[tilespmem:$0x1C000] =	vst v63  }
0x16f: {  	s21 =	sld [smem:$0x7EC]  }
0x170: {  	[hbm4b:s20+s2] =	stream.linear.scatter [tilespmem:s14], [sflag:$0x2], $0x1000, $0x38;
	[tilespmem:$0x1C000] =	vst v63  }
0x171: {  	s6 =	sld [smem:$0x7ED]  }
0x172: {  	[hbm4b:s21+s2] =	stream.linear.scatter [tilespmem:s13], [sflag:$0x2], $0x1000, $0x38;
	[tilespmem:$0x1C000] =	vst v63  }
0x173: {  	s13 =	sld [smem:$0x7EE]  }
0x174: {  	[hbm4b:s6+s2] =	stream.linear.scatter [tilespmem:s12], [sflag:$0x2], $0x1000, $0x38;
	[tilespmem:$0x1C000] =	vst v63  }
0x175: {  	s14 =	sld [smem:$0x7EF]  }
0x176: {  	[hbm4b:s13+s2] =	stream.linear.scatter [tilespmem:s11], [sflag:$0x2], $0x1000, $0x38;
	[tilespmem:$0x1C000] =	vst v63  }
0x177: {  	s15 =	sld [smem:$0x7F0]  }
0x178: {  	[hbm4b:s14+s2] =	stream.linear.scatter [tilespmem:s10], [sflag:$0x2], $0x1000, $0x38;
	[tilespmem:$0x1C000] =	vst v63  }
0x179: {  	s16 =	sld [smem:$0x7F1]  }
0x17a: {  	[hbm4b:s15+s2] =	stream.linear.scatter [tilespmem:s9], [sflag:$0x2], $0x1000, $0x38;
	[tilespmem:$0x1C000] =	vst v63  }
0x17b: {  	s17 =	sld [smem:$0x7F2]  }
0x17c: {  	[hbm4b:s16+s2] =	stream.linear.scatter [tilespmem:s4], [sflag:$0x2], $0x1000, $0x38;
	[tilespmem:$0x1C000] =	vst v63  }
0x17d: {  	s18 =	sld [smem:$0x7F3]  }
0x17e: {  	[hbm4b:s17+s2] =	stream.linear.scatter [tilespmem:s7], [sflag:$0x2], $0x1000, $0x38;
	[tilespmem:$0x1C000] =	vst v63  }
0x17f: {  	s19 =	sld [smem:$0x7F4]  }
0x180: {  	[hbm4b:s18+s2] =	stream.linear.scatter [tilespmem:s22], [sflag:$0x2], $0x1000, $0x38;
	[tilespmem:$0x1C000] =	vst v63  }
0x181: {  	s20 =	sld [smem:$0x7F5]  }
0x182: {  	[hbm4b:s19+s2] =	stream.linear.scatter [tilespmem:s23], [sflag:$0x2], $0x1000, $0x38;
	[tilespmem:$0x1C000] =	vst v63  }
0x183: {  	s21 =	sld [smem:$0x7F6]  }
0x184: {  	[hbm4b:s20+s2] =	stream.linear.scatter [tilespmem:s24], [sflag:$0x2], $0x1000, $0x38;
	[tilespmem:$0x1C000] =	vst v63  }
0x185: {  	s22 =	sld [smem:$0x7F7]  }
0x186: {  	[hbm4b:s21+s2] =	stream.linear.scatter [tilespmem:s25], [sflag:$0x2], $0x1000, $0x38;
	[tilespmem:$0x1C000] =	vst v63  }
0x187: {  	s23 =	sld [smem:$0x7F8]  }
0x188: {  	[hbm4b:s22+s2] =	stream.linear.scatter [tilespmem:s26], [sflag:$0x2], $0x1000, $0x38;
	[tilespmem:$0x1C000] =	vst v63  }
0x189: {  	s24 =	sld [smem:$0x7F9]  }
0x18a: {  	[hbm4b:s23+s2] =	stream.linear.scatter [tilespmem:s28], [sflag:$0x2], $0x1000, $0x38;
	[tilespmem:$0x1C000] =	vst v63  }
0x18b: {  	s25 =	sld [smem:$0x7FA]  }
0x18c: {  	[hbm4b:s24+s2] =	stream.linear.scatter [tilespmem:s29], [sflag:$0x2], $0x1000, $0x38;
	[tilespmem:$0x1C000] =	vst v63  }
0x18d: {  	s26 =	sld [smem:$0x7FB]  }
0x18e: {  	[hbm4b:s25+s2] =	stream.linear.scatter [tilespmem:s30], [sflag:$0x2], $0x1000, $0x38;
	[tilespmem:$0x1C000] =	vst v63  }
0x18f: {  	s28 =	sld [smem:$0x7FC]  }
0x190: {  	[hbm4b:s26+s2] =	stream.linear.scatter [tilespmem:s31], [sflag:$0x2], $0x1000, $0x38;
	[tilespmem:$0x1C000] =	vst v63  }
0x191: {  	s0 =	simm.s32 $0x2  }
0x192: {  	[hbm4b:s28+s2] =	stream.linear.scatter [tilespmem:s3], [sflag:$0x2], $0x1000, $0x38;
	[tilespmem:$0x1C000] =	vst v63  }
0x193: {  	_ =	swait.ge [sflag:s0], $0x1000  }
0x194: {  	[sflag:s0] =	ssyncset.done $0x0  }
0x195: {  	[sflag:s0] =	ssyncadd.s32 $0xFFFFF000  }
0x196: {  	_ =	swait.ge [sflag:s0], $0x1000  }
0x197: {  	[sflag:s0] =	ssyncset.done $0x0  }
0x198: {  	[sflag:s0] =	ssyncadd.s32 $0xFFFFF000  }
0x199: {  	_ =	swait.ge [sflag:s0], $0x1000  }
0x19a: {  	[sflag:s0] =	ssyncset.done $0x0  }
0x19b: {  	[sflag:s0] =	ssyncadd.s32 $0xFFFFF000  }
0x19c: {  	_ =	swait.ge [sflag:s0], $0x1000  }
0x19d: {  	[sflag:s0] =	ssyncset.done $0x0  }
0x19e: {  	[sflag:s0] =	ssyncadd.s32 $0xFFFFF000  }
0x19f: {  	_ =	swait.ge [sflag:s0], $0x1000  }
0x1a0: {  	[sflag:s0] =	ssyncset.done $0x0  }
0x1a1: {  	[sflag:s0] =	ssyncadd.s32 $0xFFFFF000  }
0x1a2: {  	_ =	swait.ge [sflag:s0], $0x1000  }
0x1a3: {  	[sflag:s0] =	ssyncset.done $0x0  }
0x1a4: {  	[sflag:s0] =	ssyncadd.s32 $0xFFFFF000  }
0x1a5: {  	_ =	swait.ge [sflag:s0], $0x1000  }
0x1a6: {  	[sflag:s0] =	ssyncset.done $0x0  }
0x1a7: {  	[sflag:s0] =	ssyncadd.s32 $0xFFFFF000  }
0x1a8: {  	_ =	swait.ge [sflag:s0], $0x1000  }
0x1a9: {  	[sflag:s0] =	ssyncset.done $0x0  }
0x1aa: {  	[sflag:s0] =	ssyncadd.s32 $0xFFFFF000  }
0x1ab: {  	_ =	swait.ge [sflag:s0], $0x1000  }
0x1ac: {  	[sflag:s0] =	ssyncset.done $0x0  }
0x1ad: {  	[sflag:s0] =	ssyncadd.s32 $0xFFFFF000  }
0x1ae: {  	_ =	swait.ge [sflag:s0], $0x1000  }
0x1af: {  	[sflag:s0] =	ssyncset.done $0x0  }
0x1b0: {  	[sflag:s0] =	ssyncadd.s32 $0xFFFFF000  }
0x1b1: {  	_ =	swait.ge [sflag:s0], $0x1000  }
0x1b2: {  	[sflag:s0] =	ssyncset.done $0x0  }
0x1b3: {  	[sflag:s0] =	ssyncadd.s32 $0xFFFFF000  }
0x1b4: {  	_ =	swait.ge [sflag:s0], $0x1000  }
0x1b5: {  	[sflag:s0] =	ssyncset.done $0x0  }
0x1b6: {  	[sflag:s0] =	ssyncadd.s32 $0xFFFFF000  }
0x1b7: {  	_ =	swait.ge [sflag:s0], $0x1000  }
0x1b8: {  	[sflag:s0] =	ssyncset.done $0x0  }
0x1b9: {  	[sflag:s0] =	ssyncadd.s32 $0xFFFFF000  }
0x1ba: {  	_ =	swait.ge [sflag:s0], $0x1000  }
0x1bb: {  	[sflag:s0] =	ssyncset.done $0x0  }
0x1bc: {  	[sflag:s0] =	ssyncadd.s32 $0xFFFFF000  }
0x1bd: {  	_ =	swait.ge [sflag:s0], $0x1000  }
0x1be: {  	[sflag:s0] =	ssyncset.done $0x0  }
0x1bf: {  	[sflag:s0] =	ssyncadd.s32 $0xFFFFF000  }
0x1c0: {  	_ =	swait.ge [sflag:s0], $0x1000  }
0x1c1: {  	s29 =	sld [smem:$0x7FD];
	_ =	sdelay $0x2  }
0x1c2: {  	s30 =	ssub.s32 $0x2, s29  }
0x1c3: {  	s31 =	sshrl.u32 s30, $0x1  }
0x1c4: {  	[sflag:s0] =	ssyncset.done $0x0;
	s5 =	ssub.s32 s30, s31  }
0x1c5: {  	[sflag:s0] =	ssyncadd.s32 $0xFFFFF000;
	s5 =	smax.u32 s5, $0x1  }
0x1c6: {  	_ =	swait.ge [sflag:s0], $0x1000;
	p0 =	sne.s32 s5, $0x1  }
.Ltmp0:
0x1c7: {  	[sflag:s0] =	ssyncset.done $0x0;
	(pc) =	sbr.rel @!p0 .LBB2_3-.Ltmp0, $4  }
0x1c8: {  	[sflag:s0] =	ssyncadd.s32 $0xFFFFF000  }
0x1c9: {  	_ =	swait.ge [sflag:s0], $0x1000  }
0x1ca: {  	[sflag:s0] =	ssyncset.done $0x0  }
0x1cb: {  	s2 =	sadd.s32 $0xFFFFFFFF, s5;
	[sflag:s0] =	ssyncadd.s32 $0xFFFFF000  }
0x1cc: {  	s5 =	simm.s32 $0x0  }
.LBB2_2:
0x1cd: {  	_ =	swait.ge [sflag:s0], $0x1000  }
0x1ce: {  	[sflag:s0] =	ssyncset.done $0x0  }
0x1cf: {  	[sflag:s0] =	ssyncadd.s32 $0xFFFFF000  }
0x1d0: {  	_ =	swait.ge [sflag:s0], $0x1000  }
0x1d1: {  	[sflag:s0] =	ssyncset.done $0x0  }
0x1d2: {  	[sflag:s0] =	ssyncadd.s32 $0xFFFFF000  }
0x1d3: {  	_ =	swait.ge [sflag:s0], $0x1000  }
0x1d4: {  	[sflag:s0] =	ssyncset.done $0x0  }
0x1d5: {  	[sflag:s0] =	ssyncadd.s32 $0xFFFFF000  }
0x1d6: {  	_ =	swait.ge [sflag:s0], $0x1000  }
0x1d7: {  	[sflag:s0] =	ssyncset.done $0x0  }
0x1d8: {  	[sflag:s0] =	ssyncadd.s32 $0xFFFFF000  }
0x1d9: {  	_ =	swait.ge [sflag:s0], $0x1000  }
0x1da: {  	[sflag:s0] =	ssyncset.done $0x0  }
0x1db: {  	[sflag:s0] =	ssyncadd.s32 $0xFFFFF000  }
0x1dc: {  	_ =	swait.ge [sflag:s0], $0x1000  }
0x1dd: {  	[sflag:s0] =	ssyncset.done $0x0  }
0x1de: {  	[sflag:s0] =	ssyncadd.s32 $0xFFFFF000  }
0x1df: {  	_ =	swait.ge [sflag:s0], $0x1000  }
0x1e0: {  	[sflag:s0] =	ssyncset.done $0x0  }
0x1e1: {  	[sflag:s0] =	ssyncadd.s32 $0xFFFFF000  }
0x1e2: {  	_ =	swait.ge [sflag:s0], $0x1000  }
0x1e3: {  	[sflag:s0] =	ssyncset.done $0x0  }
0x1e4: {  	s3 =	simm.s32 $0x3;
	s6 =	rddreg [dreg:$0x3];
	[sflag:s0] =	ssyncadd.s32 $0xFFFFF000  }
0x1e5: {  	[tilespmem:s5], [sflag:$0x3] =	stream.linear.gather [hbm4b:s6+s5], $0x1000, $0x38;
	[tilespmem:$0x1C000] =	vst v63  }
0x1e6: {  	_ =	swait.ge [sflag:s3], $0x1000  }
0x1e7: {  	[sflag:s3] =	ssyncset.done $0x0  }
0x1e8: {  	s31 =	rddreg [dreg:$0x4];
	[sflag:s3] =	ssyncadd.s32 $0xFFFFF000  }
0x1e9: {  	[tilespmem:s8], [sflag:$0x3] =	stream.linear.gather [hbm4b:s31+s5], $0x1000, $0x38;
	[tilespmem:$0x1C000] =	vst v63  }
0x1ea: {  	_ =	swait.ge [sflag:s3], $0x1000  }
0x1eb: {  	s4 =	sld [smem:$0x7E1]  }
0x1ec: {  	s7 =	sld [smem:$0x7DF]  }
0x1ed: {  	s6 =	sld [smem:$0x7DD]  }
0x1ee: {  	s9 =	sld [smem:$0x7DB]  }
0x1ef: {  	s10 =	sld [smem:$0x7D9]  }
0x1f0: {  	s11 =	sld [smem:$0x7D7]  }
0x1f1: {  	s12 =	sld [smem:$0x7D5]  }
0x1f2: {  	s13 =	sld [smem:$0x7D3]  }
0x1f3: {  	s14 =	sld [smem:$0x7D1]  }
0x1f4: {  	s15 =	sld [smem:$0x7CC]  }
0x1f5: {  	s16 =	sld [smem:$0x7CD]  }
0x1f6: {  	s17 =	sld [smem:$0x7CE]  }
0x1f7: {  	s18 =	rddreg [dreg:$0x1e]  }
0x1f8: {  	s19 =	rddreg [dreg:$0x1c]  }
0x1f9: {  	s20 =	rddreg [dreg:$0x1a]  }
0x1fa: {  	s21 =	rddreg [dreg:$0x18]  }
0x1fb: {  	s22 =	rddreg [dreg:$0x16]  }
0x1fc: {  	s23 =	rddreg [dreg:$0x14]  }
0x1fd: {  	s24 =	rddreg [dreg:$0x12]  }
0x1fe: {  	s25 =	rddreg [dreg:$0x10]  }
0x1ff: {  	s26 =	rddreg [dreg:$0xe]  }
0x200: {  	s28 =	rddreg [dreg:$0x6]  }
0x201: {  	s29 =	rddreg [dreg:$0x8]  }
0x202: {  	s30 =	rddreg [dreg:$0x5]  }
0x203: {  	p0 =	sne.s32 s2, $0x1;
	[sflag:s3] =	ssyncset.done $0x0;
	s31 =	rddreg [dreg:$0xc]  }
0x204: {  	s2 =	sadd.s32 $0xFFFFFFFF, s2;
	[sflag:s3] =	ssyncadd.s32 $0xFFFFF000;
	s3 =	rddreg [dreg:$0xa]  }
0x205: {  	[smem:$0x7B0] =	sst s4;
	s4 =	smov.u32 s2;
	s2 =	simm.s32 $0x2000  }
0x206: {  	[tilespmem:s2], [sflag:$0x1] =	stream.indirect.gather [hbm4b:s30+s8], $0x1, s5, s8, $0xb8;
	[tilespmem:$0x1C000] =	vst v63  }
0x207: {  	s2 =	smov.u32 s4;
	s30 =	rddreg [dreg:$0x7];
	s4 =	simm.s32 $0x3000  }
0x208: {  	[tilespmem:s4], [sflag:$0x1] =	stream.indirect.gather [hbm4b:s28+s8], $0x1, s5, s8, $0xb8;
	[tilespmem:$0x1C000] =	vst v63  }
0x209: {  	s28 =	rddreg [dreg:$0x9];
	s4 =	simm.s32 $0x4000  }
0x20a: {  	[tilespmem:s4], [sflag:$0x1] =	stream.indirect.gather [hbm4b:s29+s8], $0x1, s30, s8, $0xb8;
	[tilespmem:$0x1C000] =	vst v63  }
0x20b: {  	s4 =	rddreg [dreg:$0xb];
	s30 =	simm.s32 $0x5000  }
0x20c: {  	[tilespmem:s30], [sflag:$0x1] =	stream.indirect.gather [hbm4b:s3+s8], $0x1, s28, s8, $0xb8;
	[tilespmem:$0x1C000] =	vst v63  }
0x20d: {  	s3 =	rddreg [dreg:$0xd];
	s28 =	simm.s32 $0x6000  }
0x20e: {  	[tilespmem:s28], [sflag:$0x1] =	stream.indirect.gather [hbm4b:s31+s8], $0x1, s4, s8, $0xb8;
	[tilespmem:$0x1C000] =	vst v63  }
0x20f: {  	s29 =	simm.s32 $0x7000;
	s31 =	rddreg [dreg:$0xf]  }
0x210: {  	[tilespmem:s29], [sflag:$0x1] =	stream.indirect.gather [hbm4b:s26+s8], $0x1, s3, s8, $0xb8;
	[tilespmem:$0x1C000] =	vst v63  }
0x211: {  	s4 =	rddreg [dreg:$0x11];
	s26 =	simm.s32 $0x8000  }
0x212: {  	[tilespmem:s26], [sflag:$0x1] =	stream.indirect.gather [hbm4b:s25+s8], $0x1, s31, s8, $0xb8;
	[tilespmem:$0x1C000] =	vst v63  }
0x213: {  	s28 =	simm.s32 $0x9000;
	s31 =	rddreg [dreg:$0x13]  }
0x214: {  	[tilespmem:s28], [sflag:$0x1] =	stream.indirect.gather [hbm4b:s24+s8], $0x1, s4, s8, $0xb8;
	[tilespmem:$0x1C000] =	vst v63  }
0x215: {  	s4 =	rddreg [dreg:$0x15];
	s24 =	simm.s32 $0xA000  }
0x216: {  	[tilespmem:s24], [sflag:$0x1] =	stream.indirect.gather [hbm4b:s23+s8], $0x1, s31, s8, $0xb8;
	[tilespmem:$0x1C000] =	vst v63  }
0x217: {  	s25 =	simm.s32 $0xB000;
	s31 =	rddreg [dreg:$0x17]  }
0x218: {  	[tilespmem:s25], [sflag:$0x1] =	stream.indirect.gather [hbm4b:s22+s8], $0x1, s4, s8, $0xb8;
	[tilespmem:$0x1C000] =	vst v63  }
0x219: {  	s4 =	rddreg [dreg:$0x19];
	s22 =	simm.s32 $0xC000  }
0x21a: {  	[tilespmem:s22], [sflag:$0x1] =	stream.indirect.gather [hbm4b:s21+s8], $0x1, s31, s8, $0xb8;
	[tilespmem:$0x1C000] =	vst v63  }
0x21b: {  	s23 =	simm.s32 $0xD000;
	s31 =	rddreg [dreg:$0x1b]  }
0x21c: {  	[tilespmem:s23], [sflag:$0x1] =	stream.indirect.gather [hbm4b:s20+s8], $0x1, s4, s8, $0xb8;
	[tilespmem:$0x1C000] =	vst v63  }
0x21d: {  	s4 =	rddreg [dreg:$0x1d];
	s20 =	simm.s32 $0xE000  }
0x21e: {  	[tilespmem:s20], [sflag:$0x1] =	stream.indirect.gather [hbm4b:s19+s8], $0x1, s31, s8, $0xb8;
	[tilespmem:$0x1C000] =	vst v63  }
0x21f: {  	s21 =	simm.s32 $0xF000;
	s31 =	rddreg [dreg:$0x1f]  }
0x220: {  	[tilespmem:s21], [sflag:$0x1] =	stream.indirect.gather [hbm4b:s18+s8], $0x1, s4, s8, $0xb8;
	[tilespmem:$0x1C000] =	vst v63  }
0x221: {  	s4 =	sld [smem:$0x7CF];
	s18 =	simm.s32 $0x10000  }
0x222: {  	[tilespmem:s18], [sflag:$0x1] =	stream.indirect.gather [hbm4b:s17+s8], $0x1, s31, s8, $0xb8;
	[tilespmem:$0x1C000] =	vst v63  }
0x223: {  	s19 =	simm.s32 $0x11000;
	s31 =	sld [smem:$0x7D0]  }
0x224: {  	[tilespmem:s19], [sflag:$0x1] =	stream.indirect.gather [hbm4b:s16+s8], $0x1, s4, s8, $0xb8;
	[tilespmem:$0x1C000] =	vst v63  }
0x225: {  	s4 =	sld [smem:$0x7D2];
	s16 =	simm.s32 $0x12000  }
0x226: {  	[tilespmem:s16], [sflag:$0x1] =	stream.indirect.gather [hbm4b:s15+s8], $0x1, s31, s8, $0xb8;
	[tilespmem:$0x1C000] =	vst v63  }
0x227: {  	s17 =	simm.s32 $0x13000;
	s31 =	sld [smem:$0x7D4]  }
0x228: {  	[tilespmem:s17], [sflag:$0x1] =	stream.indirect.gather [hbm4b:s14+s8], $0x1, s4, s8, $0xb8;
	[tilespmem:$0x1C000] =	vst v63  }
0x229: {  	s4 =	sld [smem:$0x7D6];
	s14 =	simm.s32 $0x14000  }
0x22a: {  	[tilespmem:s14], [sflag:$0x1] =	stream.indirect.gather [hbm4b:s13+s8], $0x1, s31, s8, $0xb8;
	[tilespmem:$0x1C000] =	vst v63  }
0x22b: {  	s15 =	simm.s32 $0x15000;
	s31 =	sld [smem:$0x7D8]  }
0x22c: {  	[tilespmem:s15], [sflag:$0x1] =	stream.indirect.gather [hbm4b:s12+s8], $0x1, s4, s8, $0xb8;
	[tilespmem:$0x1C000] =	vst v63  }
0x22d: {  	s4 =	sld [smem:$0x7DA];
	s12 =	simm.s32 $0x16000  }
0x22e: {  	[tilespmem:s12], [sflag:$0x1] =	stream.indirect.gather [hbm4b:s11+s8], $0x1, s31, s8, $0xb8;
	[tilespmem:$0x1C000] =	vst v63  }
0x22f: {  	s13 =	simm.s32 $0x17000;
	s31 =	sld [smem:$0x7DC]  }
0x230: {  	[tilespmem:s13], [sflag:$0x1] =	stream.indirect.gather [hbm4b:s10+s8], $0x1, s4, s8, $0xb8;
	[tilespmem:$0x1C000] =	vst v63  }
0x231: {  	s4 =	sld [smem:$0x7DE];
	s10 =	simm.s32 $0x18000  }
0x232: {  	[tilespmem:s10], [sflag:$0x1] =	stream.indirect.gather [hbm4b:s9+s8], $0x1, s31, s8, $0xb8;
	[tilespmem:$0x1C000] =	vst v63  }
0x233: {  	s11 =	simm.s32 $0x19000;
	s31 =	sld [smem:$0x7E0]  }
0x234: {  	[tilespmem:s11], [sflag:$0x1] =	stream.indirect.gather [hbm4b:s6+s8], $0x1, s4, s8, $0xb8;
	[tilespmem:$0x1C000] =	vst v63  }
0x235: {  	s6 =	sld [smem:$0x7E2];
	s4 =	simm.s32 $0x1A000  }
0x236: {  	[tilespmem:s4], [sflag:$0x1] =	stream.indirect.gather [hbm4b:s7+s8], $0x1, s31, s8, $0xb8;
	[tilespmem:$0x1C000] =	vst v63  }
0x237: {  	s7 =	sld [smem:$0x7B0];
	_ =	sdelay $0x1  }
0x238: {  	s9 =	simm.s32 $0x1B000  }
0x239: {  	[tilespmem:s9], [sflag:$0x1] =	stream.indirect.gather [hbm4b:s7+s8], $0x1, s6, s8, $0xb8;
	[tilespmem:$0x1C000] =	vst v63  }
0x23a: {  	_ =	swait.ge [sflag:s1], $0x1000  }
0x23b: {  	[sflag:s1] =	ssyncset.done $0x0  }
0x23c: {  	[sflag:s1] =	ssyncadd.s32 $0xFFFFF000  }
0x23d: {  	_ =	swait.ge [sflag:s1], $0x1000  }
0x23e: {  	[sflag:s1] =	ssyncset.done $0x0  }
0x23f: {  	[sflag:s1] =	ssyncadd.s32 $0xFFFFF000  }
0x240: {  	_ =	swait.ge [sflag:s1], $0x1000  }
0x241: {  	[sflag:s1] =	ssyncset.done $0x0  }
0x242: {  	[sflag:s1] =	ssyncadd.s32 $0xFFFFF000  }
0x243: {  	_ =	swait.ge [sflag:s1], $0x1000  }
0x244: {  	[sflag:s1] =	ssyncset.done $0x0  }
0x245: {  	[sflag:s1] =	ssyncadd.s32 $0xFFFFF000  }
0x246: {  	_ =	swait.ge [sflag:s1], $0x1000  }
0x247: {  	[sflag:s1] =	ssyncset.done $0x0  }
0x248: {  	[sflag:s1] =	ssyncadd.s32 $0xFFFFF000  }
0x249: {  	_ =	swait.ge [sflag:s1], $0x1000  }
0x24a: {  	[sflag:s1] =	ssyncset.done $0x0  }
0x24b: {  	[sflag:s1] =	ssyncadd.s32 $0xFFFFF000  }
0x24c: {  	_ =	swait.ge [sflag:s1], $0x1000  }
0x24d: {  	[sflag:s1] =	ssyncset.done $0x0  }
0x24e: {  	[sflag:s1] =	ssyncadd.s32 $0xFFFFF000  }
0x24f: {  	_ =	swait.ge [sflag:s1], $0x1000  }
0x250: {  	[sflag:s1] =	ssyncset.done $0x0  }
0x251: {  	[sflag:s1] =	ssyncadd.s32 $0xFFFFF000  }
0x252: {  	_ =	swait.ge [sflag:s1], $0x1000  }
0x253: {  	[sflag:s1] =	ssyncset.done $0x0  }
0x254: {  	[sflag:s1] =	ssyncadd.s32 $0xFFFFF000  }
0x255: {  	_ =	swait.ge [sflag:s1], $0x1000  }
0x256: {  	[sflag:s1] =	ssyncset.done $0x0  }
0x257: {  	[sflag:s1] =	ssyncadd.s32 $0xFFFFF000  }
0x258: {  	_ =	swait.ge [sflag:s1], $0x1000  }
0x259: {  	[sflag:s1] =	ssyncset.done $0x0  }
0x25a: {  	[sflag:s1] =	ssyncadd.s32 $0xFFFFF000  }
0x25b: {  	_ =	swait.ge [sflag:s1], $0x1000  }
0x25c: {  	[sflag:s1] =	ssyncset.done $0x0  }
0x25d: {  	[sflag:s1] =	ssyncadd.s32 $0xFFFFF000  }
0x25e: {  	_ =	swait.ge [sflag:s1], $0x1000  }
0x25f: {  	[sflag:s1] =	ssyncset.done $0x0  }
0x260: {  	[sflag:s1] =	ssyncadd.s32 $0xFFFFF000  }
0x261: {  	_ =	swait.ge [sflag:s1], $0x1000  }
0x262: {  	[sflag:s1] =	ssyncset.done $0x0  }
0x263: {  	[sflag:s1] =	ssyncadd.s32 $0xFFFFF000  }
0x264: {  	_ =	swait.ge [sflag:s1], $0x1000  }
0x265: {  	[sflag:s1] =	ssyncset.done $0x0  }
0x266: {  	[sflag:s1] =	ssyncadd.s32 $0xFFFFF000  }
0x267: {  	_ =	swait.ge [sflag:s1], $0x1000  }
0x268: {  	[sflag:s1] =	ssyncset.done $0x0  }
0x269: {  	[sflag:s1] =	ssyncadd.s32 $0xFFFFF000  }
0x26a: {  	_ =	swait.ge [sflag:s1], $0x1000  }
0x26b: {  	[sflag:s1] =	ssyncset.done $0x0  }
0x26c: {  	[sflag:s1] =	ssyncadd.s32 $0xFFFFF000  }
0x26d: {  	_ =	swait.ge [sflag:s1], $0x1000  }
0x26e: {  	[sflag:s1] =	ssyncset.done $0x0  }
0x26f: {  	[sflag:s1] =	ssyncadd.s32 $0xFFFFF000  }
0x270: {  	_ =	swait.ge [sflag:s1], $0x1000  }
0x271: {  	[sflag:s1] =	ssyncset.done $0x0  }
0x272: {  	[sflag:s1] =	ssyncadd.s32 $0xFFFFF000  }
0x273: {  	_ =	swait.ge [sflag:s1], $0x1000  }
0x274: {  	[sflag:s1] =	ssyncset.done $0x0  }
0x275: {  	[sflag:s1] =	ssyncadd.s32 $0xFFFFF000  }
0x276: {  	_ =	swait.ge [sflag:s1], $0x1000  }
0x277: {  	[sflag:s1] =	ssyncset.done $0x0  }
0x278: {  	[sflag:s1] =	ssyncadd.s32 $0xFFFFF000  }
0x279: {  	_ =	swait.ge [sflag:s1], $0x1000  }
0x27a: {  	[sflag:s1] =	ssyncset.done $0x0  }
0x27b: {  	[sflag:s1] =	ssyncadd.s32 $0xFFFFF000  }
0x27c: {  	_ =	swait.ge [sflag:s1], $0x1000  }
0x27d: {  	[sflag:s1] =	ssyncset.done $0x0  }
0x27e: {  	[sflag:s1] =	ssyncadd.s32 $0xFFFFF000  }
0x27f: {  	_ =	swait.ge [sflag:s1], $0x1000  }
0x280: {  	[sflag:s1] =	ssyncset.done $0x0  }
0x281: {  	[sflag:s1] =	ssyncadd.s32 $0xFFFFF000  }
0x282: {  	_ =	swait.ge [sflag:s1], $0x1000  }
0x283: {  	[sflag:s1] =	ssyncset.done $0x0  }
0x284: {  	[sflag:s1] =	ssyncadd.s32 $0xFFFFF000  }
0x285: {  	_ =	swait.ge [sflag:s1], $0x1000  }
0x286: {  	s3 =	sld [smem:$0x7E3]  }
0x287: {  	[sflag:s1] =	ssyncset.done $0x0  }
0x288: {  	s31 =	simm.s32 $0x2000;
	s6 =	sld [smem:$0x7E4];
	[sflag:s1] =	ssyncadd.s32 $0xFFFFF000  }
0x289: {  	[hbm4b:s3+s5] =	stream.linear.scatter [tilespmem:s31], [sflag:$0x2], $0x1000, $0x38;
	[tilespmem:$0x1C000] =	vst v63  }
0x28a: {  	s7 =	sld [smem:$0x7E5];
	s31 =	simm.s32 $0x3000  }
0x28b: {  	[hbm4b:s6+s5] =	stream.linear.scatter [tilespmem:s31], [sflag:$0x2], $0x1000, $0x38;
	[tilespmem:$0x1C000] =	vst v63  }
0x28c: {  	s3 =	sld [smem:$0x7E6];
	s31 =	simm.s32 $0x4000  }
0x28d: {  	[hbm4b:s7+s5] =	stream.linear.scatter [tilespmem:s31], [sflag:$0x2], $0x1000, $0x38;
	[tilespmem:$0x1C000] =	vst v63  }
0x28e: {  	s6 =	sld [smem:$0x7E7]  }
0x28f: {  	[hbm4b:s3+s5] =	stream.linear.scatter [tilespmem:s30], [sflag:$0x2], $0x1000, $0x38;
	[tilespmem:$0x1C000] =	vst v63  }
0x290: {  	s7 =	sld [smem:$0x7E8];
	s31 =	simm.s32 $0x6000  }
0x291: {  	[hbm4b:s6+s5] =	stream.linear.scatter [tilespmem:s31], [sflag:$0x2], $0x1000, $0x38;
	[tilespmem:$0x1C000] =	vst v63  }
0x292: {  	s3 =	sld [smem:$0x7E9]  }
0x293: {  	[hbm4b:s7+s5] =	stream.linear.scatter [tilespmem:s29], [sflag:$0x2], $0x1000, $0x38;
	[tilespmem:$0x1C000] =	vst v63  }
0x294: {  	s6 =	sld [smem:$0x7EA]  }
0x295: {  	[hbm4b:s3+s5] =	stream.linear.scatter [tilespmem:s26], [sflag:$0x2], $0x1000, $0x38;
	[tilespmem:$0x1C000] =	vst v63  }
0x296: {  	s30 =	sld [smem:$0x7EB]  }
0x297: {  	[hbm4b:s6+s5] =	stream.linear.scatter [tilespmem:s28], [sflag:$0x2], $0x1000, $0x38;
	[tilespmem:$0x1C000] =	vst v63  }
0x298: {  	s31 =	sld [smem:$0x7EC]  }
0x299: {  	[hbm4b:s30+s5] =	stream.linear.scatter [tilespmem:s24], [sflag:$0x2], $0x1000, $0x38;
	[tilespmem:$0x1C000] =	vst v63  }
0x29a: {  	s26 =	sld [smem:$0x7ED]  }
0x29b: {  	[hbm4b:s31+s5] =	stream.linear.scatter [tilespmem:s25], [sflag:$0x2], $0x1000, $0x38;
	[tilespmem:$0x1C000] =	vst v63  }
0x29c: {  	s28 =	sld [smem:$0x7EE]  }
0x29d: {  	[hbm4b:s26+s5] =	stream.linear.scatter [tilespmem:s22], [sflag:$0x2], $0x1000, $0x38;
	[tilespmem:$0x1C000] =	vst v63  }
0x29e: {  	s29 =	sld [smem:$0x7EF]  }
0x29f: {  	[hbm4b:s28+s5] =	stream.linear.scatter [tilespmem:s23], [sflag:$0x2], $0x1000, $0x38;
	[tilespmem:$0x1C000] =	vst v63  }
0x2a0: {  	s30 =	sld [smem:$0x7F0]  }
0x2a1: {  	[hbm4b:s29+s5] =	stream.linear.scatter [tilespmem:s20], [sflag:$0x2], $0x1000, $0x38;
	[tilespmem:$0x1C000] =	vst v63  }
0x2a2: {  	s31 =	sld [smem:$0x7F1]  }
0x2a3: {  	[hbm4b:s30+s5] =	stream.linear.scatter [tilespmem:s21], [sflag:$0x2], $0x1000, $0x38;
	[tilespmem:$0x1C000] =	vst v63  }
0x2a4: {  	s20 =	sld [smem:$0x7F2]  }
0x2a5: {  	[hbm4b:s31+s5] =	stream.linear.scatter [tilespmem:s18], [sflag:$0x2], $0x1000, $0x38;
	[tilespmem:$0x1C000] =	vst v63  }
0x2a6: {  	s21 =	sld [smem:$0x7F3]  }
0x2a7: {  	[hbm4b:s20+s5] =	stream.linear.scatter [tilespmem:s19], [sflag:$0x2], $0x1000, $0x38;
	[tilespmem:$0x1C000] =	vst v63  }
0x2a8: {  	s22 =	sld [smem:$0x7F4]  }
0x2a9: {  	[hbm4b:s21+s5] =	stream.linear.scatter [tilespmem:s16], [sflag:$0x2], $0x1000, $0x38;
	[tilespmem:$0x1C000] =	vst v63  }
0x2aa: {  	s23 =	sld [smem:$0x7F5]  }
0x2ab: {  	[hbm4b:s22+s5] =	stream.linear.scatter [tilespmem:s17], [sflag:$0x2], $0x1000, $0x38;
	[tilespmem:$0x1C000] =	vst v63  }
0x2ac: {  	s24 =	sld [smem:$0x7F6]  }
0x2ad: {  	[hbm4b:s23+s5] =	stream.linear.scatter [tilespmem:s14], [sflag:$0x2], $0x1000, $0x38;
	[tilespmem:$0x1C000] =	vst v63  }
0x2ae: {  	s25 =	sld [smem:$0x7F7]  }
0x2af: {  	[hbm4b:s24+s5] =	stream.linear.scatter [tilespmem:s15], [sflag:$0x2], $0x1000, $0x38;
	[tilespmem:$0x1C000] =	vst v63  }
0x2b0: {  	s26 =	sld [smem:$0x7F8]  }
0x2b1: {  	[hbm4b:s25+s5] =	stream.linear.scatter [tilespmem:s12], [sflag:$0x2], $0x1000, $0x38;
	[tilespmem:$0x1C000] =	vst v63  }
0x2b2: {  	s28 =	sld [smem:$0x7F9]  }
0x2b3: {  	[hbm4b:s26+s5] =	stream.linear.scatter [tilespmem:s13], [sflag:$0x2], $0x1000, $0x38;
	[tilespmem:$0x1C000] =	vst v63  }
0x2b4: {  	s29 =	sld [smem:$0x7FA]  }
0x2b5: {  	[hbm4b:s28+s5] =	stream.linear.scatter [tilespmem:s10], [sflag:$0x2], $0x1000, $0x38;
	[tilespmem:$0x1C000] =	vst v63  }
0x2b6: {  	s30 =	sld [smem:$0x7FB]  }
0x2b7: {  	[hbm4b:s29+s5] =	stream.linear.scatter [tilespmem:s11], [sflag:$0x2], $0x1000, $0x38;
	[tilespmem:$0x1C000] =	vst v63  }
0x2b8: {  	s31 =	sld [smem:$0x7FC]  }
0x2b9: {  	[hbm4b:s30+s5] =	stream.linear.scatter [tilespmem:s4], [sflag:$0x2], $0x1000, $0x38;
	[tilespmem:$0x1C000] =	vst v63  }
0x2ba: {  	_ = 	snop  }
0x2bb: {  	[hbm4b:s31+s5] =	stream.linear.scatter [tilespmem:s9], [sflag:$0x2], $0x1000, $0x38;
	[tilespmem:$0x1C000] =	vst v63  }
0x2bc: {  	_ =	swait.ge [sflag:s0], $0x1000  }
0x2bd: {  	[sflag:s0] =	ssyncset.done $0x0  }
0x2be: {  	[sflag:s0] =	ssyncadd.s32 $0xFFFFF000  }
0x2bf: {  	_ =	swait.ge [sflag:s0], $0x1000  }
0x2c0: {  	[sflag:s0] =	ssyncset.done $0x0  }
0x2c1: {  	[sflag:s0] =	ssyncadd.s32 $0xFFFFF000  }
0x2c2: {  	_ =	swait.ge [sflag:s0], $0x1000  }
0x2c3: {  	[sflag:s0] =	ssyncset.done $0x0  }
0x2c4: {  	[sflag:s0] =	ssyncadd.s32 $0xFFFFF000  }
0x2c5: {  	_ =	swait.ge [sflag:s0], $0x1000  }
0x2c6: {  	[sflag:s0] =	ssyncset.done $0x0  }
0x2c7: {  	[sflag:s0] =	ssyncadd.s32 $0xFFFFF000  }
0x2c8: {  	_ =	swait.ge [sflag:s0], $0x1000  }
0x2c9: {  	[sflag:s0] =	ssyncset.done $0x0  }
0x2ca: {  	[sflag:s0] =	ssyncadd.s32 $0xFFFFF000  }
0x2cb: {  	_ =	swait.ge [sflag:s0], $0x1000  }
0x2cc: {  	[sflag:s0] =	ssyncset.done $0x0  }
0x2cd: {  	[sflag:s0] =	ssyncadd.s32 $0xFFFFF000  }
0x2ce: {  	_ =	swait.ge [sflag:s0], $0x1000  }
0x2cf: {  	[sflag:s0] =	ssyncset.done $0x0  }
0x2d0: {  	[sflag:s0] =	ssyncadd.s32 $0xFFFFF000  }
0x2d1: {  	_ =	swait.ge [sflag:s0], $0x1000  }
0x2d2: {  	[sflag:s0] =	ssyncset.done $0x0  }
0x2d3: {  	[sflag:s0] =	ssyncadd.s32 $0xFFFFF000  }
0x2d4: {  	_ =	swait.ge [sflag:s0], $0x1000  }
0x2d5: {  	[sflag:s0] =	ssyncset.done $0x0  }
0x2d6: {  	[sflag:s0] =	ssyncadd.s32 $0xFFFFF000  }
0x2d7: {  	_ =	swait.ge [sflag:s0], $0x1000  }
0x2d8: {  	[sflag:s0] =	ssyncset.done $0x0  }
0x2d9: {  	[sflag:s0] =	ssyncadd.s32 $0xFFFFF000  }
0x2da: {  	_ =	swait.ge [sflag:s0], $0x1000  }
0x2db: {  	[sflag:s0] =	ssyncset.done $0x0  }
0x2dc: {  	[sflag:s0] =	ssyncadd.s32 $0xFFFFF000  }
0x2dd: {  	_ =	swait.ge [sflag:s0], $0x1000  }
0x2de: {  	[sflag:s0] =	ssyncset.done $0x0  }
0x2df: {  	[sflag:s0] =	ssyncadd.s32 $0xFFFFF000  }
0x2e0: {  	_ =	swait.ge [sflag:s0], $0x1000  }
0x2e1: {  	[sflag:s0] =	ssyncset.done $0x0  }
0x2e2: {  	[sflag:s0] =	ssyncadd.s32 $0xFFFFF000  }
0x2e3: {  	_ =	swait.ge [sflag:s0], $0x1000  }
0x2e4: {  	[sflag:s0] =	ssyncset.done $0x0  }
0x2e5: {  	[sflag:s0] =	ssyncadd.s32 $0xFFFFF000  }
0x2e6: {  	_ =	swait.ge [sflag:s0], $0x1000  }
0x2e7: {  	[sflag:s0] =	ssyncset.done $0x0  }
0x2e8: {  	[sflag:s0] =	ssyncadd.s32 $0xFFFFF000  }
0x2e9: {  	_ =	swait.ge [sflag:s0], $0x1000  }
0x2ea: {  	[sflag:s0] =	ssyncset.done $0x0  }
0x2eb: {  	[sflag:s0] =	ssyncadd.s32 $0xFFFFF000  }
0x2ec: {  	_ =	swait.ge [sflag:s0], $0x1000  }
.Ltmp1:
0x2ed: {  	[sflag:s0] =	ssyncset.done $0x0;
	(pc) =	sbr.rel @p0 .LBB2_2-.Ltmp1, $4  }
0x2ee: {  	[sflag:s0] =	ssyncadd.s32 $0xFFFFF000  }
0x2ef: {  	_ =	swait.ge [sflag:s0], $0x1000  }
0x2f0: {  	[sflag:s0] =	ssyncset.done $0x0  }
0x2f1: {  	[sflag:s0] =	ssyncadd.s32 $0xFFFFF000  }
.LBB2_3:
0x2f2: {  	_ =	swait.ge [sflag:s0], $0x1000  }
0x2f3: {  	[sflag:s0] =	ssyncset.done $0x0  }
0x2f4: {  	[sflag:s0] =	ssyncadd.s32 $0xFFFFF000  }
0x2f5: {  	_ =	swait.ge [sflag:s0], $0x1000  }
0x2f6: {  	[sflag:s0] =	ssyncset.done $0x0  }
0x2f7: {  	[sflag:s0] =	ssyncadd.s32 $0xFFFFF000  }
0x2f8: {  	_ =	swait.ge [sflag:s0], $0x1000  }
0x2f9: {  	[sflag:s0] =	ssyncset.done $0x0  }
0x2fa: {  	[sflag:s0] =	ssyncadd.s32 $0xFFFFF000  }
0x2fb: {  	_ =	swait.ge [sflag:s0], $0x1000  }
0x2fc: {  	[sflag:s0] =	ssyncset.done $0x0  }
0x2fd: {  	[sflag:s0] =	ssyncadd.s32 $0xFFFFF000  }
0x2fe: {  	_ =	swait.ge [sflag:s0], $0x1000  }
0x2ff: {  	[sflag:s0] =	ssyncset.done $0x0  }
0x300: {  	[sflag:s0] =	ssyncadd.s32 $0xFFFFF000  }
0x301: {  	_ =	swait.ge [sflag:s0], $0x1000  }
0x302: {  	[sflag:s0] =	ssyncset.done $0x0  }
0x303: {  	[sflag:s0] =	ssyncadd.s32 $0xFFFFF000  }
0x304: {  	_ =	swait.ge [sflag:s0], $0x1000  }
0x305: {  	[sflag:s0] =	ssyncset.done $0x0  }
0x306: {  	[sflag:s0] =	ssyncadd.s32 $0xFFFFF000  }
0x307: {  	_ =	swait.ge [sflag:s0], $0x1000  }
0x308: {  	[sflag:s0] =	ssyncset.done $0x0  }
0x309: {  	[sflag:s0] =	ssyncadd.s32 $0xFFFFF000  }
0x30a: {  	_ =	sfence.sel $0x180000  }
0x30b: {  	[bflag:$0x0] =	sbarrier.arrive $0xFFFF  }
0x30c: {  	_ =	strace $0x90000047  }
0x30d: {  	s31 =	stileid.u32;
	[bflag:$0x2] =	sbarrier.arrive $0xFFFF  }
0x30e: {  	p0 =	sne.s32 s31, $0x0;
	s0 =	rddreg [dreg:$0x2]  }
0x30f: {  	s0 =	sadd.s32 @!p0 $0x100000, s0  }
0x310: {  	[sflag:s0] =	ssyncadd.tile.s32 @!p0 $0x1;
	_ =	shalt  }
.Lfunc_end2:
_tile_overlayer_lowered:
.L_overlay_start_2:
0x311: {  	(tag) =	ssettag $0x2  }
0x312: {  	s0 =	rddreg [dreg:$0x0];
	s2 =	stileid.u32  }
0x313: {  	s1 =	rddreg [dreg:$0x1];
	p0 =	sne.s32 s2, $0x0  }
0x314: {  	s3 =	rddreg [dreg:$0x2];
	[bflag:$0x3] =	sbarrier.arrive $0xFFFF;
	s2 =	simm.s32 @!p0 $0x1C03  }
0x315: {  	[timem:s3], [sflag:s2] =	dma.local @!p0 [hbm:s0], s1  }
0x316: {  	s0 =	simm.s32 @!p0 $0x3  }
0x317: {  	_ =	swait.ge @!p0 [sflag:s0], s1  }
0x318: {  	s1 =	ssub.s32 @!p0 $0x0, s1;
	[sflag:s0] =	ssyncset.done @!p0 $0x0  }
0x319: {  	[sflag:s0] =	ssyncadd.s32 @!p0 s1  }
0x31a: {  	[bflag:$0x3] =	sbarrier.arrive $0xFFFF  }
0x31b: {  	_ =	shalt  }

</sc_bundles>
